<compile_context>
chip_gen: v7x
topology: tpu7x:2x2x1
jax: 0.10.2.dev20260603
libtpu: 0.0.44.dev20260713+nightly
codegen_flags: <defaults>
</compile_context>

<pallas_src>
import functools

import jax
import jax.numpy as jnp
from jax import lax
from jax.experimental import pallas as pl
from jax.experimental.pallas import tpu as pltpu
from jax.experimental.pallas import tpu_sc as plsc

N = 10000
E = 320000
D = 16
NSC = 2
NTILES = 16
CHUNK = 1000
NBUF = 5
K = 10
NPAD = 10112
RPT = NPAD // NTILES
NR = N * D // 128
NPR = NPAD * D // 128


def _make_agg(d=None, gather=True):
    if d is None:
        d = D
    mesh = plsc.VectorSubcoreMesh(core_axis_name="c", subcore_axis_name="s")
    nbuf = NBUF if gather else 1
    scratch = [
        pltpu.VMEM((K, CHUNK), jnp.int32),
        pltpu.VMEM((K, CHUNK), jnp.int32),
        pltpu.VMEM((nbuf, CHUNK, d), jnp.float32),
        pltpu.VMEM_SHARED((NPAD, d), jnp.float32),
    ] + [pltpu.SemaphoreType.DMA] * nbuf

    @functools.partial(
        pl.kernel,
        out_type=jax.ShapeDtypeStruct((NSC, NPAD, d), jnp.float32),
        mesh=mesh,
        scratch_types=scratch,
        compiler_params=pltpu.CompilerParams(use_tc_tiling_on_sc=False),
    )
    def agg(g_hbm, ei_hbm, zero_hbm, out_hbm, sidx, didx, rows, acc, *sems):
        c = lax.axis_index("c")
        s = lax.axis_index("s")
        pltpu.sync_copy(zero_hbm.at[pl.ds(s * RPT, RPT)],
                        acc.at[pl.ds(s * RPT, RPT)])
        if gather:
            pltpu.sync_copy(ei_hbm.at[0, c, s], sidx)
        pltpu.sync_copy(ei_hbm.at[1, c, s], didx)
        plsc.subcore_barrier()

        if True:
            if gather:
                for b in range(NBUF):
                    pltpu.async_copy(g_hbm.at[sidx.at[b]], rows.at[b], sems[b])

                def group(gi, carry):
                    for b in range(NBUF):
                        k = gi * NBUF + b
                        pltpu.make_async_copy(g_hbm.at[pl.ds(0, CHUNK)],
                                              rows.at[b], sems[b]).wait()
                        pltpu.sync_copy(rows.at[b], acc.at[didx.at[k]],
                                        add=True)
                        nk = k + NBUF

                        @pl.when(nk < K)
                        def _():
                            pltpu.async_copy(g_hbm.at[sidx.at[nk]],
                                             rows.at[b], sems[b])
                    return carry

                lax.fori_loop(0, K // NBUF, group, 0)
            else:
                pltpu.sync_copy(g_hbm, rows.at[0])

                def chunk(k, carry):
                    pltpu.sync_copy(rows.at[0], acc.at[didx.at[k]],
                                    add=True)
                    return carry

                lax.fori_loop(0, K, chunk, 0)

        plsc.subcore_barrier()
        pltpu.sync_copy(acc.at[pl.ds(s * RPT, RPT)],
                        out_hbm.at[c].at[pl.ds(s * RPT, RPT)])

    return agg


_agg = _make_agg()
_agg_ones = _make_agg(gather=False)


def _mm_body(x8_ref, kw_ref, u_ref):
    u_ref[...] = jnp.dot(x8_ref[...], kw_ref[...],
                         preferred_element_type=jnp.float32)


def _tc0_body(u_ref, dp_ref, dinv_ref, g_ref):
    deg = dp_ref[0] + dp_ref[1] + 1.0
    dinv = lax.rsqrt(deg)
    dinv_ref[...] = dinv
    g_ref[...] = dinv[:NR] * u_ref[...]


def _mid_body(dinv_ref, sp_ref, g_ref, bt_ref, kw_ref, o_ref):
    dv = dinv_ref[...][:NR]
    s = sp_ref[0][:NR] + sp_ref[1][:NR] + g_ref[...]
    h = dv * s + bt_ref[...]
    a = dv * (h * jnp.tanh(jax.nn.softplus(h)))
    o_ref[...] = jnp.dot(a, kw_ref[...], preferred_element_type=jnp.float32)


def _fin_body(dinv_ref, sp_ref, g_ref, bt_ref, pswap_ref, o_ref):
    dv = dinv_ref[...][:NR]
    t = dv * (sp_ref[0][:NR] + sp_ref[1][:NR] + g_ref[...]) + bt_ref[...]
    u = jnp.dot(t, pswap_ref[...], preferred_element_type=jnp.float32)
    m = jnp.maximum(t, u)
    o_ref[...] = t - m - jnp.log(jnp.exp(t - m) + jnp.exp(u - m))


def _tc_mm(x8, kw):
    return pl.pallas_call(
        _mm_body,
        out_shape=jax.ShapeDtypeStruct((NR, 128), jnp.float32),
    )(x8, kw)


def _tc0(u, dp):
    return pl.pallas_call(
        _tc0_body,
        out_shape=(jax.ShapeDtypeStruct((NPR, 128), jnp.float32),
                   jax.ShapeDtypeStruct((NR, 128), jnp.float32)),
    )(u, dp)


def _tc_mid(dinv, sp, g, bt, kw):
    return pl.pallas_call(
        _mid_body,
        out_shape=jax.ShapeDtypeStruct((NR, 128), jnp.float32),
    )(dinv, sp, g, bt, kw)


def _tc_fin(dinv, sp, g, bt, pswap):
    return pl.pallas_call(
        _fin_body,
        out_shape=jax.ShapeDtypeStruct((NR, 128), jnp.float32),
    )(dinv, sp, g, bt, pswap)


def _packw(w):
    return jnp.kron(jnp.eye(8, dtype=jnp.float32), w)


def _packb(b):
    return jnp.tile(b, 8).reshape(1, 128)


def kernel(x, edge_index, W1, b1, W2, b2, W3, b3, W4, b4):
    ei_r = edge_index.reshape(2, NSC, NTILES, K, CHUNK)
    zero = jnp.zeros((NPAD, D), jnp.float32)
    ones = jnp.ones((CHUNK, D), jnp.float32)

    x8 = x.reshape(NR, 1024)
    kw1 = jnp.kron(jnp.eye(8, dtype=jnp.float32),
                   jnp.pad(W1, ((0, 0), (0, 8))))
    kw2 = _packw(jnp.pad(W2, ((0, 8), (0, 0))))
    kw3 = _packw(jnp.pad(W3, ((0, 0), (0, 8))))
    kw4 = _packw(jnp.pad(W4, ((0, 8), (0, 14))))
    bt1 = _packb(jnp.pad(b1, (0, 8)))
    bt2 = _packb(b2)
    bt3 = _packb(jnp.pad(b3, (0, 8)))
    bt4 = _packb(jnp.pad(b4, (0, 14)))
    pswap = jnp.kron(jnp.eye(64, dtype=jnp.float32),
                     jnp.array([[0.0, 1.0], [1.0, 0.0]], jnp.float32))

    degp = _agg_ones(ones, ei_r, zero)
    u1 = _tc_mm(x8, kw1)
    dinv, g1 = _tc0(u1, degp.reshape(NSC, NPR, 128))

    sp = _agg(g1.reshape(N, D), ei_r, zero)
    g2 = _tc_mid(dinv, sp.reshape(NSC, NPR, 128), g1, bt1, kw2)

    sp = _agg(g2.reshape(N, D), ei_r, zero)
    g3 = _tc_mid(dinv, sp.reshape(NSC, NPR, 128), g2, bt2, kw3)

    sp = _agg(g3.reshape(N, D), ei_r, zero)
    g4 = _tc_mid(dinv, sp.reshape(NSC, NPR, 128), g3, bt3, kw4)

    sp = _agg(g4.reshape(N, D), ei_r, zero)
    ls = _tc_fin(dinv, sp.reshape(NSC, NPR, 128), g4, bt4, pswap)
    return ls.reshape(N, D)[:, :2]

# --- scband reference (transcript-rebuilt; emitter-appended) ---
"""Pipeline reference for scband-gcn-22557168239484 (READ-ONLY COPY).

The authoritative reference and input builder live on the scoring server;
editing this copy changes nothing except your own understanding.
"""

import jax, jax.numpy as jnp
import numpy as np

N_NODES = 10000
N_EDGES = 320000
D_FEAT = 128


def mish(x):
    return x * jnp.tanh(jax.nn.softplus(x))


def gcn_conv(x, edge_index, W, b):
    # Faithful PyG GCNConv: add self loops, symmetric normalization, linear transform, scatter-add aggregate, bias.
    n = x.shape[0]
    loop = jnp.arange(n, dtype=edge_index.dtype)
    src = jnp.concatenate([edge_index[0], loop])
    dst = jnp.concatenate([edge_index[1], loop])
    h = x @ W
    deg = jnp.zeros((n,), x.dtype).at[dst].add(1.0)
    dinv = jnp.where(deg > 0, 1.0 / jnp.sqrt(deg), 0.0)
    norm = dinv[src] * dinv[dst]
    msg = h[src] * norm[:, None]
    out = jnp.zeros((n, h.shape[1]), x.dtype).at[dst].add(msg)
    return out + b


def setup_inputs(seed: int = 0) -> dict:
    key = jax.random.key(seed)
    ks = jax.random.split(key, 12)
    x = jax.random.normal(ks[0], (N_NODES, D_FEAT), dtype=jnp.float32)
    edge_index = jax.random.randint(ks[1], (2, N_EDGES), 0, N_NODES, dtype=jnp.int32)
    dims = [(D_FEAT, 8), (8, 16), (16, 8), (8, 2)]
    params = {}
    for i, (din, dout) in enumerate(dims):
        scale = float(np.sqrt(2.0 / (din + dout)))
        params[f"W{i+1}"] = jax.random.normal(ks[2 + i], (din, dout), dtype=jnp.float32) * scale
        params[f"b{i+1}"] = jnp.zeros((dout,), dtype=jnp.float32)
    inp = {"x": x, "edge_index": edge_index}
    inp.update(params)
    return inp


def reference(x, edge_index, W1, b1, W2, b2, W3, b3, W4, b4):
    # Dropout is identity in eval mode (deterministic reference).
    h = gcn_conv(x, edge_index, W1, b1)
    h = mish(h)
    h = gcn_conv(h, edge_index, W2, b2)
    h = mish(h)
    h = gcn_conv(h, edge_index, W3, b3)
    h = mish(h)
    h = gcn_conv(h, edge_index, W4, b4)
    return jax.nn.log_softmax(h, axis=1)

if __name__ == "__main__":
    import jax
    _d = setup_inputs()
    print(jax.jit(kernel)(*tuple(_d.values())))

</pallas_src>

<mosaic_0001>
#map = affine_map<(d0, d1) -> (0, 0)>
#map1 = affine_map<(d0, d1) -> (0, 0, 0, 0, 0)>
#map2 = affine_map<(d0, d1) -> (0, 0, 0)>
module attributes {stable_mosaic.version = 14 : i64} {
  func.func @agg(%arg0: i32, %arg1: i32, %arg2: memref<10000x16xf32, #tpu.memory_space<hbm>>, %arg3: memref<2x2x16x10x1000xi32, #tpu.memory_space<hbm>>, %arg4: memref<10112x16xf32, #tpu.memory_space<hbm>>, %arg5: memref<2x10112x16xf32, #tpu.memory_space<hbm>>, %arg6: memref<10x1000xi32, #tpu.memory_space<vmem>>, %arg7: memref<10x1000xi32, #tpu.memory_space<vmem>>, %arg8: memref<5x1000x16xf32, #tpu.memory_space<vmem>>, %arg9: memref<10112x16xf32, #tpu.memory_space<vmem_shared>>, %arg10: memref<!tpu.dma_semaphore, #tpu.memory_space<semaphore_mem>>, %arg11: memref<!tpu.dma_semaphore, #tpu.memory_space<semaphore_mem>>, %arg12: memref<!tpu.dma_semaphore, #tpu.memory_space<semaphore_mem>>, %arg13: memref<!tpu.dma_semaphore, #tpu.memory_space<semaphore_mem>>, %arg14: memref<!tpu.dma_semaphore, #tpu.memory_space<semaphore_mem>>) attributes {dimension_semantics = [#tpu.dimension_semantics<core_parallel>, #tpu.dimension_semantics<subcore_parallel>], iteration_bounds = array<i64: 2, 16>, scalar_prefetch = 0 : i64, scratch_operands = 9 : i64, tpu.core_type = #tpu.core_type<sc_vector_subcore>, window_params = [{transform_indices = #map}, {transform_indices = #map1}, {transform_indices = #map}, {transform_indices = #map2}]} {
    %mul3A = arith.constant 632 : i32
    %mul3A_0 = arith.muli %arg1, %mul3A : i32
    %mul3A_1 = arith.constant 632 : i32
    %mul3A_2 = arith.muli %arg1, %mul3A_1 : i32
    "tpu.region"() ({
      %run_scoped3A_73 = tpu.sem_alloc : memref<!tpu.dma_semaphore, #tpu.memory_space<semaphore_mem>>
      %dma_start3A_74 = arith.constant 0 : i32
      %dma_start3A_75 = tpu.memref_slice %arg9[%mul3A_2, %dma_start3A_74] : memref<10112x16xf32, #tpu.memory_space<vmem_shared>> -> memref<632x16xf32, #tpu.memory_space<vmem_shared>>
      %dma_start3A_76 = arith.constant 0 : i32
      %dma_start3A_77 = tpu.memref_slice %arg4[%mul3A_0, %dma_start3A_76] : memref<10112x16xf32, #tpu.memory_space<hbm>> -> memref<632x16xf32, #tpu.memory_space<hbm>>
      tpu.enqueue_dma source(%dma_start3A_77 : memref<632x16xf32, #tpu.memory_space<hbm>>) target(%dma_start3A_75 : memref<632x16xf32, #tpu.memory_space<vmem_shared>>) target_semaphore(%run_scoped3A_73 : memref<!tpu.dma_semaphore, #tpu.memory_space<semaphore_mem>>)
      %dma_wait3A = arith.constant 0 : i32
      %dma_wait3A_78 = tpu.memref_slice %arg9[%mul3A_2, %dma_wait3A] : memref<10112x16xf32, #tpu.memory_space<vmem_shared>> -> memref<632x16xf32, #tpu.memory_space<vmem_shared>>
      %dma_wait3A_79 = arith.constant 0 : i32
      %dma_wait3A_80 = tpu.memref_slice %arg4[%mul3A_0, %dma_wait3A_79] : memref<10112x16xf32, #tpu.memory_space<hbm>> -> memref<632x16xf32, #tpu.memory_space<hbm>>
      tpu.wait_dma2 semaphore(%run_scoped3A_73 : memref<!tpu.dma_semaphore, #tpu.memory_space<semaphore_mem>>) src(%dma_wait3A_80 : memref<632x16xf32, #tpu.memory_space<hbm>>) dst(%dma_wait3A_78 : memref<632x16xf32, #tpu.memory_space<vmem_shared>>)
      tpu.yield
    }) : () -> ()
    %run_scoped3A = arith.constant 0 : i32
    "tpu.region"() ({
      %run_scoped3A_73 = tpu.sem_alloc : memref<!tpu.dma_semaphore, #tpu.memory_space<semaphore_mem>>
      %dma_start3A_74 = arith.constant 0 : i32
      %dma_start3A_75 = arith.constant 0 : i32
      %dma_start3A_76 = tpu.memref_slice %arg3[%run_scoped3A, %arg0, %arg1, %dma_start3A_74, %dma_start3A_75] : memref<2x2x16x10x1000xi32, #tpu.memory_space<hbm>> -> memref<1x1x1x10x1000xi32, #tpu.memory_space<hbm>>
      %dma_start3A_77 = tpu.memref_squeeze %dma_start3A_76 : memref<1x1x1x10x1000xi32, #tpu.memory_space<hbm>> -> memref<10x1000xi32, #tpu.memory_space<hbm>>
      %dma_start3A_78 = arith.constant 0 : i32
      %dma_start3A_79 = arith.constant 0 : i32
      %dma_start3A_80 = tpu.memref_slice %arg3[%run_scoped3A, %arg0, %arg1, %dma_start3A_78, %dma_start3A_79] : memref<2x2x16x10x1000xi32, #tpu.memory_space<hbm>> -> memref<1x1x1x10x1000xi32, #tpu.memory_space<hbm>>
      %dma_start3A_81 = tpu.memref_squeeze %dma_start3A_80 : memref<1x1x1x10x1000xi32, #tpu.memory_space<hbm>> -> memref<10x1000xi32, #tpu.memory_space<hbm>>
      tpu.enqueue_dma source(%dma_start3A_81 : memref<10x1000xi32, #tpu.memory_space<hbm>>) target(%arg6 : memref<10x1000xi32, #tpu.memory_space<vmem>>) target_semaphore(%run_scoped3A_73 : memref<!tpu.dma_semaphore, #tpu.memory_space<semaphore_mem>>)
      %dma_wait3A = arith.constant 0 : i32
      %dma_wait3A_82 = arith.constant 0 : i32
      %dma_wait3A_83 = tpu.memref_slice %arg3[%run_scoped3A, %arg0, %arg1, %dma_wait3A, %dma_wait3A_82] : memref<2x2x16x10x1000xi32, #tpu.memory_space<hbm>> -> memref<1x1x1x10x1000xi32, #tpu.memory_space<hbm>>
      %dma_wait3A_84 = tpu.memref_squeeze %dma_wait3A_83 : memref<1x1x1x10x1000xi32, #tpu.memory_space<hbm>> -> memref<10x1000xi32, #tpu.memory_space<hbm>>
      %dma_wait3A_85 = arith.constant 0 : i32
      %dma_wait3A_86 = arith.constant 0 : i32
      %dma_wait3A_87 = tpu.memref_slice %arg3[%run_scoped3A, %arg0, %arg1, %dma_wait3A_85, %dma_wait3A_86] : memref<2x2x16x10x1000xi32, #tpu.memory_space<hbm>> -> memref<1x1x1x10x1000xi32, #tpu.memory_space<hbm>>
      %dma_wait3A_88 = tpu.memref_squeeze %dma_wait3A_87 : memref<1x1x1x10x1000xi32, #tpu.memory_space<hbm>> -> memref<10x1000xi32, #tpu.memory_space<hbm>>
      tpu.wait_dma2 semaphore(%run_scoped3A_73 : memref<!tpu.dma_semaphore, #tpu.memory_space<semaphore_mem>>) src(%dma_wait3A_88 : memref<10x1000xi32, #tpu.memory_space<hbm>>) dst(%arg6 : memref<10x1000xi32, #tpu.memory_space<vmem>>)
      tpu.yield
    }) : () -> ()
    %run_scoped3A_3 = arith.constant 1 : i32
    "tpu.region"() ({
      %run_scoped3A_73 = tpu.sem_alloc : memref<!tpu.dma_semaphore, #tpu.memory_space<semaphore_mem>>
      %dma_start3A_74 = arith.constant 0 : i32
      %dma_start3A_75 = arith.constant 0 : i32
      %dma_start3A_76 = tpu.memref_slice %arg3[%run_scoped3A_3, %arg0, %arg1, %dma_start3A_74, %dma_start3A_75] : memref<2x2x16x10x1000xi32, #tpu.memory_space<hbm>> -> memref<1x1x1x10x1000xi32, #tpu.memory_space<hbm>>
      %dma_start3A_77 = tpu.memref_squeeze %dma_start3A_76 : memref<1x1x1x10x1000xi32, #tpu.memory_space<hbm>> -> memref<10x1000xi32, #tpu.memory_space<hbm>>
      %dma_start3A_78 = arith.constant 0 : i32
      %dma_start3A_79 = arith.constant 0 : i32
      %dma_start3A_80 = tpu.memref_slice %arg3[%run_scoped3A_3, %arg0, %arg1, %dma_start3A_78, %dma_start3A_79] : memref<2x2x16x10x1000xi32, #tpu.memory_space<hbm>> -> memref<1x1x1x10x1000xi32, #tpu.memory_space<hbm>>
      %dma_start3A_81 = tpu.memref_squeeze %dma_start3A_80 : memref<1x1x1x10x1000xi32, #tpu.memory_space<hbm>> -> memref<10x1000xi32, #tpu.memory_space<hbm>>
      tpu.enqueue_dma source(%dma_start3A_81 : memref<10x1000xi32, #tpu.memory_space<hbm>>) target(%arg7 : memref<10x1000xi32, #tpu.memory_space<vmem>>) target_semaphore(%run_scoped3A_73 : memref<!tpu.dma_semaphore, #tpu.memory_space<semaphore_mem>>)
      %dma_wait3A = arith.constant 0 : i32
      %dma_wait3A_82 = arith.constant 0 : i32
      %dma_wait3A_83 = tpu.memref_slice %arg3[%run_scoped3A_3, %arg0, %arg1, %dma_wait3A, %dma_wait3A_82] : memref<2x2x16x10x1000xi32, #tpu.memory_space<hbm>> -> memref<1x1x1x10x1000xi32, #tpu.memory_space<hbm>>
      %dma_wait3A_84 = tpu.memref_squeeze %dma_wait3A_83 : memref<1x1x1x10x1000xi32, #tpu.memory_space<hbm>> -> memref<10x1000xi32, #tpu.memory_space<hbm>>
      %dma_wait3A_85 = arith.constant 0 : i32
      %dma_wait3A_86 = arith.constant 0 : i32
      %dma_wait3A_87 = tpu.memref_slice %arg3[%run_scoped3A_3, %arg0, %arg1, %dma_wait3A_85, %dma_wait3A_86] : memref<2x2x16x10x1000xi32, #tpu.memory_space<hbm>> -> memref<1x1x1x10x1000xi32, #tpu.memory_space<hbm>>
      %dma_wait3A_88 = tpu.memref_squeeze %dma_wait3A_87 : memref<1x1x1x10x1000xi32, #tpu.memory_space<hbm>> -> memref<10x1000xi32, #tpu.memory_space<hbm>>
      tpu.wait_dma2 semaphore(%run_scoped3A_73 : memref<!tpu.dma_semaphore, #tpu.memory_space<semaphore_mem>>) src(%dma_wait3A_88 : memref<10x1000xi32, #tpu.memory_space<hbm>>) dst(%arg7 : memref<10x1000xi32, #tpu.memory_space<vmem>>)
      tpu.yield
    }) : () -> ()
    %barrier3A = arith.constant 0 : index
    tpu.barrier barrier_id(%barrier3A)
    %dma_start3A = arith.constant 0 : i32
    %dma_start3A_4 = arith.constant 0 : i32
    %dma_start3A_5 = arith.constant 0 : i32
    %dma_start3A_6 = arith.constant 0 : i32
    %dma_start3A_7 = tpu.memref_slice %arg8[%dma_start3A_4, %dma_start3A_5, %dma_start3A_6] : memref<5x1000x16xf32, #tpu.memory_space<vmem>> -> memref<1x1000x16xf32, #tpu.memory_space<vmem>>
    %dma_start3A_8 = tpu.memref_squeeze %dma_start3A_7 : memref<1x1000x16xf32, #tpu.memory_space<vmem>> -> memref<1000x16xf32, #tpu.memory_space<vmem>>
    %dma_start3A_9 = arith.constant 0 : i32
    %dma_start3A_10 = tpu.memref_slice %arg6[%dma_start3A, %dma_start3A_9] : memref<10x1000xi32, #tpu.memory_space<vmem>> -> memref<1x1000xi32, #tpu.memory_space<vmem>>
    %dma_start3A_11 = tpu.memref_squeeze %dma_start3A_10 : memref<1x1000xi32, #tpu.memory_space<vmem>> -> memref<1000xi32, #tpu.memory_space<vmem>>
    %dma_start3A_12 = arith.constant 0 : i32
    %dma_start3A_13 = arith.constant 0 : i32
    %dma_start3A_14 = tpu.memref_slice %arg2[%dma_start3A_12, %dma_start3A_13] : memref<10000x16xf32, #tpu.memory_space<hbm>> -> memref<10000x16xf32, #tpu.memory_space<hbm>>
    tpu.enqueue_indirect_dma source(%dma_start3A_14 : memref<10000x16xf32, #tpu.memory_space<hbm>>) target(%dma_start3A_8 : memref<1000x16xf32, #tpu.memory_space<vmem>>) offsets(%dma_start3A_11 : memref<1000xi32, #tpu.memory_space<vmem>>) semaphore(%arg10 : memref<!tpu.dma_semaphore, #tpu.memory_space<semaphore_mem>>)
    %dma_start3A_15 = arith.constant 1 : i32
    %dma_start3A_16 = arith.constant 1 : i32
    %dma_start3A_17 = arith.constant 0 : i32
    %dma_start3A_18 = arith.constant 0 : i32
    %dma_start3A_19 = tpu.memref_slice %arg8[%dma_start3A_16, %dma_start3A_17, %dma_start3A_18] : memref<5x1000x16xf32, #tpu.memory_space<vmem>> -> memref<1x1000x16xf32, #tpu.memory_space<vmem>>
    %dma_start3A_20 = tpu.memref_squeeze %dma_start3A_19 : memref<1x1000x16xf32, #tpu.memory_space<vmem>> -> memref<1000x16xf32, #tpu.memory_space<vmem>>
    %dma_start3A_21 = arith.constant 0 : i32
    %dma_start3A_22 = tpu.memref_slice %arg6[%dma_start3A_15, %dma_start3A_21] : memref<10x1000xi32, #tpu.memory_space<vmem>> -> memref<1x1000xi32, #tpu.memory_space<vmem>>
    %dma_start3A_23 = tpu.memref_squeeze %dma_start3A_22 : memref<1x1000xi32, #tpu.memory_space<vmem>> -> memref<1000xi32, #tpu.memory_space<vmem>>
    %dma_start3A_24 = arith.constant 0 : i32
    %dma_start3A_25 = arith.constant 0 : i32
    %dma_start3A_26 = tpu.memref_slice %arg2[%dma_start3A_24, %dma_start3A_25] : memref<10000x16xf32, #tpu.memory_space<hbm>> -> memref<10000x16xf32, #tpu.memory_space<hbm>>
    tpu.enqueue_indirect_dma source(%dma_start3A_26 : memref<10000x16xf32, #tpu.memory_space<hbm>>) target(%dma_start3A_20 : memref<1000x16xf32, #tpu.memory_space<vmem>>) offsets(%dma_start3A_23 : memref<1000xi32, #tpu.memory_space<vmem>>) semaphore(%arg11 : memref<!tpu.dma_semaphore, #tpu.memory_space<semaphore_mem>>)
    %dma_start3A_27 = arith.constant 2 : i32
    %dma_start3A_28 = arith.constant 2 : i32
    %dma_start3A_29 = arith.constant 0 : i32
    %dma_start3A_30 = arith.constant 0 : i32
    %dma_start3A_31 = tpu.memref_slice %arg8[%dma_start3A_28, %dma_start3A_29, %dma_start3A_30] : memref<5x1000x16xf32, #tpu.memory_space<vmem>> -> memref<1x1000x16xf32, #tpu.memory_space<vmem>>
    %dma_start3A_32 = tpu.memref_squeeze %dma_start3A_31 : memref<1x1000x16xf32, #tpu.memory_space<vmem>> -> memref<1000x16xf32, #tpu.memory_space<vmem>>
    %dma_start3A_33 = arith.constant 0 : i32
    %dma_start3A_34 = tpu.memref_slice %arg6[%dma_start3A_27, %dma_start3A_33] : memref<10x1000xi32, #tpu.memory_space<vmem>> -> memref<1x1000xi32, #tpu.memory_space<vmem>>
    %dma_start3A_35 = tpu.memref_squeeze %dma_start3A_34 : memref<1x1000xi32, #tpu.memory_space<vmem>> -> memref<1000xi32, #tpu.memory_space<vmem>>
    %dma_start3A_36 = arith.constant 0 : i32
    %dma_start3A_37 = arith.constant 0 : i32
    %dma_start3A_38 = tpu.memref_slice %arg2[%dma_start3A_36, %dma_start3A_37] : memref<10000x16xf32, #tpu.memory_space<hbm>> -> memref<10000x16xf32, #tpu.memory_space<hbm>>
    tpu.enqueue_indirect_dma source(%dma_start3A_38 : memref<10000x16xf32, #tpu.memory_space<hbm>>) target(%dma_start3A_32 : memref<1000x16xf32, #tpu.memory_space<vmem>>) offsets(%dma_start3A_35 : memref<1000xi32, #tpu.memory_space<vmem>>) semaphore(%arg12 : memref<!tpu.dma_semaphore, #tpu.memory_space<semaphore_mem>>)
    %dma_start3A_39 = arith.constant 3 : i32
    %dma_start3A_40 = arith.constant 3 : i32
    %dma_start3A_41 = arith.constant 0 : i32
    %dma_start3A_42 = arith.constant 0 : i32
    %dma_start3A_43 = tpu.memref_slice %arg8[%dma_start3A_40, %dma_start3A_41, %dma_start3A_42] : memref<5x1000x16xf32, #tpu.memory_space<vmem>> -> memref<1x1000x16xf32, #tpu.memory_space<vmem>>
    %dma_start3A_44 = tpu.memref_squeeze %dma_start3A_43 : memref<1x1000x16xf32, #tpu.memory_space<vmem>> -> memref<1000x16xf32, #tpu.memory_space<vmem>>
    %dma_start3A_45 = arith.constant 0 : i32
    %dma_start3A_46 = tpu.memref_slice %arg6[%dma_start3A_39, %dma_start3A_45] : memref<10x1000xi32, #tpu.memory_space<vmem>> -> memref<1x1000xi32, #tpu.memory_space<vmem>>
    %dma_start3A_47 = tpu.memref_squeeze %dma_start3A_46 : memref<1x1000xi32, #tpu.memory_space<vmem>> -> memref<1000xi32, #tpu.memory_space<vmem>>
    %dma_start3A_48 = arith.constant 0 : i32
    %dma_start3A_49 = arith.constant 0 : i32
    %dma_start3A_50 = tpu.memref_slice %arg2[%dma_start3A_48, %dma_start3A_49] : memref<10000x16xf32, #tpu.memory_space<hbm>> -> memref<10000x16xf32, #tpu.memory_space<hbm>>
    tpu.enqueue_indirect_dma source(%dma_start3A_50 : memref<10000x16xf32, #tpu.memory_space<hbm>>) target(%dma_start3A_44 : memref<1000x16xf32, #tpu.memory_space<vmem>>) offsets(%dma_start3A_47 : memref<1000xi32, #tpu.memory_space<vmem>>) semaphore(%arg13 : memref<!tpu.dma_semaphore, #tpu.memory_space<semaphore_mem>>)
    %dma_start3A_51 = arith.constant 4 : i32
    %dma_start3A_52 = arith.constant 4 : i32
    %dma_start3A_53 = arith.constant 0 : i32
    %dma_start3A_54 = arith.constant 0 : i32
    %dma_start3A_55 = tpu.memref_slice %arg8[%dma_start3A_52, %dma_start3A_53, %dma_start3A_54] : memref<5x1000x16xf32, #tpu.memory_space<vmem>> -> memref<1x1000x16xf32, #tpu.memory_space<vmem>>
    %dma_start3A_56 = tpu.memref_squeeze %dma_start3A_55 : memref<1x1000x16xf32, #tpu.memory_space<vmem>> -> memref<1000x16xf32, #tpu.memory_space<vmem>>
    %dma_start3A_57 = arith.constant 0 : i32
    %dma_start3A_58 = tpu.memref_slice %arg6[%dma_start3A_51, %dma_start3A_57] : memref<10x1000xi32, #tpu.memory_space<vmem>> -> memref<1x1000xi32, #tpu.memory_space<vmem>>
    %dma_start3A_59 = tpu.memref_squeeze %dma_start3A_58 : memref<1x1000xi32, #tpu.memory_space<vmem>> -> memref<1000xi32, #tpu.memory_space<vmem>>
    %dma_start3A_60 = arith.constant 0 : i32
    %dma_start3A_61 = arith.constant 0 : i32
    %dma_start3A_62 = tpu.memref_slice %arg2[%dma_start3A_60, %dma_start3A_61] : memref<10000x16xf32, #tpu.memory_space<hbm>> -> memref<10000x16xf32, #tpu.memory_space<hbm>>
    tpu.enqueue_indirect_dma source(%dma_start3A_62 : memref<10000x16xf32, #tpu.memory_space<hbm>>) target(%dma_start3A_56 : memref<1000x16xf32, #tpu.memory_space<vmem>>) offsets(%dma_start3A_59 : memref<1000xi32, #tpu.memory_space<vmem>>) semaphore(%arg14 : memref<!tpu.dma_semaphore, #tpu.memory_space<semaphore_mem>>)
    %scan3A = arith.constant 0 : i32
    %scan3A_63 = arith.constant 0 : i32
    %scan3A_64 = arith.constant 2 : i32
    %scan3A_65 = arith.addi %scan3A_63, %scan3A_64 : i32
    %scan3A_66 = arith.constant 1 : i32
    scf.for %scan3A_73 = %scan3A_63 to %scan3A_65 step %scan3A_66  : i32 {
      %mul3A_74 = arith.constant 5 : i32
      %mul3A_75 = arith.muli %scan3A_73, %mul3A_74 : i32
      %add3A = arith.constant 0 : i32
      %add3A_76 = arith.addi %mul3A_75, %add3A : i32
      %dma_wait3A = arith.constant 0 : i32
      %dma_wait3A_77 = arith.constant 0 : i32
      %dma_wait3A_78 = arith.constant 0 : i32
      %dma_wait3A_79 = tpu.memref_slice %arg8[%dma_wait3A, %dma_wait3A_77, %dma_wait3A_78] : memref<5x1000x16xf32, #tpu.memory_space<vmem>> -> memref<1x1000x16xf32, #tpu.memory_space<vmem>>
      %dma_wait3A_80 = tpu.memref_squeeze %dma_wait3A_79 : memref<1x1000x16xf32, #tpu.memory_space<vmem>> -> memref<1000x16xf32, #tpu.memory_space<vmem>>
      %dma_wait3A_81 = arith.constant 0 : i32
      %dma_wait3A_82 = arith.constant 0 : i32
      %dma_wait3A_83 = tpu.memref_slice %arg2[%dma_wait3A_81, %dma_wait3A_82] : memref<10000x16xf32, #tpu.memory_space<hbm>> -> memref<1000x16xf32, #tpu.memory_space<hbm>>
      %dma_wait3A_84 = arith.constant 0 : i32
      %dma_wait3A_85 = arith.constant 0 : i32
      %dma_wait3A_86 = tpu.memref_slice %arg8[%dma_wait3A, %dma_wait3A_84, %dma_wait3A_85] : memref<5x1000x16xf32, #tpu.memory_space<vmem>> -> memref<1x1000x16xf32, #tpu.memory_space<vmem>>
      %dma_wait3A_87 = tpu.memref_squeeze %dma_wait3A_86 : memref<1x1000x16xf32, #tpu.memory_space<vmem>> -> memref<1000x16xf32, #tpu.memory_space<vmem>>
      %dma_wait3A_88 = arith.constant 0 : i32
      %dma_wait3A_89 = arith.constant 0 : i32
      %dma_wait3A_90 = tpu.memref_slice %arg2[%dma_wait3A_88, %dma_wait3A_89] : memref<10000x16xf32, #tpu.memory_space<hbm>> -> memref<1000x16xf32, #tpu.memory_space<hbm>>
      tpu.wait_dma2 semaphore(%arg10 : memref<!tpu.dma_semaphore, #tpu.memory_space<semaphore_mem>>) src(%dma_wait3A_90 : memref<1000x16xf32, #tpu.memory_space<hbm>>) dst(%dma_wait3A_87 : memref<1000x16xf32, #tpu.memory_space<vmem>>)
      %run_scoped3A_91 = arith.constant 0 : i32
      "tpu.region"() ({
        %run_scoped3A_204 = tpu.sem_alloc : memref<!tpu.dma_semaphore, #tpu.memory_space<semaphore_mem>>
        %dma_start3A_205 = arith.constant 0 : i32
        %dma_start3A_206 = arith.constant 0 : i32
        %dma_start3A_207 = tpu.memref_slice %arg8[%run_scoped3A_91, %dma_start3A_205, %dma_start3A_206] : memref<5x1000x16xf32, #tpu.memory_space<vmem>> -> memref<1x1000x16xf32, #tpu.memory_space<vmem>>
        %dma_start3A_208 = tpu.memref_squeeze %dma_start3A_207 : memref<1x1000x16xf32, #tpu.memory_space<vmem>> -> memref<1000x16xf32, #tpu.memory_space<vmem>>
        %dma_start3A_209 = arith.constant 0 : i32
        %dma_start3A_210 = tpu.memref_slice %arg7[%add3A_76, %dma_start3A_209] : memref<10x1000xi32, #tpu.memory_space<vmem>> -> memref<1x1000xi32, #tpu.memory_space<vmem>>
        %dma_start3A_211 = tpu.memref_squeeze %dma_start3A_210 : memref<1x1000xi32, #tpu.memory_space<vmem>> -> memref<1000xi32, #tpu.memory_space<vmem>>
        %dma_start3A_212 = arith.constant 0 : i32
        %dma_start3A_213 = arith.constant 0 : i32
        %dma_start3A_214 = tpu.memref_slice %arg9[%dma_start3A_212, %dma_start3A_213] : memref<10112x16xf32, #tpu.memory_space<vmem_shared>> -> memref<10112x16xf32, #tpu.memory_space<vmem_shared>>
        tpu.enqueue_indirect_dma source(%dma_start3A_208 : memref<1000x16xf32, #tpu.memory_space<vmem>>) target(%dma_start3A_214 : memref<10112x16xf32, #tpu.memory_space<vmem_shared>>) offsets(%dma_start3A_211 : memref<1000xi32, #tpu.memory_space<vmem>>) semaphore(%run_scoped3A_204 : memref<!tpu.dma_semaphore, #tpu.memory_space<semaphore_mem>>) {add = true}
        %dma_wait3A_215 = arith.constant 0 : i32
        %dma_wait3A_216 = arith.constant 0 : i32
        %dma_wait3A_217 = tpu.memref_slice %arg8[%run_scoped3A_91, %dma_wait3A_215, %dma_wait3A_216] : memref<5x1000x16xf32, #tpu.memory_space<vmem>> -> memref<1x1000x16xf32, #tpu.memory_space<vmem>>
        %dma_wait3A_218 = tpu.memref_squeeze %dma_wait3A_217 : memref<1x1000x16xf32, #tpu.memory_space<vmem>> -> memref<1000x16xf32, #tpu.memory_space<vmem>>
        %dma_wait3A_219 = arith.constant 0 : i32
        %dma_wait3A_220 = tpu.memref_slice %arg7[%add3A_76, %dma_wait3A_219] : memref<10x1000xi32, #tpu.memory_space<vmem>> -> memref<1x1000xi32, #tpu.memory_space<vmem>>
        %dma_wait3A_221 = tpu.memref_squeeze %dma_wait3A_220 : memref<1x1000xi32, #tpu.memory_space<vmem>> -> memref<1000xi32, #tpu.memory_space<vmem>>
        %dma_wait3A_222 = arith.constant 0 : i32
        %dma_wait3A_223 = arith.constant 0 : i32
        %dma_wait3A_224 = tpu.memref_slice %arg9[%dma_wait3A_222, %dma_wait3A_223] : memref<10112x16xf32, #tpu.memory_space<vmem_shared>> -> memref<10112x16xf32, #tpu.memory_space<vmem_shared>>
        tpu.wait_indirect_dma semaphore(%run_scoped3A_204 : memref<!tpu.dma_semaphore, #tpu.memory_space<semaphore_mem>>) src(%dma_wait3A_218 : memref<1000x16xf32, #tpu.memory_space<vmem>>) dst(%dma_wait3A_224 : memref<10112x16xf32, #tpu.memory_space<vmem_shared>>)
        tpu.yield
      }) : () -> ()
      %add3A_92 = arith.constant 5 : i32
      %add3A_93 = arith.addi %add3A_76, %add3A_92 : i32
      %lt3A = arith.constant 10 : i32
      %lt3A_94 = arith.cmpi slt, %add3A_93, %lt3A : i32
      %convert_element_type3A = arith.extui %lt3A_94 : i1 to i32
      %cond3A = arith.constant 0 : i32
      %cond3A_95 = arith.cmpi ne, %convert_element_type3A, %cond3A : i32
      scf.if %cond3A_95 {
        %dma_start3A_204 = arith.constant 0 : i32
        %dma_start3A_205 = arith.constant 0 : i32
        %dma_start3A_206 = arith.constant 0 : i32
        %dma_start3A_207 = tpu.memref_slice %arg8[%dma_start3A_204, %dma_start3A_205, %dma_start3A_206] : memref<5x1000x16xf32, #tpu.memory_space<vmem>> -> memref<1x1000x16xf32, #tpu.memory_space<vmem>>
        %dma_start3A_208 = tpu.memref_squeeze %dma_start3A_207 : memref<1x1000x16xf32, #tpu.memory_space<vmem>> -> memref<1000x16xf32, #tpu.memory_space<vmem>>
        %dma_start3A_209 = arith.constant 0 : i32
        %dma_start3A_210 = tpu.memref_slice %arg6[%add3A_93, %dma_start3A_209] : memref<10x1000xi32, #tpu.memory_space<vmem>> -> memref<1x1000xi32, #tpu.memory_space<vmem>>
        %dma_start3A_211 = tpu.memref_squeeze %dma_start3A_210 : memref<1x1000xi32, #tpu.memory_space<vmem>> -> memref<1000xi32, #tpu.memory_space<vmem>>
        %dma_start3A_212 = arith.constant 0 : i32
        %dma_start3A_213 = arith.constant 0 : i32
        %dma_start3A_214 = tpu.memref_slice %arg2[%dma_start3A_212, %dma_start3A_213] : memref<10000x16xf32, #tpu.memory_space<hbm>> -> memref<10000x16xf32, #tpu.memory_space<hbm>>
        tpu.enqueue_indirect_dma source(%dma_start3A_214 : memref<10000x16xf32, #tpu.memory_space<hbm>>) target(%dma_start3A_208 : memref<1000x16xf32, #tpu.memory_space<vmem>>) offsets(%dma_start3A_211 : memref<1000xi32, #tpu.memory_space<vmem>>) semaphore(%arg10 : memref<!tpu.dma_semaphore, #tpu.memory_space<semaphore_mem>>)
      } else {
      }
      %mul3A_96 = arith.constant 5 : i32
      %mul3A_97 = arith.muli %scan3A_73, %mul3A_96 : i32
      %add3A_98 = arith.constant 1 : i32
      %add3A_99 = arith.addi %mul3A_97, %add3A_98 : i32
      %dma_wait3A_100 = arith.constant 1 : i32
      %dma_wait3A_101 = arith.constant 0 : i32
      %dma_wait3A_102 = arith.constant 0 : i32
      %dma_wait3A_103 = tpu.memref_slice %arg8[%dma_wait3A_100, %dma_wait3A_101, %dma_wait3A_102] : memref<5x1000x16xf32, #tpu.memory_space<vmem>> -> memref<1x1000x16xf32, #tpu.memory_space<vmem>>
      %dma_wait3A_104 = tpu.memref_squeeze %dma_wait3A_103 : memref<1x1000x16xf32, #tpu.memory_space<vmem>> -> memref<1000x16xf32, #tpu.memory_space<vmem>>
      %dma_wait3A_105 = arith.constant 0 : i32
      %dma_wait3A_106 = arith.constant 0 : i32
      %dma_wait3A_107 = tpu.memref_slice %arg2[%dma_wait3A_105, %dma_wait3A_106] : memref<10000x16xf32, #tpu.memory_space<hbm>> -> memref<1000x16xf32, #tpu.memory_space<hbm>>
      %dma_wait3A_108 = arith.constant 0 : i32
      %dma_wait3A_109 = arith.constant 0 : i32
      %dma_wait3A_110 = tpu.memref_slice %arg8[%dma_wait3A_100, %dma_wait3A_108, %dma_wait3A_109] : memref<5x1000x16xf32, #tpu.memory_space<vmem>> -> memref<1x1000x16xf32, #tpu.memory_space<vmem>>
      %dma_wait3A_111 = tpu.memref_squeeze %dma_wait3A_110 : memref<1x1000x16xf32, #tpu.memory_space<vmem>> -> memref<1000x16xf32, #tpu.memory_space<vmem>>
      %dma_wait3A_112 = arith.constant 0 : i32
      %dma_wait3A_113 = arith.constant 0 : i32
      %dma_wait3A_114 = tpu.memref_slice %arg2[%dma_wait3A_112, %dma_wait3A_113] : memref<10000x16xf32, #tpu.memory_space<hbm>> -> memref<1000x16xf32, #tpu.memory_space<hbm>>
      tpu.wait_dma2 semaphore(%arg11 : memref<!tpu.dma_semaphore, #tpu.memory_space<semaphore_mem>>) src(%dma_wait3A_114 : memref<1000x16xf32, #tpu.memory_space<hbm>>) dst(%dma_wait3A_111 : memref<1000x16xf32, #tpu.memory_space<vmem>>)
      %run_scoped3A_115 = arith.constant 1 : i32
      "tpu.region"() ({
        %run_scoped3A_204 = tpu.sem_alloc : memref<!tpu.dma_semaphore, #tpu.memory_space<semaphore_mem>>
        %dma_start3A_205 = arith.constant 0 : i32
        %dma_start3A_206 = arith.constant 0 : i32
        %dma_start3A_207 = tpu.memref_slice %arg8[%run_scoped3A_115, %dma_start3A_205, %dma_start3A_206] : memref<5x1000x16xf32, #tpu.memory_space<vmem>> -> memref<1x1000x16xf32, #tpu.memory_space<vmem>>
        %dma_start3A_208 = tpu.memref_squeeze %dma_start3A_207 : memref<1x1000x16xf32, #tpu.memory_space<vmem>> -> memref<1000x16xf32, #tpu.memory_space<vmem>>
        %dma_start3A_209 = arith.constant 0 : i32
        %dma_start3A_210 = tpu.memref_slice %arg7[%add3A_99, %dma_start3A_209] : memref<10x1000xi32, #tpu.memory_space<vmem>> -> memref<1x1000xi32, #tpu.memory_space<vmem>>
        %dma_start3A_211 = tpu.memref_squeeze %dma_start3A_210 : memref<1x1000xi32, #tpu.memory_space<vmem>> -> memref<1000xi32, #tpu.memory_space<vmem>>
        %dma_start3A_212 = arith.constant 0 : i32
        %dma_start3A_213 = arith.constant 0 : i32
        %dma_start3A_214 = tpu.memref_slice %arg9[%dma_start3A_212, %dma_start3A_213] : memref<10112x16xf32, #tpu.memory_space<vmem_shared>> -> memref<10112x16xf32, #tpu.memory_space<vmem_shared>>
        tpu.enqueue_indirect_dma source(%dma_start3A_208 : memref<1000x16xf32, #tpu.memory_space<vmem>>) target(%dma_start3A_214 : memref<10112x16xf32, #tpu.memory_space<vmem_shared>>) offsets(%dma_start3A_211 : memref<1000xi32, #tpu.memory_space<vmem>>) semaphore(%run_scoped3A_204 : memref<!tpu.dma_semaphore, #tpu.memory_space<semaphore_mem>>) {add = true}
        %dma_wait3A_215 = arith.constant 0 : i32
        %dma_wait3A_216 = arith.constant 0 : i32
        %dma_wait3A_217 = tpu.memref_slice %arg8[%run_scoped3A_115, %dma_wait3A_215, %dma_wait3A_216] : memref<5x1000x16xf32, #tpu.memory_space<vmem>> -> memref<1x1000x16xf32, #tpu.memory_space<vmem>>
        %dma_wait3A_218 = tpu.memref_squeeze %dma_wait3A_217 : memref<1x1000x16xf32, #tpu.memory_space<vmem>> -> memref<1000x16xf32, #tpu.memory_space<vmem>>
        %dma_wait3A_219 = arith.constant 0 : i32
        %dma_wait3A_220 = tpu.memref_slice %arg7[%add3A_99, %dma_wait3A_219] : memref<10x1000xi32, #tpu.memory_space<vmem>> -> memref<1x1000xi32, #tpu.memory_space<vmem>>
        %dma_wait3A_221 = tpu.memref_squeeze %dma_wait3A_220 : memref<1x1000xi32, #tpu.memory_space<vmem>> -> memref<1000xi32, #tpu.memory_space<vmem>>
        %dma_wait3A_222 = arith.constant 0 : i32
        %dma_wait3A_223 = arith.constant 0 : i32
        %dma_wait3A_224 = tpu.memref_slice %arg9[%dma_wait3A_222, %dma_wait3A_223] : memref<10112x16xf32, #tpu.memory_space<vmem_shared>> -> memref<10112x16xf32, #tpu.memory_space<vmem_shared>>
        tpu.wait_indirect_dma semaphore(%run_scoped3A_204 : memref<!tpu.dma_semaphore, #tpu.memory_space<semaphore_mem>>) src(%dma_wait3A_218 : memref<1000x16xf32, #tpu.memory_space<vmem>>) dst(%dma_wait3A_224 : memref<10112x16xf32, #tpu.memory_space<vmem_shared>>)
        tpu.yield
      }) : () -> ()
      %add3A_116 = arith.constant 5 : i32
      %add3A_117 = arith.addi %add3A_99, %add3A_116 : i32
      %lt3A_118 = arith.constant 10 : i32
      %lt3A_119 = arith.cmpi slt, %add3A_117, %lt3A_118 : i32
      %convert_element_type3A_120 = arith.extui %lt3A_119 : i1 to i32
      %cond3A_121 = arith.constant 0 : i32
      %cond3A_122 = arith.cmpi ne, %convert_element_type3A_120, %cond3A_121 : i32
      scf.if %cond3A_122 {
        %dma_start3A_204 = arith.constant 1 : i32
        %dma_start3A_205 = arith.constant 0 : i32
        %dma_start3A_206 = arith.constant 0 : i32
        %dma_start3A_207 = tpu.memref_slice %arg8[%dma_start3A_204, %dma_start3A_205, %dma_start3A_206] : memref<5x1000x16xf32, #tpu.memory_space<vmem>> -> memref<1x1000x16xf32, #tpu.memory_space<vmem>>
        %dma_start3A_208 = tpu.memref_squeeze %dma_start3A_207 : memref<1x1000x16xf32, #tpu.memory_space<vmem>> -> memref<1000x16xf32, #tpu.memory_space<vmem>>
        %dma_start3A_209 = arith.constant 0 : i32
        %dma_start3A_210 = tpu.memref_slice %arg6[%add3A_117, %dma_start3A_209] : memref<10x1000xi32, #tpu.memory_space<vmem>> -> memref<1x1000xi32, #tpu.memory_space<vmem>>
        %dma_start3A_211 = tpu.memref_squeeze %dma_start3A_210 : memref<1x1000xi32, #tpu.memory_space<vmem>> -> memref<1000xi32, #tpu.memory_space<vmem>>
        %dma_start3A_212 = arith.constant 0 : i32
        %dma_start3A_213 = arith.constant 0 : i32
        %dma_start3A_214 = tpu.memref_slice %arg2[%dma_start3A_212, %dma_start3A_213] : memref<10000x16xf32, #tpu.memory_space<hbm>> -> memref<10000x16xf32, #tpu.memory_space<hbm>>
        tpu.enqueue_indirect_dma source(%dma_start3A_214 : memref<10000x16xf32, #tpu.memory_space<hbm>>) target(%dma_start3A_208 : memref<1000x16xf32, #tpu.memory_space<vmem>>) offsets(%dma_start3A_211 : memref<1000xi32, #tpu.memory_space<vmem>>) semaphore(%arg11 : memref<!tpu.dma_semaphore, #tpu.memory_space<semaphore_mem>>)
      } else {
      }
      %mul3A_123 = arith.constant 5 : i32
      %mul3A_124 = arith.muli %scan3A_73, %mul3A_123 : i32
      %add3A_125 = arith.constant 2 : i32
      %add3A_126 = arith.addi %mul3A_124, %add3A_125 : i32
      %dma_wait3A_127 = arith.constant 2 : i32
      %dma_wait3A_128 = arith.constant 0 : i32
      %dma_wait3A_129 = arith.constant 0 : i32
      %dma_wait3A_130 = tpu.memref_slice %arg8[%dma_wait3A_127, %dma_wait3A_128, %dma_wait3A_129] : memref<5x1000x16xf32, #tpu.memory_space<vmem>> -> memref<1x1000x16xf32, #tpu.memory_space<vmem>>
      %dma_wait3A_131 = tpu.memref_squeeze %dma_wait3A_130 : memref<1x1000x16xf32, #tpu.memory_space<vmem>> -> memref<1000x16xf32, #tpu.memory_space<vmem>>
      %dma_wait3A_132 = arith.constant 0 : i32
      %dma_wait3A_133 = arith.constant 0 : i32
      %dma_wait3A_134 = tpu.memref_slice %arg2[%dma_wait3A_132, %dma_wait3A_133] : memref<10000x16xf32, #tpu.memory_space<hbm>> -> memref<1000x16xf32, #tpu.memory_space<hbm>>
      %dma_wait3A_135 = arith.constant 0 : i32
      %dma_wait3A_136 = arith.constant 0 : i32
      %dma_wait3A_137 = tpu.memref_slice %arg8[%dma_wait3A_127, %dma_wait3A_135, %dma_wait3A_136] : memref<5x1000x16xf32, #tpu.memory_space<vmem>> -> memref<1x1000x16xf32, #tpu.memory_space<vmem>>
      %dma_wait3A_138 = tpu.memref_squeeze %dma_wait3A_137 : memref<1x1000x16xf32, #tpu.memory_space<vmem>> -> memref<1000x16xf32, #tpu.memory_space<vmem>>
      %dma_wait3A_139 = arith.constant 0 : i32
      %dma_wait3A_140 = arith.constant 0 : i32
      %dma_wait3A_141 = tpu.memref_slice %arg2[%dma_wait3A_139, %dma_wait3A_140] : memref<10000x16xf32, #tpu.memory_space<hbm>> -> memref<1000x16xf32, #tpu.memory_space<hbm>>
      tpu.wait_dma2 semaphore(%arg12 : memref<!tpu.dma_semaphore, #tpu.memory_space<semaphore_mem>>) src(%dma_wait3A_141 : memref<1000x16xf32, #tpu.memory_space<hbm>>) dst(%dma_wait3A_138 : memref<1000x16xf32, #tpu.memory_space<vmem>>)
      %run_scoped3A_142 = arith.constant 2 : i32
      "tpu.region"() ({
        %run_scoped3A_204 = tpu.sem_alloc : memref<!tpu.dma_semaphore, #tpu.memory_space<semaphore_mem>>
        %dma_start3A_205 = arith.constant 0 : i32
        %dma_start3A_206 = arith.constant 0 : i32
        %dma_start3A_207 = tpu.memref_slice %arg8[%run_scoped3A_142, %dma_start3A_205, %dma_start3A_206] : memref<5x1000x16xf32, #tpu.memory_space<vmem>> -> memref<1x1000x16xf32, #tpu.memory_space<vmem>>
        %dma_start3A_208 = tpu.memref_squeeze %dma_start3A_207 : memref<1x1000x16xf32, #tpu.memory_space<vmem>> -> memref<1000x16xf32, #tpu.memory_space<vmem>>
        %dma_start3A_209 = arith.constant 0 : i32
        %dma_start3A_210 = tpu.memref_slice %arg7[%add3A_126, %dma_start3A_209] : memref<10x1000xi32, #tpu.memory_space<vmem>> -> memref<1x1000xi32, #tpu.memory_space<vmem>>
        %dma_start3A_211 = tpu.memref_squeeze %dma_start3A_210 : memref<1x1000xi32, #tpu.memory_space<vmem>> -> memref<1000xi32, #tpu.memory_space<vmem>>
        %dma_start3A_212 = arith.constant 0 : i32
        %dma_start3A_213 = arith.constant 0 : i32
        %dma_start3A_214 = tpu.memref_slice %arg9[%dma_start3A_212, %dma_start3A_213] : memref<10112x16xf32, #tpu.memory_space<vmem_shared>> -> memref<10112x16xf32, #tpu.memory_space<vmem_shared>>
        tpu.enqueue_indirect_dma source(%dma_start3A_208 : memref<1000x16xf32, #tpu.memory_space<vmem>>) target(%dma_start3A_214 : memref<10112x16xf32, #tpu.memory_space<vmem_shared>>) offsets(%dma_start3A_211 : memref<1000xi32, #tpu.memory_space<vmem>>) semaphore(%run_scoped3A_204 : memref<!tpu.dma_semaphore, #tpu.memory_space<semaphore_mem>>) {add = true}
        %dma_wait3A_215 = arith.constant 0 : i32
        %dma_wait3A_216 = arith.constant 0 : i32
        %dma_wait3A_217 = tpu.memref_slice %arg8[%run_scoped3A_142, %dma_wait3A_215, %dma_wait3A_216] : memref<5x1000x16xf32, #tpu.memory_space<vmem>> -> memref<1x1000x16xf32, #tpu.memory_space<vmem>>
        %dma_wait3A_218 = tpu.memref_squeeze %dma_wait3A_217 : memref<1x1000x16xf32, #tpu.memory_space<vmem>> -> memref<1000x16xf32, #tpu.memory_space<vmem>>
        %dma_wait3A_219 = arith.constant 0 : i32
        %dma_wait3A_220 = tpu.memref_slice %arg7[%add3A_126, %dma_wait3A_219] : memref<10x1000xi32, #tpu.memory_space<vmem>> -> memref<1x1000xi32, #tpu.memory_space<vmem>>
        %dma_wait3A_221 = tpu.memref_squeeze %dma_wait3A_220 : memref<1x1000xi32, #tpu.memory_space<vmem>> -> memref<1000xi32, #tpu.memory_space<vmem>>
        %dma_wait3A_222 = arith.constant 0 : i32
        %dma_wait3A_223 = arith.constant 0 : i32
        %dma_wait3A_224 = tpu.memref_slice %arg9[%dma_wait3A_222, %dma_wait3A_223] : memref<10112x16xf32, #tpu.memory_space<vmem_shared>> -> memref<10112x16xf32, #tpu.memory_space<vmem_shared>>
        tpu.wait_indirect_dma semaphore(%run_scoped3A_204 : memref<!tpu.dma_semaphore, #tpu.memory_space<semaphore_mem>>) src(%dma_wait3A_218 : memref<1000x16xf32, #tpu.memory_space<vmem>>) dst(%dma_wait3A_224 : memref<10112x16xf32, #tpu.memory_space<vmem_shared>>)
        tpu.yield
      }) : () -> ()
      %add3A_143 = arith.constant 5 : i32
      %add3A_144 = arith.addi %add3A_126, %add3A_143 : i32
      %lt3A_145 = arith.constant 10 : i32
      %lt3A_146 = arith.cmpi slt, %add3A_144, %lt3A_145 : i32
      %convert_element_type3A_147 = arith.extui %lt3A_146 : i1 to i32
      %cond3A_148 = arith.constant 0 : i32
      %cond3A_149 = arith.cmpi ne, %convert_element_type3A_147, %cond3A_148 : i32
      scf.if %cond3A_149 {
        %dma_start3A_204 = arith.constant 2 : i32
        %dma_start3A_205 = arith.constant 0 : i32
        %dma_start3A_206 = arith.constant 0 : i32
        %dma_start3A_207 = tpu.memref_slice %arg8[%dma_start3A_204, %dma_start3A_205, %dma_start3A_206] : memref<5x1000x16xf32, #tpu.memory_space<vmem>> -> memref<1x1000x16xf32, #tpu.memory_space<vmem>>
        %dma_start3A_208 = tpu.memref_squeeze %dma_start3A_207 : memref<1x1000x16xf32, #tpu.memory_space<vmem>> -> memref<1000x16xf32, #tpu.memory_space<vmem>>
        %dma_start3A_209 = arith.constant 0 : i32
        %dma_start3A_210 = tpu.memref_slice %arg6[%add3A_144, %dma_start3A_209] : memref<10x1000xi32, #tpu.memory_space<vmem>> -> memref<1x1000xi32, #tpu.memory_space<vmem>>
        %dma_start3A_211 = tpu.memref_squeeze %dma_start3A_210 : memref<1x1000xi32, #tpu.memory_space<vmem>> -> memref<1000xi32, #tpu.memory_space<vmem>>
        %dma_start3A_212 = arith.constant 0 : i32
        %dma_start3A_213 = arith.constant 0 : i32
        %dma_start3A_214 = tpu.memref_slice %arg2[%dma_start3A_212, %dma_start3A_213] : memref<10000x16xf32, #tpu.memory_space<hbm>> -> memref<10000x16xf32, #tpu.memory_space<hbm>>
        tpu.enqueue_indirect_dma source(%dma_start3A_214 : memref<10000x16xf32, #tpu.memory_space<hbm>>) target(%dma_start3A_208 : memref<1000x16xf32, #tpu.memory_space<vmem>>) offsets(%dma_start3A_211 : memref<1000xi32, #tpu.memory_space<vmem>>) semaphore(%arg12 : memref<!tpu.dma_semaphore, #tpu.memory_space<semaphore_mem>>)
      } else {
      }
      %mul3A_150 = arith.constant 5 : i32
      %mul3A_151 = arith.muli %scan3A_73, %mul3A_150 : i32
      %add3A_152 = arith.constant 3 : i32
      %add3A_153 = arith.addi %mul3A_151, %add3A_152 : i32
      %dma_wait3A_154 = arith.constant 3 : i32
      %dma_wait3A_155 = arith.constant 0 : i32
      %dma_wait3A_156 = arith.constant 0 : i32
      %dma_wait3A_157 = tpu.memref_slice %arg8[%dma_wait3A_154, %dma_wait3A_155, %dma_wait3A_156] : memref<5x1000x16xf32, #tpu.memory_space<vmem>> -> memref<1x1000x16xf32, #tpu.memory_space<vmem>>
      %dma_wait3A_158 = tpu.memref_squeeze %dma_wait3A_157 : memref<1x1000x16xf32, #tpu.memory_space<vmem>> -> memref<1000x16xf32, #tpu.memory_space<vmem>>
      %dma_wait3A_159 = arith.constant 0 : i32
      %dma_wait3A_160 = arith.constant 0 : i32
      %dma_wait3A_161 = tpu.memref_slice %arg2[%dma_wait3A_159, %dma_wait3A_160] : memref<10000x16xf32, #tpu.memory_space<hbm>> -> memref<1000x16xf32, #tpu.memory_space<hbm>>
      %dma_wait3A_162 = arith.constant 0 : i32
      %dma_wait3A_163 = arith.constant 0 : i32
      %dma_wait3A_164 = tpu.memref_slice %arg8[%dma_wait3A_154, %dma_wait3A_162, %dma_wait3A_163] : memref<5x1000x16xf32, #tpu.memory_space<vmem>> -> memref<1x1000x16xf32, #tpu.memory_space<vmem>>
      %dma_wait3A_165 = tpu.memref_squeeze %dma_wait3A_164 : memref<1x1000x16xf32, #tpu.memory_space<vmem>> -> memref<1000x16xf32, #tpu.memory_space<vmem>>
      %dma_wait3A_166 = arith.constant 0 : i32
      %dma_wait3A_167 = arith.constant 0 : i32
      %dma_wait3A_168 = tpu.memref_slice %arg2[%dma_wait3A_166, %dma_wait3A_167] : memref<10000x16xf32, #tpu.memory_space<hbm>> -> memref<1000x16xf32, #tpu.memory_space<hbm>>
      tpu.wait_dma2 semaphore(%arg13 : memref<!tpu.dma_semaphore, #tpu.memory_space<semaphore_mem>>) src(%dma_wait3A_168 : memref<1000x16xf32, #tpu.memory_space<hbm>>) dst(%dma_wait3A_165 : memref<1000x16xf32, #tpu.memory_space<vmem>>)
      %run_scoped3A_169 = arith.constant 3 : i32
      "tpu.region"() ({
        %run_scoped3A_204 = tpu.sem_alloc : memref<!tpu.dma_semaphore, #tpu.memory_space<semaphore_mem>>
        %dma_start3A_205 = arith.constant 0 : i32
        %dma_start3A_206 = arith.constant 0 : i32
        %dma_start3A_207 = tpu.memref_slice %arg8[%run_scoped3A_169, %dma_start3A_205, %dma_start3A_206] : memref<5x1000x16xf32, #tpu.memory_space<vmem>> -> memref<1x1000x16xf32, #tpu.memory_space<vmem>>
        %dma_start3A_208 = tpu.memref_squeeze %dma_start3A_207 : memref<1x1000x16xf32, #tpu.memory_space<vmem>> -> memref<1000x16xf32, #tpu.memory_space<vmem>>
        %dma_start3A_209 = arith.constant 0 : i32
        %dma_start3A_210 = tpu.memref_slice %arg7[%add3A_153, %dma_start3A_209] : memref<10x1000xi32, #tpu.memory_space<vmem>> -> memref<1x1000xi32, #tpu.memory_space<vmem>>
        %dma_start3A_211 = tpu.memref_squeeze %dma_start3A_210 : memref<1x1000xi32, #tpu.memory_space<vmem>> -> memref<1000xi32, #tpu.memory_space<vmem>>
        %dma_start3A_212 = arith.constant 0 : i32
        %dma_start3A_213 = arith.constant 0 : i32
        %dma_start3A_214 = tpu.memref_slice %arg9[%dma_start3A_212, %dma_start3A_213] : memref<10112x16xf32, #tpu.memory_space<vmem_shared>> -> memref<10112x16xf32, #tpu.memory_space<vmem_shared>>
        tpu.enqueue_indirect_dma source(%dma_start3A_208 : memref<1000x16xf32, #tpu.memory_space<vmem>>) target(%dma_start3A_214 : memref<10112x16xf32, #tpu.memory_space<vmem_shared>>) offsets(%dma_start3A_211 : memref<1000xi32, #tpu.memory_space<vmem>>) semaphore(%run_scoped3A_204 : memref<!tpu.dma_semaphore, #tpu.memory_space<semaphore_mem>>) {add = true}
        %dma_wait3A_215 = arith.constant 0 : i32
        %dma_wait3A_216 = arith.constant 0 : i32
        %dma_wait3A_217 = tpu.memref_slice %arg8[%run_scoped3A_169, %dma_wait3A_215, %dma_wait3A_216] : memref<5x1000x16xf32, #tpu.memory_space<vmem>> -> memref<1x1000x16xf32, #tpu.memory_space<vmem>>
        %dma_wait3A_218 = tpu.memref_squeeze %dma_wait3A_217 : memref<1x1000x16xf32, #tpu.memory_space<vmem>> -> memref<1000x16xf32, #tpu.memory_space<vmem>>
        %dma_wait3A_219 = arith.constant 0 : i32
        %dma_wait3A_220 = tpu.memref_slice %arg7[%add3A_153, %dma_wait3A_219] : memref<10x1000xi32, #tpu.memory_space<vmem>> -> memref<1x1000xi32, #tpu.memory_space<vmem>>
        %dma_wait3A_221 = tpu.memref_squeeze %dma_wait3A_220 : memref<1x1000xi32, #tpu.memory_space<vmem>> -> memref<1000xi32, #tpu.memory_space<vmem>>
        %dma_wait3A_222 = arith.constant 0 : i32
        %dma_wait3A_223 = arith.constant 0 : i32
        %dma_wait3A_224 = tpu.memref_slice %arg9[%dma_wait3A_222, %dma_wait3A_223] : memref<10112x16xf32, #tpu.memory_space<vmem_shared>> -> memref<10112x16xf32, #tpu.memory_space<vmem_shared>>
        tpu.wait_indirect_dma semaphore(%run_scoped3A_204 : memref<!tpu.dma_semaphore, #tpu.memory_space<semaphore_mem>>) src(%dma_wait3A_218 : memref<1000x16xf32, #tpu.memory_space<vmem>>) dst(%dma_wait3A_224 : memref<10112x16xf32, #tpu.memory_space<vmem_shared>>)
        tpu.yield
      }) : () -> ()
      %add3A_170 = arith.constant 5 : i32
      %add3A_171 = arith.addi %add3A_153, %add3A_170 : i32
      %lt3A_172 = arith.constant 10 : i32
      %lt3A_173 = arith.cmpi slt, %add3A_171, %lt3A_172 : i32
      %convert_element_type3A_174 = arith.extui %lt3A_173 : i1 to i32
      %cond3A_175 = arith.constant 0 : i32
      %cond3A_176 = arith.cmpi ne, %convert_element_type3A_174, %cond3A_175 : i32
      scf.if %cond3A_176 {
        %dma_start3A_204 = arith.constant 3 : i32
        %dma_start3A_205 = arith.constant 0 : i32
        %dma_start3A_206 = arith.constant 0 : i32
        %dma_start3A_207 = tpu.memref_slice %arg8[%dma_start3A_204, %dma_start3A_205, %dma_start3A_206] : memref<5x1000x16xf32, #tpu.memory_space<vmem>> -> memref<1x1000x16xf32, #tpu.memory_space<vmem>>
        %dma_start3A_208 = tpu.memref_squeeze %dma_start3A_207 : memref<1x1000x16xf32, #tpu.memory_space<vmem>> -> memref<1000x16xf32, #tpu.memory_space<vmem>>
        %dma_start3A_209 = arith.constant 0 : i32
        %dma_start3A_210 = tpu.memref_slice %arg6[%add3A_171, %dma_start3A_209] : memref<10x1000xi32, #tpu.memory_space<vmem>> -> memref<1x1000xi32, #tpu.memory_space<vmem>>
        %dma_start3A_211 = tpu.memref_squeeze %dma_start3A_210 : memref<1x1000xi32, #tpu.memory_space<vmem>> -> memref<1000xi32, #tpu.memory_space<vmem>>
        %dma_start3A_212 = arith.constant 0 : i32
        %dma_start3A_213 = arith.constant 0 : i32
        %dma_start3A_214 = tpu.memref_slice %arg2[%dma_start3A_212, %dma_start3A_213] : memref<10000x16xf32, #tpu.memory_space<hbm>> -> memref<10000x16xf32, #tpu.memory_space<hbm>>
        tpu.enqueue_indirect_dma source(%dma_start3A_214 : memref<10000x16xf32, #tpu.memory_space<hbm>>) target(%dma_start3A_208 : memref<1000x16xf32, #tpu.memory_space<vmem>>) offsets(%dma_start3A_211 : memref<1000xi32, #tpu.memory_space<vmem>>) semaphore(%arg13 : memref<!tpu.dma_semaphore, #tpu.memory_space<semaphore_mem>>)
      } else {
      }
      %mul3A_177 = arith.constant 5 : i32
      %mul3A_178 = arith.muli %scan3A_73, %mul3A_177 : i32
      %add3A_179 = arith.constant 4 : i32
      %add3A_180 = arith.addi %mul3A_178, %add3A_179 : i32
      %dma_wait3A_181 = arith.constant 4 : i32
      %dma_wait3A_182 = arith.constant 0 : i32
      %dma_wait3A_183 = arith.constant 0 : i32
      %dma_wait3A_184 = tpu.memref_slice %arg8[%dma_wait3A_181, %dma_wait3A_182, %dma_wait3A_183] : memref<5x1000x16xf32, #tpu.memory_space<vmem>> -> memref<1x1000x16xf32, #tpu.memory_space<vmem>>
      %dma_wait3A_185 = tpu.memref_squeeze %dma_wait3A_184 : memref<1x1000x16xf32, #tpu.memory_space<vmem>> -> memref<1000x16xf32, #tpu.memory_space<vmem>>
      %dma_wait3A_186 = arith.constant 0 : i32
      %dma_wait3A_187 = arith.constant 0 : i32
      %dma_wait3A_188 = tpu.memref_slice %arg2[%dma_wait3A_186, %dma_wait3A_187] : memref<10000x16xf32, #tpu.memory_space<hbm>> -> memref<1000x16xf32, #tpu.memory_space<hbm>>
      %dma_wait3A_189 = arith.constant 0 : i32
      %dma_wait3A_190 = arith.constant 0 : i32
      %dma_wait3A_191 = tpu.memref_slice %arg8[%dma_wait3A_181, %dma_wait3A_189, %dma_wait3A_190] : memref<5x1000x16xf32, #tpu.memory_space<vmem>> -> memref<1x1000x16xf32, #tpu.memory_space<vmem>>
      %dma_wait3A_192 = tpu.memref_squeeze %dma_wait3A_191 : memref<1x1000x16xf32, #tpu.memory_space<vmem>> -> memref<1000x16xf32, #tpu.memory_space<vmem>>
      %dma_wait3A_193 = arith.constant 0 : i32
      %dma_wait3A_194 = arith.constant 0 : i32
      %dma_wait3A_195 = tpu.memref_slice %arg2[%dma_wait3A_193, %dma_wait3A_194] : memref<10000x16xf32, #tpu.memory_space<hbm>> -> memref<1000x16xf32, #tpu.memory_space<hbm>>
      tpu.wait_dma2 semaphore(%arg14 : memref<!tpu.dma_semaphore, #tpu.memory_space<semaphore_mem>>) src(%dma_wait3A_195 : memref<1000x16xf32, #tpu.memory_space<hbm>>) dst(%dma_wait3A_192 : memref<1000x16xf32, #tpu.memory_space<vmem>>)
      %run_scoped3A_196 = arith.constant 4 : i32
      "tpu.region"() ({
        %run_scoped3A_204 = tpu.sem_alloc : memref<!tpu.dma_semaphore, #tpu.memory_space<semaphore_mem>>
        %dma_start3A_205 = arith.constant 0 : i32
        %dma_start3A_206 = arith.constant 0 : i32
        %dma_start3A_207 = tpu.memref_slice %arg8[%run_scoped3A_196, %dma_start3A_205, %dma_start3A_206] : memref<5x1000x16xf32, #tpu.memory_space<vmem>> -> memref<1x1000x16xf32, #tpu.memory_space<vmem>>
        %dma_start3A_208 = tpu.memref_squeeze %dma_start3A_207 : memref<1x1000x16xf32, #tpu.memory_space<vmem>> -> memref<1000x16xf32, #tpu.memory_space<vmem>>
        %dma_start3A_209 = arith.constant 0 : i32
        %dma_start3A_210 = tpu.memref_slice %arg7[%add3A_180, %dma_start3A_209] : memref<10x1000xi32, #tpu.memory_space<vmem>> -> memref<1x1000xi32, #tpu.memory_space<vmem>>
        %dma_start3A_211 = tpu.memref_squeeze %dma_start3A_210 : memref<1x1000xi32, #tpu.memory_space<vmem>> -> memref<1000xi32, #tpu.memory_space<vmem>>
        %dma_start3A_212 = arith.constant 0 : i32
        %dma_start3A_213 = arith.constant 0 : i32
        %dma_start3A_214 = tpu.memref_slice %arg9[%dma_start3A_212, %dma_start3A_213] : memref<10112x16xf32, #tpu.memory_space<vmem_shared>> -> memref<10112x16xf32, #tpu.memory_space<vmem_shared>>
        tpu.enqueue_indirect_dma source(%dma_start3A_208 : memref<1000x16xf32, #tpu.memory_space<vmem>>) target(%dma_start3A_214 : memref<10112x16xf32, #tpu.memory_space<vmem_shared>>) offsets(%dma_start3A_211 : memref<1000xi32, #tpu.memory_space<vmem>>) semaphore(%run_scoped3A_204 : memref<!tpu.dma_semaphore, #tpu.memory_space<semaphore_mem>>) {add = true}
        %dma_wait3A_215 = arith.constant 0 : i32
        %dma_wait3A_216 = arith.constant 0 : i32
        %dma_wait3A_217 = tpu.memref_slice %arg8[%run_scoped3A_196, %dma_wait3A_215, %dma_wait3A_216] : memref<5x1000x16xf32, #tpu.memory_space<vmem>> -> memref<1x1000x16xf32, #tpu.memory_space<vmem>>
        %dma_wait3A_218 = tpu.memref_squeeze %dma_wait3A_217 : memref<1x1000x16xf32, #tpu.memory_space<vmem>> -> memref<1000x16xf32, #tpu.memory_space<vmem>>
        %dma_wait3A_219 = arith.constant 0 : i32
        %dma_wait3A_220 = tpu.memref_slice %arg7[%add3A_180, %dma_wait3A_219] : memref<10x1000xi32, #tpu.memory_space<vmem>> -> memref<1x1000xi32, #tpu.memory_space<vmem>>
        %dma_wait3A_221 = tpu.memref_squeeze %dma_wait3A_220 : memref<1x1000xi32, #tpu.memory_space<vmem>> -> memref<1000xi32, #tpu.memory_space<vmem>>
        %dma_wait3A_222 = arith.constant 0 : i32
        %dma_wait3A_223 = arith.constant 0 : i32
        %dma_wait3A_224 = tpu.memref_slice %arg9[%dma_wait3A_222, %dma_wait3A_223] : memref<10112x16xf32, #tpu.memory_space<vmem_shared>> -> memref<10112x16xf32, #tpu.memory_space<vmem_shared>>
        tpu.wait_indirect_dma semaphore(%run_scoped3A_204 : memref<!tpu.dma_semaphore, #tpu.memory_space<semaphore_mem>>) src(%dma_wait3A_218 : memref<1000x16xf32, #tpu.memory_space<vmem>>) dst(%dma_wait3A_224 : memref<10112x16xf32, #tpu.memory_space<vmem_shared>>)
        tpu.yield
      }) : () -> ()
      %add3A_197 = arith.constant 5 : i32
      %add3A_198 = arith.addi %add3A_180, %add3A_197 : i32
      %lt3A_199 = arith.constant 10 : i32
      %lt3A_200 = arith.cmpi slt, %add3A_198, %lt3A_199 : i32
      %convert_element_type3A_201 = arith.extui %lt3A_200 : i1 to i32
      %cond3A_202 = arith.constant 0 : i32
      %cond3A_203 = arith.cmpi ne, %convert_element_type3A_201, %cond3A_202 : i32
      scf.if %cond3A_203 {
        %dma_start3A_204 = arith.constant 4 : i32
        %dma_start3A_205 = arith.constant 0 : i32
        %dma_start3A_206 = arith.constant 0 : i32
        %dma_start3A_207 = tpu.memref_slice %arg8[%dma_start3A_204, %dma_start3A_205, %dma_start3A_206] : memref<5x1000x16xf32, #tpu.memory_space<vmem>> -> memref<1x1000x16xf32, #tpu.memory_space<vmem>>
        %dma_start3A_208 = tpu.memref_squeeze %dma_start3A_207 : memref<1x1000x16xf32, #tpu.memory_space<vmem>> -> memref<1000x16xf32, #tpu.memory_space<vmem>>
        %dma_start3A_209 = arith.constant 0 : i32
        %dma_start3A_210 = tpu.memref_slice %arg6[%add3A_198, %dma_start3A_209] : memref<10x1000xi32, #tpu.memory_space<vmem>> -> memref<1x1000xi32, #tpu.memory_space<vmem>>
        %dma_start3A_211 = tpu.memref_squeeze %dma_start3A_210 : memref<1x1000xi32, #tpu.memory_space<vmem>> -> memref<1000xi32, #tpu.memory_space<vmem>>
        %dma_start3A_212 = arith.constant 0 : i32
        %dma_start3A_213 = arith.constant 0 : i32
        %dma_start3A_214 = tpu.memref_slice %arg2[%dma_start3A_212, %dma_start3A_213] : memref<10000x16xf32, #tpu.memory_space<hbm>> -> memref<10000x16xf32, #tpu.memory_space<hbm>>
        tpu.enqueue_indirect_dma source(%dma_start3A_214 : memref<10000x16xf32, #tpu.memory_space<hbm>>) target(%dma_start3A_208 : memref<1000x16xf32, #tpu.memory_space<vmem>>) offsets(%dma_start3A_211 : memref<1000xi32, #tpu.memory_space<vmem>>) semaphore(%arg14 : memref<!tpu.dma_semaphore, #tpu.memory_space<semaphore_mem>>)
      } else {
      }
    }
    %scan3A_67 = arith.constant 2 : i32
    %barrier3A_68 = arith.constant 0 : index
    tpu.barrier barrier_id(%barrier3A_68)
    %mul3A_69 = arith.constant 632 : i32
    %mul3A_70 = arith.muli %arg1, %mul3A_69 : i32
    %mul3A_71 = arith.constant 632 : i32
    %mul3A_72 = arith.muli %arg1, %mul3A_71 : i32
    "tpu.region"() ({
      %run_scoped3A_73 = tpu.sem_alloc : memref<!tpu.dma_semaphore, #tpu.memory_space<semaphore_mem>>
      %dma_start3A_74 = arith.constant 0 : i32
      %dma_start3A_75 = arith.constant 0 : i32
      %dma_start3A_76 = tpu.memref_slice %arg5[%arg0, %dma_start3A_74, %dma_start3A_75] : memref<2x10112x16xf32, #tpu.memory_space<hbm>> -> memref<1x10112x16xf32, #tpu.memory_space<hbm>>
      %dma_start3A_77 = tpu.memref_squeeze %dma_start3A_76 : memref<1x10112x16xf32, #tpu.memory_space<hbm>> -> memref<10112x16xf32, #tpu.memory_space<hbm>>
      %dma_start3A_78 = arith.constant 0 : i32
      %dma_start3A_79 = tpu.memref_slice %dma_start3A_77[%mul3A_72, %dma_start3A_78] : memref<10112x16xf32, #tpu.memory_space<hbm>> -> memref<632x16xf32, #tpu.memory_space<hbm>>
      %dma_start3A_80 = arith.constant 0 : i32
      %dma_start3A_81 = tpu.memref_slice %arg9[%mul3A_70, %dma_start3A_80] : memref<10112x16xf32, #tpu.memory_space<vmem_shared>> -> memref<632x16xf32, #tpu.memory_space<vmem_shared>>
      tpu.enqueue_dma source(%dma_start3A_81 : memref<632x16xf32, #tpu.memory_space<vmem_shared>>) target(%dma_start3A_79 : memref<632x16xf32, #tpu.memory_space<hbm>>) target_semaphore(%run_scoped3A_73 : memref<!tpu.dma_semaphore, #tpu.memory_space<semaphore_mem>>)
      %dma_wait3A = arith.constant 0 : i32
      %dma_wait3A_82 = arith.constant 0 : i32
      %dma_wait3A_83 = tpu.memref_slice %arg5[%arg0, %dma_wait3A, %dma_wait3A_82] : memref<2x10112x16xf32, #tpu.memory_space<hbm>> -> memref<1x10112x16xf32, #tpu.memory_space<hbm>>
      %dma_wait3A_84 = tpu.memref_squeeze %dma_wait3A_83 : memref<1x10112x16xf32, #tpu.memory_space<hbm>> -> memref<10112x16xf32, #tpu.memory_space<hbm>>
      %dma_wait3A_85 = arith.constant 0 : i32
      %dma_wait3A_86 = tpu.memref_slice %dma_wait3A_84[%mul3A_72, %dma_wait3A_85] : memref<10112x16xf32, #tpu.memory_space<hbm>> -> memref<632x16xf32, #tpu.memory_space<hbm>>
      %dma_wait3A_87 = arith.constant 0 : i32
      %dma_wait3A_88 = tpu.memref_slice %arg9[%mul3A_70, %dma_wait3A_87] : memref<10112x16xf32, #tpu.memory_space<vmem_shared>> -> memref<632x16xf32, #tpu.memory_space<vmem_shared>>
      tpu.wait_dma2 semaphore(%run_scoped3A_73 : memref<!tpu.dma_semaphore, #tpu.memory_space<semaphore_mem>>) src(%dma_wait3A_88 : memref<632x16xf32, #tpu.memory_space<vmem_shared>>) dst(%dma_wait3A_86 : memref<632x16xf32, #tpu.memory_space<hbm>>)
      tpu.yield
    }) : () -> ()
    return
  }
}

#map = affine_map<(d0, d1) -> (0, 0)>
#map1 = affine_map<(d0, d1) -> (0, 0, 0, 0, 0)>
#map2 = affine_map<(d0, d1) -> (0, 0, 0)>
module attributes {stable_mosaic.version = 14 : i64} {
  func.func @agg(%arg0: i32, %arg1: i32, %arg2: memref<1000x16xf32, #tpu.memory_space<hbm>>, %arg3: memref<2x2x16x10x1000xi32, #tpu.memory_space<hbm>>, %arg4: memref<10112x16xf32, #tpu.memory_space<hbm>>, %arg5: memref<2x10112x16xf32, #tpu.memory_space<hbm>>, %arg6: memref<10x1000xi32, #tpu.memory_space<vmem>>, %arg7: memref<10x1000xi32, #tpu.memory_space<vmem>>, %arg8: memref<1x1000x16xf32, #tpu.memory_space<vmem>>, %arg9: memref<10112x16xf32, #tpu.memory_space<vmem_shared>>, %arg10: memref<!tpu.dma_semaphore, #tpu.memory_space<semaphore_mem>>) attributes {dimension_semantics = [#tpu.dimension_semantics<core_parallel>, #tpu.dimension_semantics<subcore_parallel>], iteration_bounds = array<i64: 2, 16>, scalar_prefetch = 0 : i64, scratch_operands = 5 : i64, tpu.core_type = #tpu.core_type<sc_vector_subcore>, window_params = [{transform_indices = #map}, {transform_indices = #map1}, {transform_indices = #map}, {transform_indices = #map2}]} {
    %mul3A = arith.constant 632 : i32
    %mul3A_0 = arith.muli %arg1, %mul3A : i32
    %mul3A_1 = arith.constant 632 : i32
    %mul3A_2 = arith.muli %arg1, %mul3A_1 : i32
    "tpu.region"() ({
      %run_scoped3A_14 = tpu.sem_alloc : memref<!tpu.dma_semaphore, #tpu.memory_space<semaphore_mem>>
      %dma_start3A = arith.constant 0 : i32
      %dma_start3A_15 = tpu.memref_slice %arg9[%mul3A_2, %dma_start3A] : memref<10112x16xf32, #tpu.memory_space<vmem_shared>> -> memref<632x16xf32, #tpu.memory_space<vmem_shared>>
      %dma_start3A_16 = arith.constant 0 : i32
      %dma_start3A_17 = tpu.memref_slice %arg4[%mul3A_0, %dma_start3A_16] : memref<10112x16xf32, #tpu.memory_space<hbm>> -> memref<632x16xf32, #tpu.memory_space<hbm>>
      tpu.enqueue_dma source(%dma_start3A_17 : memref<632x16xf32, #tpu.memory_space<hbm>>) target(%dma_start3A_15 : memref<632x16xf32, #tpu.memory_space<vmem_shared>>) target_semaphore(%run_scoped3A_14 : memref<!tpu.dma_semaphore, #tpu.memory_space<semaphore_mem>>)
      %dma_wait3A = arith.constant 0 : i32
      %dma_wait3A_18 = tpu.memref_slice %arg9[%mul3A_2, %dma_wait3A] : memref<10112x16xf32, #tpu.memory_space<vmem_shared>> -> memref<632x16xf32, #tpu.memory_space<vmem_shared>>
      %dma_wait3A_19 = arith.constant 0 : i32
      %dma_wait3A_20 = tpu.memref_slice %arg4[%mul3A_0, %dma_wait3A_19] : memref<10112x16xf32, #tpu.memory_space<hbm>> -> memref<632x16xf32, #tpu.memory_space<hbm>>
      tpu.wait_dma2 semaphore(%run_scoped3A_14 : memref<!tpu.dma_semaphore, #tpu.memory_space<semaphore_mem>>) src(%dma_wait3A_20 : memref<632x16xf32, #tpu.memory_space<hbm>>) dst(%dma_wait3A_18 : memref<632x16xf32, #tpu.memory_space<vmem_shared>>)
      tpu.yield
    }) : () -> ()
    %run_scoped3A = arith.constant 1 : i32
    "tpu.region"() ({
      %run_scoped3A_14 = tpu.sem_alloc : memref<!tpu.dma_semaphore, #tpu.memory_space<semaphore_mem>>
      %dma_start3A = arith.constant 0 : i32
      %dma_start3A_15 = arith.constant 0 : i32
      %dma_start3A_16 = tpu.memref_slice %arg3[%run_scoped3A, %arg0, %arg1, %dma_start3A, %dma_start3A_15] : memref<2x2x16x10x1000xi32, #tpu.memory_space<hbm>> -> memref<1x1x1x10x1000xi32, #tpu.memory_space<hbm>>
      %dma_start3A_17 = tpu.memref_squeeze %dma_start3A_16 : memref<1x1x1x10x1000xi32, #tpu.memory_space<hbm>> -> memref<10x1000xi32, #tpu.memory_space<hbm>>
      %dma_start3A_18 = arith.constant 0 : i32
      %dma_start3A_19 = arith.constant 0 : i32
      %dma_start3A_20 = tpu.memref_slice %arg3[%run_scoped3A, %arg0, %arg1, %dma_start3A_18, %dma_start3A_19] : memref<2x2x16x10x1000xi32, #tpu.memory_space<hbm>> -> memref<1x1x1x10x1000xi32, #tpu.memory_space<hbm>>
      %dma_start3A_21 = tpu.memref_squeeze %dma_start3A_20 : memref<1x1x1x10x1000xi32, #tpu.memory_space<hbm>> -> memref<10x1000xi32, #tpu.memory_space<hbm>>
      tpu.enqueue_dma source(%dma_start3A_21 : memref<10x1000xi32, #tpu.memory_space<hbm>>) target(%arg7 : memref<10x1000xi32, #tpu.memory_space<vmem>>) target_semaphore(%run_scoped3A_14 : memref<!tpu.dma_semaphore, #tpu.memory_space<semaphore_mem>>)
      %dma_wait3A = arith.constant 0 : i32
      %dma_wait3A_22 = arith.constant 0 : i32
      %dma_wait3A_23 = tpu.memref_slice %arg3[%run_scoped3A, %arg0, %arg1, %dma_wait3A, %dma_wait3A_22] : memref<2x2x16x10x1000xi32, #tpu.memory_space<hbm>> -> memref<1x1x1x10x1000xi32, #tpu.memory_space<hbm>>
      %dma_wait3A_24 = tpu.memref_squeeze %dma_wait3A_23 : memref<1x1x1x10x1000xi32, #tpu.memory_space<hbm>> -> memref<10x1000xi32, #tpu.memory_space<hbm>>
      %dma_wait3A_25 = arith.constant 0 : i32
      %dma_wait3A_26 = arith.constant 0 : i32
      %dma_wait3A_27 = tpu.memref_slice %arg3[%run_scoped3A, %arg0, %arg1, %dma_wait3A_25, %dma_wait3A_26] : memref<2x2x16x10x1000xi32, #tpu.memory_space<hbm>> -> memref<1x1x1x10x1000xi32, #tpu.memory_space<hbm>>
      %dma_wait3A_28 = tpu.memref_squeeze %dma_wait3A_27 : memref<1x1x1x10x1000xi32, #tpu.memory_space<hbm>> -> memref<10x1000xi32, #tpu.memory_space<hbm>>
      tpu.wait_dma2 semaphore(%run_scoped3A_14 : memref<!tpu.dma_semaphore, #tpu.memory_space<semaphore_mem>>) src(%dma_wait3A_28 : memref<10x1000xi32, #tpu.memory_space<hbm>>) dst(%arg7 : memref<10x1000xi32, #tpu.memory_space<vmem>>)
      tpu.yield
    }) : () -> ()
    %barrier3A = arith.constant 0 : index
    tpu.barrier barrier_id(%barrier3A)
    %run_scoped3A_3 = arith.constant 0 : i32
    "tpu.region"() ({
      %run_scoped3A_14 = tpu.sem_alloc : memref<!tpu.dma_semaphore, #tpu.memory_space<semaphore_mem>>
      %dma_start3A = arith.constant 0 : i32
      %dma_start3A_15 = arith.constant 0 : i32
      %dma_start3A_16 = tpu.memref_slice %arg8[%run_scoped3A_3, %dma_start3A, %dma_start3A_15] : memref<1x1000x16xf32, #tpu.memory_space<vmem>> -> memref<1x1000x16xf32, #tpu.memory_space<vmem>>
      %dma_start3A_17 = tpu.memref_squeeze %dma_start3A_16 : memref<1x1000x16xf32, #tpu.memory_space<vmem>> -> memref<1000x16xf32, #tpu.memory_space<vmem>>
      %dma_start3A_18 = arith.constant 0 : i32
      %dma_start3A_19 = arith.constant 0 : i32
      %dma_start3A_20 = tpu.memref_slice %arg8[%run_scoped3A_3, %dma_start3A_18, %dma_start3A_19] : memref<1x1000x16xf32, #tpu.memory_space<vmem>> -> memref<1x1000x16xf32, #tpu.memory_space<vmem>>
      %dma_start3A_21 = tpu.memref_squeeze %dma_start3A_20 : memref<1x1000x16xf32, #tpu.memory_space<vmem>> -> memref<1000x16xf32, #tpu.memory_space<vmem>>
      tpu.enqueue_dma source(%arg2 : memref<1000x16xf32, #tpu.memory_space<hbm>>) target(%dma_start3A_21 : memref<1000x16xf32, #tpu.memory_space<vmem>>) target_semaphore(%run_scoped3A_14 : memref<!tpu.dma_semaphore, #tpu.memory_space<semaphore_mem>>)
      %dma_wait3A = arith.constant 0 : i32
      %dma_wait3A_22 = arith.constant 0 : i32
      %dma_wait3A_23 = tpu.memref_slice %arg8[%run_scoped3A_3, %dma_wait3A, %dma_wait3A_22] : memref<1x1000x16xf32, #tpu.memory_space<vmem>> -> memref<1x1000x16xf32, #tpu.memory_space<vmem>>
      %dma_wait3A_24 = tpu.memref_squeeze %dma_wait3A_23 : memref<1x1000x16xf32, #tpu.memory_space<vmem>> -> memref<1000x16xf32, #tpu.memory_space<vmem>>
      %dma_wait3A_25 = arith.constant 0 : i32
      %dma_wait3A_26 = arith.constant 0 : i32
      %dma_wait3A_27 = tpu.memref_slice %arg8[%run_scoped3A_3, %dma_wait3A_25, %dma_wait3A_26] : memref<1x1000x16xf32, #tpu.memory_space<vmem>> -> memref<1x1000x16xf32, #tpu.memory_space<vmem>>
      %dma_wait3A_28 = tpu.memref_squeeze %dma_wait3A_27 : memref<1x1000x16xf32, #tpu.memory_space<vmem>> -> memref<1000x16xf32, #tpu.memory_space<vmem>>
      tpu.wait_dma2 semaphore(%run_scoped3A_14 : memref<!tpu.dma_semaphore, #tpu.memory_space<semaphore_mem>>) src(%arg2 : memref<1000x16xf32, #tpu.memory_space<hbm>>) dst(%dma_wait3A_28 : memref<1000x16xf32, #tpu.memory_space<vmem>>)
      tpu.yield
    }) : () -> ()
    %scan3A = arith.constant 0 : i32
    %scan3A_4 = arith.constant 0 : i32
    %scan3A_5 = arith.constant 10 : i32
    %scan3A_6 = arith.addi %scan3A_4, %scan3A_5 : i32
    %scan3A_7 = arith.constant 1 : i32
    scf.for %scan3A_14 = %scan3A_4 to %scan3A_6 step %scan3A_7  : i32 {
      %run_scoped3A_15 = arith.constant 0 : i32
      "tpu.region"() ({
        %run_scoped3A_16 = tpu.sem_alloc : memref<!tpu.dma_semaphore, #tpu.memory_space<semaphore_mem>>
        %dma_start3A = arith.constant 0 : i32
        %dma_start3A_17 = arith.constant 0 : i32
        %dma_start3A_18 = tpu.memref_slice %arg8[%run_scoped3A_15, %dma_start3A, %dma_start3A_17] : memref<1x1000x16xf32, #tpu.memory_space<vmem>> -> memref<1x1000x16xf32, #tpu.memory_space<vmem>>
        %dma_start3A_19 = tpu.memref_squeeze %dma_start3A_18 : memref<1x1000x16xf32, #tpu.memory_space<vmem>> -> memref<1000x16xf32, #tpu.memory_space<vmem>>
        %dma_start3A_20 = arith.constant 0 : i32
        %dma_start3A_21 = tpu.memref_slice %arg7[%scan3A_14, %dma_start3A_20] : memref<10x1000xi32, #tpu.memory_space<vmem>> -> memref<1x1000xi32, #tpu.memory_space<vmem>>
        %dma_start3A_22 = tpu.memref_squeeze %dma_start3A_21 : memref<1x1000xi32, #tpu.memory_space<vmem>> -> memref<1000xi32, #tpu.memory_space<vmem>>
        %dma_start3A_23 = arith.constant 0 : i32
        %dma_start3A_24 = arith.constant 0 : i32
        %dma_start3A_25 = tpu.memref_slice %arg9[%dma_start3A_23, %dma_start3A_24] : memref<10112x16xf32, #tpu.memory_space<vmem_shared>> -> memref<10112x16xf32, #tpu.memory_space<vmem_shared>>
        tpu.enqueue_indirect_dma source(%dma_start3A_19 : memref<1000x16xf32, #tpu.memory_space<vmem>>) target(%dma_start3A_25 : memref<10112x16xf32, #tpu.memory_space<vmem_shared>>) offsets(%dma_start3A_22 : memref<1000xi32, #tpu.memory_space<vmem>>) semaphore(%run_scoped3A_16 : memref<!tpu.dma_semaphore, #tpu.memory_space<semaphore_mem>>) {add = true}
        %dma_wait3A = arith.constant 0 : i32
        %dma_wait3A_26 = arith.constant 0 : i32
        %dma_wait3A_27 = tpu.memref_slice %arg8[%run_scoped3A_15, %dma_wait3A, %dma_wait3A_26] : memref<1x1000x16xf32, #tpu.memory_space<vmem>> -> memref<1x1000x16xf32, #tpu.memory_space<vmem>>
        %dma_wait3A_28 = tpu.memref_squeeze %dma_wait3A_27 : memref<1x1000x16xf32, #tpu.memory_space<vmem>> -> memref<1000x16xf32, #tpu.memory_space<vmem>>
        %dma_wait3A_29 = arith.constant 0 : i32
        %dma_wait3A_30 = tpu.memref_slice %arg7[%scan3A_14, %dma_wait3A_29] : memref<10x1000xi32, #tpu.memory_space<vmem>> -> memref<1x1000xi32, #tpu.memory_space<vmem>>
        %dma_wait3A_31 = tpu.memref_squeeze %dma_wait3A_30 : memref<1x1000xi32, #tpu.memory_space<vmem>> -> memref<1000xi32, #tpu.memory_space<vmem>>
        %dma_wait3A_32 = arith.constant 0 : i32
        %dma_wait3A_33 = arith.constant 0 : i32
        %dma_wait3A_34 = tpu.memref_slice %arg9[%dma_wait3A_32, %dma_wait3A_33] : memref<10112x16xf32, #tpu.memory_space<vmem_shared>> -> memref<10112x16xf32, #tpu.memory_space<vmem_shared>>
        tpu.wait_indirect_dma semaphore(%run_scoped3A_16 : memref<!tpu.dma_semaphore, #tpu.memory_space<semaphore_mem>>) src(%dma_wait3A_28 : memref<1000x16xf32, #tpu.memory_space<vmem>>) dst(%dma_wait3A_34 : memref<10112x16xf32, #tpu.memory_space<vmem_shared>>)
        tpu.yield
      }) : () -> ()
    }
    %scan3A_8 = arith.constant 10 : i32
    %barrier3A_9 = arith.constant 0 : index
    tpu.barrier barrier_id(%barrier3A_9)
    %mul3A_10 = arith.constant 632 : i32
    %mul3A_11 = arith.muli %arg1, %mul3A_10 : i32
    %mul3A_12 = arith.constant 632 : i32
    %mul3A_13 = arith.muli %arg1, %mul3A_12 : i32
    "tpu.region"() ({
      %run_scoped3A_14 = tpu.sem_alloc : memref<!tpu.dma_semaphore, #tpu.memory_space<semaphore_mem>>
      %dma_start3A = arith.constant 0 : i32
      %dma_start3A_15 = arith.constant 0 : i32
      %dma_start3A_16 = tpu.memref_slice %arg5[%arg0, %dma_start3A, %dma_start3A_15] : memref<2x10112x16xf32, #tpu.memory_space<hbm>> -> memref<1x10112x16xf32, #tpu.memory_space<hbm>>
      %dma_start3A_17 = tpu.memref_squeeze %dma_start3A_16 : memref<1x10112x16xf32, #tpu.memory_space<hbm>> -> memref<10112x16xf32, #tpu.memory_space<hbm>>
      %dma_start3A_18 = arith.constant 0 : i32
      %dma_start3A_19 = tpu.memref_slice %dma_start3A_17[%mul3A_13, %dma_start3A_18] : memref<10112x16xf32, #tpu.memory_space<hbm>> -> memref<632x16xf32, #tpu.memory_space<hbm>>
      %dma_start3A_20 = arith.constant 0 : i32
      %dma_start3A_21 = tpu.memref_slice %arg9[%mul3A_11, %dma_start3A_20] : memref<10112x16xf32, #tpu.memory_space<vmem_shared>> -> memref<632x16xf32, #tpu.memory_space<vmem_shared>>
      tpu.enqueue_dma source(%dma_start3A_21 : memref<632x16xf32, #tpu.memory_space<vmem_shared>>) target(%dma_start3A_19 : memref<632x16xf32, #tpu.memory_space<hbm>>) target_semaphore(%run_scoped3A_14 : memref<!tpu.dma_semaphore, #tpu.memory_space<semaphore_mem>>)
      %dma_wait3A = arith.constant 0 : i32
      %dma_wait3A_22 = arith.constant 0 : i32
      %dma_wait3A_23 = tpu.memref_slice %arg5[%arg0, %dma_wait3A, %dma_wait3A_22] : memref<2x10112x16xf32, #tpu.memory_space<hbm>> -> memref<1x10112x16xf32, #tpu.memory_space<hbm>>
      %dma_wait3A_24 = tpu.memref_squeeze %dma_wait3A_23 : memref<1x10112x16xf32, #tpu.memory_space<hbm>> -> memref<10112x16xf32, #tpu.memory_space<hbm>>
      %dma_wait3A_25 = arith.constant 0 : i32
      %dma_wait3A_26 = tpu.memref_slice %dma_wait3A_24[%mul3A_13, %dma_wait3A_25] : memref<10112x16xf32, #tpu.memory_space<hbm>> -> memref<632x16xf32, #tpu.memory_space<hbm>>
      %dma_wait3A_27 = arith.constant 0 : i32
      %dma_wait3A_28 = tpu.memref_slice %arg9[%mul3A_11, %dma_wait3A_27] : memref<10112x16xf32, #tpu.memory_space<vmem_shared>> -> memref<632x16xf32, #tpu.memory_space<vmem_shared>>
      tpu.wait_dma2 semaphore(%run_scoped3A_14 : memref<!tpu.dma_semaphore, #tpu.memory_space<semaphore_mem>>) src(%dma_wait3A_28 : memref<632x16xf32, #tpu.memory_space<vmem_shared>>) dst(%dma_wait3A_26 : memref<632x16xf32, #tpu.memory_space<hbm>>)
      tpu.yield
    }) : () -> ()
    return
  }
}

#map = affine_map<(d0, d1) -> (0, 0)>
#map1 = affine_map<(d0, d1) -> (0, 0, 0, 0, 0)>
#map2 = affine_map<(d0, d1) -> (0, 0, 0)>
module attributes {stable_mosaic.version = 14 : i64} {
  func.func @agg(%arg0: i32, %arg1: i32, %arg2: memref<10000x16xf32, #tpu.memory_space<hbm>>, %arg3: memref<2x2x16x10x1000xi32, #tpu.memory_space<hbm>>, %arg4: memref<10112x16xf32, #tpu.memory_space<hbm>>, %arg5: memref<2x10112x16xf32, #tpu.memory_space<hbm>>, %arg6: memref<10x1000xi32, #tpu.memory_space<vmem>>, %arg7: memref<10x1000xi32, #tpu.memory_space<vmem>>, %arg8: memref<5x1000x16xf32, #tpu.memory_space<vmem>>, %arg9: memref<10112x16xf32, #tpu.memory_space<vmem_shared>>, %arg10: memref<!tpu.dma_semaphore, #tpu.memory_space<semaphore_mem>>, %arg11: memref<!tpu.dma_semaphore, #tpu.memory_space<semaphore_mem>>, %arg12: memref<!tpu.dma_semaphore, #tpu.memory_space<semaphore_mem>>, %arg13: memref<!tpu.dma_semaphore, #tpu.memory_space<semaphore_mem>>, %arg14: memref<!tpu.dma_semaphore, #tpu.memory_space<semaphore_mem>>) attributes {dimension_semantics = [#tpu.dimension_semantics<core_parallel>, #tpu.dimension_semantics<subcore_parallel>], iteration_bounds = array<i64: 2, 16>, scalar_prefetch = 0 : i64, scratch_operands = 9 : i64, tpu.core_type = #tpu.core_type<sc_vector_subcore>, window_params = [{transform_indices = #map}, {transform_indices = #map1}, {transform_indices = #map}, {transform_indices = #map2}]} {
    %mul3A = arith.constant 632 : i32
    %mul3A_0 = arith.muli %arg1, %mul3A : i32
    %mul3A_1 = arith.constant 632 : i32
    %mul3A_2 = arith.muli %arg1, %mul3A_1 : i32
    "tpu.region"() ({
      %run_scoped3A_73 = tpu.sem_alloc : memref<!tpu.dma_semaphore, #tpu.memory_space<semaphore_mem>>
      %dma_start3A_74 = arith.constant 0 : i32
      %dma_start3A_75 = tpu.memref_slice %arg9[%mul3A_2, %dma_start3A_74] : memref<10112x16xf32, #tpu.memory_space<vmem_shared>> -> memref<632x16xf32, #tpu.memory_space<vmem_shared>>
      %dma_start3A_76 = arith.constant 0 : i32
      %dma_start3A_77 = tpu.memref_slice %arg4[%mul3A_0, %dma_start3A_76] : memref<10112x16xf32, #tpu.memory_space<hbm>> -> memref<632x16xf32, #tpu.memory_space<hbm>>
      tpu.enqueue_dma source(%dma_start3A_77 : memref<632x16xf32, #tpu.memory_space<hbm>>) target(%dma_start3A_75 : memref<632x16xf32, #tpu.memory_space<vmem_shared>>) target_semaphore(%run_scoped3A_73 : memref<!tpu.dma_semaphore, #tpu.memory_space<semaphore_mem>>)
      %dma_wait3A = arith.constant 0 : i32
      %dma_wait3A_78 = tpu.memref_slice %arg9[%mul3A_2, %dma_wait3A] : memref<10112x16xf32, #tpu.memory_space<vmem_shared>> -> memref<632x16xf32, #tpu.memory_space<vmem_shared>>
      %dma_wait3A_79 = arith.constant 0 : i32
      %dma_wait3A_80 = tpu.memref_slice %arg4[%mul3A_0, %dma_wait3A_79] : memref<10112x16xf32, #tpu.memory_space<hbm>> -> memref<632x16xf32, #tpu.memory_space<hbm>>
      tpu.wait_dma2 semaphore(%run_scoped3A_73 : memref<!tpu.dma_semaphore, #tpu.memory_space<semaphore_mem>>) src(%dma_wait3A_80 : memref<632x16xf32, #tpu.memory_space<hbm>>) dst(%dma_wait3A_78 : memref<632x16xf32, #tpu.memory_space<vmem_shared>>)
      tpu.yield
    }) : () -> ()
    %run_scoped3A = arith.constant 0 : i32
    "tpu.region"() ({
      %run_scoped3A_73 = tpu.sem_alloc : memref<!tpu.dma_semaphore, #tpu.memory_space<semaphore_mem>>
      %dma_start3A_74 = arith.constant 0 : i32
      %dma_start3A_75 = arith.constant 0 : i32
      %dma_start3A_76 = tpu.memref_slice %arg3[%run_scoped3A, %arg0, %arg1, %dma_start3A_74, %dma_start3A_75] : memref<2x2x16x10x1000xi32, #tpu.memory_space<hbm>> -> memref<1x1x1x10x1000xi32, #tpu.memory_space<hbm>>
      %dma_start3A_77 = tpu.memref_squeeze %dma_start3A_76 : memref<1x1x1x10x1000xi32, #tpu.memory_space<hbm>> -> memref<10x1000xi32, #tpu.memory_space<hbm>>
      %dma_start3A_78 = arith.constant 0 : i32
      %dma_start3A_79 = arith.constant 0 : i32
      %dma_start3A_80 = tpu.memref_slice %arg3[%run_scoped3A, %arg0, %arg1, %dma_start3A_78, %dma_start3A_79] : memref<2x2x16x10x1000xi32, #tpu.memory_space<hbm>> -> memref<1x1x1x10x1000xi32, #tpu.memory_space<hbm>>
      %dma_start3A_81 = tpu.memref_squeeze %dma_start3A_80 : memref<1x1x1x10x1000xi32, #tpu.memory_space<hbm>> -> memref<10x1000xi32, #tpu.memory_space<hbm>>
      tpu.enqueue_dma source(%dma_start3A_81 : memref<10x1000xi32, #tpu.memory_space<hbm>>) target(%arg6 : memref<10x1000xi32, #tpu.memory_space<vmem>>) target_semaphore(%run_scoped3A_73 : memref<!tpu.dma_semaphore, #tpu.memory_space<semaphore_mem>>)
      %dma_wait3A = arith.constant 0 : i32
      %dma_wait3A_82 = arith.constant 0 : i32
      %dma_wait3A_83 = tpu.memref_slice %arg3[%run_scoped3A, %arg0, %arg1, %dma_wait3A, %dma_wait3A_82] : memref<2x2x16x10x1000xi32, #tpu.memory_space<hbm>> -> memref<1x1x1x10x1000xi32, #tpu.memory_space<hbm>>
      %dma_wait3A_84 = tpu.memref_squeeze %dma_wait3A_83 : memref<1x1x1x10x1000xi32, #tpu.memory_space<hbm>> -> memref<10x1000xi32, #tpu.memory_space<hbm>>
      %dma_wait3A_85 = arith.constant 0 : i32
      %dma_wait3A_86 = arith.constant 0 : i32
      %dma_wait3A_87 = tpu.memref_slice %arg3[%run_scoped3A, %arg0, %arg1, %dma_wait3A_85, %dma_wait3A_86] : memref<2x2x16x10x1000xi32, #tpu.memory_space<hbm>> -> memref<1x1x1x10x1000xi32, #tpu.memory_space<hbm>>
      %dma_wait3A_88 = tpu.memref_squeeze %dma_wait3A_87 : memref<1x1x1x10x1000xi32, #tpu.memory_space<hbm>> -> memref<10x1000xi32, #tpu.memory_space<hbm>>
      tpu.wait_dma2 semaphore(%run_scoped3A_73 : memref<!tpu.dma_semaphore, #tpu.memory_space<semaphore_mem>>) src(%dma_wait3A_88 : memref<10x1000xi32, #tpu.memory_space<hbm>>) dst(%arg6 : memref<10x1000xi32, #tpu.memory_space<vmem>>)
      tpu.yield
    }) : () -> ()
    %run_scoped3A_3 = arith.constant 1 : i32
    "tpu.region"() ({
      %run_scoped3A_73 = tpu.sem_alloc : memref<!tpu.dma_semaphore, #tpu.memory_space<semaphore_mem>>
      %dma_start3A_74 = arith.constant 0 : i32
      %dma_start3A_75 = arith.constant 0 : i32
      %dma_start3A_76 = tpu.memref_slice %arg3[%run_scoped3A_3, %arg0, %arg1, %dma_start3A_74, %dma_start3A_75] : memref<2x2x16x10x1000xi32, #tpu.memory_space<hbm>> -> memref<1x1x1x10x1000xi32, #tpu.memory_space<hbm>>
      %dma_start3A_77 = tpu.memref_squeeze %dma_start3A_76 : memref<1x1x1x10x1000xi32, #tpu.memory_space<hbm>> -> memref<10x1000xi32, #tpu.memory_space<hbm>>
      %dma_start3A_78 = arith.constant 0 : i32
      %dma_start3A_79 = arith.constant 0 : i32
      %dma_start3A_80 = tpu.memref_slice %arg3[%run_scoped3A_3, %arg0, %arg1, %dma_start3A_78, %dma_start3A_79] : memref<2x2x16x10x1000xi32, #tpu.memory_space<hbm>> -> memref<1x1x1x10x1000xi32, #tpu.memory_space<hbm>>
      %dma_start3A_81 = tpu.memref_squeeze %dma_start3A_80 : memref<1x1x1x10x1000xi32, #tpu.memory_space<hbm>> -> memref<10x1000xi32, #tpu.memory_space<hbm>>
      tpu.enqueue_dma source(%dma_start3A_81 : memref<10x1000xi32, #tpu.memory_space<hbm>>) target(%arg7 : memref<10x1000xi32, #tpu.memory_space<vmem>>) target_semaphore(%run_scoped3A_73 : memref<!tpu.dma_semaphore, #tpu.memory_space<semaphore_mem>>)
      %dma_wait3A = arith.constant 0 : i32
      %dma_wait3A_82 = arith.constant 0 : i32
      %dma_wait3A_83 = tpu.memref_slice %arg3[%run_scoped3A_3, %arg0, %arg1, %dma_wait3A, %dma_wait3A_82] : memref<2x2x16x10x1000xi32, #tpu.memory_space<hbm>> -> memref<1x1x1x10x1000xi32, #tpu.memory_space<hbm>>
      %dma_wait3A_84 = tpu.memref_squeeze %dma_wait3A_83 : memref<1x1x1x10x1000xi32, #tpu.memory_space<hbm>> -> memref<10x1000xi32, #tpu.memory_space<hbm>>
      %dma_wait3A_85 = arith.constant 0 : i32
      %dma_wait3A_86 = arith.constant 0 : i32
      %dma_wait3A_87 = tpu.memref_slice %arg3[%run_scoped3A_3, %arg0, %arg1, %dma_wait3A_85, %dma_wait3A_86] : memref<2x2x16x10x1000xi32, #tpu.memory_space<hbm>> -> memref<1x1x1x10x1000xi32, #tpu.memory_space<hbm>>
      %dma_wait3A_88 = tpu.memref_squeeze %dma_wait3A_87 : memref<1x1x1x10x1000xi32, #tpu.memory_space<hbm>> -> memref<10x1000xi32, #tpu.memory_space<hbm>>
      tpu.wait_dma2 semaphore(%run_scoped3A_73 : memref<!tpu.dma_semaphore, #tpu.memory_space<semaphore_mem>>) src(%dma_wait3A_88 : memref<10x1000xi32, #tpu.memory_space<hbm>>) dst(%arg7 : memref<10x1000xi32, #tpu.memory_space<vmem>>)
      tpu.yield
    }) : () -> ()
    %barrier3A = arith.constant 0 : index
    tpu.barrier barrier_id(%barrier3A)
    %dma_start3A = arith.constant 0 : i32
    %dma_start3A_4 = arith.constant 0 : i32
    %dma_start3A_5 = arith.constant 0 : i32
    %dma_start3A_6 = arith.constant 0 : i32
    %dma_start3A_7 = tpu.memref_slice %arg8[%dma_start3A_4, %dma_start3A_5, %dma_start3A_6] : memref<5x1000x16xf32, #tpu.memory_space<vmem>> -> memref<1x1000x16xf32, #tpu.memory_space<vmem>>
    %dma_start3A_8 = tpu.memref_squeeze %dma_start3A_7 : memref<1x1000x16xf32, #tpu.memory_space<vmem>> -> memref<1000x16xf32, #tpu.memory_space<vmem>>
    %dma_start3A_9 = arith.constant 0 : i32
    %dma_start3A_10 = tpu.memref_slice %arg6[%dma_start3A, %dma_start3A_9] : memref<10x1000xi32, #tpu.memory_space<vmem>> -> memref<1x1000xi32, #tpu.memory_space<vmem>>
    %dma_start3A_11 = tpu.memref_squeeze %dma_start3A_10 : memref<1x1000xi32, #tpu.memory_space<vmem>> -> memref<1000xi32, #tpu.memory_space<vmem>>
    %dma_start3A_12 = arith.constant 0 : i32
    %dma_start3A_13 = arith.constant 0 : i32
    %dma_start3A_14 = tpu.memref_slice %arg2[%dma_start3A_12, %dma_start3A_13] : memref<10000x16xf32, #tpu.memory_space<hbm>> -> memref<10000x16xf32, #tpu.memory_space<hbm>>
    tpu.enqueue_indirect_dma source(%dma_start3A_14 : memref<10000x16xf32, #tpu.memory_space<hbm>>) target(%dma_start3A_8 : memref<1000x16xf32, #tpu.memory_space<vmem>>) offsets(%dma_start3A_11 : memref<1000xi32, #tpu.memory_space<vmem>>) semaphore(%arg10 : memref<!tpu.dma_semaphore, #tpu.memory_space<semaphore_mem>>)
    %dma_start3A_15 = arith.constant 1 : i32
    %dma_start3A_16 = arith.constant 1 : i32
    %dma_start3A_17 = arith.constant 0 : i32
    %dma_start3A_18 = arith.constant 0 : i32
    %dma_start3A_19 = tpu.memref_slice %arg8[%dma_start3A_16, %dma_start3A_17, %dma_start3A_18] : memref<5x1000x16xf32, #tpu.memory_space<vmem>> -> memref<1x1000x16xf32, #tpu.memory_space<vmem>>
    %dma_start3A_20 = tpu.memref_squeeze %dma_start3A_19 : memref<1x1000x16xf32, #tpu.memory_space<vmem>> -> memref<1000x16xf32, #tpu.memory_space<vmem>>
    %dma_start3A_21 = arith.constant 0 : i32
    %dma_start3A_22 = tpu.memref_slice %arg6[%dma_start3A_15, %dma_start3A_21] : memref<10x1000xi32, #tpu.memory_space<vmem>> -> memref<1x1000xi32, #tpu.memory_space<vmem>>
    %dma_start3A_23 = tpu.memref_squeeze %dma_start3A_22 : memref<1x1000xi32, #tpu.memory_space<vmem>> -> memref<1000xi32, #tpu.memory_space<vmem>>
    %dma_start3A_24 = arith.constant 0 : i32
    %dma_start3A_25 = arith.constant 0 : i32
    %dma_start3A_26 = tpu.memref_slice %arg2[%dma_start3A_24, %dma_start3A_25] : memref<10000x16xf32, #tpu.memory_space<hbm>> -> memref<10000x16xf32, #tpu.memory_space<hbm>>
    tpu.enqueue_indirect_dma source(%dma_start3A_26 : memref<10000x16xf32, #tpu.memory_space<hbm>>) target(%dma_start3A_20 : memref<1000x16xf32, #tpu.memory_space<vmem>>) offsets(%dma_start3A_23 : memref<1000xi32, #tpu.memory_space<vmem>>) semaphore(%arg11 : memref<!tpu.dma_semaphore, #tpu.memory_space<semaphore_mem>>)
    %dma_start3A_27 = arith.constant 2 : i32
    %dma_start3A_28 = arith.constant 2 : i32
    %dma_start3A_29 = arith.constant 0 : i32
    %dma_start3A_30 = arith.constant 0 : i32
    %dma_start3A_31 = tpu.memref_slice %arg8[%dma_start3A_28, %dma_start3A_29, %dma_start3A_30] : memref<5x1000x16xf32, #tpu.memory_space<vmem>> -> memref<1x1000x16xf32, #tpu.memory_space<vmem>>
    %dma_start3A_32 = tpu.memref_squeeze %dma_start3A_31 : memref<1x1000x16xf32, #tpu.memory_space<vmem>> -> memref<1000x16xf32, #tpu.memory_space<vmem>>
    %dma_start3A_33 = arith.constant 0 : i32
    %dma_start3A_34 = tpu.memref_slice %arg6[%dma_start3A_27, %dma_start3A_33] : memref<10x1000xi32, #tpu.memory_space<vmem>> -> memref<1x1000xi32, #tpu.memory_space<vmem>>
    %dma_start3A_35 = tpu.memref_squeeze %dma_start3A_34 : memref<1x1000xi32, #tpu.memory_space<vmem>> -> memref<1000xi32, #tpu.memory_space<vmem>>
    %dma_start3A_36 = arith.constant 0 : i32
    %dma_start3A_37 = arith.constant 0 : i32
    %dma_start3A_38 = tpu.memref_slice %arg2[%dma_start3A_36, %dma_start3A_37] : memref<10000x16xf32, #tpu.memory_space<hbm>> -> memref<10000x16xf32, #tpu.memory_space<hbm>>
    tpu.enqueue_indirect_dma source(%dma_start3A_38 : memref<10000x16xf32, #tpu.memory_space<hbm>>) target(%dma_start3A_32 : memref<1000x16xf32, #tpu.memory_space<vmem>>) offsets(%dma_start3A_35 : memref<1000xi32, #tpu.memory_space<vmem>>) semaphore(%arg12 : memref<!tpu.dma_semaphore, #tpu.memory_space<semaphore_mem>>)
    %dma_start3A_39 = arith.constant 3 : i32
    %dma_start3A_40 = arith.constant 3 : i32
    %dma_start3A_41 = arith.constant 0 : i32
    %dma_start3A_42 = arith.constant 0 : i32
    %dma_start3A_43 = tpu.memref_slice %arg8[%dma_start3A_40, %dma_start3A_41, %dma_start3A_42] : memref<5x1000x16xf32, #tpu.memory_space<vmem>> -> memref<1x1000x16xf32, #tpu.memory_space<vmem>>
    %dma_start3A_44 = tpu.memref_squeeze %dma_start3A_43 : memref<1x1000x16xf32, #tpu.memory_space<vmem>> -> memref<1000x16xf32, #tpu.memory_space<vmem>>
    %dma_start3A_45 = arith.constant 0 : i32
    %dma_start3A_46 = tpu.memref_slice %arg6[%dma_start3A_39, %dma_start3A_45] : memref<10x1000xi32, #tpu.memory_space<vmem>> -> memref<1x1000xi32, #tpu.memory_space<vmem>>
    %dma_start3A_47 = tpu.memref_squeeze %dma_start3A_46 : memref<1x1000xi32, #tpu.memory_space<vmem>> -> memref<1000xi32, #tpu.memory_space<vmem>>
    %dma_start3A_48 = arith.constant 0 : i32
    %dma_start3A_49 = arith.constant 0 : i32
    %dma_start3A_50 = tpu.memref_slice %arg2[%dma_start3A_48, %dma_start3A_49] : memref<10000x16xf32, #tpu.memory_space<hbm>> -> memref<10000x16xf32, #tpu.memory_space<hbm>>
    tpu.enqueue_indirect_dma source(%dma_start3A_50 : memref<10000x16xf32, #tpu.memory_space<hbm>>) target(%dma_start3A_44 : memref<1000x16xf32, #tpu.memory_space<vmem>>) offsets(%dma_start3A_47 : memref<1000xi32, #tpu.memory_space<vmem>>) semaphore(%arg13 : memref<!tpu.dma_semaphore, #tpu.memory_space<semaphore_mem>>)
    %dma_start3A_51 = arith.constant 4 : i32
    %dma_start3A_52 = arith.constant 4 : i32
    %dma_start3A_53 = arith.constant 0 : i32
    %dma_start3A_54 = arith.constant 0 : i32
    %dma_start3A_55 = tpu.memref_slice %arg8[%dma_start3A_52, %dma_start3A_53, %dma_start3A_54] : memref<5x1000x16xf32, #tpu.memory_space<vmem>> -> memref<1x1000x16xf32, #tpu.memory_space<vmem>>
    %dma_start3A_56 = tpu.memref_squeeze %dma_start3A_55 : memref<1x1000x16xf32, #tpu.memory_space<vmem>> -> memref<1000x16xf32, #tpu.memory_space<vmem>>
    %dma_start3A_57 = arith.constant 0 : i32
    %dma_start3A_58 = tpu.memref_slice %arg6[%dma_start3A_51, %dma_start3A_57] : memref<10x1000xi32, #tpu.memory_space<vmem>> -> memref<1x1000xi32, #tpu.memory_space<vmem>>
    %dma_start3A_59 = tpu.memref_squeeze %dma_start3A_58 : memref<1x1000xi32, #tpu.memory_space<vmem>> -> memref<1000xi32, #tpu.memory_space<vmem>>
    %dma_start3A_60 = arith.constant 0 : i32
    %dma_start3A_61 = arith.constant 0 : i32
    %dma_start3A_62 = tpu.memref_slice %arg2[%dma_start3A_60, %dma_start3A_61] : memref<10000x16xf32, #tpu.memory_space<hbm>> -> memref<10000x16xf32, #tpu.memory_space<hbm>>
    tpu.enqueue_indirect_dma source(%dma_start3A_62 : memref<10000x16xf32, #tpu.memory_space<hbm>>) target(%dma_start3A_56 : memref<1000x16xf32, #tpu.memory_space<vmem>>) offsets(%dma_start3A_59 : memref<1000xi32, #tpu.memory_space<vmem>>) semaphore(%arg14 : memref<!tpu.dma_semaphore, #tpu.memory_space<semaphore_mem>>)
    %scan3A = arith.constant 0 : i32
    %scan3A_63 = arith.constant 0 : i32
    %scan3A_64 = arith.constant 2 : i32
    %scan3A_65 = arith.addi %scan3A_63, %scan3A_64 : i32
    %scan3A_66 = arith.constant 1 : i32
    scf.for %scan3A_73 = %scan3A_63 to %scan3A_65 step %scan3A_66  : i32 {
      %mul3A_74 = arith.constant 5 : i32
      %mul3A_75 = arith.muli %scan3A_73, %mul3A_74 : i32
      %add3A = arith.constant 0 : i32
      %add3A_76 = arith.addi %mul3A_75, %add3A : i32
      %dma_wait3A = arith.constant 0 : i32
      %dma_wait3A_77 = arith.constant 0 : i32
      %dma_wait3A_78 = arith.constant 0 : i32
      %dma_wait3A_79 = tpu.memref_slice %arg8[%dma_wait3A, %dma_wait3A_77, %dma_wait3A_78] : memref<5x1000x16xf32, #tpu.memory_space<vmem>> -> memref<1x1000x16xf32, #tpu.memory_space<vmem>>
      %dma_wait3A_80 = tpu.memref_squeeze %dma_wait3A_79 : memref<1x1000x16xf32, #tpu.memory_space<vmem>> -> memref<1000x16xf32, #tpu.memory_space<vmem>>
      %dma_wait3A_81 = arith.constant 0 : i32
      %dma_wait3A_82 = arith.constant 0 : i32
      %dma_wait3A_83 = tpu.memref_slice %arg2[%dma_wait3A_81, %dma_wait3A_82] : memref<10000x16xf32, #tpu.memory_space<hbm>> -> memref<1000x16xf32, #tpu.memory_space<hbm>>
      %dma_wait3A_84 = arith.constant 0 : i32
      %dma_wait3A_85 = arith.constant 0 : i32
      %dma_wait3A_86 = tpu.memref_slice %arg8[%dma_wait3A, %dma_wait3A_84, %dma_wait3A_85] : memref<5x1000x16xf32, #tpu.memory_space<vmem>> -> memref<1x1000x16xf32, #tpu.memory_space<vmem>>
      %dma_wait3A_87 = tpu.memref_squeeze %dma_wait3A_86 : memref<1x1000x16xf32, #tpu.memory_space<vmem>> -> memref<1000x16xf32, #tpu.memory_space<vmem>>
      %dma_wait3A_88 = arith.constant 0 : i32
      %dma_wait3A_89 = arith.constant 0 : i32
      %dma_wait3A_90 = tpu.memref_slice %arg2[%dma_wait3A_88, %dma_wait3A_89] : memref<10000x16xf32, #tpu.memory_space<hbm>> -> memref<1000x16xf32, #tpu.memory_space<hbm>>
      tpu.wait_dma2 semaphore(%arg10 : memref<!tpu.dma_semaphore, #tpu.memory_space<semaphore_mem>>) src(%dma_wait3A_90 : memref<1000x16xf32, #tpu.memory_space<hbm>>) dst(%dma_wait3A_87 : memref<1000x16xf32, #tpu.memory_space<vmem>>)
      %run_scoped3A_91 = arith.constant 0 : i32
      "tpu.region"() ({
        %run_scoped3A_204 = tpu.sem_alloc : memref<!tpu.dma_semaphore, #tpu.memory_space<semaphore_mem>>
        %dma_start3A_205 = arith.constant 0 : i32
        %dma_start3A_206 = arith.constant 0 : i32
        %dma_start3A_207 = tpu.memref_slice %arg8[%run_scoped3A_91, %dma_start3A_205, %dma_start3A_206] : memref<5x1000x16xf32, #tpu.memory_space<vmem>> -> memref<1x1000x16xf32, #tpu.memory_space<vmem>>
        %dma_start3A_208 = tpu.memref_squeeze %dma_start3A_207 : memref<1x1000x16xf32, #tpu.memory_space<vmem>> -> memref<1000x16xf32, #tpu.memory_space<vmem>>
        %dma_start3A_209 = arith.constant 0 : i32
        %dma_start3A_210 = tpu.memref_slice %arg7[%add3A_76, %dma_start3A_209] : memref<10x1000xi32, #tpu.memory_space<vmem>> -> memref<1x1000xi32, #tpu.memory_space<vmem>>
        %dma_start3A_211 = tpu.memref_squeeze %dma_start3A_210 : memref<1x1000xi32, #tpu.memory_space<vmem>> -> memref<1000xi32, #tpu.memory_space<vmem>>
        %dma_start3A_212 = arith.constant 0 : i32
        %dma_start3A_213 = arith.constant 0 : i32
        %dma_start3A_214 = tpu.memref_slice %arg9[%dma_start3A_212, %dma_start3A_213] : memref<10112x16xf32, #tpu.memory_space<vmem_shared>> -> memref<10112x16xf32, #tpu.memory_space<vmem_shared>>
        tpu.enqueue_indirect_dma source(%dma_start3A_208 : memref<1000x16xf32, #tpu.memory_space<vmem>>) target(%dma_start3A_214 : memref<10112x16xf32, #tpu.memory_space<vmem_shared>>) offsets(%dma_start3A_211 : memref<1000xi32, #tpu.memory_space<vmem>>) semaphore(%run_scoped3A_204 : memref<!tpu.dma_semaphore, #tpu.memory_space<semaphore_mem>>) {add = true}
        %dma_wait3A_215 = arith.constant 0 : i32
        %dma_wait3A_216 = arith.constant 0 : i32
        %dma_wait3A_217 = tpu.memref_slice %arg8[%run_scoped3A_91, %dma_wait3A_215, %dma_wait3A_216] : memref<5x1000x16xf32, #tpu.memory_space<vmem>> -> memref<1x1000x16xf32, #tpu.memory_space<vmem>>
        %dma_wait3A_218 = tpu.memref_squeeze %dma_wait3A_217 : memref<1x1000x16xf32, #tpu.memory_space<vmem>> -> memref<1000x16xf32, #tpu.memory_space<vmem>>
        %dma_wait3A_219 = arith.constant 0 : i32
        %dma_wait3A_220 = tpu.memref_slice %arg7[%add3A_76, %dma_wait3A_219] : memref<10x1000xi32, #tpu.memory_space<vmem>> -> memref<1x1000xi32, #tpu.memory_space<vmem>>
        %dma_wait3A_221 = tpu.memref_squeeze %dma_wait3A_220 : memref<1x1000xi32, #tpu.memory_space<vmem>> -> memref<1000xi32, #tpu.memory_space<vmem>>
        %dma_wait3A_222 = arith.constant 0 : i32
        %dma_wait3A_223 = arith.constant 0 : i32
        %dma_wait3A_224 = tpu.memref_slice %arg9[%dma_wait3A_222, %dma_wait3A_223] : memref<10112x16xf32, #tpu.memory_space<vmem_shared>> -> memref<10112x16xf32, #tpu.memory_space<vmem_shared>>
        tpu.wait_indirect_dma semaphore(%run_scoped3A_204 : memref<!tpu.dma_semaphore, #tpu.memory_space<semaphore_mem>>) src(%dma_wait3A_218 : memref<1000x16xf32, #tpu.memory_space<vmem>>) dst(%dma_wait3A_224 : memref<10112x16xf32, #tpu.memory_space<vmem_shared>>)
        tpu.yield
      }) : () -> ()
      %add3A_92 = arith.constant 5 : i32
      %add3A_93 = arith.addi %add3A_76, %add3A_92 : i32
      %lt3A = arith.constant 10 : i32
      %lt3A_94 = arith.cmpi slt, %add3A_93, %lt3A : i32
      %convert_element_type3A = arith.extui %lt3A_94 : i1 to i32
      %cond3A = arith.constant 0 : i32
      %cond3A_95 = arith.cmpi ne, %convert_element_type3A, %cond3A : i32
      scf.if %cond3A_95 {
        %dma_start3A_204 = arith.constant 0 : i32
        %dma_start3A_205 = arith.constant 0 : i32
        %dma_start3A_206 = arith.constant 0 : i32
        %dma_start3A_207 = tpu.memref_slice %arg8[%dma_start3A_204, %dma_start3A_205, %dma_start3A_206] : memref<5x1000x16xf32, #tpu.memory_space<vmem>> -> memref<1x1000x16xf32, #tpu.memory_space<vmem>>
        %dma_start3A_208 = tpu.memref_squeeze %dma_start3A_207 : memref<1x1000x16xf32, #tpu.memory_space<vmem>> -> memref<1000x16xf32, #tpu.memory_space<vmem>>
        %dma_start3A_209 = arith.constant 0 : i32
        %dma_start3A_210 = tpu.memref_slice %arg6[%add3A_93, %dma_start3A_209] : memref<10x1000xi32, #tpu.memory_space<vmem>> -> memref<1x1000xi32, #tpu.memory_space<vmem>>
        %dma_start3A_211 = tpu.memref_squeeze %dma_start3A_210 : memref<1x1000xi32, #tpu.memory_space<vmem>> -> memref<1000xi32, #tpu.memory_space<vmem>>
        %dma_start3A_212 = arith.constant 0 : i32
        %dma_start3A_213 = arith.constant 0 : i32
        %dma_start3A_214 = tpu.memref_slice %arg2[%dma_start3A_212, %dma_start3A_213] : memref<10000x16xf32, #tpu.memory_space<hbm>> -> memref<10000x16xf32, #tpu.memory_space<hbm>>
        tpu.enqueue_indirect_dma source(%dma_start3A_214 : memref<10000x16xf32, #tpu.memory_space<hbm>>) target(%dma_start3A_208 : memref<1000x16xf32, #tpu.memory_space<vmem>>) offsets(%dma_start3A_211 : memref<1000xi32, #tpu.memory_space<vmem>>) semaphore(%arg10 : memref<!tpu.dma_semaphore, #tpu.memory_space<semaphore_mem>>)
      } else {
      }
      %mul3A_96 = arith.constant 5 : i32
      %mul3A_97 = arith.muli %scan3A_73, %mul3A_96 : i32
      %add3A_98 = arith.constant 1 : i32
      %add3A_99 = arith.addi %mul3A_97, %add3A_98 : i32
      %dma_wait3A_100 = arith.constant 1 : i32
      %dma_wait3A_101 = arith.constant 0 : i32
      %dma_wait3A_102 = arith.constant 0 : i32
      %dma_wait3A_103 = tpu.memref_slice %arg8[%dma_wait3A_100, %dma_wait3A_101, %dma_wait3A_102] : memref<5x1000x16xf32, #tpu.memory_space<vmem>> -> memref<1x1000x16xf32, #tpu.memory_space<vmem>>
      %dma_wait3A_104 = tpu.memref_squeeze %dma_wait3A_103 : memref<1x1000x16xf32, #tpu.memory_space<vmem>> -> memref<1000x16xf32, #tpu.memory_space<vmem>>
      %dma_wait3A_105 = arith.constant 0 : i32
      %dma_wait3A_106 = arith.constant 0 : i32
      %dma_wait3A_107 = tpu.memref_slice %arg2[%dma_wait3A_105, %dma_wait3A_106] : memref<10000x16xf32, #tpu.memory_space<hbm>> -> memref<1000x16xf32, #tpu.memory_space<hbm>>
      %dma_wait3A_108 = arith.constant 0 : i32
      %dma_wait3A_109 = arith.constant 0 : i32
      %dma_wait3A_110 = tpu.memref_slice %arg8[%dma_wait3A_100, %dma_wait3A_108, %dma_wait3A_109] : memref<5x1000x16xf32, #tpu.memory_space<vmem>> -> memref<1x1000x16xf32, #tpu.memory_space<vmem>>
      %dma_wait3A_111 = tpu.memref_squeeze %dma_wait3A_110 : memref<1x1000x16xf32, #tpu.memory_space<vmem>> -> memref<1000x16xf32, #tpu.memory_space<vmem>>
      %dma_wait3A_112 = arith.constant 0 : i32
      %dma_wait3A_113 = arith.constant 0 : i32
      %dma_wait3A_114 = tpu.memref_slice %arg2[%dma_wait3A_112, %dma_wait3A_113] : memref<10000x16xf32, #tpu.memory_space<hbm>> -> memref<1000x16xf32, #tpu.memory_space<hbm>>
      tpu.wait_dma2 semaphore(%arg11 : memref<!tpu.dma_semaphore, #tpu.memory_space<semaphore_mem>>) src(%dma_wait3A_114 : memref<1000x16xf32, #tpu.memory_space<hbm>>) dst(%dma_wait3A_111 : memref<1000x16xf32, #tpu.memory_space<vmem>>)
      %run_scoped3A_115 = arith.constant 1 : i32
      "tpu.region"() ({
        %run_scoped3A_204 = tpu.sem_alloc : memref<!tpu.dma_semaphore, #tpu.memory_space<semaphore_mem>>
        %dma_start3A_205 = arith.constant 0 : i32
        %dma_start3A_206 = arith.constant 0 : i32
        %dma_start3A_207 = tpu.memref_slice %arg8[%run_scoped3A_115, %dma_start3A_205, %dma_start3A_206] : memref<5x1000x16xf32, #tpu.memory_space<vmem>> -> memref<1x1000x16xf32, #tpu.memory_space<vmem>>
        %dma_start3A_208 = tpu.memref_squeeze %dma_start3A_207 : memref<1x1000x16xf32, #tpu.memory_space<vmem>> -> memref<1000x16xf32, #tpu.memory_space<vmem>>
        %dma_start3A_209 = arith.constant 0 : i32
        %dma_start3A_210 = tpu.memref_slice %arg7[%add3A_99, %dma_start3A_209] : memref<10x1000xi32, #tpu.memory_space<vmem>> -> memref<1x1000xi32, #tpu.memory_space<vmem>>
        %dma_start3A_211 = tpu.memref_squeeze %dma_start3A_210 : memref<1x1000xi32, #tpu.memory_space<vmem>> -> memref<1000xi32, #tpu.memory_space<vmem>>
        %dma_start3A_212 = arith.constant 0 : i32
        %dma_start3A_213 = arith.constant 0 : i32
        %dma_start3A_214 = tpu.memref_slice %arg9[%dma_start3A_212, %dma_start3A_213] : memref<10112x16xf32, #tpu.memory_space<vmem_shared>> -> memref<10112x16xf32, #tpu.memory_space<vmem_shared>>
        tpu.enqueue_indirect_dma source(%dma_start3A_208 : memref<1000x16xf32, #tpu.memory_space<vmem>>) target(%dma_start3A_214 : memref<10112x16xf32, #tpu.memory_space<vmem_shared>>) offsets(%dma_start3A_211 : memref<1000xi32, #tpu.memory_space<vmem>>) semaphore(%run_scoped3A_204 : memref<!tpu.dma_semaphore, #tpu.memory_space<semaphore_mem>>) {add = true}
        %dma_wait3A_215 = arith.constant 0 : i32
        %dma_wait3A_216 = arith.constant 0 : i32
        %dma_wait3A_217 = tpu.memref_slice %arg8[%run_scoped3A_115, %dma_wait3A_215, %dma_wait3A_216] : memref<5x1000x16xf32, #tpu.memory_space<vmem>> -> memref<1x1000x16xf32, #tpu.memory_space<vmem>>
        %dma_wait3A_218 = tpu.memref_squeeze %dma_wait3A_217 : memref<1x1000x16xf32, #tpu.memory_space<vmem>> -> memref<1000x16xf32, #tpu.memory_space<vmem>>
        %dma_wait3A_219 = arith.constant 0 : i32
        %dma_wait3A_220 = tpu.memref_slice %arg7[%add3A_99, %dma_wait3A_219] : memref<10x1000xi32, #tpu.memory_space<vmem>> -> memref<1x1000xi32, #tpu.memory_space<vmem>>
        %dma_wait3A_221 = tpu.memref_squeeze %dma_wait3A_220 : memref<1x1000xi32, #tpu.memory_space<vmem>> -> memref<1000xi32, #tpu.memory_space<vmem>>
        %dma_wait3A_222 = arith.constant 0 : i32
        %dma_wait3A_223 = arith.constant 0 : i32
        %dma_wait3A_224 = tpu.memref_slice %arg9[%dma_wait3A_222, %dma_wait3A_223] : memref<10112x16xf32, #tpu.memory_space<vmem_shared>> -> memref<10112x16xf32, #tpu.memory_space<vmem_shared>>
        tpu.wait_indirect_dma semaphore(%run_scoped3A_204 : memref<!tpu.dma_semaphore, #tpu.memory_space<semaphore_mem>>) src(%dma_wait3A_218 : memref<1000x16xf32, #tpu.memory_space<vmem>>) dst(%dma_wait3A_224 : memref<10112x16xf32, #tpu.memory_space<vmem_shared>>)
        tpu.yield
      }) : () -> ()
      %add3A_116 = arith.constant 5 : i32
      %add3A_117 = arith.addi %add3A_99, %add3A_116 : i32
      %lt3A_118 = arith.constant 10 : i32
      %lt3A_119 = arith.cmpi slt, %add3A_117, %lt3A_118 : i32
      %convert_element_type3A_120 = arith.extui %lt3A_119 : i1 to i32
      %cond3A_121 = arith.constant 0 : i32
      %cond3A_122 = arith.cmpi ne, %convert_element_type3A_120, %cond3A_121 : i32
      scf.if %cond3A_122 {
        %dma_start3A_204 = arith.constant 1 : i32
        %dma_start3A_205 = arith.constant 0 : i32
        %dma_start3A_206 = arith.constant 0 : i32
        %dma_start3A_207 = tpu.memref_slice %arg8[%dma_start3A_204, %dma_start3A_205, %dma_start3A_206] : memref<5x1000x16xf32, #tpu.memory_space<vmem>> -> memref<1x1000x16xf32, #tpu.memory_space<vmem>>
        %dma_start3A_208 = tpu.memref_squeeze %dma_start3A_207 : memref<1x1000x16xf32, #tpu.memory_space<vmem>> -> memref<1000x16xf32, #tpu.memory_space<vmem>>
        %dma_start3A_209 = arith.constant 0 : i32
        %dma_start3A_210 = tpu.memref_slice %arg6[%add3A_117, %dma_start3A_209] : memref<10x1000xi32, #tpu.memory_space<vmem>> -> memref<1x1000xi32, #tpu.memory_space<vmem>>
        %dma_start3A_211 = tpu.memref_squeeze %dma_start3A_210 : memref<1x1000xi32, #tpu.memory_space<vmem>> -> memref<1000xi32, #tpu.memory_space<vmem>>
        %dma_start3A_212 = arith.constant 0 : i32
        %dma_start3A_213 = arith.constant 0 : i32
        %dma_start3A_214 = tpu.memref_slice %arg2[%dma_start3A_212, %dma_start3A_213] : memref<10000x16xf32, #tpu.memory_space<hbm>> -> memref<10000x16xf32, #tpu.memory_space<hbm>>
        tpu.enqueue_indirect_dma source(%dma_start3A_214 : memref<10000x16xf32, #tpu.memory_space<hbm>>) target(%dma_start3A_208 : memref<1000x16xf32, #tpu.memory_space<vmem>>) offsets(%dma_start3A_211 : memref<1000xi32, #tpu.memory_space<vmem>>) semaphore(%arg11 : memref<!tpu.dma_semaphore, #tpu.memory_space<semaphore_mem>>)
      } else {
      }
      %mul3A_123 = arith.constant 5 : i32
      %mul3A_124 = arith.muli %scan3A_73, %mul3A_123 : i32
      %add3A_125 = arith.constant 2 : i32
      %add3A_126 = arith.addi %mul3A_124, %add3A_125 : i32
      %dma_wait3A_127 = arith.constant 2 : i32
      %dma_wait3A_128 = arith.constant 0 : i32
      %dma_wait3A_129 = arith.constant 0 : i32
      %dma_wait3A_130 = tpu.memref_slice %arg8[%dma_wait3A_127, %dma_wait3A_128, %dma_wait3A_129] : memref<5x1000x16xf32, #tpu.memory_space<vmem>> -> memref<1x1000x16xf32, #tpu.memory_space<vmem>>
      %dma_wait3A_131 = tpu.memref_squeeze %dma_wait3A_130 : memref<1x1000x16xf32, #tpu.memory_space<vmem>> -> memref<1000x16xf32, #tpu.memory_space<vmem>>
      %dma_wait3A_132 = arith.constant 0 : i32
      %dma_wait3A_133 = arith.constant 0 : i32
      %dma_wait3A_134 = tpu.memref_slice %arg2[%dma_wait3A_132, %dma_wait3A_133] : memref<10000x16xf32, #tpu.memory_space<hbm>> -> memref<1000x16xf32, #tpu.memory_space<hbm>>
      %dma_wait3A_135 = arith.constant 0 : i32
      %dma_wait3A_136 = arith.constant 0 : i32
      %dma_wait3A_137 = tpu.memref_slice %arg8[%dma_wait3A_127, %dma_wait3A_135, %dma_wait3A_136] : memref<5x1000x16xf32, #tpu.memory_space<vmem>> -> memref<1x1000x16xf32, #tpu.memory_space<vmem>>
      %dma_wait3A_138 = tpu.memref_squeeze %dma_wait3A_137 : memref<1x1000x16xf32, #tpu.memory_space<vmem>> -> memref<1000x16xf32, #tpu.memory_space<vmem>>
      %dma_wait3A_139 = arith.constant 0 : i32
      %dma_wait3A_140 = arith.constant 0 : i32
      %dma_wait3A_141 = tpu.memref_slice %arg2[%dma_wait3A_139, %dma_wait3A_140] : memref<10000x16xf32, #tpu.memory_space<hbm>> -> memref<1000x16xf32, #tpu.memory_space<hbm>>
      tpu.wait_dma2 semaphore(%arg12 : memref<!tpu.dma_semaphore, #tpu.memory_space<semaphore_mem>>) src(%dma_wait3A_141 : memref<1000x16xf32, #tpu.memory_space<hbm>>) dst(%dma_wait3A_138 : memref<1000x16xf32, #tpu.memory_space<vmem>>)
      %run_scoped3A_142 = arith.constant 2 : i32
      "tpu.region"() ({
        %run_scoped3A_204 = tpu.sem_alloc : memref<!tpu.dma_semaphore, #tpu.memory_space<semaphore_mem>>
        %dma_start3A_205 = arith.constant 0 : i32
        %dma_start3A_206 = arith.constant 0 : i32
        %dma_start3A_207 = tpu.memref_slice %arg8[%run_scoped3A_142, %dma_start3A_205, %dma_start3A_206] : memref<5x1000x16xf32, #tpu.memory_space<vmem>> -> memref<1x1000x16xf32, #tpu.memory_space<vmem>>
        %dma_start3A_208 = tpu.memref_squeeze %dma_start3A_207 : memref<1x1000x16xf32, #tpu.memory_space<vmem>> -> memref<1000x16xf32, #tpu.memory_space<vmem>>
        %dma_start3A_209 = arith.constant 0 : i32
        %dma_start3A_210 = tpu.memref_slice %arg7[%add3A_126, %dma_start3A_209] : memref<10x1000xi32, #tpu.memory_space<vmem>> -> memref<1x1000xi32, #tpu.memory_space<vmem>>
        %dma_start3A_211 = tpu.memref_squeeze %dma_start3A_210 : memref<1x1000xi32, #tpu.memory_space<vmem>> -> memref<1000xi32, #tpu.memory_space<vmem>>
        %dma_start3A_212 = arith.constant 0 : i32
        %dma_start3A_213 = arith.constant 0 : i32
        %dma_start3A_214 = tpu.memref_slice %arg9[%dma_start3A_212, %dma_start3A_213] : memref<10112x16xf32, #tpu.memory_space<vmem_shared>> -> memref<10112x16xf32, #tpu.memory_space<vmem_shared>>
        tpu.enqueue_indirect_dma source(%dma_start3A_208 : memref<1000x16xf32, #tpu.memory_space<vmem>>) target(%dma_start3A_214 : memref<10112x16xf32, #tpu.memory_space<vmem_shared>>) offsets(%dma_start3A_211 : memref<1000xi32, #tpu.memory_space<vmem>>) semaphore(%run_scoped3A_204 : memref<!tpu.dma_semaphore, #tpu.memory_space<semaphore_mem>>) {add = true}
        %dma_wait3A_215 = arith.constant 0 : i32
        %dma_wait3A_216 = arith.constant 0 : i32
        %dma_wait3A_217 = tpu.memref_slice %arg8[%run_scoped3A_142, %dma_wait3A_215, %dma_wait3A_216] : memref<5x1000x16xf32, #tpu.memory_space<vmem>> -> memref<1x1000x16xf32, #tpu.memory_space<vmem>>
        %dma_wait3A_218 = tpu.memref_squeeze %dma_wait3A_217 : memref<1x1000x16xf32, #tpu.memory_space<vmem>> -> memref<1000x16xf32, #tpu.memory_space<vmem>>
        %dma_wait3A_219 = arith.constant 0 : i32
        %dma_wait3A_220 = tpu.memref_slice %arg7[%add3A_126, %dma_wait3A_219] : memref<10x1000xi32, #tpu.memory_space<vmem>> -> memref<1x1000xi32, #tpu.memory_space<vmem>>
        %dma_wait3A_221 = tpu.memref_squeeze %dma_wait3A_220 : memref<1x1000xi32, #tpu.memory_space<vmem>> -> memref<1000xi32, #tpu.memory_space<vmem>>
        %dma_wait3A_222 = arith.constant 0 : i32
        %dma_wait3A_223 = arith.constant 0 : i32
        %dma_wait3A_224 = tpu.memref_slice %arg9[%dma_wait3A_222, %dma_wait3A_223] : memref<10112x16xf32, #tpu.memory_space<vmem_shared>> -> memref<10112x16xf32, #tpu.memory_space<vmem_shared>>
        tpu.wait_indirect_dma semaphore(%run_scoped3A_204 : memref<!tpu.dma_semaphore, #tpu.memory_space<semaphore_mem>>) src(%dma_wait3A_218 : memref<1000x16xf32, #tpu.memory_space<vmem>>) dst(%dma_wait3A_224 : memref<10112x16xf32, #tpu.memory_space<vmem_shared>>)
        tpu.yield
      }) : () -> ()
      %add3A_143 = arith.constant 5 : i32
      %add3A_144 = arith.addi %add3A_126, %add3A_143 : i32
      %lt3A_145 = arith.constant 10 : i32
      %lt3A_146 = arith.cmpi slt, %add3A_144, %lt3A_145 : i32
      %convert_element_type3A_147 = arith.extui %lt3A_146 : i1 to i32
      %cond3A_148 = arith.constant 0 : i32
      %cond3A_149 = arith.cmpi ne, %convert_element_type3A_147, %cond3A_148 : i32
      scf.if %cond3A_149 {
        %dma_start3A_204 = arith.constant 2 : i32
        %dma_start3A_205 = arith.constant 0 : i32
        %dma_start3A_206 = arith.constant 0 : i32
        %dma_start3A_207 = tpu.memref_slice %arg8[%dma_start3A_204, %dma_start3A_205, %dma_start3A_206] : memref<5x1000x16xf32, #tpu.memory_space<vmem>> -> memref<1x1000x16xf32, #tpu.memory_space<vmem>>
        %dma_start3A_208 = tpu.memref_squeeze %dma_start3A_207 : memref<1x1000x16xf32, #tpu.memory_space<vmem>> -> memref<1000x16xf32, #tpu.memory_space<vmem>>
        %dma_start3A_209 = arith.constant 0 : i32
        %dma_start3A_210 = tpu.memref_slice %arg6[%add3A_144, %dma_start3A_209] : memref<10x1000xi32, #tpu.memory_space<vmem>> -> memref<1x1000xi32, #tpu.memory_space<vmem>>
        %dma_start3A_211 = tpu.memref_squeeze %dma_start3A_210 : memref<1x1000xi32, #tpu.memory_space<vmem>> -> memref<1000xi32, #tpu.memory_space<vmem>>
        %dma_start3A_212 = arith.constant 0 : i32
        %dma_start3A_213 = arith.constant 0 : i32
        %dma_start3A_214 = tpu.memref_slice %arg2[%dma_start3A_212, %dma_start3A_213] : memref<10000x16xf32, #tpu.memory_space<hbm>> -> memref<10000x16xf32, #tpu.memory_space<hbm>>
        tpu.enqueue_indirect_dma source(%dma_start3A_214 : memref<10000x16xf32, #tpu.memory_space<hbm>>) target(%dma_start3A_208 : memref<1000x16xf32, #tpu.memory_space<vmem>>) offsets(%dma_start3A_211 : memref<1000xi32, #tpu.memory_space<vmem>>) semaphore(%arg12 : memref<!tpu.dma_semaphore, #tpu.memory_space<semaphore_mem>>)
      } else {
      }
      %mul3A_150 = arith.constant 5 : i32
      %mul3A_151 = arith.muli %scan3A_73, %mul3A_150 : i32
      %add3A_152 = arith.constant 3 : i32
      %add3A_153 = arith.addi %mul3A_151, %add3A_152 : i32
      %dma_wait3A_154 = arith.constant 3 : i32
      %dma_wait3A_155 = arith.constant 0 : i32
      %dma_wait3A_156 = arith.constant 0 : i32
      %dma_wait3A_157 = tpu.memref_slice %arg8[%dma_wait3A_154, %dma_wait3A_155, %dma_wait3A_156] : memref<5x1000x16xf32, #tpu.memory_space<vmem>> -> memref<1x1000x16xf32, #tpu.memory_space<vmem>>
      %dma_wait3A_158 = tpu.memref_squeeze %dma_wait3A_157 : memref<1x1000x16xf32, #tpu.memory_space<vmem>> -> memref<1000x16xf32, #tpu.memory_space<vmem>>
      %dma_wait3A_159 = arith.constant 0 : i32
      %dma_wait3A_160 = arith.constant 0 : i32
      %dma_wait3A_161 = tpu.memref_slice %arg2[%dma_wait3A_159, %dma_wait3A_160] : memref<10000x16xf32, #tpu.memory_space<hbm>> -> memref<1000x16xf32, #tpu.memory_space<hbm>>
      %dma_wait3A_162 = arith.constant 0 : i32
      %dma_wait3A_163 = arith.constant 0 : i32
      %dma_wait3A_164 = tpu.memref_slice %arg8[%dma_wait3A_154, %dma_wait3A_162, %dma_wait3A_163] : memref<5x1000x16xf32, #tpu.memory_space<vmem>> -> memref<1x1000x16xf32, #tpu.memory_space<vmem>>
      %dma_wait3A_165 = tpu.memref_squeeze %dma_wait3A_164 : memref<1x1000x16xf32, #tpu.memory_space<vmem>> -> memref<1000x16xf32, #tpu.memory_space<vmem>>
      %dma_wait3A_166 = arith.constant 0 : i32
      %dma_wait3A_167 = arith.constant 0 : i32
      %dma_wait3A_168 = tpu.memref_slice %arg2[%dma_wait3A_166, %dma_wait3A_167] : memref<10000x16xf32, #tpu.memory_space<hbm>> -> memref<1000x16xf32, #tpu.memory_space<hbm>>
      tpu.wait_dma2 semaphore(%arg13 : memref<!tpu.dma_semaphore, #tpu.memory_space<semaphore_mem>>) src(%dma_wait3A_168 : memref<1000x16xf32, #tpu.memory_space<hbm>>) dst(%dma_wait3A_165 : memref<1000x16xf32, #tpu.memory_space<vmem>>)
      %run_scoped3A_169 = arith.constant 3 : i32
      "tpu.region"() ({
        %run_scoped3A_204 = tpu.sem_alloc : memref<!tpu.dma_semaphore, #tpu.memory_space<semaphore_mem>>
        %dma_start3A_205 = arith.constant 0 : i32
        %dma_start3A_206 = arith.constant 0 : i32
        %dma_start3A_207 = tpu.memref_slice %arg8[%run_scoped3A_169, %dma_start3A_205, %dma_start3A_206] : memref<5x1000x16xf32, #tpu.memory_space<vmem>> -> memref<1x1000x16xf32, #tpu.memory_space<vmem>>
        %dma_start3A_208 = tpu.memref_squeeze %dma_start3A_207 : memref<1x1000x16xf32, #tpu.memory_space<vmem>> -> memref<1000x16xf32, #tpu.memory_space<vmem>>
        %dma_start3A_209 = arith.constant 0 : i32
        %dma_start3A_210 = tpu.memref_slice %arg7[%add3A_153, %dma_start3A_209] : memref<10x1000xi32, #tpu.memory_space<vmem>> -> memref<1x1000xi32, #tpu.memory_space<vmem>>
        %dma_start3A_211 = tpu.memref_squeeze %dma_start3A_210 : memref<1x1000xi32, #tpu.memory_space<vmem>> -> memref<1000xi32, #tpu.memory_space<vmem>>
        %dma_start3A_212 = arith.constant 0 : i32
        %dma_start3A_213 = arith.constant 0 : i32
        %dma_start3A_214 = tpu.memref_slice %arg9[%dma_start3A_212, %dma_start3A_213] : memref<10112x16xf32, #tpu.memory_space<vmem_shared>> -> memref<10112x16xf32, #tpu.memory_space<vmem_shared>>
        tpu.enqueue_indirect_dma source(%dma_start3A_208 : memref<1000x16xf32, #tpu.memory_space<vmem>>) target(%dma_start3A_214 : memref<10112x16xf32, #tpu.memory_space<vmem_shared>>) offsets(%dma_start3A_211 : memref<1000xi32, #tpu.memory_space<vmem>>) semaphore(%run_scoped3A_204 : memref<!tpu.dma_semaphore, #tpu.memory_space<semaphore_mem>>) {add = true}
        %dma_wait3A_215 = arith.constant 0 : i32
        %dma_wait3A_216 = arith.constant 0 : i32
        %dma_wait3A_217 = tpu.memref_slice %arg8[%run_scoped3A_169, %dma_wait3A_215, %dma_wait3A_216] : memref<5x1000x16xf32, #tpu.memory_space<vmem>> -> memref<1x1000x16xf32, #tpu.memory_space<vmem>>
        %dma_wait3A_218 = tpu.memref_squeeze %dma_wait3A_217 : memref<1x1000x16xf32, #tpu.memory_space<vmem>> -> memref<1000x16xf32, #tpu.memory_space<vmem>>
        %dma_wait3A_219 = arith.constant 0 : i32
        %dma_wait3A_220 = tpu.memref_slice %arg7[%add3A_153, %dma_wait3A_219] : memref<10x1000xi32, #tpu.memory_space<vmem>> -> memref<1x1000xi32, #tpu.memory_space<vmem>>
        %dma_wait3A_221 = tpu.memref_squeeze %dma_wait3A_220 : memref<1x1000xi32, #tpu.memory_space<vmem>> -> memref<1000xi32, #tpu.memory_space<vmem>>
        %dma_wait3A_222 = arith.constant 0 : i32
        %dma_wait3A_223 = arith.constant 0 : i32
        %dma_wait3A_224 = tpu.memref_slice %arg9[%dma_wait3A_222, %dma_wait3A_223] : memref<10112x16xf32, #tpu.memory_space<vmem_shared>> -> memref<10112x16xf32, #tpu.memory_space<vmem_shared>>
        tpu.wait_indirect_dma semaphore(%run_scoped3A_204 : memref<!tpu.dma_semaphore, #tpu.memory_space<semaphore_mem>>) src(%dma_wait3A_218 : memref<1000x16xf32, #tpu.memory_space<vmem>>) dst(%dma_wait3A_224 : memref<10112x16xf32, #tpu.memory_space<vmem_shared>>)
        tpu.yield
      }) : () -> ()
      %add3A_170 = arith.constant 5 : i32
      %add3A_171 = arith.addi %add3A_153, %add3A_170 : i32
      %lt3A_172 = arith.constant 10 : i32
      %lt3A_173 = arith.cmpi slt, %add3A_171, %lt3A_172 : i32
      %convert_element_type3A_174 = arith.extui %lt3A_173 : i1 to i32
      %cond3A_175 = arith.constant 0 : i32
      %cond3A_176 = arith.cmpi ne, %convert_element_type3A_174, %cond3A_175 : i32
      scf.if %cond3A_176 {
        %dma_start3A_204 = arith.constant 3 : i32
        %dma_start3A_205 = arith.constant 0 : i32
        %dma_start3A_206 = arith.constant 0 : i32
        %dma_start3A_207 = tpu.memref_slice %arg8[%dma_start3A_204, %dma_start3A_205, %dma_start3A_206] : memref<5x1000x16xf32, #tpu.memory_space<vmem>> -> memref<1x1000x16xf32, #tpu.memory_space<vmem>>
        %dma_start3A_208 = tpu.memref_squeeze %dma_start3A_207 : memref<1x1000x16xf32, #tpu.memory_space<vmem>> -> memref<1000x16xf32, #tpu.memory_space<vmem>>
        %dma_start3A_209 = arith.constant 0 : i32
        %dma_start3A_210 = tpu.memref_slice %arg6[%add3A_171, %dma_start3A_209] : memref<10x1000xi32, #tpu.memory_space<vmem>> -> memref<1x1000xi32, #tpu.memory_space<vmem>>
        %dma_start3A_211 = tpu.memref_squeeze %dma_start3A_210 : memref<1x1000xi32, #tpu.memory_space<vmem>> -> memref<1000xi32, #tpu.memory_space<vmem>>
        %dma_start3A_212 = arith.constant 0 : i32
        %dma_start3A_213 = arith.constant 0 : i32
        %dma_start3A_214 = tpu.memref_slice %arg2[%dma_start3A_212, %dma_start3A_213] : memref<10000x16xf32, #tpu.memory_space<hbm>> -> memref<10000x16xf32, #tpu.memory_space<hbm>>
        tpu.enqueue_indirect_dma source(%dma_start3A_214 : memref<10000x16xf32, #tpu.memory_space<hbm>>) target(%dma_start3A_208 : memref<1000x16xf32, #tpu.memory_space<vmem>>) offsets(%dma_start3A_211 : memref<1000xi32, #tpu.memory_space<vmem>>) semaphore(%arg13 : memref<!tpu.dma_semaphore, #tpu.memory_space<semaphore_mem>>)
      } else {
      }
      %mul3A_177 = arith.constant 5 : i32
      %mul3A_178 = arith.muli %scan3A_73, %mul3A_177 : i32
      %add3A_179 = arith.constant 4 : i32
      %add3A_180 = arith.addi %mul3A_178, %add3A_179 : i32
      %dma_wait3A_181 = arith.constant 4 : i32
      %dma_wait3A_182 = arith.constant 0 : i32
      %dma_wait3A_183 = arith.constant 0 : i32
      %dma_wait3A_184 = tpu.memref_slice %arg8[%dma_wait3A_181, %dma_wait3A_182, %dma_wait3A_183] : memref<5x1000x16xf32, #tpu.memory_space<vmem>> -> memref<1x1000x16xf32, #tpu.memory_space<vmem>>
      %dma_wait3A_185 = tpu.memref_squeeze %dma_wait3A_184 : memref<1x1000x16xf32, #tpu.memory_space<vmem>> -> memref<1000x16xf32, #tpu.memory_space<vmem>>
      %dma_wait3A_186 = arith.constant 0 : i32
      %dma_wait3A_187 = arith.constant 0 : i32
      %dma_wait3A_188 = tpu.memref_slice %arg2[%dma_wait3A_186, %dma_wait3A_187] : memref<10000x16xf32, #tpu.memory_space<hbm>> -> memref<1000x16xf32, #tpu.memory_space<hbm>>
      %dma_wait3A_189 = arith.constant 0 : i32
      %dma_wait3A_190 = arith.constant 0 : i32
      %dma_wait3A_191 = tpu.memref_slice %arg8[%dma_wait3A_181, %dma_wait3A_189, %dma_wait3A_190] : memref<5x1000x16xf32, #tpu.memory_space<vmem>> -> memref<1x1000x16xf32, #tpu.memory_space<vmem>>
      %dma_wait3A_192 = tpu.memref_squeeze %dma_wait3A_191 : memref<1x1000x16xf32, #tpu.memory_space<vmem>> -> memref<1000x16xf32, #tpu.memory_space<vmem>>
      %dma_wait3A_193 = arith.constant 0 : i32
      %dma_wait3A_194 = arith.constant 0 : i32
      %dma_wait3A_195 = tpu.memref_slice %arg2[%dma_wait3A_193, %dma_wait3A_194] : memref<10000x16xf32, #tpu.memory_space<hbm>> -> memref<1000x16xf32, #tpu.memory_space<hbm>>
      tpu.wait_dma2 semaphore(%arg14 : memref<!tpu.dma_semaphore, #tpu.memory_space<semaphore_mem>>) src(%dma_wait3A_195 : memref<1000x16xf32, #tpu.memory_space<hbm>>) dst(%dma_wait3A_192 : memref<1000x16xf32, #tpu.memory_space<vmem>>)
      %run_scoped3A_196 = arith.constant 4 : i32
      "tpu.region"() ({
        %run_scoped3A_204 = tpu.sem_alloc : memref<!tpu.dma_semaphore, #tpu.memory_space<semaphore_mem>>
        %dma_start3A_205 = arith.constant 0 : i32
        %dma_start3A_206 = arith.constant 0 : i32
        %dma_start3A_207 = tpu.memref_slice %arg8[%run_scoped3A_196, %dma_start3A_205, %dma_start3A_206] : memref<5x1000x16xf32, #tpu.memory_space<vmem>> -> memref<1x1000x16xf32, #tpu.memory_space<vmem>>
        %dma_start3A_208 = tpu.memref_squeeze %dma_start3A_207 : memref<1x1000x16xf32, #tpu.memory_space<vmem>> -> memref<1000x16xf32, #tpu.memory_space<vmem>>
        %dma_start3A_209 = arith.constant 0 : i32
        %dma_start3A_210 = tpu.memref_slice %arg7[%add3A_180, %dma_start3A_209] : memref<10x1000xi32, #tpu.memory_space<vmem>> -> memref<1x1000xi32, #tpu.memory_space<vmem>>
        %dma_start3A_211 = tpu.memref_squeeze %dma_start3A_210 : memref<1x1000xi32, #tpu.memory_space<vmem>> -> memref<1000xi32, #tpu.memory_space<vmem>>
        %dma_start3A_212 = arith.constant 0 : i32
        %dma_start3A_213 = arith.constant 0 : i32
        %dma_start3A_214 = tpu.memref_slice %arg9[%dma_start3A_212, %dma_start3A_213] : memref<10112x16xf32, #tpu.memory_space<vmem_shared>> -> memref<10112x16xf32, #tpu.memory_space<vmem_shared>>
        tpu.enqueue_indirect_dma source(%dma_start3A_208 : memref<1000x16xf32, #tpu.memory_space<vmem>>) target(%dma_start3A_214 : memref<10112x16xf32, #tpu.memory_space<vmem_shared>>) offsets(%dma_start3A_211 : memref<1000xi32, #tpu.memory_space<vmem>>) semaphore(%run_scoped3A_204 : memref<!tpu.dma_semaphore, #tpu.memory_space<semaphore_mem>>) {add = true}
        %dma_wait3A_215 = arith.constant 0 : i32
        %dma_wait3A_216 = arith.constant 0 : i32
        %dma_wait3A_217 = tpu.memref_slice %arg8[%run_scoped3A_196, %dma_wait3A_215, %dma_wait3A_216] : memref<5x1000x16xf32, #tpu.memory_space<vmem>> -> memref<1x1000x16xf32, #tpu.memory_space<vmem>>
        %dma_wait3A_218 = tpu.memref_squeeze %dma_wait3A_217 : memref<1x1000x16xf32, #tpu.memory_space<vmem>> -> memref<1000x16xf32, #tpu.memory_space<vmem>>
        %dma_wait3A_219 = arith.constant 0 : i32
        %dma_wait3A_220 = tpu.memref_slice %arg7[%add3A_180, %dma_wait3A_219] : memref<10x1000xi32, #tpu.memory_space<vmem>> -> memref<1x1000xi32, #tpu.memory_space<vmem>>
        %dma_wait3A_221 = tpu.memref_squeeze %dma_wait3A_220 : memref<1x1000xi32, #tpu.memory_space<vmem>> -> memref<1000xi32, #tpu.memory_space<vmem>>
        %dma_wait3A_222 = arith.constant 0 : i32
        %dma_wait3A_223 = arith.constant 0 : i32
        %dma_wait3A_224 = tpu.memref_slice %arg9[%dma_wait3A_222, %dma_wait3A_223] : memref<10112x16xf32, #tpu.memory_space<vmem_shared>> -> memref<10112x16xf32, #tpu.memory_space<vmem_shared>>
        tpu.wait_indirect_dma semaphore(%run_scoped3A_204 : memref<!tpu.dma_semaphore, #tpu.memory_space<semaphore_mem>>) src(%dma_wait3A_218 : memref<1000x16xf32, #tpu.memory_space<vmem>>) dst(%dma_wait3A_224 : memref<10112x16xf32, #tpu.memory_space<vmem_shared>>)
        tpu.yield
      }) : () -> ()
      %add3A_197 = arith.constant 5 : i32
      %add3A_198 = arith.addi %add3A_180, %add3A_197 : i32
      %lt3A_199 = arith.constant 10 : i32
      %lt3A_200 = arith.cmpi slt, %add3A_198, %lt3A_199 : i32
      %convert_element_type3A_201 = arith.extui %lt3A_200 : i1 to i32
      %cond3A_202 = arith.constant 0 : i32
      %cond3A_203 = arith.cmpi ne, %convert_element_type3A_201, %cond3A_202 : i32
      scf.if %cond3A_203 {
        %dma_start3A_204 = arith.constant 4 : i32
        %dma_start3A_205 = arith.constant 0 : i32
        %dma_start3A_206 = arith.constant 0 : i32
        %dma_start3A_207 = tpu.memref_slice %arg8[%dma_start3A_204, %dma_start3A_205, %dma_start3A_206] : memref<5x1000x16xf32, #tpu.memory_space<vmem>> -> memref<1x1000x16xf32, #tpu.memory_space<vmem>>
        %dma_start3A_208 = tpu.memref_squeeze %dma_start3A_207 : memref<1x1000x16xf32, #tpu.memory_space<vmem>> -> memref<1000x16xf32, #tpu.memory_space<vmem>>
        %dma_start3A_209 = arith.constant 0 : i32
        %dma_start3A_210 = tpu.memref_slice %arg6[%add3A_198, %dma_start3A_209] : memref<10x1000xi32, #tpu.memory_space<vmem>> -> memref<1x1000xi32, #tpu.memory_space<vmem>>
        %dma_start3A_211 = tpu.memref_squeeze %dma_start3A_210 : memref<1x1000xi32, #tpu.memory_space<vmem>> -> memref<1000xi32, #tpu.memory_space<vmem>>
        %dma_start3A_212 = arith.constant 0 : i32
        %dma_start3A_213 = arith.constant 0 : i32
        %dma_start3A_214 = tpu.memref_slice %arg2[%dma_start3A_212, %dma_start3A_213] : memref<10000x16xf32, #tpu.memory_space<hbm>> -> memref<10000x16xf32, #tpu.memory_space<hbm>>
        tpu.enqueue_indirect_dma source(%dma_start3A_214 : memref<10000x16xf32, #tpu.memory_space<hbm>>) target(%dma_start3A_208 : memref<1000x16xf32, #tpu.memory_space<vmem>>) offsets(%dma_start3A_211 : memref<1000xi32, #tpu.memory_space<vmem>>) semaphore(%arg14 : memref<!tpu.dma_semaphore, #tpu.memory_space<semaphore_mem>>)
      } else {
      }
    }
    %scan3A_67 = arith.constant 2 : i32
    %barrier3A_68 = arith.constant 0 : index
    tpu.barrier barrier_id(%barrier3A_68)
    %mul3A_69 = arith.constant 632 : i32
    %mul3A_70 = arith.muli %arg1, %mul3A_69 : i32
    %mul3A_71 = arith.constant 632 : i32
    %mul3A_72 = arith.muli %arg1, %mul3A_71 : i32
    "tpu.region"() ({
      %run_scoped3A_73 = tpu.sem_alloc : memref<!tpu.dma_semaphore, #tpu.memory_space<semaphore_mem>>
      %dma_start3A_74 = arith.constant 0 : i32
      %dma_start3A_75 = arith.constant 0 : i32
      %dma_start3A_76 = tpu.memref_slice %arg5[%arg0, %dma_start3A_74, %dma_start3A_75] : memref<2x10112x16xf32, #tpu.memory_space<hbm>> -> memref<1x10112x16xf32, #tpu.memory_space<hbm>>
      %dma_start3A_77 = tpu.memref_squeeze %dma_start3A_76 : memref<1x10112x16xf32, #tpu.memory_space<hbm>> -> memref<10112x16xf32, #tpu.memory_space<hbm>>
      %dma_start3A_78 = arith.constant 0 : i32
      %dma_start3A_79 = tpu.memref_slice %dma_start3A_77[%mul3A_72, %dma_start3A_78] : memref<10112x16xf32, #tpu.memory_space<hbm>> -> memref<632x16xf32, #tpu.memory_space<hbm>>
      %dma_start3A_80 = arith.constant 0 : i32
      %dma_start3A_81 = tpu.memref_slice %arg9[%mul3A_70, %dma_start3A_80] : memref<10112x16xf32, #tpu.memory_space<vmem_shared>> -> memref<632x16xf32, #tpu.memory_space<vmem_shared>>
      tpu.enqueue_dma source(%dma_start3A_81 : memref<632x16xf32, #tpu.memory_space<vmem_shared>>) target(%dma_start3A_79 : memref<632x16xf32, #tpu.memory_space<hbm>>) target_semaphore(%run_scoped3A_73 : memref<!tpu.dma_semaphore, #tpu.memory_space<semaphore_mem>>)
      %dma_wait3A = arith.constant 0 : i32
      %dma_wait3A_82 = arith.constant 0 : i32
      %dma_wait3A_83 = tpu.memref_slice %arg5[%arg0, %dma_wait3A, %dma_wait3A_82] : memref<2x10112x16xf32, #tpu.memory_space<hbm>> -> memref<1x10112x16xf32, #tpu.memory_space<hbm>>
      %dma_wait3A_84 = tpu.memref_squeeze %dma_wait3A_83 : memref<1x10112x16xf32, #tpu.memory_space<hbm>> -> memref<10112x16xf32, #tpu.memory_space<hbm>>
      %dma_wait3A_85 = arith.constant 0 : i32
      %dma_wait3A_86 = tpu.memref_slice %dma_wait3A_84[%mul3A_72, %dma_wait3A_85] : memref<10112x16xf32, #tpu.memory_space<hbm>> -> memref<632x16xf32, #tpu.memory_space<hbm>>
      %dma_wait3A_87 = arith.constant 0 : i32
      %dma_wait3A_88 = tpu.memref_slice %arg9[%mul3A_70, %dma_wait3A_87] : memref<10112x16xf32, #tpu.memory_space<vmem_shared>> -> memref<632x16xf32, #tpu.memory_space<vmem_shared>>
      tpu.wait_dma2 semaphore(%run_scoped3A_73 : memref<!tpu.dma_semaphore, #tpu.memory_space<semaphore_mem>>) src(%dma_wait3A_88 : memref<632x16xf32, #tpu.memory_space<vmem_shared>>) dst(%dma_wait3A_86 : memref<632x16xf32, #tpu.memory_space<hbm>>)
      tpu.yield
    }) : () -> ()
    return
  }
}

#map = affine_map<(d0, d1) -> (0, 0)>
#map1 = affine_map<(d0, d1) -> (0, 0, 0, 0, 0)>
#map2 = affine_map<(d0, d1) -> (0, 0, 0)>
module attributes {stable_mosaic.version = 14 : i64} {
  func.func @agg(%arg0: i32, %arg1: i32, %arg2: memref<10000x16xf32, #tpu.memory_space<hbm>>, %arg3: memref<2x2x16x10x1000xi32, #tpu.memory_space<hbm>>, %arg4: memref<10112x16xf32, #tpu.memory_space<hbm>>, %arg5: memref<2x10112x16xf32, #tpu.memory_space<hbm>>, %arg6: memref<10x1000xi32, #tpu.memory_space<vmem>>, %arg7: memref<10x1000xi32, #tpu.memory_space<vmem>>, %arg8: memref<5x1000x16xf32, #tpu.memory_space<vmem>>, %arg9: memref<10112x16xf32, #tpu.memory_space<vmem_shared>>, %arg10: memref<!tpu.dma_semaphore, #tpu.memory_space<semaphore_mem>>, %arg11: memref<!tpu.dma_semaphore, #tpu.memory_space<semaphore_mem>>, %arg12: memref<!tpu.dma_semaphore, #tpu.memory_space<semaphore_mem>>, %arg13: memref<!tpu.dma_semaphore, #tpu.memory_space<semaphore_mem>>, %arg14: memref<!tpu.dma_semaphore, #tpu.memory_space<semaphore_mem>>) attributes {dimension_semantics = [#tpu.dimension_semantics<core_parallel>, #tpu.dimension_semantics<subcore_parallel>], iteration_bounds = array<i64: 2, 16>, scalar_prefetch = 0 : i64, scratch_operands = 9 : i64, tpu.core_type = #tpu.core_type<sc_vector_subcore>, window_params = [{transform_indices = #map}, {transform_indices = #map1}, {transform_indices = #map}, {transform_indices = #map2}]} {
    %mul3A = arith.constant 632 : i32
    %mul3A_0 = arith.muli %arg1, %mul3A : i32
    %mul3A_1 = arith.constant 632 : i32
    %mul3A_2 = arith.muli %arg1, %mul3A_1 : i32
    "tpu.region"() ({
      %run_scoped3A_73 = tpu.sem_alloc : memref<!tpu.dma_semaphore, #tpu.memory_space<semaphore_mem>>
      %dma_start3A_74 = arith.constant 0 : i32
      %dma_start3A_75 = tpu.memref_slice %arg9[%mul3A_2, %dma_start3A_74] : memref<10112x16xf32, #tpu.memory_space<vmem_shared>> -> memref<632x16xf32, #tpu.memory_space<vmem_shared>>
      %dma_start3A_76 = arith.constant 0 : i32
      %dma_start3A_77 = tpu.memref_slice %arg4[%mul3A_0, %dma_start3A_76] : memref<10112x16xf32, #tpu.memory_space<hbm>> -> memref<632x16xf32, #tpu.memory_space<hbm>>
      tpu.enqueue_dma source(%dma_start3A_77 : memref<632x16xf32, #tpu.memory_space<hbm>>) target(%dma_start3A_75 : memref<632x16xf32, #tpu.memory_space<vmem_shared>>) target_semaphore(%run_scoped3A_73 : memref<!tpu.dma_semaphore, #tpu.memory_space<semaphore_mem>>)
      %dma_wait3A = arith.constant 0 : i32
      %dma_wait3A_78 = tpu.memref_slice %arg9[%mul3A_2, %dma_wait3A] : memref<10112x16xf32, #tpu.memory_space<vmem_shared>> -> memref<632x16xf32, #tpu.memory_space<vmem_shared>>
      %dma_wait3A_79 = arith.constant 0 : i32
      %dma_wait3A_80 = tpu.memref_slice %arg4[%mul3A_0, %dma_wait3A_79] : memref<10112x16xf32, #tpu.memory_space<hbm>> -> memref<632x16xf32, #tpu.memory_space<hbm>>
      tpu.wait_dma2 semaphore(%run_scoped3A_73 : memref<!tpu.dma_semaphore, #tpu.memory_space<semaphore_mem>>) src(%dma_wait3A_80 : memref<632x16xf32, #tpu.memory_space<hbm>>) dst(%dma_wait3A_78 : memref<632x16xf32, #tpu.memory_space<vmem_shared>>)
      tpu.yield
    }) : () -> ()
    %run_scoped3A = arith.constant 0 : i32
    "tpu.region"() ({
      %run_scoped3A_73 = tpu.sem_alloc : memref<!tpu.dma_semaphore, #tpu.memory_space<semaphore_mem>>
      %dma_start3A_74 = arith.constant 0 : i32
      %dma_start3A_75 = arith.constant 0 : i32
      %dma_start3A_76 = tpu.memref_slice %arg3[%run_scoped3A, %arg0, %arg1, %dma_start3A_74, %dma_start3A_75] : memref<2x2x16x10x1000xi32, #tpu.memory_space<hbm>> -> memref<1x1x1x10x1000xi32, #tpu.memory_space<hbm>>
      %dma_start3A_77 = tpu.memref_squeeze %dma_start3A_76 : memref<1x1x1x10x1000xi32, #tpu.memory_space<hbm>> -> memref<10x1000xi32, #tpu.memory_space<hbm>>
      %dma_start3A_78 = arith.constant 0 : i32
      %dma_start3A_79 = arith.constant 0 : i32
      %dma_start3A_80 = tpu.memref_slice %arg3[%run_scoped3A, %arg0, %arg1, %dma_start3A_78, %dma_start3A_79] : memref<2x2x16x10x1000xi32, #tpu.memory_space<hbm>> -> memref<1x1x1x10x1000xi32, #tpu.memory_space<hbm>>
      %dma_start3A_81 = tpu.memref_squeeze %dma_start3A_80 : memref<1x1x1x10x1000xi32, #tpu.memory_space<hbm>> -> memref<10x1000xi32, #tpu.memory_space<hbm>>
      tpu.enqueue_dma source(%dma_start3A_81 : memref<10x1000xi32, #tpu.memory_space<hbm>>) target(%arg6 : memref<10x1000xi32, #tpu.memory_space<vmem>>) target_semaphore(%run_scoped3A_73 : memref<!tpu.dma_semaphore, #tpu.memory_space<semaphore_mem>>)
      %dma_wait3A = arith.constant 0 : i32
      %dma_wait3A_82 = arith.constant 0 : i32
      %dma_wait3A_83 = tpu.memref_slice %arg3[%run_scoped3A, %arg0, %arg1, %dma_wait3A, %dma_wait3A_82] : memref<2x2x16x10x1000xi32, #tpu.memory_space<hbm>> -> memref<1x1x1x10x1000xi32, #tpu.memory_space<hbm>>
      %dma_wait3A_84 = tpu.memref_squeeze %dma_wait3A_83 : memref<1x1x1x10x1000xi32, #tpu.memory_space<hbm>> -> memref<10x1000xi32, #tpu.memory_space<hbm>>
      %dma_wait3A_85 = arith.constant 0 : i32
      %dma_wait3A_86 = arith.constant 0 : i32
      %dma_wait3A_87 = tpu.memref_slice %arg3[%run_scoped3A, %arg0, %arg1, %dma_wait3A_85, %dma_wait3A_86] : memref<2x2x16x10x1000xi32, #tpu.memory_space<hbm>> -> memref<1x1x1x10x1000xi32, #tpu.memory_space<hbm>>
      %dma_wait3A_88 = tpu.memref_squeeze %dma_wait3A_87 : memref<1x1x1x10x1000xi32, #tpu.memory_space<hbm>> -> memref<10x1000xi32, #tpu.memory_space<hbm>>
      tpu.wait_dma2 semaphore(%run_scoped3A_73 : memref<!tpu.dma_semaphore, #tpu.memory_space<semaphore_mem>>) src(%dma_wait3A_88 : memref<10x1000xi32, #tpu.memory_space<hbm>>) dst(%arg6 : memref<10x1000xi32, #tpu.memory_space<vmem>>)
      tpu.yield
    }) : () -> ()
    %run_scoped3A_3 = arith.constant 1 : i32
    "tpu.region"() ({
      %run_scoped3A_73 = tpu.sem_alloc : memref<!tpu.dma_semaphore, #tpu.memory_space<semaphore_mem>>
      %dma_start3A_74 = arith.constant 0 : i32
      %dma_start3A_75 = arith.constant 0 : i32
      %dma_start3A_76 = tpu.memref_slice %arg3[%run_scoped3A_3, %arg0, %arg1, %dma_start3A_74, %dma_start3A_75] : memref<2x2x16x10x1000xi32, #tpu.memory_space<hbm>> -> memref<1x1x1x10x1000xi32, #tpu.memory_space<hbm>>
      %dma_start3A_77 = tpu.memref_squeeze %dma_start3A_76 : memref<1x1x1x10x1000xi32, #tpu.memory_space<hbm>> -> memref<10x1000xi32, #tpu.memory_space<hbm>>
      %dma_start3A_78 = arith.constant 0 : i32
      %dma_start3A_79 = arith.constant 0 : i32
      %dma_start3A_80 = tpu.memref_slice %arg3[%run_scoped3A_3, %arg0, %arg1, %dma_start3A_78, %dma_start3A_79] : memref<2x2x16x10x1000xi32, #tpu.memory_space<hbm>> -> memref<1x1x1x10x1000xi32, #tpu.memory_space<hbm>>
      %dma_start3A_81 = tpu.memref_squeeze %dma_start3A_80 : memref<1x1x1x10x1000xi32, #tpu.memory_space<hbm>> -> memref<10x1000xi32, #tpu.memory_space<hbm>>
      tpu.enqueue_dma source(%dma_start3A_81 : memref<10x1000xi32, #tpu.memory_space<hbm>>) target(%arg7 : memref<10x1000xi32, #tpu.memory_space<vmem>>) target_semaphore(%run_scoped3A_73 : memref<!tpu.dma_semaphore, #tpu.memory_space<semaphore_mem>>)
      %dma_wait3A = arith.constant 0 : i32
      %dma_wait3A_82 = arith.constant 0 : i32
      %dma_wait3A_83 = tpu.memref_slice %arg3[%run_scoped3A_3, %arg0, %arg1, %dma_wait3A, %dma_wait3A_82] : memref<2x2x16x10x1000xi32, #tpu.memory_space<hbm>> -> memref<1x1x1x10x1000xi32, #tpu.memory_space<hbm>>
      %dma_wait3A_84 = tpu.memref_squeeze %dma_wait3A_83 : memref<1x1x1x10x1000xi32, #tpu.memory_space<hbm>> -> memref<10x1000xi32, #tpu.memory_space<hbm>>
      %dma_wait3A_85 = arith.constant 0 : i32
      %dma_wait3A_86 = arith.constant 0 : i32
      %dma_wait3A_87 = tpu.memref_slice %arg3[%run_scoped3A_3, %arg0, %arg1, %dma_wait3A_85, %dma_wait3A_86] : memref<2x2x16x10x1000xi32, #tpu.memory_space<hbm>> -> memref<1x1x1x10x1000xi32, #tpu.memory_space<hbm>>
      %dma_wait3A_88 = tpu.memref_squeeze %dma_wait3A_87 : memref<1x1x1x10x1000xi32, #tpu.memory_space<hbm>> -> memref<10x1000xi32, #tpu.memory_space<hbm>>
      tpu.wait_dma2 semaphore(%run_scoped3A_73 : memref<!tpu.dma_semaphore, #tpu.memory_space<semaphore_mem>>) src(%dma_wait3A_88 : memref<10x1000xi32, #tpu.memory_space<hbm>>) dst(%arg7 : memref<10x1000xi32, #tpu.memory_space<vmem>>)
      tpu.yield
    }) : () -> ()
    %barrier3A = arith.constant 0 : index
    tpu.barrier barrier_id(%barrier3A)
    %dma_start3A = arith.constant 0 : i32
    %dma_start3A_4 = arith.constant 0 : i32
    %dma_start3A_5 = arith.constant 0 : i32
    %dma_start3A_6 = arith.constant 0 : i32
    %dma_start3A_7 = tpu.memref_slice %arg8[%dma_start3A_4, %dma_start3A_5, %dma_start3A_6] : memref<5x1000x16xf32, #tpu.memory_space<vmem>> -> memref<1x1000x16xf32, #tpu.memory_space<vmem>>
    %dma_start3A_8 = tpu.memref_squeeze %dma_start3A_7 : memref<1x1000x16xf32, #tpu.memory_space<vmem>> -> memref<1000x16xf32, #tpu.memory_space<vmem>>
    %dma_start3A_9 = arith.constant 0 : i32
    %dma_start3A_10 = tpu.memref_slice %arg6[%dma_start3A, %dma_start3A_9] : memref<10x1000xi32, #tpu.memory_space<vmem>> -> memref<1x1000xi32, #tpu.memory_space<vmem>>
    %dma_start3A_11 = tpu.memref_squeeze %dma_start3A_10 : memref<1x1000xi32, #tpu.memory_space<vmem>> -> memref<1000xi32, #tpu.memory_space<vmem>>
    %dma_start3A_12 = arith.constant 0 : i32
    %dma_start3A_13 = arith.constant 0 : i32
    %dma_start3A_14 = tpu.memref_slice %arg2[%dma_start3A_12, %dma_start3A_13] : memref<10000x16xf32, #tpu.memory_space<hbm>> -> memref<10000x16xf32, #tpu.memory_space<hbm>>
    tpu.enqueue_indirect_dma source(%dma_start3A_14 : memref<10000x16xf32, #tpu.memory_space<hbm>>) target(%dma_start3A_8 : memref<1000x16xf32, #tpu.memory_space<vmem>>) offsets(%dma_start3A_11 : memref<1000xi32, #tpu.memory_space<vmem>>) semaphore(%arg10 : memref<!tpu.dma_semaphore, #tpu.memory_space<semaphore_mem>>)
    %dma_start3A_15 = arith.constant 1 : i32
    %dma_start3A_16 = arith.constant 1 : i32
    %dma_start3A_17 = arith.constant 0 : i32
    %dma_start3A_18 = arith.constant 0 : i32
    %dma_start3A_19 = tpu.memref_slice %arg8[%dma_start3A_16, %dma_start3A_17, %dma_start3A_18] : memref<5x1000x16xf32, #tpu.memory_space<vmem>> -> memref<1x1000x16xf32, #tpu.memory_space<vmem>>
    %dma_start3A_20 = tpu.memref_squeeze %dma_start3A_19 : memref<1x1000x16xf32, #tpu.memory_space<vmem>> -> memref<1000x16xf32, #tpu.memory_space<vmem>>
    %dma_start3A_21 = arith.constant 0 : i32
    %dma_start3A_22 = tpu.memref_slice %arg6[%dma_start3A_15, %dma_start3A_21] : memref<10x1000xi32, #tpu.memory_space<vmem>> -> memref<1x1000xi32, #tpu.memory_space<vmem>>
    %dma_start3A_23 = tpu.memref_squeeze %dma_start3A_22 : memref<1x1000xi32, #tpu.memory_space<vmem>> -> memref<1000xi32, #tpu.memory_space<vmem>>
    %dma_start3A_24 = arith.constant 0 : i32
    %dma_start3A_25 = arith.constant 0 : i32
    %dma_start3A_26 = tpu.memref_slice %arg2[%dma_start3A_24, %dma_start3A_25] : memref<10000x16xf32, #tpu.memory_space<hbm>> -> memref<10000x16xf32, #tpu.memory_space<hbm>>
    tpu.enqueue_indirect_dma source(%dma_start3A_26 : memref<10000x16xf32, #tpu.memory_space<hbm>>) target(%dma_start3A_20 : memref<1000x16xf32, #tpu.memory_space<vmem>>) offsets(%dma_start3A_23 : memref<1000xi32, #tpu.memory_space<vmem>>) semaphore(%arg11 : memref<!tpu.dma_semaphore, #tpu.memory_space<semaphore_mem>>)
    %dma_start3A_27 = arith.constant 2 : i32
    %dma_start3A_28 = arith.constant 2 : i32
    %dma_start3A_29 = arith.constant 0 : i32
    %dma_start3A_30 = arith.constant 0 : i32
    %dma_start3A_31 = tpu.memref_slice %arg8[%dma_start3A_28, %dma_start3A_29, %dma_start3A_30] : memref<5x1000x16xf32, #tpu.memory_space<vmem>> -> memref<1x1000x16xf32, #tpu.memory_space<vmem>>
    %dma_start3A_32 = tpu.memref_squeeze %dma_start3A_31 : memref<1x1000x16xf32, #tpu.memory_space<vmem>> -> memref<1000x16xf32, #tpu.memory_space<vmem>>
    %dma_start3A_33 = arith.constant 0 : i32
    %dma_start3A_34 = tpu.memref_slice %arg6[%dma_start3A_27, %dma_start3A_33] : memref<10x1000xi32, #tpu.memory_space<vmem>> -> memref<1x1000xi32, #tpu.memory_space<vmem>>
    %dma_start3A_35 = tpu.memref_squeeze %dma_start3A_34 : memref<1x1000xi32, #tpu.memory_space<vmem>> -> memref<1000xi32, #tpu.memory_space<vmem>>
    %dma_start3A_36 = arith.constant 0 : i32
    %dma_start3A_37 = arith.constant 0 : i32
    %dma_start3A_38 = tpu.memref_slice %arg2[%dma_start3A_36, %dma_start3A_37] : memref<10000x16xf32, #tpu.memory_space<hbm>> -> memref<10000x16xf32, #tpu.memory_space<hbm>>
    tpu.enqueue_indirect_dma source(%dma_start3A_38 : memref<10000x16xf32, #tpu.memory_space<hbm>>) target(%dma_start3A_32 : memref<1000x16xf32, #tpu.memory_space<vmem>>) offsets(%dma_start3A_35 : memref<1000xi32, #tpu.memory_space<vmem>>) semaphore(%arg12 : memref<!tpu.dma_semaphore, #tpu.memory_space<semaphore_mem>>)
    %dma_start3A_39 = arith.constant 3 : i32
    %dma_start3A_40 = arith.constant 3 : i32
    %dma_start3A_41 = arith.constant 0 : i32
    %dma_start3A_42 = arith.constant 0 : i32
    %dma_start3A_43 = tpu.memref_slice %arg8[%dma_start3A_40, %dma_start3A_41, %dma_start3A_42] : memref<5x1000x16xf32, #tpu.memory_space<vmem>> -> memref<1x1000x16xf32, #tpu.memory_space<vmem>>
    %dma_start3A_44 = tpu.memref_squeeze %dma_start3A_43 : memref<1x1000x16xf32, #tpu.memory_space<vmem>> -> memref<1000x16xf32, #tpu.memory_space<vmem>>
    %dma_start3A_45 = arith.constant 0 : i32
    %dma_start3A_46 = tpu.memref_slice %arg6[%dma_start3A_39, %dma_start3A_45] : memref<10x1000xi32, #tpu.memory_space<vmem>> -> memref<1x1000xi32, #tpu.memory_space<vmem>>
    %dma_start3A_47 = tpu.memref_squeeze %dma_start3A_46 : memref<1x1000xi32, #tpu.memory_space<vmem>> -> memref<1000xi32, #tpu.memory_space<vmem>>
    %dma_start3A_48 = arith.constant 0 : i32
    %dma_start3A_49 = arith.constant 0 : i32
    %dma_start3A_50 = tpu.memref_slice %arg2[%dma_start3A_48, %dma_start3A_49] : memref<10000x16xf32, #tpu.memory_space<hbm>> -> memref<10000x16xf32, #tpu.memory_space<hbm>>
    tpu.enqueue_indirect_dma source(%dma_start3A_50 : memref<10000x16xf32, #tpu.memory_space<hbm>>) target(%dma_start3A_44 : memref<1000x16xf32, #tpu.memory_space<vmem>>) offsets(%dma_start3A_47 : memref<1000xi32, #tpu.memory_space<vmem>>) semaphore(%arg13 : memref<!tpu.dma_semaphore, #tpu.memory_space<semaphore_mem>>)
    %dma_start3A_51 = arith.constant 4 : i32
    %dma_start3A_52 = arith.constant 4 : i32
    %dma_start3A_53 = arith.constant 0 : i32
    %dma_start3A_54 = arith.constant 0 : i32
    %dma_start3A_55 = tpu.memref_slice %arg8[%dma_start3A_52, %dma_start3A_53, %dma_start3A_54] : memref<5x1000x16xf32, #tpu.memory_space<vmem>> -> memref<1x1000x16xf32, #tpu.memory_space<vmem>>
    %dma_start3A_56 = tpu.memref_squeeze %dma_start3A_55 : memref<1x1000x16xf32, #tpu.memory_space<vmem>> -> memref<1000x16xf32, #tpu.memory_space<vmem>>
    %dma_start3A_57 = arith.constant 0 : i32
    %dma_start3A_58 = tpu.memref_slice %arg6[%dma_start3A_51, %dma_start3A_57] : memref<10x1000xi32, #tpu.memory_space<vmem>> -> memref<1x1000xi32, #tpu.memory_space<vmem>>
    %dma_start3A_59 = tpu.memref_squeeze %dma_start3A_58 : memref<1x1000xi32, #tpu.memory_space<vmem>> -> memref<1000xi32, #tpu.memory_space<vmem>>
    %dma_start3A_60 = arith.constant 0 : i32
    %dma_start3A_61 = arith.constant 0 : i32
    %dma_start3A_62 = tpu.memref_slice %arg2[%dma_start3A_60, %dma_start3A_61] : memref<10000x16xf32, #tpu.memory_space<hbm>> -> memref<10000x16xf32, #tpu.memory_space<hbm>>
    tpu.enqueue_indirect_dma source(%dma_start3A_62 : memref<10000x16xf32, #tpu.memory_space<hbm>>) target(%dma_start3A_56 : memref<1000x16xf32, #tpu.memory_space<vmem>>) offsets(%dma_start3A_59 : memref<1000xi32, #tpu.memory_space<vmem>>) semaphore(%arg14 : memref<!tpu.dma_semaphore, #tpu.memory_space<semaphore_mem>>)
    %scan3A = arith.constant 0 : i32
    %scan3A_63 = arith.constant 0 : i32
    %scan3A_64 = arith.constant 2 : i32
    %scan3A_65 = arith.addi %scan3A_63, %scan3A_64 : i32
    %scan3A_66 = arith.constant 1 : i32
    scf.for %scan3A_73 = %scan3A_63 to %scan3A_65 step %scan3A_66  : i32 {
      %mul3A_74 = arith.constant 5 : i32
      %mul3A_75 = arith.muli %scan3A_73, %mul3A_74 : i32
      %add3A = arith.constant 0 : i32
      %add3A_76 = arith.addi %mul3A_75, %add3A : i32
      %dma_wait3A = arith.constant 0 : i32
      %dma_wait3A_77 = arith.constant 0 : i32
      %dma_wait3A_78 = arith.constant 0 : i32
      %dma_wait3A_79 = tpu.memref_slice %arg8[%dma_wait3A, %dma_wait3A_77, %dma_wait3A_78] : memref<5x1000x16xf32, #tpu.memory_space<vmem>> -> memref<1x1000x16xf32, #tpu.memory_space<vmem>>
      %dma_wait3A_80 = tpu.memref_squeeze %dma_wait3A_79 : memref<1x1000x16xf32, #tpu.memory_space<vmem>> -> memref<1000x16xf32, #tpu.memory_space<vmem>>
      %dma_wait3A_81 = arith.constant 0 : i32
      %dma_wait3A_82 = arith.constant 0 : i32
      %dma_wait3A_83 = tpu.memref_slice %arg2[%dma_wait3A_81, %dma_wait3A_82] : memref<10000x16xf32, #tpu.memory_space<hbm>> -> memref<1000x16xf32, #tpu.memory_space<hbm>>
      %dma_wait3A_84 = arith.constant 0 : i32
      %dma_wait3A_85 = arith.constant 0 : i32
      %dma_wait3A_86 = tpu.memref_slice %arg8[%dma_wait3A, %dma_wait3A_84, %dma_wait3A_85] : memref<5x1000x16xf32, #tpu.memory_space<vmem>> -> memref<1x1000x16xf32, #tpu.memory_space<vmem>>
      %dma_wait3A_87 = tpu.memref_squeeze %dma_wait3A_86 : memref<1x1000x16xf32, #tpu.memory_space<vmem>> -> memref<1000x16xf32, #tpu.memory_space<vmem>>
      %dma_wait3A_88 = arith.constant 0 : i32
      %dma_wait3A_89 = arith.constant 0 : i32
      %dma_wait3A_90 = tpu.memref_slice %arg2[%dma_wait3A_88, %dma_wait3A_89] : memref<10000x16xf32, #tpu.memory_space<hbm>> -> memref<1000x16xf32, #tpu.memory_space<hbm>>
      tpu.wait_dma2 semaphore(%arg10 : memref<!tpu.dma_semaphore, #tpu.memory_space<semaphore_mem>>) src(%dma_wait3A_90 : memref<1000x16xf32, #tpu.memory_space<hbm>>) dst(%dma_wait3A_87 : memref<1000x16xf32, #tpu.memory_space<vmem>>)
      %run_scoped3A_91 = arith.constant 0 : i32
      "tpu.region"() ({
        %run_scoped3A_204 = tpu.sem_alloc : memref<!tpu.dma_semaphore, #tpu.memory_space<semaphore_mem>>
        %dma_start3A_205 = arith.constant 0 : i32
        %dma_start3A_206 = arith.constant 0 : i32
        %dma_start3A_207 = tpu.memref_slice %arg8[%run_scoped3A_91, %dma_start3A_205, %dma_start3A_206] : memref<5x1000x16xf32, #tpu.memory_space<vmem>> -> memref<1x1000x16xf32, #tpu.memory_space<vmem>>
        %dma_start3A_208 = tpu.memref_squeeze %dma_start3A_207 : memref<1x1000x16xf32, #tpu.memory_space<vmem>> -> memref<1000x16xf32, #tpu.memory_space<vmem>>
        %dma_start3A_209 = arith.constant 0 : i32
        %dma_start3A_210 = tpu.memref_slice %arg7[%add3A_76, %dma_start3A_209] : memref<10x1000xi32, #tpu.memory_space<vmem>> -> memref<1x1000xi32, #tpu.memory_space<vmem>>
        %dma_start3A_211 = tpu.memref_squeeze %dma_start3A_210 : memref<1x1000xi32, #tpu.memory_space<vmem>> -> memref<1000xi32, #tpu.memory_space<vmem>>
        %dma_start3A_212 = arith.constant 0 : i32
        %dma_start3A_213 = arith.constant 0 : i32
        %dma_start3A_214 = tpu.memref_slice %arg9[%dma_start3A_212, %dma_start3A_213] : memref<10112x16xf32, #tpu.memory_space<vmem_shared>> -> memref<10112x16xf32, #tpu.memory_space<vmem_shared>>
        tpu.enqueue_indirect_dma source(%dma_start3A_208 : memref<1000x16xf32, #tpu.memory_space<vmem>>) target(%dma_start3A_214 : memref<10112x16xf32, #tpu.memory_space<vmem_shared>>) offsets(%dma_start3A_211 : memref<1000xi32, #tpu.memory_space<vmem>>) semaphore(%run_scoped3A_204 : memref<!tpu.dma_semaphore, #tpu.memory_space<semaphore_mem>>) {add = true}
        %dma_wait3A_215 = arith.constant 0 : i32
        %dma_wait3A_216 = arith.constant 0 : i32
        %dma_wait3A_217 = tpu.memref_slice %arg8[%run_scoped3A_91, %dma_wait3A_215, %dma_wait3A_216] : memref<5x1000x16xf32, #tpu.memory_space<vmem>> -> memref<1x1000x16xf32, #tpu.memory_space<vmem>>
        %dma_wait3A_218 = tpu.memref_squeeze %dma_wait3A_217 : memref<1x1000x16xf32, #tpu.memory_space<vmem>> -> memref<1000x16xf32, #tpu.memory_space<vmem>>
        %dma_wait3A_219 = arith.constant 0 : i32
        %dma_wait3A_220 = tpu.memref_slice %arg7[%add3A_76, %dma_wait3A_219] : memref<10x1000xi32, #tpu.memory_space<vmem>> -> memref<1x1000xi32, #tpu.memory_space<vmem>>
        %dma_wait3A_221 = tpu.memref_squeeze %dma_wait3A_220 : memref<1x1000xi32, #tpu.memory_space<vmem>> -> memref<1000xi32, #tpu.memory_space<vmem>>
        %dma_wait3A_222 = arith.constant 0 : i32
        %dma_wait3A_223 = arith.constant 0 : i32
        %dma_wait3A_224 = tpu.memref_slice %arg9[%dma_wait3A_222, %dma_wait3A_223] : memref<10112x16xf32, #tpu.memory_space<vmem_shared>> -> memref<10112x16xf32, #tpu.memory_space<vmem_shared>>
        tpu.wait_indirect_dma semaphore(%run_scoped3A_204 : memref<!tpu.dma_semaphore, #tpu.memory_space<semaphore_mem>>) src(%dma_wait3A_218 : memref<1000x16xf32, #tpu.memory_space<vmem>>) dst(%dma_wait3A_224 : memref<10112x16xf32, #tpu.memory_space<vmem_shared>>)
        tpu.yield
      }) : () -> ()
      %add3A_92 = arith.constant 5 : i32
      %add3A_93 = arith.addi %add3A_76, %add3A_92 : i32
      %lt3A = arith.constant 10 : i32
      %lt3A_94 = arith.cmpi slt, %add3A_93, %lt3A : i32
      %convert_element_type3A = arith.extui %lt3A_94 : i1 to i32
      %cond3A = arith.constant 0 : i32
      %cond3A_95 = arith.cmpi ne, %convert_element_type3A, %cond3A : i32
      scf.if %cond3A_95 {
        %dma_start3A_204 = arith.constant 0 : i32
        %dma_start3A_205 = arith.constant 0 : i32
        %dma_start3A_206 = arith.constant 0 : i32
        %dma_start3A_207 = tpu.memref_slice %arg8[%dma_start3A_204, %dma_start3A_205, %dma_start3A_206] : memref<5x1000x16xf32, #tpu.memory_space<vmem>> -> memref<1x1000x16xf32, #tpu.memory_space<vmem>>
        %dma_start3A_208 = tpu.memref_squeeze %dma_start3A_207 : memref<1x1000x16xf32, #tpu.memory_space<vmem>> -> memref<1000x16xf32, #tpu.memory_space<vmem>>
        %dma_start3A_209 = arith.constant 0 : i32
        %dma_start3A_210 = tpu.memref_slice %arg6[%add3A_93, %dma_start3A_209] : memref<10x1000xi32, #tpu.memory_space<vmem>> -> memref<1x1000xi32, #tpu.memory_space<vmem>>
        %dma_start3A_211 = tpu.memref_squeeze %dma_start3A_210 : memref<1x1000xi32, #tpu.memory_space<vmem>> -> memref<1000xi32, #tpu.memory_space<vmem>>
        %dma_start3A_212 = arith.constant 0 : i32
        %dma_start3A_213 = arith.constant 0 : i32
        %dma_start3A_214 = tpu.memref_slice %arg2[%dma_start3A_212, %dma_start3A_213] : memref<10000x16xf32, #tpu.memory_space<hbm>> -> memref<10000x16xf32, #tpu.memory_space<hbm>>
        tpu.enqueue_indirect_dma source(%dma_start3A_214 : memref<10000x16xf32, #tpu.memory_space<hbm>>) target(%dma_start3A_208 : memref<1000x16xf32, #tpu.memory_space<vmem>>) offsets(%dma_start3A_211 : memref<1000xi32, #tpu.memory_space<vmem>>) semaphore(%arg10 : memref<!tpu.dma_semaphore, #tpu.memory_space<semaphore_mem>>)
      } else {
      }
      %mul3A_96 = arith.constant 5 : i32
      %mul3A_97 = arith.muli %scan3A_73, %mul3A_96 : i32
      %add3A_98 = arith.constant 1 : i32
      %add3A_99 = arith.addi %mul3A_97, %add3A_98 : i32
      %dma_wait3A_100 = arith.constant 1 : i32
      %dma_wait3A_101 = arith.constant 0 : i32
      %dma_wait3A_102 = arith.constant 0 : i32
      %dma_wait3A_103 = tpu.memref_slice %arg8[%dma_wait3A_100, %dma_wait3A_101, %dma_wait3A_102] : memref<5x1000x16xf32, #tpu.memory_space<vmem>> -> memref<1x1000x16xf32, #tpu.memory_space<vmem>>
      %dma_wait3A_104 = tpu.memref_squeeze %dma_wait3A_103 : memref<1x1000x16xf32, #tpu.memory_space<vmem>> -> memref<1000x16xf32, #tpu.memory_space<vmem>>
      %dma_wait3A_105 = arith.constant 0 : i32
      %dma_wait3A_106 = arith.constant 0 : i32
      %dma_wait3A_107 = tpu.memref_slice %arg2[%dma_wait3A_105, %dma_wait3A_106] : memref<10000x16xf32, #tpu.memory_space<hbm>> -> memref<1000x16xf32, #tpu.memory_space<hbm>>
      %dma_wait3A_108 = arith.constant 0 : i32
      %dma_wait3A_109 = arith.constant 0 : i32
      %dma_wait3A_110 = tpu.memref_slice %arg8[%dma_wait3A_100, %dma_wait3A_108, %dma_wait3A_109] : memref<5x1000x16xf32, #tpu.memory_space<vmem>> -> memref<1x1000x16xf32, #tpu.memory_space<vmem>>
      %dma_wait3A_111 = tpu.memref_squeeze %dma_wait3A_110 : memref<1x1000x16xf32, #tpu.memory_space<vmem>> -> memref<1000x16xf32, #tpu.memory_space<vmem>>
      %dma_wait3A_112 = arith.constant 0 : i32
      %dma_wait3A_113 = arith.constant 0 : i32
      %dma_wait3A_114 = tpu.memref_slice %arg2[%dma_wait3A_112, %dma_wait3A_113] : memref<10000x16xf32, #tpu.memory_space<hbm>> -> memref<1000x16xf32, #tpu.memory_space<hbm>>
      tpu.wait_dma2 semaphore(%arg11 : memref<!tpu.dma_semaphore, #tpu.memory_space<semaphore_mem>>) src(%dma_wait3A_114 : memref<1000x16xf32, #tpu.memory_space<hbm>>) dst(%dma_wait3A_111 : memref<1000x16xf32, #tpu.memory_space<vmem>>)
      %run_scoped3A_115 = arith.constant 1 : i32
      "tpu.region"() ({
        %run_scoped3A_204 = tpu.sem_alloc : memref<!tpu.dma_semaphore, #tpu.memory_space<semaphore_mem>>
        %dma_start3A_205 = arith.constant 0 : i32
        %dma_start3A_206 = arith.constant 0 : i32
        %dma_start3A_207 = tpu.memref_slice %arg8[%run_scoped3A_115, %dma_start3A_205, %dma_start3A_206] : memref<5x1000x16xf32, #tpu.memory_space<vmem>> -> memref<1x1000x16xf32, #tpu.memory_space<vmem>>
        %dma_start3A_208 = tpu.memref_squeeze %dma_start3A_207 : memref<1x1000x16xf32, #tpu.memory_space<vmem>> -> memref<1000x16xf32, #tpu.memory_space<vmem>>
        %dma_start3A_209 = arith.constant 0 : i32
        %dma_start3A_210 = tpu.memref_slice %arg7[%add3A_99, %dma_start3A_209] : memref<10x1000xi32, #tpu.memory_space<vmem>> -> memref<1x1000xi32, #tpu.memory_space<vmem>>
        %dma_start3A_211 = tpu.memref_squeeze %dma_start3A_210 : memref<1x1000xi32, #tpu.memory_space<vmem>> -> memref<1000xi32, #tpu.memory_space<vmem>>
        %dma_start3A_212 = arith.constant 0 : i32
        %dma_start3A_213 = arith.constant 0 : i32
        %dma_start3A_214 = tpu.memref_slice %arg9[%dma_start3A_212, %dma_start3A_213] : memref<10112x16xf32, #tpu.memory_space<vmem_shared>> -> memref<10112x16xf32, #tpu.memory_space<vmem_shared>>
        tpu.enqueue_indirect_dma source(%dma_start3A_208 : memref<1000x16xf32, #tpu.memory_space<vmem>>) target(%dma_start3A_214 : memref<10112x16xf32, #tpu.memory_space<vmem_shared>>) offsets(%dma_start3A_211 : memref<1000xi32, #tpu.memory_space<vmem>>) semaphore(%run_scoped3A_204 : memref<!tpu.dma_semaphore, #tpu.memory_space<semaphore_mem>>) {add = true}
        %dma_wait3A_215 = arith.constant 0 : i32
        %dma_wait3A_216 = arith.constant 0 : i32
        %dma_wait3A_217 = tpu.memref_slice %arg8[%run_scoped3A_115, %dma_wait3A_215, %dma_wait3A_216] : memref<5x1000x16xf32, #tpu.memory_space<vmem>> -> memref<1x1000x16xf32, #tpu.memory_space<vmem>>
        %dma_wait3A_218 = tpu.memref_squeeze %dma_wait3A_217 : memref<1x1000x16xf32, #tpu.memory_space<vmem>> -> memref<1000x16xf32, #tpu.memory_space<vmem>>
        %dma_wait3A_219 = arith.constant 0 : i32
        %dma_wait3A_220 = tpu.memref_slice %arg7[%add3A_99, %dma_wait3A_219] : memref<10x1000xi32, #tpu.memory_space<vmem>> -> memref<1x1000xi32, #tpu.memory_space<vmem>>
        %dma_wait3A_221 = tpu.memref_squeeze %dma_wait3A_220 : memref<1x1000xi32, #tpu.memory_space<vmem>> -> memref<1000xi32, #tpu.memory_space<vmem>>
        %dma_wait3A_222 = arith.constant 0 : i32
        %dma_wait3A_223 = arith.constant 0 : i32
        %dma_wait3A_224 = tpu.memref_slice %arg9[%dma_wait3A_222, %dma_wait3A_223] : memref<10112x16xf32, #tpu.memory_space<vmem_shared>> -> memref<10112x16xf32, #tpu.memory_space<vmem_shared>>
        tpu.wait_indirect_dma semaphore(%run_scoped3A_204 : memref<!tpu.dma_semaphore, #tpu.memory_space<semaphore_mem>>) src(%dma_wait3A_218 : memref<1000x16xf32, #tpu.memory_space<vmem>>) dst(%dma_wait3A_224 : memref<10112x16xf32, #tpu.memory_space<vmem_shared>>)
        tpu.yield
      }) : () -> ()
      %add3A_116 = arith.constant 5 : i32
      %add3A_117 = arith.addi %add3A_99, %add3A_116 : i32
      %lt3A_118 = arith.constant 10 : i32
      %lt3A_119 = arith.cmpi slt, %add3A_117, %lt3A_118 : i32
      %convert_element_type3A_120 = arith.extui %lt3A_119 : i1 to i32
      %cond3A_121 = arith.constant 0 : i32
      %cond3A_122 = arith.cmpi ne, %convert_element_type3A_120, %cond3A_121 : i32
      scf.if %cond3A_122 {
        %dma_start3A_204 = arith.constant 1 : i32
        %dma_start3A_205 = arith.constant 0 : i32
        %dma_start3A_206 = arith.constant 0 : i32
        %dma_start3A_207 = tpu.memref_slice %arg8[%dma_start3A_204, %dma_start3A_205, %dma_start3A_206] : memref<5x1000x16xf32, #tpu.memory_space<vmem>> -> memref<1x1000x16xf32, #tpu.memory_space<vmem>>
        %dma_start3A_208 = tpu.memref_squeeze %dma_start3A_207 : memref<1x1000x16xf32, #tpu.memory_space<vmem>> -> memref<1000x16xf32, #tpu.memory_space<vmem>>
        %dma_start3A_209 = arith.constant 0 : i32
        %dma_start3A_210 = tpu.memref_slice %arg6[%add3A_117, %dma_start3A_209] : memref<10x1000xi32, #tpu.memory_space<vmem>> -> memref<1x1000xi32, #tpu.memory_space<vmem>>
        %dma_start3A_211 = tpu.memref_squeeze %dma_start3A_210 : memref<1x1000xi32, #tpu.memory_space<vmem>> -> memref<1000xi32, #tpu.memory_space<vmem>>
        %dma_start3A_212 = arith.constant 0 : i32
        %dma_start3A_213 = arith.constant 0 : i32
        %dma_start3A_214 = tpu.memref_slice %arg2[%dma_start3A_212, %dma_start3A_213] : memref<10000x16xf32, #tpu.memory_space<hbm>> -> memref<10000x16xf32, #tpu.memory_space<hbm>>
        tpu.enqueue_indirect_dma source(%dma_start3A_214 : memref<10000x16xf32, #tpu.memory_space<hbm>>) target(%dma_start3A_208 : memref<1000x16xf32, #tpu.memory_space<vmem>>) offsets(%dma_start3A_211 : memref<1000xi32, #tpu.memory_space<vmem>>) semaphore(%arg11 : memref<!tpu.dma_semaphore, #tpu.memory_space<semaphore_mem>>)
      } else {
      }
      %mul3A_123 = arith.constant 5 : i32
      %mul3A_124 = arith.muli %scan3A_73, %mul3A_123 : i32
      %add3A_125 = arith.constant 2 : i32
      %add3A_126 = arith.addi %mul3A_124, %add3A_125 : i32
      %dma_wait3A_127 = arith.constant 2 : i32
      %dma_wait3A_128 = arith.constant 0 : i32
      %dma_wait3A_129 = arith.constant 0 : i32
      %dma_wait3A_130 = tpu.memref_slice %arg8[%dma_wait3A_127, %dma_wait3A_128, %dma_wait3A_129] : memref<5x1000x16xf32, #tpu.memory_space<vmem>> -> memref<1x1000x16xf32, #tpu.memory_space<vmem>>
      %dma_wait3A_131 = tpu.memref_squeeze %dma_wait3A_130 : memref<1x1000x16xf32, #tpu.memory_space<vmem>> -> memref<1000x16xf32, #tpu.memory_space<vmem>>
      %dma_wait3A_132 = arith.constant 0 : i32
      %dma_wait3A_133 = arith.constant 0 : i32
      %dma_wait3A_134 = tpu.memref_slice %arg2[%dma_wait3A_132, %dma_wait3A_133] : memref<10000x16xf32, #tpu.memory_space<hbm>> -> memref<1000x16xf32, #tpu.memory_space<hbm>>
      %dma_wait3A_135 = arith.constant 0 : i32
      %dma_wait3A_136 = arith.constant 0 : i32
      %dma_wait3A_137 = tpu.memref_slice %arg8[%dma_wait3A_127, %dma_wait3A_135, %dma_wait3A_136] : memref<5x1000x16xf32, #tpu.memory_space<vmem>> -> memref<1x1000x16xf32, #tpu.memory_space<vmem>>
      %dma_wait3A_138 = tpu.memref_squeeze %dma_wait3A_137 : memref<1x1000x16xf32, #tpu.memory_space<vmem>> -> memref<1000x16xf32, #tpu.memory_space<vmem>>
      %dma_wait3A_139 = arith.constant 0 : i32
      %dma_wait3A_140 = arith.constant 0 : i32
      %dma_wait3A_141 = tpu.memref_slice %arg2[%dma_wait3A_139, %dma_wait3A_140] : memref<10000x16xf32, #tpu.memory_space<hbm>> -> memref<1000x16xf32, #tpu.memory_space<hbm>>
      tpu.wait_dma2 semaphore(%arg12 : memref<!tpu.dma_semaphore, #tpu.memory_space<semaphore_mem>>) src(%dma_wait3A_141 : memref<1000x16xf32, #tpu.memory_space<hbm>>) dst(%dma_wait3A_138 : memref<1000x16xf32, #tpu.memory_space<vmem>>)
      %run_scoped3A_142 = arith.constant 2 : i32
      "tpu.region"() ({
        %run_scoped3A_204 = tpu.sem_alloc : memref<!tpu.dma_semaphore, #tpu.memory_space<semaphore_mem>>
        %dma_start3A_205 = arith.constant 0 : i32
        %dma_start3A_206 = arith.constant 0 : i32
        %dma_start3A_207 = tpu.memref_slice %arg8[%run_scoped3A_142, %dma_start3A_205, %dma_start3A_206] : memref<5x1000x16xf32, #tpu.memory_space<vmem>> -> memref<1x1000x16xf32, #tpu.memory_space<vmem>>
        %dma_start3A_208 = tpu.memref_squeeze %dma_start3A_207 : memref<1x1000x16xf32, #tpu.memory_space<vmem>> -> memref<1000x16xf32, #tpu.memory_space<vmem>>
        %dma_start3A_209 = arith.constant 0 : i32
        %dma_start3A_210 = tpu.memref_slice %arg7[%add3A_126, %dma_start3A_209] : memref<10x1000xi32, #tpu.memory_space<vmem>> -> memref<1x1000xi32, #tpu.memory_space<vmem>>
        %dma_start3A_211 = tpu.memref_squeeze %dma_start3A_210 : memref<1x1000xi32, #tpu.memory_space<vmem>> -> memref<1000xi32, #tpu.memory_space<vmem>>
        %dma_start3A_212 = arith.constant 0 : i32
        %dma_start3A_213 = arith.constant 0 : i32
        %dma_start3A_214 = tpu.memref_slice %arg9[%dma_start3A_212, %dma_start3A_213] : memref<10112x16xf32, #tpu.memory_space<vmem_shared>> -> memref<10112x16xf32, #tpu.memory_space<vmem_shared>>
        tpu.enqueue_indirect_dma source(%dma_start3A_208 : memref<1000x16xf32, #tpu.memory_space<vmem>>) target(%dma_start3A_214 : memref<10112x16xf32, #tpu.memory_space<vmem_shared>>) offsets(%dma_start3A_211 : memref<1000xi32, #tpu.memory_space<vmem>>) semaphore(%run_scoped3A_204 : memref<!tpu.dma_semaphore, #tpu.memory_space<semaphore_mem>>) {add = true}
        %dma_wait3A_215 = arith.constant 0 : i32
        %dma_wait3A_216 = arith.constant 0 : i32
        %dma_wait3A_217 = tpu.memref_slice %arg8[%run_scoped3A_142, %dma_wait3A_215, %dma_wait3A_216] : memref<5x1000x16xf32, #tpu.memory_space<vmem>> -> memref<1x1000x16xf32, #tpu.memory_space<vmem>>
        %dma_wait3A_218 = tpu.memref_squeeze %dma_wait3A_217 : memref<1x1000x16xf32, #tpu.memory_space<vmem>> -> memref<1000x16xf32, #tpu.memory_space<vmem>>
        %dma_wait3A_219 = arith.constant 0 : i32
        %dma_wait3A_220 = tpu.memref_slice %arg7[%add3A_126, %dma_wait3A_219] : memref<10x1000xi32, #tpu.memory_space<vmem>> -> memref<1x1000xi32, #tpu.memory_space<vmem>>
        %dma_wait3A_221 = tpu.memref_squeeze %dma_wait3A_220 : memref<1x1000xi32, #tpu.memory_space<vmem>> -> memref<1000xi32, #tpu.memory_space<vmem>>
        %dma_wait3A_222 = arith.constant 0 : i32
        %dma_wait3A_223 = arith.constant 0 : i32
        %dma_wait3A_224 = tpu.memref_slice %arg9[%dma_wait3A_222, %dma_wait3A_223] : memref<10112x16xf32, #tpu.memory_space<vmem_shared>> -> memref<10112x16xf32, #tpu.memory_space<vmem_shared>>
        tpu.wait_indirect_dma semaphore(%run_scoped3A_204 : memref<!tpu.dma_semaphore, #tpu.memory_space<semaphore_mem>>) src(%dma_wait3A_218 : memref<1000x16xf32, #tpu.memory_space<vmem>>) dst(%dma_wait3A_224 : memref<10112x16xf32, #tpu.memory_space<vmem_shared>>)
        tpu.yield
      }) : () -> ()
      %add3A_143 = arith.constant 5 : i32
      %add3A_144 = arith.addi %add3A_126, %add3A_143 : i32
      %lt3A_145 = arith.constant 10 : i32
      %lt3A_146 = arith.cmpi slt, %add3A_144, %lt3A_145 : i32
      %convert_element_type3A_147 = arith.extui %lt3A_146 : i1 to i32
      %cond3A_148 = arith.constant 0 : i32
      %cond3A_149 = arith.cmpi ne, %convert_element_type3A_147, %cond3A_148 : i32
      scf.if %cond3A_149 {
        %dma_start3A_204 = arith.constant 2 : i32
        %dma_start3A_205 = arith.constant 0 : i32
        %dma_start3A_206 = arith.constant 0 : i32
        %dma_start3A_207 = tpu.memref_slice %arg8[%dma_start3A_204, %dma_start3A_205, %dma_start3A_206] : memref<5x1000x16xf32, #tpu.memory_space<vmem>> -> memref<1x1000x16xf32, #tpu.memory_space<vmem>>
        %dma_start3A_208 = tpu.memref_squeeze %dma_start3A_207 : memref<1x1000x16xf32, #tpu.memory_space<vmem>> -> memref<1000x16xf32, #tpu.memory_space<vmem>>
        %dma_start3A_209 = arith.constant 0 : i32
        %dma_start3A_210 = tpu.memref_slice %arg6[%add3A_144, %dma_start3A_209] : memref<10x1000xi32, #tpu.memory_space<vmem>> -> memref<1x1000xi32, #tpu.memory_space<vmem>>
        %dma_start3A_211 = tpu.memref_squeeze %dma_start3A_210 : memref<1x1000xi32, #tpu.memory_space<vmem>> -> memref<1000xi32, #tpu.memory_space<vmem>>
        %dma_start3A_212 = arith.constant 0 : i32
        %dma_start3A_213 = arith.constant 0 : i32
        %dma_start3A_214 = tpu.memref_slice %arg2[%dma_start3A_212, %dma_start3A_213] : memref<10000x16xf32, #tpu.memory_space<hbm>> -> memref<10000x16xf32, #tpu.memory_space<hbm>>
        tpu.enqueue_indirect_dma source(%dma_start3A_214 : memref<10000x16xf32, #tpu.memory_space<hbm>>) target(%dma_start3A_208 : memref<1000x16xf32, #tpu.memory_space<vmem>>) offsets(%dma_start3A_211 : memref<1000xi32, #tpu.memory_space<vmem>>) semaphore(%arg12 : memref<!tpu.dma_semaphore, #tpu.memory_space<semaphore_mem>>)
      } else {
      }
      %mul3A_150 = arith.constant 5 : i32
      %mul3A_151 = arith.muli %scan3A_73, %mul3A_150 : i32
      %add3A_152 = arith.constant 3 : i32
      %add3A_153 = arith.addi %mul3A_151, %add3A_152 : i32
      %dma_wait3A_154 = arith.constant 3 : i32
      %dma_wait3A_155 = arith.constant 0 : i32
      %dma_wait3A_156 = arith.constant 0 : i32
      %dma_wait3A_157 = tpu.memref_slice %arg8[%dma_wait3A_154, %dma_wait3A_155, %dma_wait3A_156] : memref<5x1000x16xf32, #tpu.memory_space<vmem>> -> memref<1x1000x16xf32, #tpu.memory_space<vmem>>
      %dma_wait3A_158 = tpu.memref_squeeze %dma_wait3A_157 : memref<1x1000x16xf32, #tpu.memory_space<vmem>> -> memref<1000x16xf32, #tpu.memory_space<vmem>>
      %dma_wait3A_159 = arith.constant 0 : i32
      %dma_wait3A_160 = arith.constant 0 : i32
      %dma_wait3A_161 = tpu.memref_slice %arg2[%dma_wait3A_159, %dma_wait3A_160] : memref<10000x16xf32, #tpu.memory_space<hbm>> -> memref<1000x16xf32, #tpu.memory_space<hbm>>
      %dma_wait3A_162 = arith.constant 0 : i32
      %dma_wait3A_163 = arith.constant 0 : i32
      %dma_wait3A_164 = tpu.memref_slice %arg8[%dma_wait3A_154, %dma_wait3A_162, %dma_wait3A_163] : memref<5x1000x16xf32, #tpu.memory_space<vmem>> -> memref<1x1000x16xf32, #tpu.memory_space<vmem>>
      %dma_wait3A_165 = tpu.memref_squeeze %dma_wait3A_164 : memref<1x1000x16xf32, #tpu.memory_space<vmem>> -> memref<1000x16xf32, #tpu.memory_space<vmem>>
      %dma_wait3A_166 = arith.constant 0 : i32
      %dma_wait3A_167 = arith.constant 0 : i32
      %dma_wait3A_168 = tpu.memref_slice %arg2[%dma_wait3A_166, %dma_wait3A_167] : memref<10000x16xf32, #tpu.memory_space<hbm>> -> memref<1000x16xf32, #tpu.memory_space<hbm>>
      tpu.wait_dma2 semaphore(%arg13 : memref<!tpu.dma_semaphore, #tpu.memory_space<semaphore_mem>>) src(%dma_wait3A_168 : memref<1000x16xf32, #tpu.memory_space<hbm>>) dst(%dma_wait3A_165 : memref<1000x16xf32, #tpu.memory_space<vmem>>)
      %run_scoped3A_169 = arith.constant 3 : i32
      "tpu.region"() ({
        %run_scoped3A_204 = tpu.sem_alloc : memref<!tpu.dma_semaphore, #tpu.memory_space<semaphore_mem>>
        %dma_start3A_205 = arith.constant 0 : i32
        %dma_start3A_206 = arith.constant 0 : i32
        %dma_start3A_207 = tpu.memref_slice %arg8[%run_scoped3A_169, %dma_start3A_205, %dma_start3A_206] : memref<5x1000x16xf32, #tpu.memory_space<vmem>> -> memref<1x1000x16xf32, #tpu.memory_space<vmem>>
        %dma_start3A_208 = tpu.memref_squeeze %dma_start3A_207 : memref<1x1000x16xf32, #tpu.memory_space<vmem>> -> memref<1000x16xf32, #tpu.memory_space<vmem>>
        %dma_start3A_209 = arith.constant 0 : i32
        %dma_start3A_210 = tpu.memref_slice %arg7[%add3A_153, %dma_start3A_209] : memref<10x1000xi32, #tpu.memory_space<vmem>> -> memref<1x1000xi32, #tpu.memory_space<vmem>>
        %dma_start3A_211 = tpu.memref_squeeze %dma_start3A_210 : memref<1x1000xi32, #tpu.memory_space<vmem>> -> memref<1000xi32, #tpu.memory_space<vmem>>
        %dma_start3A_212 = arith.constant 0 : i32
        %dma_start3A_213 = arith.constant 0 : i32
        %dma_start3A_214 = tpu.memref_slice %arg9[%dma_start3A_212, %dma_start3A_213] : memref<10112x16xf32, #tpu.memory_space<vmem_shared>> -> memref<10112x16xf32, #tpu.memory_space<vmem_shared>>
        tpu.enqueue_indirect_dma source(%dma_start3A_208 : memref<1000x16xf32, #tpu.memory_space<vmem>>) target(%dma_start3A_214 : memref<10112x16xf32, #tpu.memory_space<vmem_shared>>) offsets(%dma_start3A_211 : memref<1000xi32, #tpu.memory_space<vmem>>) semaphore(%run_scoped3A_204 : memref<!tpu.dma_semaphore, #tpu.memory_space<semaphore_mem>>) {add = true}
        %dma_wait3A_215 = arith.constant 0 : i32
        %dma_wait3A_216 = arith.constant 0 : i32
        %dma_wait3A_217 = tpu.memref_slice %arg8[%run_scoped3A_169, %dma_wait3A_215, %dma_wait3A_216] : memref<5x1000x16xf32, #tpu.memory_space<vmem>> -> memref<1x1000x16xf32, #tpu.memory_space<vmem>>
        %dma_wait3A_218 = tpu.memref_squeeze %dma_wait3A_217 : memref<1x1000x16xf32, #tpu.memory_space<vmem>> -> memref<1000x16xf32, #tpu.memory_space<vmem>>
        %dma_wait3A_219 = arith.constant 0 : i32
        %dma_wait3A_220 = tpu.memref_slice %arg7[%add3A_153, %dma_wait3A_219] : memref<10x1000xi32, #tpu.memory_space<vmem>> -> memref<1x1000xi32, #tpu.memory_space<vmem>>
        %dma_wait3A_221 = tpu.memref_squeeze %dma_wait3A_220 : memref<1x1000xi32, #tpu.memory_space<vmem>> -> memref<1000xi32, #tpu.memory_space<vmem>>
        %dma_wait3A_222 = arith.constant 0 : i32
        %dma_wait3A_223 = arith.constant 0 : i32
        %dma_wait3A_224 = tpu.memref_slice %arg9[%dma_wait3A_222, %dma_wait3A_223] : memref<10112x16xf32, #tpu.memory_space<vmem_shared>> -> memref<10112x16xf32, #tpu.memory_space<vmem_shared>>
        tpu.wait_indirect_dma semaphore(%run_scoped3A_204 : memref<!tpu.dma_semaphore, #tpu.memory_space<semaphore_mem>>) src(%dma_wait3A_218 : memref<1000x16xf32, #tpu.memory_space<vmem>>) dst(%dma_wait3A_224 : memref<10112x16xf32, #tpu.memory_space<vmem_shared>>)
        tpu.yield
      }) : () -> ()
      %add3A_170 = arith.constant 5 : i32
      %add3A_171 = arith.addi %add3A_153, %add3A_170 : i32
      %lt3A_172 = arith.constant 10 : i32
      %lt3A_173 = arith.cmpi slt, %add3A_171, %lt3A_172 : i32
      %convert_element_type3A_174 = arith.extui %lt3A_173 : i1 to i32
      %cond3A_175 = arith.constant 0 : i32
      %cond3A_176 = arith.cmpi ne, %convert_element_type3A_174, %cond3A_175 : i32
      scf.if %cond3A_176 {
        %dma_start3A_204 = arith.constant 3 : i32
        %dma_start3A_205 = arith.constant 0 : i32
        %dma_start3A_206 = arith.constant 0 : i32
        %dma_start3A_207 = tpu.memref_slice %arg8[%dma_start3A_204, %dma_start3A_205, %dma_start3A_206] : memref<5x1000x16xf32, #tpu.memory_space<vmem>> -> memref<1x1000x16xf32, #tpu.memory_space<vmem>>
        %dma_start3A_208 = tpu.memref_squeeze %dma_start3A_207 : memref<1x1000x16xf32, #tpu.memory_space<vmem>> -> memref<1000x16xf32, #tpu.memory_space<vmem>>
        %dma_start3A_209 = arith.constant 0 : i32
        %dma_start3A_210 = tpu.memref_slice %arg6[%add3A_171, %dma_start3A_209] : memref<10x1000xi32, #tpu.memory_space<vmem>> -> memref<1x1000xi32, #tpu.memory_space<vmem>>
        %dma_start3A_211 = tpu.memref_squeeze %dma_start3A_210 : memref<1x1000xi32, #tpu.memory_space<vmem>> -> memref<1000xi32, #tpu.memory_space<vmem>>
        %dma_start3A_212 = arith.constant 0 : i32
        %dma_start3A_213 = arith.constant 0 : i32
        %dma_start3A_214 = tpu.memref_slice %arg2[%dma_start3A_212, %dma_start3A_213] : memref<10000x16xf32, #tpu.memory_space<hbm>> -> memref<10000x16xf32, #tpu.memory_space<hbm>>
        tpu.enqueue_indirect_dma source(%dma_start3A_214 : memref<10000x16xf32, #tpu.memory_space<hbm>>) target(%dma_start3A_208 : memref<1000x16xf32, #tpu.memory_space<vmem>>) offsets(%dma_start3A_211 : memref<1000xi32, #tpu.memory_space<vmem>>) semaphore(%arg13 : memref<!tpu.dma_semaphore, #tpu.memory_space<semaphore_mem>>)
      } else {
      }
      %mul3A_177 = arith.constant 5 : i32
      %mul3A_178 = arith.muli %scan3A_73, %mul3A_177 : i32
      %add3A_179 = arith.constant 4 : i32
      %add3A_180 = arith.addi %mul3A_178, %add3A_179 : i32
      %dma_wait3A_181 = arith.constant 4 : i32
      %dma_wait3A_182 = arith.constant 0 : i32
      %dma_wait3A_183 = arith.constant 0 : i32
      %dma_wait3A_184 = tpu.memref_slice %arg8[%dma_wait3A_181, %dma_wait3A_182, %dma_wait3A_183] : memref<5x1000x16xf32, #tpu.memory_space<vmem>> -> memref<1x1000x16xf32, #tpu.memory_space<vmem>>
      %dma_wait3A_185 = tpu.memref_squeeze %dma_wait3A_184 : memref<1x1000x16xf32, #tpu.memory_space<vmem>> -> memref<1000x16xf32, #tpu.memory_space<vmem>>
      %dma_wait3A_186 = arith.constant 0 : i32
      %dma_wait3A_187 = arith.constant 0 : i32
      %dma_wait3A_188 = tpu.memref_slice %arg2[%dma_wait3A_186, %dma_wait3A_187] : memref<10000x16xf32, #tpu.memory_space<hbm>> -> memref<1000x16xf32, #tpu.memory_space<hbm>>
      %dma_wait3A_189 = arith.constant 0 : i32
      %dma_wait3A_190 = arith.constant 0 : i32
      %dma_wait3A_191 = tpu.memref_slice %arg8[%dma_wait3A_181, %dma_wait3A_189, %dma_wait3A_190] : memref<5x1000x16xf32, #tpu.memory_space<vmem>> -> memref<1x1000x16xf32, #tpu.memory_space<vmem>>
      %dma_wait3A_192 = tpu.memref_squeeze %dma_wait3A_191 : memref<1x1000x16xf32, #tpu.memory_space<vmem>> -> memref<1000x16xf32, #tpu.memory_space<vmem>>
      %dma_wait3A_193 = arith.constant 0 : i32
      %dma_wait3A_194 = arith.constant 0 : i32
      %dma_wait3A_195 = tpu.memref_slice %arg2[%dma_wait3A_193, %dma_wait3A_194] : memref<10000x16xf32, #tpu.memory_space<hbm>> -> memref<1000x16xf32, #tpu.memory_space<hbm>>
      tpu.wait_dma2 semaphore(%arg14 : memref<!tpu.dma_semaphore, #tpu.memory_space<semaphore_mem>>) src(%dma_wait3A_195 : memref<1000x16xf32, #tpu.memory_space<hbm>>) dst(%dma_wait3A_192 : memref<1000x16xf32, #tpu.memory_space<vmem>>)
      %run_scoped3A_196 = arith.constant 4 : i32
      "tpu.region"() ({
        %run_scoped3A_204 = tpu.sem_alloc : memref<!tpu.dma_semaphore, #tpu.memory_space<semaphore_mem>>
        %dma_start3A_205 = arith.constant 0 : i32
        %dma_start3A_206 = arith.constant 0 : i32
        %dma_start3A_207 = tpu.memref_slice %arg8[%run_scoped3A_196, %dma_start3A_205, %dma_start3A_206] : memref<5x1000x16xf32, #tpu.memory_space<vmem>> -> memref<1x1000x16xf32, #tpu.memory_space<vmem>>
        %dma_start3A_208 = tpu.memref_squeeze %dma_start3A_207 : memref<1x1000x16xf32, #tpu.memory_space<vmem>> -> memref<1000x16xf32, #tpu.memory_space<vmem>>
        %dma_start3A_209 = arith.constant 0 : i32
        %dma_start3A_210 = tpu.memref_slice %arg7[%add3A_180, %dma_start3A_209] : memref<10x1000xi32, #tpu.memory_space<vmem>> -> memref<1x1000xi32, #tpu.memory_space<vmem>>
        %dma_start3A_211 = tpu.memref_squeeze %dma_start3A_210 : memref<1x1000xi32, #tpu.memory_space<vmem>> -> memref<1000xi32, #tpu.memory_space<vmem>>
        %dma_start3A_212 = arith.constant 0 : i32
        %dma_start3A_213 = arith.constant 0 : i32
        %dma_start3A_214 = tpu.memref_slice %arg9[%dma_start3A_212, %dma_start3A_213] : memref<10112x16xf32, #tpu.memory_space<vmem_shared>> -> memref<10112x16xf32, #tpu.memory_space<vmem_shared>>
        tpu.enqueue_indirect_dma source(%dma_start3A_208 : memref<1000x16xf32, #tpu.memory_space<vmem>>) target(%dma_start3A_214 : memref<10112x16xf32, #tpu.memory_space<vmem_shared>>) offsets(%dma_start3A_211 : memref<1000xi32, #tpu.memory_space<vmem>>) semaphore(%run_scoped3A_204 : memref<!tpu.dma_semaphore, #tpu.memory_space<semaphore_mem>>) {add = true}
        %dma_wait3A_215 = arith.constant 0 : i32
        %dma_wait3A_216 = arith.constant 0 : i32
        %dma_wait3A_217 = tpu.memref_slice %arg8[%run_scoped3A_196, %dma_wait3A_215, %dma_wait3A_216] : memref<5x1000x16xf32, #tpu.memory_space<vmem>> -> memref<1x1000x16xf32, #tpu.memory_space<vmem>>
        %dma_wait3A_218 = tpu.memref_squeeze %dma_wait3A_217 : memref<1x1000x16xf32, #tpu.memory_space<vmem>> -> memref<1000x16xf32, #tpu.memory_space<vmem>>
        %dma_wait3A_219 = arith.constant 0 : i32
        %dma_wait3A_220 = tpu.memref_slice %arg7[%add3A_180, %dma_wait3A_219] : memref<10x1000xi32, #tpu.memory_space<vmem>> -> memref<1x1000xi32, #tpu.memory_space<vmem>>
        %dma_wait3A_221 = tpu.memref_squeeze %dma_wait3A_220 : memref<1x1000xi32, #tpu.memory_space<vmem>> -> memref<1000xi32, #tpu.memory_space<vmem>>
        %dma_wait3A_222 = arith.constant 0 : i32
        %dma_wait3A_223 = arith.constant 0 : i32
        %dma_wait3A_224 = tpu.memref_slice %arg9[%dma_wait3A_222, %dma_wait3A_223] : memref<10112x16xf32, #tpu.memory_space<vmem_shared>> -> memref<10112x16xf32, #tpu.memory_space<vmem_shared>>
        tpu.wait_indirect_dma semaphore(%run_scoped3A_204 : memref<!tpu.dma_semaphore, #tpu.memory_space<semaphore_mem>>) src(%dma_wait3A_218 : memref<1000x16xf32, #tpu.memory_space<vmem>>) dst(%dma_wait3A_224 : memref<10112x16xf32, #tpu.memory_space<vmem_shared>>)
        tpu.yield
      }) : () -> ()
      %add3A_197 = arith.constant 5 : i32
      %add3A_198 = arith.addi %add3A_180, %add3A_197 : i32
      %lt3A_199 = arith.constant 10 : i32
      %lt3A_200 = arith.cmpi slt, %add3A_198, %lt3A_199 : i32
      %convert_element_type3A_201 = arith.extui %lt3A_200 : i1 to i32
      %cond3A_202 = arith.constant 0 : i32
      %cond3A_203 = arith.cmpi ne, %convert_element_type3A_201, %cond3A_202 : i32
      scf.if %cond3A_203 {
        %dma_start3A_204 = arith.constant 4 : i32
        %dma_start3A_205 = arith.constant 0 : i32
        %dma_start3A_206 = arith.constant 0 : i32
        %dma_start3A_207 = tpu.memref_slice %arg8[%dma_start3A_204, %dma_start3A_205, %dma_start3A_206] : memref<5x1000x16xf32, #tpu.memory_space<vmem>> -> memref<1x1000x16xf32, #tpu.memory_space<vmem>>
        %dma_start3A_208 = tpu.memref_squeeze %dma_start3A_207 : memref<1x1000x16xf32, #tpu.memory_space<vmem>> -> memref<1000x16xf32, #tpu.memory_space<vmem>>
        %dma_start3A_209 = arith.constant 0 : i32
        %dma_start3A_210 = tpu.memref_slice %arg6[%add3A_198, %dma_start3A_209] : memref<10x1000xi32, #tpu.memory_space<vmem>> -> memref<1x1000xi32, #tpu.memory_space<vmem>>
        %dma_start3A_211 = tpu.memref_squeeze %dma_start3A_210 : memref<1x1000xi32, #tpu.memory_space<vmem>> -> memref<1000xi32, #tpu.memory_space<vmem>>
        %dma_start3A_212 = arith.constant 0 : i32
        %dma_start3A_213 = arith.constant 0 : i32
        %dma_start3A_214 = tpu.memref_slice %arg2[%dma_start3A_212, %dma_start3A_213] : memref<10000x16xf32, #tpu.memory_space<hbm>> -> memref<10000x16xf32, #tpu.memory_space<hbm>>
        tpu.enqueue_indirect_dma source(%dma_start3A_214 : memref<10000x16xf32, #tpu.memory_space<hbm>>) target(%dma_start3A_208 : memref<1000x16xf32, #tpu.memory_space<vmem>>) offsets(%dma_start3A_211 : memref<1000xi32, #tpu.memory_space<vmem>>) semaphore(%arg14 : memref<!tpu.dma_semaphore, #tpu.memory_space<semaphore_mem>>)
      } else {
      }
    }
    %scan3A_67 = arith.constant 2 : i32
    %barrier3A_68 = arith.constant 0 : index
    tpu.barrier barrier_id(%barrier3A_68)
    %mul3A_69 = arith.constant 632 : i32
    %mul3A_70 = arith.muli %arg1, %mul3A_69 : i32
    %mul3A_71 = arith.constant 632 : i32
    %mul3A_72 = arith.muli %arg1, %mul3A_71 : i32
    "tpu.region"() ({
      %run_scoped3A_73 = tpu.sem_alloc : memref<!tpu.dma_semaphore, #tpu.memory_space<semaphore_mem>>
      %dma_start3A_74 = arith.constant 0 : i32
      %dma_start3A_75 = arith.constant 0 : i32
      %dma_start3A_76 = tpu.memref_slice %arg5[%arg0, %dma_start3A_74, %dma_start3A_75] : memref<2x10112x16xf32, #tpu.memory_space<hbm>> -> memref<1x10112x16xf32, #tpu.memory_space<hbm>>
      %dma_start3A_77 = tpu.memref_squeeze %dma_start3A_76 : memref<1x10112x16xf32, #tpu.memory_space<hbm>> -> memref<10112x16xf32, #tpu.memory_space<hbm>>
      %dma_start3A_78 = arith.constant 0 : i32
      %dma_start3A_79 = tpu.memref_slice %dma_start3A_77[%mul3A_72, %dma_start3A_78] : memref<10112x16xf32, #tpu.memory_space<hbm>> -> memref<632x16xf32, #tpu.memory_space<hbm>>
      %dma_start3A_80 = arith.constant 0 : i32
      %dma_start3A_81 = tpu.memref_slice %arg9[%mul3A_70, %dma_start3A_80] : memref<10112x16xf32, #tpu.memory_space<vmem_shared>> -> memref<632x16xf32, #tpu.memory_space<vmem_shared>>
      tpu.enqueue_dma source(%dma_start3A_81 : memref<632x16xf32, #tpu.memory_space<vmem_shared>>) target(%dma_start3A_79 : memref<632x16xf32, #tpu.memory_space<hbm>>) target_semaphore(%run_scoped3A_73 : memref<!tpu.dma_semaphore, #tpu.memory_space<semaphore_mem>>)
      %dma_wait3A = arith.constant 0 : i32
      %dma_wait3A_82 = arith.constant 0 : i32
      %dma_wait3A_83 = tpu.memref_slice %arg5[%arg0, %dma_wait3A, %dma_wait3A_82] : memref<2x10112x16xf32, #tpu.memory_space<hbm>> -> memref<1x10112x16xf32, #tpu.memory_space<hbm>>
      %dma_wait3A_84 = tpu.memref_squeeze %dma_wait3A_83 : memref<1x10112x16xf32, #tpu.memory_space<hbm>> -> memref<10112x16xf32, #tpu.memory_space<hbm>>
      %dma_wait3A_85 = arith.constant 0 : i32
      %dma_wait3A_86 = tpu.memref_slice %dma_wait3A_84[%mul3A_72, %dma_wait3A_85] : memref<10112x16xf32, #tpu.memory_space<hbm>> -> memref<632x16xf32, #tpu.memory_space<hbm>>
      %dma_wait3A_87 = arith.constant 0 : i32
      %dma_wait3A_88 = tpu.memref_slice %arg9[%mul3A_70, %dma_wait3A_87] : memref<10112x16xf32, #tpu.memory_space<vmem_shared>> -> memref<632x16xf32, #tpu.memory_space<vmem_shared>>
      tpu.wait_dma2 semaphore(%run_scoped3A_73 : memref<!tpu.dma_semaphore, #tpu.memory_space<semaphore_mem>>) src(%dma_wait3A_88 : memref<632x16xf32, #tpu.memory_space<vmem_shared>>) dst(%dma_wait3A_86 : memref<632x16xf32, #tpu.memory_space<hbm>>)
      tpu.yield
    }) : () -> ()
    return
  }
}

#map = affine_map<(d0, d1) -> (0, 0)>
#map1 = affine_map<(d0, d1) -> (0, 0, 0, 0, 0)>
#map2 = affine_map<(d0, d1) -> (0, 0, 0)>
module attributes {stable_mosaic.version = 14 : i64} {
  func.func @agg(%arg0: i32, %arg1: i32, %arg2: memref<10000x16xf32, #tpu.memory_space<hbm>>, %arg3: memref<2x2x16x10x1000xi32, #tpu.memory_space<hbm>>, %arg4: memref<10112x16xf32, #tpu.memory_space<hbm>>, %arg5: memref<2x10112x16xf32, #tpu.memory_space<hbm>>, %arg6: memref<10x1000xi32, #tpu.memory_space<vmem>>, %arg7: memref<10x1000xi32, #tpu.memory_space<vmem>>, %arg8: memref<5x1000x16xf32, #tpu.memory_space<vmem>>, %arg9: memref<10112x16xf32, #tpu.memory_space<vmem_shared>>, %arg10: memref<!tpu.dma_semaphore, #tpu.memory_space<semaphore_mem>>, %arg11: memref<!tpu.dma_semaphore, #tpu.memory_space<semaphore_mem>>, %arg12: memref<!tpu.dma_semaphore, #tpu.memory_space<semaphore_mem>>, %arg13: memref<!tpu.dma_semaphore, #tpu.memory_space<semaphore_mem>>, %arg14: memref<!tpu.dma_semaphore, #tpu.memory_space<semaphore_mem>>) attributes {dimension_semantics = [#tpu.dimension_semantics<core_parallel>, #tpu.dimension_semantics<subcore_parallel>], iteration_bounds = array<i64: 2, 16>, scalar_prefetch = 0 : i64, scratch_operands = 9 : i64, tpu.core_type = #tpu.core_type<sc_vector_subcore>, window_params = [{transform_indices = #map}, {transform_indices = #map1}, {transform_indices = #map}, {transform_indices = #map2}]} {
    %mul3A = arith.constant 632 : i32
    %mul3A_0 = arith.muli %arg1, %mul3A : i32
    %mul3A_1 = arith.constant 632 : i32
    %mul3A_2 = arith.muli %arg1, %mul3A_1 : i32
    "tpu.region"() ({
      %run_scoped3A_73 = tpu.sem_alloc : memref<!tpu.dma_semaphore, #tpu.memory_space<semaphore_mem>>
      %dma_start3A_74 = arith.constant 0 : i32
      %dma_start3A_75 = tpu.memref_slice %arg9[%mul3A_2, %dma_start3A_74] : memref<10112x16xf32, #tpu.memory_space<vmem_shared>> -> memref<632x16xf32, #tpu.memory_space<vmem_shared>>
      %dma_start3A_76 = arith.constant 0 : i32
      %dma_start3A_77 = tpu.memref_slice %arg4[%mul3A_0, %dma_start3A_76] : memref<10112x16xf32, #tpu.memory_space<hbm>> -> memref<632x16xf32, #tpu.memory_space<hbm>>
      tpu.enqueue_dma source(%dma_start3A_77 : memref<632x16xf32, #tpu.memory_space<hbm>>) target(%dma_start3A_75 : memref<632x16xf32, #tpu.memory_space<vmem_shared>>) target_semaphore(%run_scoped3A_73 : memref<!tpu.dma_semaphore, #tpu.memory_space<semaphore_mem>>)
      %dma_wait3A = arith.constant 0 : i32
      %dma_wait3A_78 = tpu.memref_slice %arg9[%mul3A_2, %dma_wait3A] : memref<10112x16xf32, #tpu.memory_space<vmem_shared>> -> memref<632x16xf32, #tpu.memory_space<vmem_shared>>
      %dma_wait3A_79 = arith.constant 0 : i32
      %dma_wait3A_80 = tpu.memref_slice %arg4[%mul3A_0, %dma_wait3A_79] : memref<10112x16xf32, #tpu.memory_space<hbm>> -> memref<632x16xf32, #tpu.memory_space<hbm>>
      tpu.wait_dma2 semaphore(%run_scoped3A_73 : memref<!tpu.dma_semaphore, #tpu.memory_space<semaphore_mem>>) src(%dma_wait3A_80 : memref<632x16xf32, #tpu.memory_space<hbm>>) dst(%dma_wait3A_78 : memref<632x16xf32, #tpu.memory_space<vmem_shared>>)
      tpu.yield
    }) : () -> ()
    %run_scoped3A = arith.constant 0 : i32
    "tpu.region"() ({
      %run_scoped3A_73 = tpu.sem_alloc : memref<!tpu.dma_semaphore, #tpu.memory_space<semaphore_mem>>
      %dma_start3A_74 = arith.constant 0 : i32
      %dma_start3A_75 = arith.constant 0 : i32
      %dma_start3A_76 = tpu.memref_slice %arg3[%run_scoped3A, %arg0, %arg1, %dma_start3A_74, %dma_start3A_75] : memref<2x2x16x10x1000xi32, #tpu.memory_space<hbm>> -> memref<1x1x1x10x1000xi32, #tpu.memory_space<hbm>>
      %dma_start3A_77 = tpu.memref_squeeze %dma_start3A_76 : memref<1x1x1x10x1000xi32, #tpu.memory_space<hbm>> -> memref<10x1000xi32, #tpu.memory_space<hbm>>
      %dma_start3A_78 = arith.constant 0 : i32
      %dma_start3A_79 = arith.constant 0 : i32
      %dma_start3A_80 = tpu.memref_slice %arg3[%run_scoped3A, %arg0, %arg1, %dma_start3A_78, %dma_start3A_79] : memref<2x2x16x10x1000xi32, #tpu.memory_space<hbm>> -> memref<1x1x1x10x1000xi32, #tpu.memory_space<hbm>>
      %dma_start3A_81 = tpu.memref_squeeze %dma_start3A_80 : memref<1x1x1x10x1000xi32, #tpu.memory_space<hbm>> -> memref<10x1000xi32, #tpu.memory_space<hbm>>
      tpu.enqueue_dma source(%dma_start3A_81 : memref<10x1000xi32, #tpu.memory_space<hbm>>) target(%arg6 : memref<10x1000xi32, #tpu.memory_space<vmem>>) target_semaphore(%run_scoped3A_73 : memref<!tpu.dma_semaphore, #tpu.memory_space<semaphore_mem>>)
      %dma_wait3A = arith.constant 0 : i32
      %dma_wait3A_82 = arith.constant 0 : i32
      %dma_wait3A_83 = tpu.memref_slice %arg3[%run_scoped3A, %arg0, %arg1, %dma_wait3A, %dma_wait3A_82] : memref<2x2x16x10x1000xi32, #tpu.memory_space<hbm>> -> memref<1x1x1x10x1000xi32, #tpu.memory_space<hbm>>
      %dma_wait3A_84 = tpu.memref_squeeze %dma_wait3A_83 : memref<1x1x1x10x1000xi32, #tpu.memory_space<hbm>> -> memref<10x1000xi32, #tpu.memory_space<hbm>>
      %dma_wait3A_85 = arith.constant 0 : i32
      %dma_wait3A_86 = arith.constant 0 : i32
      %dma_wait3A_87 = tpu.memref_slice %arg3[%run_scoped3A, %arg0, %arg1, %dma_wait3A_85, %dma_wait3A_86] : memref<2x2x16x10x1000xi32, #tpu.memory_space<hbm>> -> memref<1x1x1x10x1000xi32, #tpu.memory_space<hbm>>
      %dma_wait3A_88 = tpu.memref_squeeze %dma_wait3A_87 : memref<1x1x1x10x1000xi32, #tpu.memory_space<hbm>> -> memref<10x1000xi32, #tpu.memory_space<hbm>>
      tpu.wait_dma2 semaphore(%run_scoped3A_73 : memref<!tpu.dma_semaphore, #tpu.memory_space<semaphore_mem>>) src(%dma_wait3A_88 : memref<10x1000xi32, #tpu.memory_space<hbm>>) dst(%arg6 : memref<10x1000xi32, #tpu.memory_space<vmem>>)
      tpu.yield
    }) : () -> ()
    %run_scoped3A_3 = arith.constant 1 : i32
    "tpu.region"() ({
      %run_scoped3A_73 = tpu.sem_alloc : memref<!tpu.dma_semaphore, #tpu.memory_space<semaphore_mem>>
      %dma_start3A_74 = arith.constant 0 : i32
      %dma_start3A_75 = arith.constant 0 : i32
      %dma_start3A_76 = tpu.memref_slice %arg3[%run_scoped3A_3, %arg0, %arg1, %dma_start3A_74, %dma_start3A_75] : memref<2x2x16x10x1000xi32, #tpu.memory_space<hbm>> -> memref<1x1x1x10x1000xi32, #tpu.memory_space<hbm>>
      %dma_start3A_77 = tpu.memref_squeeze %dma_start3A_76 : memref<1x1x1x10x1000xi32, #tpu.memory_space<hbm>> -> memref<10x1000xi32, #tpu.memory_space<hbm>>
      %dma_start3A_78 = arith.constant 0 : i32
      %dma_start3A_79 = arith.constant 0 : i32
      %dma_start3A_80 = tpu.memref_slice %arg3[%run_scoped3A_3, %arg0, %arg1, %dma_start3A_78, %dma_start3A_79] : memref<2x2x16x10x1000xi32, #tpu.memory_space<hbm>> -> memref<1x1x1x10x1000xi32, #tpu.memory_space<hbm>>
      %dma_start3A_81 = tpu.memref_squeeze %dma_start3A_80 : memref<1x1x1x10x1000xi32, #tpu.memory_space<hbm>> -> memref<10x1000xi32, #tpu.memory_space<hbm>>
      tpu.enqueue_dma source(%dma_start3A_81 : memref<10x1000xi32, #tpu.memory_space<hbm>>) target(%arg7 : memref<10x1000xi32, #tpu.memory_space<vmem>>) target_semaphore(%run_scoped3A_73 : memref<!tpu.dma_semaphore, #tpu.memory_space<semaphore_mem>>)
      %dma_wait3A = arith.constant 0 : i32
      %dma_wait3A_82 = arith.constant 0 : i32
      %dma_wait3A_83 = tpu.memref_slice %arg3[%run_scoped3A_3, %arg0, %arg1, %dma_wait3A, %dma_wait3A_82] : memref<2x2x16x10x1000xi32, #tpu.memory_space<hbm>> -> memref<1x1x1x10x1000xi32, #tpu.memory_space<hbm>>
      %dma_wait3A_84 = tpu.memref_squeeze %dma_wait3A_83 : memref<1x1x1x10x1000xi32, #tpu.memory_space<hbm>> -> memref<10x1000xi32, #tpu.memory_space<hbm>>
      %dma_wait3A_85 = arith.constant 0 : i32
      %dma_wait3A_86 = arith.constant 0 : i32
      %dma_wait3A_87 = tpu.memref_slice %arg3[%run_scoped3A_3, %arg0, %arg1, %dma_wait3A_85, %dma_wait3A_86] : memref<2x2x16x10x1000xi32, #tpu.memory_space<hbm>> -> memref<1x1x1x10x1000xi32, #tpu.memory_space<hbm>>
      %dma_wait3A_88 = tpu.memref_squeeze %dma_wait3A_87 : memref<1x1x1x10x1000xi32, #tpu.memory_space<hbm>> -> memref<10x1000xi32, #tpu.memory_space<hbm>>
      tpu.wait_dma2 semaphore(%run_scoped3A_73 : memref<!tpu.dma_semaphore, #tpu.memory_space<semaphore_mem>>) src(%dma_wait3A_88 : memref<10x1000xi32, #tpu.memory_space<hbm>>) dst(%arg7 : memref<10x1000xi32, #tpu.memory_space<vmem>>)
      tpu.yield
    }) : () -> ()
    %barrier3A = arith.constant 0 : index
    tpu.barrier barrier_id(%barrier3A)
    %dma_start3A = arith.constant 0 : i32
    %dma_start3A_4 = arith.constant 0 : i32
    %dma_start3A_5 = arith.constant 0 : i32
    %dma_start3A_6 = arith.constant 0 : i32
    %dma_start3A_7 = tpu.memref_slice %arg8[%dma_start3A_4, %dma_start3A_5, %dma_start3A_6] : memref<5x1000x16xf32, #tpu.memory_space<vmem>> -> memref<1x1000x16xf32, #tpu.memory_space<vmem>>
    %dma_start3A_8 = tpu.memref_squeeze %dma_start3A_7 : memref<1x1000x16xf32, #tpu.memory_space<vmem>> -> memref<1000x16xf32, #tpu.memory_space<vmem>>
    %dma_start3A_9 = arith.constant 0 : i32
    %dma_start3A_10 = tpu.memref_slice %arg6[%dma_start3A, %dma_start3A_9] : memref<10x1000xi32, #tpu.memory_space<vmem>> -> memref<1x1000xi32, #tpu.memory_space<vmem>>
    %dma_start3A_11 = tpu.memref_squeeze %dma_start3A_10 : memref<1x1000xi32, #tpu.memory_space<vmem>> -> memref<1000xi32, #tpu.memory_space<vmem>>
    %dma_start3A_12 = arith.constant 0 : i32
    %dma_start3A_13 = arith.constant 0 : i32
    %dma_start3A_14 = tpu.memref_slice %arg2[%dma_start3A_12, %dma_start3A_13] : memref<10000x16xf32, #tpu.memory_space<hbm>> -> memref<10000x16xf32, #tpu.memory_space<hbm>>
    tpu.enqueue_indirect_dma source(%dma_start3A_14 : memref<10000x16xf32, #tpu.memory_space<hbm>>) target(%dma_start3A_8 : memref<1000x16xf32, #tpu.memory_space<vmem>>) offsets(%dma_start3A_11 : memref<1000xi32, #tpu.memory_space<vmem>>) semaphore(%arg10 : memref<!tpu.dma_semaphore, #tpu.memory_space<semaphore_mem>>)
    %dma_start3A_15 = arith.constant 1 : i32
    %dma_start3A_16 = arith.constant 1 : i32
    %dma_start3A_17 = arith.constant 0 : i32
    %dma_start3A_18 = arith.constant 0 : i32
    %dma_start3A_19 = tpu.memref_slice %arg8[%dma_start3A_16, %dma_start3A_17, %dma_start3A_18] : memref<5x1000x16xf32, #tpu.memory_space<vmem>> -> memref<1x1000x16xf32, #tpu.memory_space<vmem>>
    %dma_start3A_20 = tpu.memref_squeeze %dma_start3A_19 : memref<1x1000x16xf32, #tpu.memory_space<vmem>> -> memref<1000x16xf32, #tpu.memory_space<vmem>>
    %dma_start3A_21 = arith.constant 0 : i32
    %dma_start3A_22 = tpu.memref_slice %arg6[%dma_start3A_15, %dma_start3A_21] : memref<10x1000xi32, #tpu.memory_space<vmem>> -> memref<1x1000xi32, #tpu.memory_space<vmem>>
    %dma_start3A_23 = tpu.memref_squeeze %dma_start3A_22 : memref<1x1000xi32, #tpu.memory_space<vmem>> -> memref<1000xi32, #tpu.memory_space<vmem>>
    %dma_start3A_24 = arith.constant 0 : i32
    %dma_start3A_25 = arith.constant 0 : i32
    %dma_start3A_26 = tpu.memref_slice %arg2[%dma_start3A_24, %dma_start3A_25] : memref<10000x16xf32, #tpu.memory_space<hbm>> -> memref<10000x16xf32, #tpu.memory_space<hbm>>
    tpu.enqueue_indirect_dma source(%dma_start3A_26 : memref<10000x16xf32, #tpu.memory_space<hbm>>) target(%dma_start3A_20 : memref<1000x16xf32, #tpu.memory_space<vmem>>) offsets(%dma_start3A_23 : memref<1000xi32, #tpu.memory_space<vmem>>) semaphore(%arg11 : memref<!tpu.dma_semaphore, #tpu.memory_space<semaphore_mem>>)
    %dma_start3A_27 = arith.constant 2 : i32
    %dma_start3A_28 = arith.constant 2 : i32
    %dma_start3A_29 = arith.constant 0 : i32
    %dma_start3A_30 = arith.constant 0 : i32
    %dma_start3A_31 = tpu.memref_slice %arg8[%dma_start3A_28, %dma_start3A_29, %dma_start3A_30] : memref<5x1000x16xf32, #tpu.memory_space<vmem>> -> memref<1x1000x16xf32, #tpu.memory_space<vmem>>
    %dma_start3A_32 = tpu.memref_squeeze %dma_start3A_31 : memref<1x1000x16xf32, #tpu.memory_space<vmem>> -> memref<1000x16xf32, #tpu.memory_space<vmem>>
    %dma_start3A_33 = arith.constant 0 : i32
    %dma_start3A_34 = tpu.memref_slice %arg6[%dma_start3A_27, %dma_start3A_33] : memref<10x1000xi32, #tpu.memory_space<vmem>> -> memref<1x1000xi32, #tpu.memory_space<vmem>>
    %dma_start3A_35 = tpu.memref_squeeze %dma_start3A_34 : memref<1x1000xi32, #tpu.memory_space<vmem>> -> memref<1000xi32, #tpu.memory_space<vmem>>
    %dma_start3A_36 = arith.constant 0 : i32
    %dma_start3A_37 = arith.constant 0 : i32
    %dma_start3A_38 = tpu.memref_slice %arg2[%dma_start3A_36, %dma_start3A_37] : memref<10000x16xf32, #tpu.memory_space<hbm>> -> memref<10000x16xf32, #tpu.memory_space<hbm>>
    tpu.enqueue_indirect_dma source(%dma_start3A_38 : memref<10000x16xf32, #tpu.memory_space<hbm>>) target(%dma_start3A_32 : memref<1000x16xf32, #tpu.memory_space<vmem>>) offsets(%dma_start3A_35 : memref<1000xi32, #tpu.memory_space<vmem>>) semaphore(%arg12 : memref<!tpu.dma_semaphore, #tpu.memory_space<semaphore_mem>>)
    %dma_start3A_39 = arith.constant 3 : i32
    %dma_start3A_40 = arith.constant 3 : i32
    %dma_start3A_41 = arith.constant 0 : i32
    %dma_start3A_42 = arith.constant 0 : i32
    %dma_start3A_43 = tpu.memref_slice %arg8[%dma_start3A_40, %dma_start3A_41, %dma_start3A_42] : memref<5x1000x16xf32, #tpu.memory_space<vmem>> -> memref<1x1000x16xf32, #tpu.memory_space<vmem>>
    %dma_start3A_44 = tpu.memref_squeeze %dma_start3A_43 : memref<1x1000x16xf32, #tpu.memory_space<vmem>> -> memref<1000x16xf32, #tpu.memory_space<vmem>>
    %dma_start3A_45 = arith.constant 0 : i32
    %dma_start3A_46 = tpu.memref_slice %arg6[%dma_start3A_39, %dma_start3A_45] : memref<10x1000xi32, #tpu.memory_space<vmem>> -> memref<1x1000xi32, #tpu.memory_space<vmem>>
    %dma_start3A_47 = tpu.memref_squeeze %dma_start3A_46 : memref<1x1000xi32, #tpu.memory_space<vmem>> -> memref<1000xi32, #tpu.memory_space<vmem>>
    %dma_start3A_48 = arith.constant 0 : i32
    %dma_start3A_49 = arith.constant 0 : i32
    %dma_start3A_50 = tpu.memref_slice %arg2[%dma_start3A_48, %dma_start3A_49] : memref<10000x16xf32, #tpu.memory_space<hbm>> -> memref<10000x16xf32, #tpu.memory_space<hbm>>
    tpu.enqueue_indirect_dma source(%dma_start3A_50 : memref<10000x16xf32, #tpu.memory_space<hbm>>) target(%dma_start3A_44 : memref<1000x16xf32, #tpu.memory_space<vmem>>) offsets(%dma_start3A_47 : memref<1000xi32, #tpu.memory_space<vmem>>) semaphore(%arg13 : memref<!tpu.dma_semaphore, #tpu.memory_space<semaphore_mem>>)
    %dma_start3A_51 = arith.constant 4 : i32
    %dma_start3A_52 = arith.constant 4 : i32
    %dma_start3A_53 = arith.constant 0 : i32
    %dma_start3A_54 = arith.constant 0 : i32
    %dma_start3A_55 = tpu.memref_slice %arg8[%dma_start3A_52, %dma_start3A_53, %dma_start3A_54] : memref<5x1000x16xf32, #tpu.memory_space<vmem>> -> memref<1x1000x16xf32, #tpu.memory_space<vmem>>
    %dma_start3A_56 = tpu.memref_squeeze %dma_start3A_55 : memref<1x1000x16xf32, #tpu.memory_space<vmem>> -> memref<1000x16xf32, #tpu.memory_space<vmem>>
    %dma_start3A_57 = arith.constant 0 : i32
    %dma_start3A_58 = tpu.memref_slice %arg6[%dma_start3A_51, %dma_start3A_57] : memref<10x1000xi32, #tpu.memory_space<vmem>> -> memref<1x1000xi32, #tpu.memory_space<vmem>>
    %dma_start3A_59 = tpu.memref_squeeze %dma_start3A_58 : memref<1x1000xi32, #tpu.memory_space<vmem>> -> memref<1000xi32, #tpu.memory_space<vmem>>
    %dma_start3A_60 = arith.constant 0 : i32
    %dma_start3A_61 = arith.constant 0 : i32
    %dma_start3A_62 = tpu.memref_slice %arg2[%dma_start3A_60, %dma_start3A_61] : memref<10000x16xf32, #tpu.memory_space<hbm>> -> memref<10000x16xf32, #tpu.memory_space<hbm>>
    tpu.enqueue_indirect_dma source(%dma_start3A_62 : memref<10000x16xf32, #tpu.memory_space<hbm>>) target(%dma_start3A_56 : memref<1000x16xf32, #tpu.memory_space<vmem>>) offsets(%dma_start3A_59 : memref<1000xi32, #tpu.memory_space<vmem>>) semaphore(%arg14 : memref<!tpu.dma_semaphore, #tpu.memory_space<semaphore_mem>>)
    %scan3A = arith.constant 0 : i32
    %scan3A_63 = arith.constant 0 : i32
    %scan3A_64 = arith.constant 2 : i32
    %scan3A_65 = arith.addi %scan3A_63, %scan3A_64 : i32
    %scan3A_66 = arith.constant 1 : i32
    scf.for %scan3A_73 = %scan3A_63 to %scan3A_65 step %scan3A_66  : i32 {
      %mul3A_74 = arith.constant 5 : i32
      %mul3A_75 = arith.muli %scan3A_73, %mul3A_74 : i32
      %add3A = arith.constant 0 : i32
      %add3A_76 = arith.addi %mul3A_75, %add3A : i32
      %dma_wait3A = arith.constant 0 : i32
      %dma_wait3A_77 = arith.constant 0 : i32
      %dma_wait3A_78 = arith.constant 0 : i32
      %dma_wait3A_79 = tpu.memref_slice %arg8[%dma_wait3A, %dma_wait3A_77, %dma_wait3A_78] : memref<5x1000x16xf32, #tpu.memory_space<vmem>> -> memref<1x1000x16xf32, #tpu.memory_space<vmem>>
      %dma_wait3A_80 = tpu.memref_squeeze %dma_wait3A_79 : memref<1x1000x16xf32, #tpu.memory_space<vmem>> -> memref<1000x16xf32, #tpu.memory_space<vmem>>
      %dma_wait3A_81 = arith.constant 0 : i32
      %dma_wait3A_82 = arith.constant 0 : i32
      %dma_wait3A_83 = tpu.memref_slice %arg2[%dma_wait3A_81, %dma_wait3A_82] : memref<10000x16xf32, #tpu.memory_space<hbm>> -> memref<1000x16xf32, #tpu.memory_space<hbm>>
      %dma_wait3A_84 = arith.constant 0 : i32
      %dma_wait3A_85 = arith.constant 0 : i32
      %dma_wait3A_86 = tpu.memref_slice %arg8[%dma_wait3A, %dma_wait3A_84, %dma_wait3A_85] : memref<5x1000x16xf32, #tpu.memory_space<vmem>> -> memref<1x1000x16xf32, #tpu.memory_space<vmem>>
      %dma_wait3A_87 = tpu.memref_squeeze %dma_wait3A_86 : memref<1x1000x16xf32, #tpu.memory_space<vmem>> -> memref<1000x16xf32, #tpu.memory_space<vmem>>
      %dma_wait3A_88 = arith.constant 0 : i32
      %dma_wait3A_89 = arith.constant 0 : i32
      %dma_wait3A_90 = tpu.memref_slice %arg2[%dma_wait3A_88, %dma_wait3A_89] : memref<10000x16xf32, #tpu.memory_space<hbm>> -> memref<1000x16xf32, #tpu.memory_space<hbm>>
      tpu.wait_dma2 semaphore(%arg10 : memref<!tpu.dma_semaphore, #tpu.memory_space<semaphore_mem>>) src(%dma_wait3A_90 : memref<1000x16xf32, #tpu.memory_space<hbm>>) dst(%dma_wait3A_87 : memref<1000x16xf32, #tpu.memory_space<vmem>>)
      %run_scoped3A_91 = arith.constant 0 : i32
      "tpu.region"() ({
        %run_scoped3A_204 = tpu.sem_alloc : memref<!tpu.dma_semaphore, #tpu.memory_space<semaphore_mem>>
        %dma_start3A_205 = arith.constant 0 : i32
        %dma_start3A_206 = arith.constant 0 : i32
        %dma_start3A_207 = tpu.memref_slice %arg8[%run_scoped3A_91, %dma_start3A_205, %dma_start3A_206] : memref<5x1000x16xf32, #tpu.memory_space<vmem>> -> memref<1x1000x16xf32, #tpu.memory_space<vmem>>
        %dma_start3A_208 = tpu.memref_squeeze %dma_start3A_207 : memref<1x1000x16xf32, #tpu.memory_space<vmem>> -> memref<1000x16xf32, #tpu.memory_space<vmem>>
        %dma_start3A_209 = arith.constant 0 : i32
        %dma_start3A_210 = tpu.memref_slice %arg7[%add3A_76, %dma_start3A_209] : memref<10x1000xi32, #tpu.memory_space<vmem>> -> memref<1x1000xi32, #tpu.memory_space<vmem>>
        %dma_start3A_211 = tpu.memref_squeeze %dma_start3A_210 : memref<1x1000xi32, #tpu.memory_space<vmem>> -> memref<1000xi32, #tpu.memory_space<vmem>>
        %dma_start3A_212 = arith.constant 0 : i32
        %dma_start3A_213 = arith.constant 0 : i32
        %dma_start3A_214 = tpu.memref_slice %arg9[%dma_start3A_212, %dma_start3A_213] : memref<10112x16xf32, #tpu.memory_space<vmem_shared>> -> memref<10112x16xf32, #tpu.memory_space<vmem_shared>>
        tpu.enqueue_indirect_dma source(%dma_start3A_208 : memref<1000x16xf32, #tpu.memory_space<vmem>>) target(%dma_start3A_214 : memref<10112x16xf32, #tpu.memory_space<vmem_shared>>) offsets(%dma_start3A_211 : memref<1000xi32, #tpu.memory_space<vmem>>) semaphore(%run_scoped3A_204 : memref<!tpu.dma_semaphore, #tpu.memory_space<semaphore_mem>>) {add = true}
        %dma_wait3A_215 = arith.constant 0 : i32
        %dma_wait3A_216 = arith.constant 0 : i32
        %dma_wait3A_217 = tpu.memref_slice %arg8[%run_scoped3A_91, %dma_wait3A_215, %dma_wait3A_216] : memref<5x1000x16xf32, #tpu.memory_space<vmem>> -> memref<1x1000x16xf32, #tpu.memory_space<vmem>>
        %dma_wait3A_218 = tpu.memref_squeeze %dma_wait3A_217 : memref<1x1000x16xf32, #tpu.memory_space<vmem>> -> memref<1000x16xf32, #tpu.memory_space<vmem>>
        %dma_wait3A_219 = arith.constant 0 : i32
        %dma_wait3A_220 = tpu.memref_slice %arg7[%add3A_76, %dma_wait3A_219] : memref<10x1000xi32, #tpu.memory_space<vmem>> -> memref<1x1000xi32, #tpu.memory_space<vmem>>
        %dma_wait3A_221 = tpu.memref_squeeze %dma_wait3A_220 : memref<1x1000xi32, #tpu.memory_space<vmem>> -> memref<1000xi32, #tpu.memory_space<vmem>>
        %dma_wait3A_222 = arith.constant 0 : i32
        %dma_wait3A_223 = arith.constant 0 : i32
        %dma_wait3A_224 = tpu.memref_slice %arg9[%dma_wait3A_222, %dma_wait3A_223] : memref<10112x16xf32, #tpu.memory_space<vmem_shared>> -> memref<10112x16xf32, #tpu.memory_space<vmem_shared>>
        tpu.wait_indirect_dma semaphore(%run_scoped3A_204 : memref<!tpu.dma_semaphore, #tpu.memory_space<semaphore_mem>>) src(%dma_wait3A_218 : memref<1000x16xf32, #tpu.memory_space<vmem>>) dst(%dma_wait3A_224 : memref<10112x16xf32, #tpu.memory_space<vmem_shared>>)
        tpu.yield
      }) : () -> ()
      %add3A_92 = arith.constant 5 : i32
      %add3A_93 = arith.addi %add3A_76, %add3A_92 : i32
      %lt3A = arith.constant 10 : i32
      %lt3A_94 = arith.cmpi slt, %add3A_93, %lt3A : i32
      %convert_element_type3A = arith.extui %lt3A_94 : i1 to i32
      %cond3A = arith.constant 0 : i32
      %cond3A_95 = arith.cmpi ne, %convert_element_type3A, %cond3A : i32
      scf.if %cond3A_95 {
        %dma_start3A_204 = arith.constant 0 : i32
        %dma_start3A_205 = arith.constant 0 : i32
        %dma_start3A_206 = arith.constant 0 : i32
        %dma_start3A_207 = tpu.memref_slice %arg8[%dma_start3A_204, %dma_start3A_205, %dma_start3A_206] : memref<5x1000x16xf32, #tpu.memory_space<vmem>> -> memref<1x1000x16xf32, #tpu.memory_space<vmem>>
        %dma_start3A_208 = tpu.memref_squeeze %dma_start3A_207 : memref<1x1000x16xf32, #tpu.memory_space<vmem>> -> memref<1000x16xf32, #tpu.memory_space<vmem>>
        %dma_start3A_209 = arith.constant 0 : i32
        %dma_start3A_210 = tpu.memref_slice %arg6[%add3A_93, %dma_start3A_209] : memref<10x1000xi32, #tpu.memory_space<vmem>> -> memref<1x1000xi32, #tpu.memory_space<vmem>>
        %dma_start3A_211 = tpu.memref_squeeze %dma_start3A_210 : memref<1x1000xi32, #tpu.memory_space<vmem>> -> memref<1000xi32, #tpu.memory_space<vmem>>
        %dma_start3A_212 = arith.constant 0 : i32
        %dma_start3A_213 = arith.constant 0 : i32
        %dma_start3A_214 = tpu.memref_slice %arg2[%dma_start3A_212, %dma_start3A_213] : memref<10000x16xf32, #tpu.memory_space<hbm>> -> memref<10000x16xf32, #tpu.memory_space<hbm>>
        tpu.enqueue_indirect_dma source(%dma_start3A_214 : memref<10000x16xf32, #tpu.memory_space<hbm>>) target(%dma_start3A_208 : memref<1000x16xf32, #tpu.memory_space<vmem>>) offsets(%dma_start3A_211 : memref<1000xi32, #tpu.memory_space<vmem>>) semaphore(%arg10 : memref<!tpu.dma_semaphore, #tpu.memory_space<semaphore_mem>>)
      } else {
      }
      %mul3A_96 = arith.constant 5 : i32
      %mul3A_97 = arith.muli %scan3A_73, %mul3A_96 : i32
      %add3A_98 = arith.constant 1 : i32
      %add3A_99 = arith.addi %mul3A_97, %add3A_98 : i32
      %dma_wait3A_100 = arith.constant 1 : i32
      %dma_wait3A_101 = arith.constant 0 : i32
      %dma_wait3A_102 = arith.constant 0 : i32
      %dma_wait3A_103 = tpu.memref_slice %arg8[%dma_wait3A_100, %dma_wait3A_101, %dma_wait3A_102] : memref<5x1000x16xf32, #tpu.memory_space<vmem>> -> memref<1x1000x16xf32, #tpu.memory_space<vmem>>
      %dma_wait3A_104 = tpu.memref_squeeze %dma_wait3A_103 : memref<1x1000x16xf32, #tpu.memory_space<vmem>> -> memref<1000x16xf32, #tpu.memory_space<vmem>>
      %dma_wait3A_105 = arith.constant 0 : i32
      %dma_wait3A_106 = arith.constant 0 : i32
      %dma_wait3A_107 = tpu.memref_slice %arg2[%dma_wait3A_105, %dma_wait3A_106] : memref<10000x16xf32, #tpu.memory_space<hbm>> -> memref<1000x16xf32, #tpu.memory_space<hbm>>
      %dma_wait3A_108 = arith.constant 0 : i32
      %dma_wait3A_109 = arith.constant 0 : i32
      %dma_wait3A_110 = tpu.memref_slice %arg8[%dma_wait3A_100, %dma_wait3A_108, %dma_wait3A_109] : memref<5x1000x16xf32, #tpu.memory_space<vmem>> -> memref<1x1000x16xf32, #tpu.memory_space<vmem>>
      %dma_wait3A_111 = tpu.memref_squeeze %dma_wait3A_110 : memref<1x1000x16xf32, #tpu.memory_space<vmem>> -> memref<1000x16xf32, #tpu.memory_space<vmem>>
      %dma_wait3A_112 = arith.constant 0 : i32
      %dma_wait3A_113 = arith.constant 0 : i32
      %dma_wait3A_114 = tpu.memref_slice %arg2[%dma_wait3A_112, %dma_wait3A_113] : memref<10000x16xf32, #tpu.memory_space<hbm>> -> memref<1000x16xf32, #tpu.memory_space<hbm>>
      tpu.wait_dma2 semaphore(%arg11 : memref<!tpu.dma_semaphore, #tpu.memory_space<semaphore_mem>>) src(%dma_wait3A_114 : memref<1000x16xf32, #tpu.memory_space<hbm>>) dst(%dma_wait3A_111 : memref<1000x16xf32, #tpu.memory_space<vmem>>)
      %run_scoped3A_115 = arith.constant 1 : i32
      "tpu.region"() ({
        %run_scoped3A_204 = tpu.sem_alloc : memref<!tpu.dma_semaphore, #tpu.memory_space<semaphore_mem>>
        %dma_start3A_205 = arith.constant 0 : i32
        %dma_start3A_206 = arith.constant 0 : i32
        %dma_start3A_207 = tpu.memref_slice %arg8[%run_scoped3A_115, %dma_start3A_205, %dma_start3A_206] : memref<5x1000x16xf32, #tpu.memory_space<vmem>> -> memref<1x1000x16xf32, #tpu.memory_space<vmem>>
        %dma_start3A_208 = tpu.memref_squeeze %dma_start3A_207 : memref<1x1000x16xf32, #tpu.memory_space<vmem>> -> memref<1000x16xf32, #tpu.memory_space<vmem>>
        %dma_start3A_209 = arith.constant 0 : i32
        %dma_start3A_210 = tpu.memref_slice %arg7[%add3A_99, %dma_start3A_209] : memref<10x1000xi32, #tpu.memory_space<vmem>> -> memref<1x1000xi32, #tpu.memory_space<vmem>>
        %dma_start3A_211 = tpu.memref_squeeze %dma_start3A_210 : memref<1x1000xi32, #tpu.memory_space<vmem>> -> memref<1000xi32, #tpu.memory_space<vmem>>
        %dma_start3A_212 = arith.constant 0 : i32
        %dma_start3A_213 = arith.constant 0 : i32
        %dma_start3A_214 = tpu.memref_slice %arg9[%dma_start3A_212, %dma_start3A_213] : memref<10112x16xf32, #tpu.memory_space<vmem_shared>> -> memref<10112x16xf32, #tpu.memory_space<vmem_shared>>
        tpu.enqueue_indirect_dma source(%dma_start3A_208 : memref<1000x16xf32, #tpu.memory_space<vmem>>) target(%dma_start3A_214 : memref<10112x16xf32, #tpu.memory_space<vmem_shared>>) offsets(%dma_start3A_211 : memref<1000xi32, #tpu.memory_space<vmem>>) semaphore(%run_scoped3A_204 : memref<!tpu.dma_semaphore, #tpu.memory_space<semaphore_mem>>) {add = true}
        %dma_wait3A_215 = arith.constant 0 : i32
        %dma_wait3A_216 = arith.constant 0 : i32
        %dma_wait3A_217 = tpu.memref_slice %arg8[%run_scoped3A_115, %dma_wait3A_215, %dma_wait3A_216] : memref<5x1000x16xf32, #tpu.memory_space<vmem>> -> memref<1x1000x16xf32, #tpu.memory_space<vmem>>
        %dma_wait3A_218 = tpu.memref_squeeze %dma_wait3A_217 : memref<1x1000x16xf32, #tpu.memory_space<vmem>> -> memref<1000x16xf32, #tpu.memory_space<vmem>>
        %dma_wait3A_219 = arith.constant 0 : i32
        %dma_wait3A_220 = tpu.memref_slice %arg7[%add3A_99, %dma_wait3A_219] : memref<10x1000xi32, #tpu.memory_space<vmem>> -> memref<1x1000xi32, #tpu.memory_space<vmem>>
        %dma_wait3A_221 = tpu.memref_squeeze %dma_wait3A_220 : memref<1x1000xi32, #tpu.memory_space<vmem>> -> memref<1000xi32, #tpu.memory_space<vmem>>
        %dma_wait3A_222 = arith.constant 0 : i32
        %dma_wait3A_223 = arith.constant 0 : i32
        %dma_wait3A_224 = tpu.memref_slice %arg9[%dma_wait3A_222, %dma_wait3A_223] : memref<10112x16xf32, #tpu.memory_space<vmem_shared>> -> memref<10112x16xf32, #tpu.memory_space<vmem_shared>>
        tpu.wait_indirect_dma semaphore(%run_scoped3A_204 : memref<!tpu.dma_semaphore, #tpu.memory_space<semaphore_mem>>) src(%dma_wait3A_218 : memref<1000x16xf32, #tpu.memory_space<vmem>>) dst(%dma_wait3A_224 : memref<10112x16xf32, #tpu.memory_space<vmem_shared>>)
        tpu.yield
      }) : () -> ()
      %add3A_116 = arith.constant 5 : i32
      %add3A_117 = arith.addi %add3A_99, %add3A_116 : i32
      %lt3A_118 = arith.constant 10 : i32
      %lt3A_119 = arith.cmpi slt, %add3A_117, %lt3A_118 : i32
      %convert_element_type3A_120 = arith.extui %lt3A_119 : i1 to i32
      %cond3A_121 = arith.constant 0 : i32
      %cond3A_122 = arith.cmpi ne, %convert_element_type3A_120, %cond3A_121 : i32
      scf.if %cond3A_122 {
        %dma_start3A_204 = arith.constant 1 : i32
        %dma_start3A_205 = arith.constant 0 : i32
        %dma_start3A_206 = arith.constant 0 : i32
        %dma_start3A_207 = tpu.memref_slice %arg8[%dma_start3A_204, %dma_start3A_205, %dma_start3A_206] : memref<5x1000x16xf32, #tpu.memory_space<vmem>> -> memref<1x1000x16xf32, #tpu.memory_space<vmem>>
        %dma_start3A_208 = tpu.memref_squeeze %dma_start3A_207 : memref<1x1000x16xf32, #tpu.memory_space<vmem>> -> memref<1000x16xf32, #tpu.memory_space<vmem>>
        %dma_start3A_209 = arith.constant 0 : i32
        %dma_start3A_210 = tpu.memref_slice %arg6[%add3A_117, %dma_start3A_209] : memref<10x1000xi32, #tpu.memory_space<vmem>> -> memref<1x1000xi32, #tpu.memory_space<vmem>>
        %dma_start3A_211 = tpu.memref_squeeze %dma_start3A_210 : memref<1x1000xi32, #tpu.memory_space<vmem>> -> memref<1000xi32, #tpu.memory_space<vmem>>
        %dma_start3A_212 = arith.constant 0 : i32
        %dma_start3A_213 = arith.constant 0 : i32
        %dma_start3A_214 = tpu.memref_slice %arg2[%dma_start3A_212, %dma_start3A_213] : memref<10000x16xf32, #tpu.memory_space<hbm>> -> memref<10000x16xf32, #tpu.memory_space<hbm>>
        tpu.enqueue_indirect_dma source(%dma_start3A_214 : memref<10000x16xf32, #tpu.memory_space<hbm>>) target(%dma_start3A_208 : memref<1000x16xf32, #tpu.memory_space<vmem>>) offsets(%dma_start3A_211 : memref<1000xi32, #tpu.memory_space<vmem>>) semaphore(%arg11 : memref<!tpu.dma_semaphore, #tpu.memory_space<semaphore_mem>>)
      } else {
      }
      %mul3A_123 = arith.constant 5 : i32
      %mul3A_124 = arith.muli %scan3A_73, %mul3A_123 : i32
      %add3A_125 = arith.constant 2 : i32
      %add3A_126 = arith.addi %mul3A_124, %add3A_125 : i32
      %dma_wait3A_127 = arith.constant 2 : i32
      %dma_wait3A_128 = arith.constant 0 : i32
      %dma_wait3A_129 = arith.constant 0 : i32
      %dma_wait3A_130 = tpu.memref_slice %arg8[%dma_wait3A_127, %dma_wait3A_128, %dma_wait3A_129] : memref<5x1000x16xf32, #tpu.memory_space<vmem>> -> memref<1x1000x16xf32, #tpu.memory_space<vmem>>
      %dma_wait3A_131 = tpu.memref_squeeze %dma_wait3A_130 : memref<1x1000x16xf32, #tpu.memory_space<vmem>> -> memref<1000x16xf32, #tpu.memory_space<vmem>>
      %dma_wait3A_132 = arith.constant 0 : i32
      %dma_wait3A_133 = arith.constant 0 : i32
      %dma_wait3A_134 = tpu.memref_slice %arg2[%dma_wait3A_132, %dma_wait3A_133] : memref<10000x16xf32, #tpu.memory_space<hbm>> -> memref<1000x16xf32, #tpu.memory_space<hbm>>
      %dma_wait3A_135 = arith.constant 0 : i32
      %dma_wait3A_136 = arith.constant 0 : i32
      %dma_wait3A_137 = tpu.memref_slice %arg8[%dma_wait3A_127, %dma_wait3A_135, %dma_wait3A_136] : memref<5x1000x16xf32, #tpu.memory_space<vmem>> -> memref<1x1000x16xf32, #tpu.memory_space<vmem>>
      %dma_wait3A_138 = tpu.memref_squeeze %dma_wait3A_137 : memref<1x1000x16xf32, #tpu.memory_space<vmem>> -> memref<1000x16xf32, #tpu.memory_space<vmem>>
      %dma_wait3A_139 = arith.constant 0 : i32
      %dma_wait3A_140 = arith.constant 0 : i32
      %dma_wait3A_141 = tpu.memref_slice %arg2[%dma_wait3A_139, %dma_wait3A_140] : memref<10000x16xf32, #tpu.memory_space<hbm>> -> memref<1000x16xf32, #tpu.memory_space<hbm>>
      tpu.wait_dma2 semaphore(%arg12 : memref<!tpu.dma_semaphore, #tpu.memory_space<semaphore_mem>>) src(%dma_wait3A_141 : memref<1000x16xf32, #tpu.memory_space<hbm>>) dst(%dma_wait3A_138 : memref<1000x16xf32, #tpu.memory_space<vmem>>)
      %run_scoped3A_142 = arith.constant 2 : i32
      "tpu.region"() ({
        %run_scoped3A_204 = tpu.sem_alloc : memref<!tpu.dma_semaphore, #tpu.memory_space<semaphore_mem>>
        %dma_start3A_205 = arith.constant 0 : i32
        %dma_start3A_206 = arith.constant 0 : i32
        %dma_start3A_207 = tpu.memref_slice %arg8[%run_scoped3A_142, %dma_start3A_205, %dma_start3A_206] : memref<5x1000x16xf32, #tpu.memory_space<vmem>> -> memref<1x1000x16xf32, #tpu.memory_space<vmem>>
        %dma_start3A_208 = tpu.memref_squeeze %dma_start3A_207 : memref<1x1000x16xf32, #tpu.memory_space<vmem>> -> memref<1000x16xf32, #tpu.memory_space<vmem>>
        %dma_start3A_209 = arith.constant 0 : i32
        %dma_start3A_210 = tpu.memref_slice %arg7[%add3A_126, %dma_start3A_209] : memref<10x1000xi32, #tpu.memory_space<vmem>> -> memref<1x1000xi32, #tpu.memory_space<vmem>>
        %dma_start3A_211 = tpu.memref_squeeze %dma_start3A_210 : memref<1x1000xi32, #tpu.memory_space<vmem>> -> memref<1000xi32, #tpu.memory_space<vmem>>
        %dma_start3A_212 = arith.constant 0 : i32
        %dma_start3A_213 = arith.constant 0 : i32
        %dma_start3A_214 = tpu.memref_slice %arg9[%dma_start3A_212, %dma_start3A_213] : memref<10112x16xf32, #tpu.memory_space<vmem_shared>> -> memref<10112x16xf32, #tpu.memory_space<vmem_shared>>
        tpu.enqueue_indirect_dma source(%dma_start3A_208 : memref<1000x16xf32, #tpu.memory_space<vmem>>) target(%dma_start3A_214 : memref<10112x16xf32, #tpu.memory_space<vmem_shared>>) offsets(%dma_start3A_211 : memref<1000xi32, #tpu.memory_space<vmem>>) semaphore(%run_scoped3A_204 : memref<!tpu.dma_semaphore, #tpu.memory_space<semaphore_mem>>) {add = true}
        %dma_wait3A_215 = arith.constant 0 : i32
        %dma_wait3A_216 = arith.constant 0 : i32
        %dma_wait3A_217 = tpu.memref_slice %arg8[%run_scoped3A_142, %dma_wait3A_215, %dma_wait3A_216] : memref<5x1000x16xf32, #tpu.memory_space<vmem>> -> memref<1x1000x16xf32, #tpu.memory_space<vmem>>
        %dma_wait3A_218 = tpu.memref_squeeze %dma_wait3A_217 : memref<1x1000x16xf32, #tpu.memory_space<vmem>> -> memref<1000x16xf32, #tpu.memory_space<vmem>>
        %dma_wait3A_219 = arith.constant 0 : i32
        %dma_wait3A_220 = tpu.memref_slice %arg7[%add3A_126, %dma_wait3A_219] : memref<10x1000xi32, #tpu.memory_space<vmem>> -> memref<1x1000xi32, #tpu.memory_space<vmem>>
        %dma_wait3A_221 = tpu.memref_squeeze %dma_wait3A_220 : memref<1x1000xi32, #tpu.memory_space<vmem>> -> memref<1000xi32, #tpu.memory_space<vmem>>
        %dma_wait3A_222 = arith.constant 0 : i32
        %dma_wait3A_223 = arith.constant 0 : i32
        %dma_wait3A_224 = tpu.memref_slice %arg9[%dma_wait3A_222, %dma_wait3A_223] : memref<10112x16xf32, #tpu.memory_space<vmem_shared>> -> memref<10112x16xf32, #tpu.memory_space<vmem_shared>>
        tpu.wait_indirect_dma semaphore(%run_scoped3A_204 : memref<!tpu.dma_semaphore, #tpu.memory_space<semaphore_mem>>) src(%dma_wait3A_218 : memref<1000x16xf32, #tpu.memory_space<vmem>>) dst(%dma_wait3A_224 : memref<10112x16xf32, #tpu.memory_space<vmem_shared>>)
        tpu.yield
      }) : () -> ()
      %add3A_143 = arith.constant 5 : i32
      %add3A_144 = arith.addi %add3A_126, %add3A_143 : i32
      %lt3A_145 = arith.constant 10 : i32
      %lt3A_146 = arith.cmpi slt, %add3A_144, %lt3A_145 : i32
      %convert_element_type3A_147 = arith.extui %lt3A_146 : i1 to i32
      %cond3A_148 = arith.constant 0 : i32
      %cond3A_149 = arith.cmpi ne, %convert_element_type3A_147, %cond3A_148 : i32
      scf.if %cond3A_149 {
        %dma_start3A_204 = arith.constant 2 : i32
        %dma_start3A_205 = arith.constant 0 : i32
        %dma_start3A_206 = arith.constant 0 : i32
        %dma_start3A_207 = tpu.memref_slice %arg8[%dma_start3A_204, %dma_start3A_205, %dma_start3A_206] : memref<5x1000x16xf32, #tpu.memory_space<vmem>> -> memref<1x1000x16xf32, #tpu.memory_space<vmem>>
        %dma_start3A_208 = tpu.memref_squeeze %dma_start3A_207 : memref<1x1000x16xf32, #tpu.memory_space<vmem>> -> memref<1000x16xf32, #tpu.memory_space<vmem>>
        %dma_start3A_209 = arith.constant 0 : i32
        %dma_start3A_210 = tpu.memref_slice %arg6[%add3A_144, %dma_start3A_209] : memref<10x1000xi32, #tpu.memory_space<vmem>> -> memref<1x1000xi32, #tpu.memory_space<vmem>>
        %dma_start3A_211 = tpu.memref_squeeze %dma_start3A_210 : memref<1x1000xi32, #tpu.memory_space<vmem>> -> memref<1000xi32, #tpu.memory_space<vmem>>
        %dma_start3A_212 = arith.constant 0 : i32
        %dma_start3A_213 = arith.constant 0 : i32
        %dma_start3A_214 = tpu.memref_slice %arg2[%dma_start3A_212, %dma_start3A_213] : memref<10000x16xf32, #tpu.memory_space<hbm>> -> memref<10000x16xf32, #tpu.memory_space<hbm>>
        tpu.enqueue_indirect_dma source(%dma_start3A_214 : memref<10000x16xf32, #tpu.memory_space<hbm>>) target(%dma_start3A_208 : memref<1000x16xf32, #tpu.memory_space<vmem>>) offsets(%dma_start3A_211 : memref<1000xi32, #tpu.memory_space<vmem>>) semaphore(%arg12 : memref<!tpu.dma_semaphore, #tpu.memory_space<semaphore_mem>>)
      } else {
      }
      %mul3A_150 = arith.constant 5 : i32
      %mul3A_151 = arith.muli %scan3A_73, %mul3A_150 : i32
      %add3A_152 = arith.constant 3 : i32
      %add3A_153 = arith.addi %mul3A_151, %add3A_152 : i32
      %dma_wait3A_154 = arith.constant 3 : i32
      %dma_wait3A_155 = arith.constant 0 : i32
      %dma_wait3A_156 = arith.constant 0 : i32
      %dma_wait3A_157 = tpu.memref_slice %arg8[%dma_wait3A_154, %dma_wait3A_155, %dma_wait3A_156] : memref<5x1000x16xf32, #tpu.memory_space<vmem>> -> memref<1x1000x16xf32, #tpu.memory_space<vmem>>
      %dma_wait3A_158 = tpu.memref_squeeze %dma_wait3A_157 : memref<1x1000x16xf32, #tpu.memory_space<vmem>> -> memref<1000x16xf32, #tpu.memory_space<vmem>>
      %dma_wait3A_159 = arith.constant 0 : i32
      %dma_wait3A_160 = arith.constant 0 : i32
      %dma_wait3A_161 = tpu.memref_slice %arg2[%dma_wait3A_159, %dma_wait3A_160] : memref<10000x16xf32, #tpu.memory_space<hbm>> -> memref<1000x16xf32, #tpu.memory_space<hbm>>
      %dma_wait3A_162 = arith.constant 0 : i32
      %dma_wait3A_163 = arith.constant 0 : i32
      %dma_wait3A_164 = tpu.memref_slice %arg8[%dma_wait3A_154, %dma_wait3A_162, %dma_wait3A_163] : memref<5x1000x16xf32, #tpu.memory_space<vmem>> -> memref<1x1000x16xf32, #tpu.memory_space<vmem>>
      %dma_wait3A_165 = tpu.memref_squeeze %dma_wait3A_164 : memref<1x1000x16xf32, #tpu.memory_space<vmem>> -> memref<1000x16xf32, #tpu.memory_space<vmem>>
      %dma_wait3A_166 = arith.constant 0 : i32
      %dma_wait3A_167 = arith.constant 0 : i32
      %dma_wait3A_168 = tpu.memref_slice %arg2[%dma_wait3A_166, %dma_wait3A_167] : memref<10000x16xf32, #tpu.memory_space<hbm>> -> memref<1000x16xf32, #tpu.memory_space<hbm>>
      tpu.wait_dma2 semaphore(%arg13 : memref<!tpu.dma_semaphore, #tpu.memory_space<semaphore_mem>>) src(%dma_wait3A_168 : memref<1000x16xf32, #tpu.memory_space<hbm>>) dst(%dma_wait3A_165 : memref<1000x16xf32, #tpu.memory_space<vmem>>)
      %run_scoped3A_169 = arith.constant 3 : i32
      "tpu.region"() ({
        %run_scoped3A_204 = tpu.sem_alloc : memref<!tpu.dma_semaphore, #tpu.memory_space<semaphore_mem>>
        %dma_start3A_205 = arith.constant 0 : i32
        %dma_start3A_206 = arith.constant 0 : i32
        %dma_start3A_207 = tpu.memref_slice %arg8[%run_scoped3A_169, %dma_start3A_205, %dma_start3A_206] : memref<5x1000x16xf32, #tpu.memory_space<vmem>> -> memref<1x1000x16xf32, #tpu.memory_space<vmem>>
        %dma_start3A_208 = tpu.memref_squeeze %dma_start3A_207 : memref<1x1000x16xf32, #tpu.memory_space<vmem>> -> memref<1000x16xf32, #tpu.memory_space<vmem>>
        %dma_start3A_209 = arith.constant 0 : i32
        %dma_start3A_210 = tpu.memref_slice %arg7[%add3A_153, %dma_start3A_209] : memref<10x1000xi32, #tpu.memory_space<vmem>> -> memref<1x1000xi32, #tpu.memory_space<vmem>>
        %dma_start3A_211 = tpu.memref_squeeze %dma_start3A_210 : memref<1x1000xi32, #tpu.memory_space<vmem>> -> memref<1000xi32, #tpu.memory_space<vmem>>
        %dma_start3A_212 = arith.constant 0 : i32
        %dma_start3A_213 = arith.constant 0 : i32
        %dma_start3A_214 = tpu.memref_slice %arg9[%dma_start3A_212, %dma_start3A_213] : memref<10112x16xf32, #tpu.memory_space<vmem_shared>> -> memref<10112x16xf32, #tpu.memory_space<vmem_shared>>
        tpu.enqueue_indirect_dma source(%dma_start3A_208 : memref<1000x16xf32, #tpu.memory_space<vmem>>) target(%dma_start3A_214 : memref<10112x16xf32, #tpu.memory_space<vmem_shared>>) offsets(%dma_start3A_211 : memref<1000xi32, #tpu.memory_space<vmem>>) semaphore(%run_scoped3A_204 : memref<!tpu.dma_semaphore, #tpu.memory_space<semaphore_mem>>) {add = true}
        %dma_wait3A_215 = arith.constant 0 : i32
        %dma_wait3A_216 = arith.constant 0 : i32
        %dma_wait3A_217 = tpu.memref_slice %arg8[%run_scoped3A_169, %dma_wait3A_215, %dma_wait3A_216] : memref<5x1000x16xf32, #tpu.memory_space<vmem>> -> memref<1x1000x16xf32, #tpu.memory_space<vmem>>
        %dma_wait3A_218 = tpu.memref_squeeze %dma_wait3A_217 : memref<1x1000x16xf32, #tpu.memory_space<vmem>> -> memref<1000x16xf32, #tpu.memory_space<vmem>>
        %dma_wait3A_219 = arith.constant 0 : i32
        %dma_wait3A_220 = tpu.memref_slice %arg7[%add3A_153, %dma_wait3A_219] : memref<10x1000xi32, #tpu.memory_space<vmem>> -> memref<1x1000xi32, #tpu.memory_space<vmem>>
        %dma_wait3A_221 = tpu.memref_squeeze %dma_wait3A_220 : memref<1x1000xi32, #tpu.memory_space<vmem>> -> memref<1000xi32, #tpu.memory_space<vmem>>
        %dma_wait3A_222 = arith.constant 0 : i32
        %dma_wait3A_223 = arith.constant 0 : i32
        %dma_wait3A_224 = tpu.memref_slice %arg9[%dma_wait3A_222, %dma_wait3A_223] : memref<10112x16xf32, #tpu.memory_space<vmem_shared>> -> memref<10112x16xf32, #tpu.memory_space<vmem_shared>>
        tpu.wait_indirect_dma semaphore(%run_scoped3A_204 : memref<!tpu.dma_semaphore, #tpu.memory_space<semaphore_mem>>) src(%dma_wait3A_218 : memref<1000x16xf32, #tpu.memory_space<vmem>>) dst(%dma_wait3A_224 : memref<10112x16xf32, #tpu.memory_space<vmem_shared>>)
        tpu.yield
      }) : () -> ()
      %add3A_170 = arith.constant 5 : i32
      %add3A_171 = arith.addi %add3A_153, %add3A_170 : i32
      %lt3A_172 = arith.constant 10 : i32
      %lt3A_173 = arith.cmpi slt, %add3A_171, %lt3A_172 : i32
      %convert_element_type3A_174 = arith.extui %lt3A_173 : i1 to i32
      %cond3A_175 = arith.constant 0 : i32
      %cond3A_176 = arith.cmpi ne, %convert_element_type3A_174, %cond3A_175 : i32
      scf.if %cond3A_176 {
        %dma_start3A_204 = arith.constant 3 : i32
        %dma_start3A_205 = arith.constant 0 : i32
        %dma_start3A_206 = arith.constant 0 : i32
        %dma_start3A_207 = tpu.memref_slice %arg8[%dma_start3A_204, %dma_start3A_205, %dma_start3A_206] : memref<5x1000x16xf32, #tpu.memory_space<vmem>> -> memref<1x1000x16xf32, #tpu.memory_space<vmem>>
        %dma_start3A_208 = tpu.memref_squeeze %dma_start3A_207 : memref<1x1000x16xf32, #tpu.memory_space<vmem>> -> memref<1000x16xf32, #tpu.memory_space<vmem>>
        %dma_start3A_209 = arith.constant 0 : i32
        %dma_start3A_210 = tpu.memref_slice %arg6[%add3A_171, %dma_start3A_209] : memref<10x1000xi32, #tpu.memory_space<vmem>> -> memref<1x1000xi32, #tpu.memory_space<vmem>>
        %dma_start3A_211 = tpu.memref_squeeze %dma_start3A_210 : memref<1x1000xi32, #tpu.memory_space<vmem>> -> memref<1000xi32, #tpu.memory_space<vmem>>
        %dma_start3A_212 = arith.constant 0 : i32
        %dma_start3A_213 = arith.constant 0 : i32
        %dma_start3A_214 = tpu.memref_slice %arg2[%dma_start3A_212, %dma_start3A_213] : memref<10000x16xf32, #tpu.memory_space<hbm>> -> memref<10000x16xf32, #tpu.memory_space<hbm>>
        tpu.enqueue_indirect_dma source(%dma_start3A_214 : memref<10000x16xf32, #tpu.memory_space<hbm>>) target(%dma_start3A_208 : memref<1000x16xf32, #tpu.memory_space<vmem>>) offsets(%dma_start3A_211 : memref<1000xi32, #tpu.memory_space<vmem>>) semaphore(%arg13 : memref<!tpu.dma_semaphore, #tpu.memory_space<semaphore_mem>>)
      } else {
      }
      %mul3A_177 = arith.constant 5 : i32
      %mul3A_178 = arith.muli %scan3A_73, %mul3A_177 : i32
      %add3A_179 = arith.constant 4 : i32
      %add3A_180 = arith.addi %mul3A_178, %add3A_179 : i32
      %dma_wait3A_181 = arith.constant 4 : i32
      %dma_wait3A_182 = arith.constant 0 : i32
      %dma_wait3A_183 = arith.constant 0 : i32
      %dma_wait3A_184 = tpu.memref_slice %arg8[%dma_wait3A_181, %dma_wait3A_182, %dma_wait3A_183] : memref<5x1000x16xf32, #tpu.memory_space<vmem>> -> memref<1x1000x16xf32, #tpu.memory_space<vmem>>
      %dma_wait3A_185 = tpu.memref_squeeze %dma_wait3A_184 : memref<1x1000x16xf32, #tpu.memory_space<vmem>> -> memref<1000x16xf32, #tpu.memory_space<vmem>>
      %dma_wait3A_186 = arith.constant 0 : i32
      %dma_wait3A_187 = arith.constant 0 : i32
      %dma_wait3A_188 = tpu.memref_slice %arg2[%dma_wait3A_186, %dma_wait3A_187] : memref<10000x16xf32, #tpu.memory_space<hbm>> -> memref<1000x16xf32, #tpu.memory_space<hbm>>
      %dma_wait3A_189 = arith.constant 0 : i32
      %dma_wait3A_190 = arith.constant 0 : i32
      %dma_wait3A_191 = tpu.memref_slice %arg8[%dma_wait3A_181, %dma_wait3A_189, %dma_wait3A_190] : memref<5x1000x16xf32, #tpu.memory_space<vmem>> -> memref<1x1000x16xf32, #tpu.memory_space<vmem>>
      %dma_wait3A_192 = tpu.memref_squeeze %dma_wait3A_191 : memref<1x1000x16xf32, #tpu.memory_space<vmem>> -> memref<1000x16xf32, #tpu.memory_space<vmem>>
      %dma_wait3A_193 = arith.constant 0 : i32
      %dma_wait3A_194 = arith.constant 0 : i32
      %dma_wait3A_195 = tpu.memref_slice %arg2[%dma_wait3A_193, %dma_wait3A_194] : memref<10000x16xf32, #tpu.memory_space<hbm>> -> memref<1000x16xf32, #tpu.memory_space<hbm>>
      tpu.wait_dma2 semaphore(%arg14 : memref<!tpu.dma_semaphore, #tpu.memory_space<semaphore_mem>>) src(%dma_wait3A_195 : memref<1000x16xf32, #tpu.memory_space<hbm>>) dst(%dma_wait3A_192 : memref<1000x16xf32, #tpu.memory_space<vmem>>)
      %run_scoped3A_196 = arith.constant 4 : i32
      "tpu.region"() ({
        %run_scoped3A_204 = tpu.sem_alloc : memref<!tpu.dma_semaphore, #tpu.memory_space<semaphore_mem>>
        %dma_start3A_205 = arith.constant 0 : i32
        %dma_start3A_206 = arith.constant 0 : i32
        %dma_start3A_207 = tpu.memref_slice %arg8[%run_scoped3A_196, %dma_start3A_205, %dma_start3A_206] : memref<5x1000x16xf32, #tpu.memory_space<vmem>> -> memref<1x1000x16xf32, #tpu.memory_space<vmem>>
        %dma_start3A_208 = tpu.memref_squeeze %dma_start3A_207 : memref<1x1000x16xf32, #tpu.memory_space<vmem>> -> memref<1000x16xf32, #tpu.memory_space<vmem>>
        %dma_start3A_209 = arith.constant 0 : i32
        %dma_start3A_210 = tpu.memref_slice %arg7[%add3A_180, %dma_start3A_209] : memref<10x1000xi32, #tpu.memory_space<vmem>> -> memref<1x1000xi32, #tpu.memory_space<vmem>>
        %dma_start3A_211 = tpu.memref_squeeze %dma_start3A_210 : memref<1x1000xi32, #tpu.memory_space<vmem>> -> memref<1000xi32, #tpu.memory_space<vmem>>
        %dma_start3A_212 = arith.constant 0 : i32
        %dma_start3A_213 = arith.constant 0 : i32
        %dma_start3A_214 = tpu.memref_slice %arg9[%dma_start3A_212, %dma_start3A_213] : memref<10112x16xf32, #tpu.memory_space<vmem_shared>> -> memref<10112x16xf32, #tpu.memory_space<vmem_shared>>
        tpu.enqueue_indirect_dma source(%dma_start3A_208 : memref<1000x16xf32, #tpu.memory_space<vmem>>) target(%dma_start3A_214 : memref<10112x16xf32, #tpu.memory_space<vmem_shared>>) offsets(%dma_start3A_211 : memref<1000xi32, #tpu.memory_space<vmem>>) semaphore(%run_scoped3A_204 : memref<!tpu.dma_semaphore, #tpu.memory_space<semaphore_mem>>) {add = true}
        %dma_wait3A_215 = arith.constant 0 : i32
        %dma_wait3A_216 = arith.constant 0 : i32
        %dma_wait3A_217 = tpu.memref_slice %arg8[%run_scoped3A_196, %dma_wait3A_215, %dma_wait3A_216] : memref<5x1000x16xf32, #tpu.memory_space<vmem>> -> memref<1x1000x16xf32, #tpu.memory_space<vmem>>
        %dma_wait3A_218 = tpu.memref_squeeze %dma_wait3A_217 : memref<1x1000x16xf32, #tpu.memory_space<vmem>> -> memref<1000x16xf32, #tpu.memory_space<vmem>>
        %dma_wait3A_219 = arith.constant 0 : i32
        %dma_wait3A_220 = tpu.memref_slice %arg7[%add3A_180, %dma_wait3A_219] : memref<10x1000xi32, #tpu.memory_space<vmem>> -> memref<1x1000xi32, #tpu.memory_space<vmem>>
        %dma_wait3A_221 = tpu.memref_squeeze %dma_wait3A_220 : memref<1x1000xi32, #tpu.memory_space<vmem>> -> memref<1000xi32, #tpu.memory_space<vmem>>
        %dma_wait3A_222 = arith.constant 0 : i32
        %dma_wait3A_223 = arith.constant 0 : i32
        %dma_wait3A_224 = tpu.memref_slice %arg9[%dma_wait3A_222, %dma_wait3A_223] : memref<10112x16xf32, #tpu.memory_space<vmem_shared>> -> memref<10112x16xf32, #tpu.memory_space<vmem_shared>>
        tpu.wait_indirect_dma semaphore(%run_scoped3A_204 : memref<!tpu.dma_semaphore, #tpu.memory_space<semaphore_mem>>) src(%dma_wait3A_218 : memref<1000x16xf32, #tpu.memory_space<vmem>>) dst(%dma_wait3A_224 : memref<10112x16xf32, #tpu.memory_space<vmem_shared>>)
        tpu.yield
      }) : () -> ()
      %add3A_197 = arith.constant 5 : i32
      %add3A_198 = arith.addi %add3A_180, %add3A_197 : i32
      %lt3A_199 = arith.constant 10 : i32
      %lt3A_200 = arith.cmpi slt, %add3A_198, %lt3A_199 : i32
      %convert_element_type3A_201 = arith.extui %lt3A_200 : i1 to i32
      %cond3A_202 = arith.constant 0 : i32
      %cond3A_203 = arith.cmpi ne, %convert_element_type3A_201, %cond3A_202 : i32
      scf.if %cond3A_203 {
        %dma_start3A_204 = arith.constant 4 : i32
        %dma_start3A_205 = arith.constant 0 : i32
        %dma_start3A_206 = arith.constant 0 : i32
        %dma_start3A_207 = tpu.memref_slice %arg8[%dma_start3A_204, %dma_start3A_205, %dma_start3A_206] : memref<5x1000x16xf32, #tpu.memory_space<vmem>> -> memref<1x1000x16xf32, #tpu.memory_space<vmem>>
        %dma_start3A_208 = tpu.memref_squeeze %dma_start3A_207 : memref<1x1000x16xf32, #tpu.memory_space<vmem>> -> memref<1000x16xf32, #tpu.memory_space<vmem>>
        %dma_start3A_209 = arith.constant 0 : i32
        %dma_start3A_210 = tpu.memref_slice %arg6[%add3A_198, %dma_start3A_209] : memref<10x1000xi32, #tpu.memory_space<vmem>> -> memref<1x1000xi32, #tpu.memory_space<vmem>>
        %dma_start3A_211 = tpu.memref_squeeze %dma_start3A_210 : memref<1x1000xi32, #tpu.memory_space<vmem>> -> memref<1000xi32, #tpu.memory_space<vmem>>
        %dma_start3A_212 = arith.constant 0 : i32
        %dma_start3A_213 = arith.constant 0 : i32
        %dma_start3A_214 = tpu.memref_slice %arg2[%dma_start3A_212, %dma_start3A_213] : memref<10000x16xf32, #tpu.memory_space<hbm>> -> memref<10000x16xf32, #tpu.memory_space<hbm>>
        tpu.enqueue_indirect_dma source(%dma_start3A_214 : memref<10000x16xf32, #tpu.memory_space<hbm>>) target(%dma_start3A_208 : memref<1000x16xf32, #tpu.memory_space<vmem>>) offsets(%dma_start3A_211 : memref<1000xi32, #tpu.memory_space<vmem>>) semaphore(%arg14 : memref<!tpu.dma_semaphore, #tpu.memory_space<semaphore_mem>>)
      } else {
      }
    }
    %scan3A_67 = arith.constant 2 : i32
    %barrier3A_68 = arith.constant 0 : index
    tpu.barrier barrier_id(%barrier3A_68)
    %mul3A_69 = arith.constant 632 : i32
    %mul3A_70 = arith.muli %arg1, %mul3A_69 : i32
    %mul3A_71 = arith.constant 632 : i32
    %mul3A_72 = arith.muli %arg1, %mul3A_71 : i32
    "tpu.region"() ({
      %run_scoped3A_73 = tpu.sem_alloc : memref<!tpu.dma_semaphore, #tpu.memory_space<semaphore_mem>>
      %dma_start3A_74 = arith.constant 0 : i32
      %dma_start3A_75 = arith.constant 0 : i32
      %dma_start3A_76 = tpu.memref_slice %arg5[%arg0, %dma_start3A_74, %dma_start3A_75] : memref<2x10112x16xf32, #tpu.memory_space<hbm>> -> memref<1x10112x16xf32, #tpu.memory_space<hbm>>
      %dma_start3A_77 = tpu.memref_squeeze %dma_start3A_76 : memref<1x10112x16xf32, #tpu.memory_space<hbm>> -> memref<10112x16xf32, #tpu.memory_space<hbm>>
      %dma_start3A_78 = arith.constant 0 : i32
      %dma_start3A_79 = tpu.memref_slice %dma_start3A_77[%mul3A_72, %dma_start3A_78] : memref<10112x16xf32, #tpu.memory_space<hbm>> -> memref<632x16xf32, #tpu.memory_space<hbm>>
      %dma_start3A_80 = arith.constant 0 : i32
      %dma_start3A_81 = tpu.memref_slice %arg9[%mul3A_70, %dma_start3A_80] : memref<10112x16xf32, #tpu.memory_space<vmem_shared>> -> memref<632x16xf32, #tpu.memory_space<vmem_shared>>
      tpu.enqueue_dma source(%dma_start3A_81 : memref<632x16xf32, #tpu.memory_space<vmem_shared>>) target(%dma_start3A_79 : memref<632x16xf32, #tpu.memory_space<hbm>>) target_semaphore(%run_scoped3A_73 : memref<!tpu.dma_semaphore, #tpu.memory_space<semaphore_mem>>)
      %dma_wait3A = arith.constant 0 : i32
      %dma_wait3A_82 = arith.constant 0 : i32
      %dma_wait3A_83 = tpu.memref_slice %arg5[%arg0, %dma_wait3A, %dma_wait3A_82] : memref<2x10112x16xf32, #tpu.memory_space<hbm>> -> memref<1x10112x16xf32, #tpu.memory_space<hbm>>
      %dma_wait3A_84 = tpu.memref_squeeze %dma_wait3A_83 : memref<1x10112x16xf32, #tpu.memory_space<hbm>> -> memref<10112x16xf32, #tpu.memory_space<hbm>>
      %dma_wait3A_85 = arith.constant 0 : i32
      %dma_wait3A_86 = tpu.memref_slice %dma_wait3A_84[%mul3A_72, %dma_wait3A_85] : memref<10112x16xf32, #tpu.memory_space<hbm>> -> memref<632x16xf32, #tpu.memory_space<hbm>>
      %dma_wait3A_87 = arith.constant 0 : i32
      %dma_wait3A_88 = tpu.memref_slice %arg9[%mul3A_70, %dma_wait3A_87] : memref<10112x16xf32, #tpu.memory_space<vmem_shared>> -> memref<632x16xf32, #tpu.memory_space<vmem_shared>>
      tpu.wait_dma2 semaphore(%run_scoped3A_73 : memref<!tpu.dma_semaphore, #tpu.memory_space<semaphore_mem>>) src(%dma_wait3A_88 : memref<632x16xf32, #tpu.memory_space<vmem_shared>>) dst(%dma_wait3A_86 : memref<632x16xf32, #tpu.memory_space<hbm>>)
      tpu.yield
    }) : () -> ()
    return
  }
}

module attributes {stable_mosaic.version = 14 : i64} {
  func.func @_mm_body(%arg0: memref<1250x1024xf32, #tpu.memory_space<vmem>>, %arg1: memref<1024x128xf32, #tpu.memory_space<vmem>>, %arg2: memref<1250x128xf32, #tpu.memory_space<vmem>>) attributes {dimension_semantics = [], scalar_prefetch = 0 : i64, scratch_operands = 0 : i64, tpu.core_type = #tpu.core_type<tc>} {
    %get3A = arith.constant 0 : index
    %get3A_0 = arith.constant 0 : index
    %get3A_1 = vector.load %arg0[%get3A, %get3A_0] : memref<1250x1024xf32, #tpu.memory_space<vmem>>, vector<1250x1024xf32>
    %get3A_2 = arith.constant 0 : index
    %get3A_3 = arith.constant 0 : index
    %get3A_4 = vector.load %arg1[%get3A_2, %get3A_3] : memref<1024x128xf32, #tpu.memory_space<vmem>>, vector<1024x128xf32>
    %dot_general3A = arith.constant dense<0.000000e+00> : vector<1250x128xf32>
    %dot_general3A_5 = tpu.matmul %get3A_1, %get3A_4, %dot_general3A {dimension_numbers = #tpu.dot_dimension_numbers<[1], [0], [0], [1], [0, 0, 1, 1], [], []>, transpose_lhs_hint = false} : vector<1250x1024xf32>, vector<1024x128xf32>, vector<1250x128xf32> -> vector<1250x128xf32>
    %swap3A = arith.constant 0 : index
    %swap3A_6 = arith.constant 0 : index
    %swap3A_7 = vector.load %arg2[%swap3A, %swap3A_6] : memref<1250x128xf32, #tpu.memory_space<vmem>>, vector<1250x128xf32>
    tpu.vector_store %arg2[%swap3A, %swap3A_6], %dot_general3A_5 {strides = array<i32>} : memref<1250x128xf32, #tpu.memory_space<vmem>>, vector<1250x128xf32>,
    return
  }
}

module attributes {stable_mosaic.version = 14 : i64} {
  func.func @_tc0_body(%arg0: memref<1250x128xf32, #tpu.memory_space<vmem>>, %arg1: memref<2x1264x128xf32, #tpu.memory_space<vmem>>, %arg2: memref<1264x128xf32, #tpu.memory_space<vmem>>, %arg3: memref<1250x128xf32, #tpu.memory_space<vmem>>) attributes {dimension_semantics = [], scalar_prefetch = 0 : i64, scratch_operands = 0 : i64, tpu.core_type = #tpu.core_type<tc>} {
    %get3A = arith.constant 0 : index
    %get3A_0 = arith.constant 0 : index
    %get3A_1 = arith.constant 0 : index
    %get3A_2 = vector.load %arg1[%get3A, %get3A_0, %get3A_1] : memref<2x1264x128xf32, #tpu.memory_space<vmem>>, vector<1x1264x128xf32>
    %get3A_3 = vector.shape_cast %get3A_2 : vector<1x1264x128xf32> to vector<1264x128xf32>
    %get3A_4 = arith.constant 1 : index
    %get3A_5 = arith.constant 0 : index
    %get3A_6 = arith.constant 0 : index
    %get3A_7 = vector.load %arg1[%get3A_4, %get3A_5, %get3A_6] : memref<2x1264x128xf32, #tpu.memory_space<vmem>>, vector<1x1264x128xf32>
    %get3A_8 = vector.shape_cast %get3A_7 : vector<1x1264x128xf32> to vector<1264x128xf32>
    %add3A = arith.addf %get3A_3, %get3A_8 : vector<1264x128xf32>
    %add3A_9 = arith.constant 1.000000e+00 : f32
    %add3A_10 = vector.broadcast %add3A_9 : f32 to vector<1264x128xf32>
    %add3A_11 = arith.addf %add3A, %add3A_10 : vector<1264x128xf32>
    %rsqrt3A = math.rsqrt %add3A_11 : vector<1264x128xf32>
    %swap3A = arith.constant 0 : index
    %swap3A_12 = arith.constant 0 : index
    %swap3A_13 = vector.load %arg2[%swap3A, %swap3A_12] : memref<1264x128xf32, #tpu.memory_space<vmem>>, vector<1264x128xf32>
    tpu.vector_store %arg2[%swap3A, %swap3A_12], %rsqrt3A {strides = array<i32>} : memref<1264x128xf32, #tpu.memory_space<vmem>>, vector<1264x128xf32>,
    %slice3A = vector.extract_strided_slice %rsqrt3A {offsets = [0, 0], sizes = [1250, 128], strides = [1, 1]} : vector<1264x128xf32> to vector<1250x128xf32>
    %get3A_14 = arith.constant 0 : index
    %get3A_15 = arith.constant 0 : index
    %get3A_16 = vector.load %arg0[%get3A_14, %get3A_15] : memref<1250x128xf32, #tpu.memory_space<vmem>>, vector<1250x128xf32>
    %mul3A = arith.mulf %slice3A, %get3A_16 : vector<1250x128xf32>
    %swap3A_17 = arith.constant 0 : index
    %swap3A_18 = arith.constant 0 : index
    %swap3A_19 = vector.load %arg3[%swap3A_17, %swap3A_18] : memref<1250x128xf32, #tpu.memory_space<vmem>>, vector<1250x128xf32>
    tpu.vector_store %arg3[%swap3A_17, %swap3A_18], %mul3A {strides = array<i32>} : memref<1250x128xf32, #tpu.memory_space<vmem>>, vector<1250x128xf32>,
    return
  }
}

module attributes {stable_mosaic.version = 14 : i64} {
  func.func @_mid_body(%arg0: memref<1264x128xf32, #tpu.memory_space<vmem>>, %arg1: memref<2x1264x128xf32, #tpu.memory_space<vmem>>, %arg2: memref<1250x128xf32, #tpu.memory_space<vmem>>, %arg3: memref<1x128xf32, #tpu.memory_space<vmem>>, %arg4: memref<128x128xf32, #tpu.memory_space<vmem>>, %arg5: memref<1250x128xf32, #tpu.memory_space<vmem>>) attributes {dimension_semantics = [], scalar_prefetch = 0 : i64, scratch_operands = 0 : i64, tpu.core_type = #tpu.core_type<tc>} {
    %get3A = arith.constant 0 : index
    %get3A_0 = arith.constant 0 : index
    %get3A_1 = vector.load %arg0[%get3A, %get3A_0] : memref<1264x128xf32, #tpu.memory_space<vmem>>, vector<1264x128xf32>
    %slice3A = vector.extract_strided_slice %get3A_1 {offsets = [0, 0], sizes = [1250, 128], strides = [1, 1]} : vector<1264x128xf32> to vector<1250x128xf32>
    %get3A_2 = arith.constant 0 : index
    %get3A_3 = arith.constant 0 : index
    %get3A_4 = arith.constant 0 : index
    %get3A_5 = vector.load %arg1[%get3A_2, %get3A_3, %get3A_4] : memref<2x1264x128xf32, #tpu.memory_space<vmem>>, vector<1x1264x128xf32>
    %get3A_6 = vector.shape_cast %get3A_5 : vector<1x1264x128xf32> to vector<1264x128xf32>
    %slice3A_7 = vector.extract_strided_slice %get3A_6 {offsets = [0, 0], sizes = [1250, 128], strides = [1, 1]} : vector<1264x128xf32> to vector<1250x128xf32>
    %get3A_8 = arith.constant 1 : index
    %get3A_9 = arith.constant 0 : index
    %get3A_10 = arith.constant 0 : index
    %get3A_11 = vector.load %arg1[%get3A_8, %get3A_9, %get3A_10] : memref<2x1264x128xf32, #tpu.memory_space<vmem>>, vector<1x1264x128xf32>
    %get3A_12 = vector.shape_cast %get3A_11 : vector<1x1264x128xf32> to vector<1264x128xf32>
    %slice3A_13 = vector.extract_strided_slice %get3A_12 {offsets = [0, 0], sizes = [1250, 128], strides = [1, 1]} : vector<1264x128xf32> to vector<1250x128xf32>
    %add3A = arith.addf %slice3A_7, %slice3A_13 : vector<1250x128xf32>
    %get3A_14 = arith.constant 0 : index
    %get3A_15 = arith.constant 0 : index
    %get3A_16 = vector.load %arg2[%get3A_14, %get3A_15] : memref<1250x128xf32, #tpu.memory_space<vmem>>, vector<1250x128xf32>
    %add3A_17 = arith.addf %add3A, %get3A_16 : vector<1250x128xf32>
    %mul3A = arith.mulf %slice3A, %add3A_17 : vector<1250x128xf32>
    %get3A_18 = arith.constant 0 : index
    %get3A_19 = arith.constant 0 : index
    %get3A_20 = vector.load %arg3[%get3A_18, %get3A_19] : memref<1x128xf32, #tpu.memory_space<vmem>>, vector<1x128xf32>
    %add3A_21 = vector.broadcast %get3A_20 : vector<1x128xf32> to vector<1250x128xf32>
    %add3A_22 = arith.addf %mul3A, %add3A_21 : vector<1250x128xf32>
    %custom_jvp_call3A = arith.constant 0.000000e+00 : f32
    %max3A = vector.broadcast %custom_jvp_call3A : f32 to vector<1250x128xf32>
    %max3A_23 = arith.maximumf %add3A_22, %max3A : vector<1250x128xf32>
    %sub3A = vector.broadcast %custom_jvp_call3A : f32 to vector<1250x128xf32>
    %sub3A_24 = arith.subf %add3A_22, %sub3A : vector<1250x128xf32>
    %ne3A = arith.cmpf one, %sub3A_24, %sub3A_24 : vector<1250x128xf32>
    %add3A_25 = vector.broadcast %custom_jvp_call3A : f32 to vector<1250x128xf32>
    %add3A_26 = arith.addf %add3A_22, %add3A_25 : vector<1250x128xf32>
    %abs3A = math.absf %sub3A_24 : vector<1250x128xf32>
    %neg3A = arith.constant 0.000000e+00 : f32
    %neg3A_27 = vector.broadcast %neg3A : f32 to vector<1250x128xf32>
    %neg3A_28 = arith.subf %neg3A_27, %abs3A : vector<1250x128xf32>
    %exp3A = math.exp %neg3A_28 : vector<1250x128xf32>
    %log1p3A = math.log1p %exp3A : vector<1250x128xf32>
    %add3A_29 = arith.addf %max3A_23, %log1p3A : vector<1250x128xf32>
    %select_n3A = arith.select %ne3A, %add3A_26, %add3A_29 : vector<1250x128xi1>, vector<1250x128xf32>
    %tanh3A = math.tanh %select_n3A : vector<1250x128xf32>
    %mul3A_30 = arith.mulf %add3A_22, %tanh3A : vector<1250x128xf32>
    %mul3A_31 = arith.mulf %slice3A, %mul3A_30 : vector<1250x128xf32>
    %get3A_32 = arith.constant 0 : index
    %get3A_33 = arith.constant 0 : index
    %get3A_34 = vector.load %arg4[%get3A_32, %get3A_33] : memref<128x128xf32, #tpu.memory_space<vmem>>, vector<128x128xf32>
    %dot_general3A = arith.constant dense<0.000000e+00> : vector<1250x128xf32>
    %dot_general3A_35 = tpu.matmul %mul3A_31, %get3A_34, %dot_general3A {dimension_numbers = #tpu.dot_dimension_numbers<[1], [0], [0], [1], [0, 0, 1, 1], [], []>, transpose_lhs_hint = false} : vector<1250x128xf32>, vector<128x128xf32>, vector<1250x128xf32> -> vector<1250x128xf32>
    %swap3A = arith.constant 0 : index
    %swap3A_36 = arith.constant 0 : index
    %swap3A_37 = vector.load %arg5[%swap3A, %swap3A_36] : memref<1250x128xf32, #tpu.memory_space<vmem>>, vector<1250x128xf32>
    tpu.vector_store %arg5[%swap3A, %swap3A_36], %dot_general3A_35 {strides = array<i32>} : memref<1250x128xf32, #tpu.memory_space<vmem>>, vector<1250x128xf32>,
    return
  }
}

module attributes {stable_mosaic.version = 14 : i64} {
  func.func @_fin_body(%arg0: memref<1264x128xf32, #tpu.memory_space<vmem>>, %arg1: memref<2x1264x128xf32, #tpu.memory_space<vmem>>, %arg2: memref<1250x128xf32, #tpu.memory_space<vmem>>, %arg3: memref<1x128xf32, #tpu.memory_space<vmem>>, %arg4: memref<128x128xf32, #tpu.memory_space<vmem>>, %arg5: memref<1250x128xf32, #tpu.memory_space<vmem>>) attributes {dimension_semantics = [], scalar_prefetch = 0 : i64, scratch_operands = 0 : i64, tpu.core_type = #tpu.core_type<tc>} {
    %get3A = arith.constant 0 : index
    %get3A_0 = arith.constant 0 : index
    %get3A_1 = vector.load %arg0[%get3A, %get3A_0] : memref<1264x128xf32, #tpu.memory_space<vmem>>, vector<1264x128xf32>
    %slice3A = vector.extract_strided_slice %get3A_1 {offsets = [0, 0], sizes = [1250, 128], strides = [1, 1]} : vector<1264x128xf32> to vector<1250x128xf32>
    %get3A_2 = arith.constant 0 : index
    %get3A_3 = arith.constant 0 : index
    %get3A_4 = arith.constant 0 : index
    %get3A_5 = vector.load %arg1[%get3A_2, %get3A_3, %get3A_4] : memref<2x1264x128xf32, #tpu.memory_space<vmem>>, vector<1x1264x128xf32>
    %get3A_6 = vector.shape_cast %get3A_5 : vector<1x1264x128xf32> to vector<1264x128xf32>
    %slice3A_7 = vector.extract_strided_slice %get3A_6 {offsets = [0, 0], sizes = [1250, 128], strides = [1, 1]} : vector<1264x128xf32> to vector<1250x128xf32>
    %get3A_8 = arith.constant 1 : index
    %get3A_9 = arith.constant 0 : index
    %get3A_10 = arith.constant 0 : index
    %get3A_11 = vector.load %arg1[%get3A_8, %get3A_9, %get3A_10] : memref<2x1264x128xf32, #tpu.memory_space<vmem>>, vector<1x1264x128xf32>
    %get3A_12 = vector.shape_cast %get3A_11 : vector<1x1264x128xf32> to vector<1264x128xf32>
    %slice3A_13 = vector.extract_strided_slice %get3A_12 {offsets = [0, 0], sizes = [1250, 128], strides = [1, 1]} : vector<1264x128xf32> to vector<1250x128xf32>
    %add3A = arith.addf %slice3A_7, %slice3A_13 : vector<1250x128xf32>
    %get3A_14 = arith.constant 0 : index
    %get3A_15 = arith.constant 0 : index
    %get3A_16 = vector.load %arg2[%get3A_14, %get3A_15] : memref<1250x128xf32, #tpu.memory_space<vmem>>, vector<1250x128xf32>
    %add3A_17 = arith.addf %add3A, %get3A_16 : vector<1250x128xf32>
    %mul3A = arith.mulf %slice3A, %add3A_17 : vector<1250x128xf32>
    %get3A_18 = arith.constant 0 : index
    %get3A_19 = arith.constant 0 : index
    %get3A_20 = vector.load %arg3[%get3A_18, %get3A_19] : memref<1x128xf32, #tpu.memory_space<vmem>>, vector<1x128xf32>
    %add3A_21 = vector.broadcast %get3A_20 : vector<1x128xf32> to vector<1250x128xf32>
    %add3A_22 = arith.addf %mul3A, %add3A_21 : vector<1250x128xf32>
    %get3A_23 = arith.constant 0 : index
    %get3A_24 = arith.constant 0 : index
    %get3A_25 = vector.load %arg4[%get3A_23, %get3A_24] : memref<128x128xf32, #tpu.memory_space<vmem>>, vector<128x128xf32>
    %dot_general3A = arith.constant dense<0.000000e+00> : vector<1250x128xf32>
    %dot_general3A_26 = tpu.matmul %add3A_22, %get3A_25, %dot_general3A {dimension_numbers = #tpu.dot_dimension_numbers<[1], [0], [0], [1], [0, 0, 1, 1], [], []>, transpose_lhs_hint = false} : vector<1250x128xf32>, vector<128x128xf32>, vector<1250x128xf32> -> vector<1250x128xf32>
    %max3A = arith.maximumf %add3A_22, %dot_general3A_26 : vector<1250x128xf32>
    %sub3A = arith.subf %add3A_22, %max3A : vector<1250x128xf32>
    %sub3A_27 = arith.subf %add3A_22, %max3A : vector<1250x128xf32>
    %exp3A = math.exp %sub3A_27 : vector<1250x128xf32>
    %sub3A_28 = arith.subf %dot_general3A_26, %max3A : vector<1250x128xf32>
    %exp3A_29 = math.exp %sub3A_28 : vector<1250x128xf32>
    %add3A_30 = arith.addf %exp3A, %exp3A_29 : vector<1250x128xf32>
    %log3A = math.log %add3A_30 : vector<1250x128xf32>
    %sub3A_31 = arith.subf %sub3A, %log3A : vector<1250x128xf32>
    %swap3A = arith.constant 0 : index
    %swap3A_32 = arith.constant 0 : index
    %swap3A_33 = vector.load %arg5[%swap3A, %swap3A_32] : memref<1250x128xf32, #tpu.memory_space<vmem>>, vector<1250x128xf32>
    tpu.vector_store %arg5[%swap3A, %swap3A_32], %sub3A_31 {strides = array<i32>} : memref<1250x128xf32, #tpu.memory_space<vmem>>, vector<1250x128xf32>,
    return
  }
}

</mosaic_0001>

<sc_bundles>
// kernel: kernel.13.cloned.1.call-start
scs
__scs_entry_jumppad:
0x0: {  	(pc) =	sbr.rel $0x88, $3  }
0x1: {  	(tag) =	ssettag $0x0;
	lr =	simm.s32 $0x1  }
0x2: {  	[smem:$0x3F97] =	sst lr;
	_ =	strace $0xD0000000  }
0x3: {  	_ = 	snop  }
0x4: {  	_ = 	snop  }
0x5: {  	_ = 	snop  }
0x6: {  	_ = 	snop  }
0x7: {  	_ = 	snop  }
__scs_overlays_trampoline_lowered:
0x8: {  	[smem:$0x3FA6] =	sst s0  }
0x9: {  	[smem:$0x3FA7] =	sst s1  }
0xa: {  	[smem:$0x3FA8] =	sst s2  }
0xb: {  	[smem:$0x3FA9] =	sst s3  }
0xc: {  	[smem:$0x3FAA] =	sst s4  }
0xd: {  	[smem:$0x3FAB] =	sst s5  }
0xe: {  	[smem:$0x3FAC] =	sst s6  }
0xf: {  	[smem:$0x3FAD] =	sst s7  }
0x10: {  	[smem:$0x3FAE] =	sst s8  }
0x11: {  	[smem:$0x3FAF] =	sst s9;
	s0 =	simm.s32 @!p0 $0x0  }
0x12: {  	s1 =	sld [smem:$0x3F95];
	s0 =	simm.s32 @p0 $0x1  }
0x13: {  	[smem:$0x3FB0] =	sst s0;
	s0 =	simm.s32 @!p1 $0x0  }
0x14: {  	s2 =	sld [smem:$0x3F94];
	s0 =	simm.s32 @p1 $0x1  }
0x15: {  	[smem:$0x3FB1] =	sst s0;
	s0 =	simm.s32 @!p2 $0x0  }
0x16: {  	s3 =	sld [smem:$0x3FDB];
	s0 =	simm.s32 @p2 $0x1  }
0x17: {  	s4 =	simm.s32 $0x1BF5;
	[smem:$0x3FB3] =	sst s0  }
0x18: {  	s0 =	sld [smem:$0x3F96];
	_ =	swait.ge [sflag:s4], $0x0  }
0x19: {  	s7 =	sld [smem:$0x3F97]  }
0x1a: {  	s8 =	sadd.s32 $0xFFFFE003, lr  }
0x1b: {  	s9 =	sadd.s32 $0xFFFFFEF7, lr;
	s5 =	simm.s32 $0xFFFFFFFF;
	p2 =	slt.u32 s8, $0xFFFFF086  }
0x1c: {  	p1 =	slt.u32 s9, $0xF7A;
	s5 =	simm.s32 @!p2 $0x0  }
0x1d: {  	s5 =	simm.s32 @p1 $0x1;
	p0 =	seq.s32 s7, s2  }
0x1e: {  	s7 =	smul.u32 @!p0 $0xF7A, s2;
	p2 =	seq.s32 @!p0 s5, $0x0  }
0x1f: {  	s9 =	smul.u32 $0xF7A, s1;
	s8 =	simm.s32 @!p0 $0x1BF5;
	p2 =	por !p2, p0  }
0x20: {  	[sflag:s8] =	ssyncset.s32 @!p0 $0xFFFFF086;
	s6 =	sadd.s32 @!p0 s3, s7;
	s7 =	simm.s32 @!p0 $0x108  }
0x21: {  	s3 =	sadd.s32 s3, s9;
	s6 =	sadd.s32 @!p0 $0x88, s6;
	s7 =	simm.s32 @p2 $0x1082  }
0x22: {  	[simem:s7], [sflag:s8] =	dma.local @!p0 [hbm:s6], $0xF7A  }
0x23: {  	s9 =	sor.u32 $0xD0000000, s2;
	s6 =	simm.s32 $0x108;
	_ =	swait.ge @!p0 [sflag:s8], $0x0  }
0x24: {  	s3 =	sadd.s32 $0x88, s3;
	s6 =	simm.s32 @!p1 $0x1082;
	[sflag:s4] =	ssyncset.s32 $0xFFFFF086  }
0x25: {  	[simem:s6], [sflag:s4] =	dma.local [hbm:s3], $0xF7A  }
0x26: {  	[smem:$0x3F97] =	sst s1;
	(tag) =	ssettag s2;
	_ =	strace s9  }
0x27: {  	s1 =	sld [smem:$0x3FA7]  }
0x28: {  	s2 =	sld [smem:$0x3FA8]  }
0x29: {  	s4 =	sld [smem:$0x3FAA]  }
0x2a: {  	p0 =	seq.s32 s5, $0x0;
	s5 =	sld [smem:$0x3FAB]  }
0x2b: {  	s6 =	sld [smem:$0x3FAC]  }
0x2c: {  	s7 =	sld [smem:$0x3FAD]  }
0x2d: {  	s3 =	simm.s32 $0x108;
	s8 =	sld [smem:$0x3FAE]  }
0x2e: {  	s3 =	simm.s32 @!p0 $0x1082;
	s9 =	sld [smem:$0x3FAF]  }
0x2f: {  	lr =	sadd.s32 s0, s3;
	s0 =	sld [smem:$0x3FA6]  }
0x30: {  	s3 =	sld [smem:$0x3FA9]  }
0x31: {  	[smem:$0x3FB2] =	sst s10  }
0x32: {  	s10 =	sld [smem:$0x3FB0];
	_ =	sdelay $0x3  }
0x33: {  	p0 =	seq.s32 s10, $0x1;
	s10 =	sld [smem:$0x3FB2];
	_ =	sdelay $0x3  }
0x34: {  	[smem:$0x3FB2] =	sst s10  }
0x35: {  	s10 =	sld [smem:$0x3FB1];
	_ =	sdelay $0x3  }
0x36: {  	p1 =	seq.s32 s10, $0x1;
	s10 =	sld [smem:$0x3FB2];
	_ =	sdelay $0x3  }
0x37: {  	[smem:$0x3FB2] =	sst s10  }
0x38: {  	s10 =	sld [smem:$0x3FB3]  }
0x39: {  	_ = 	snop;
	(pc) =	sbr.ind lr, $3  }
0x3a: {  	_ = 	snop  }
0x3b: {  	_ = 	snop  }
0x3c: {  	p2 =	seq.s32 s10, $0x1;
	s10 =	sld [smem:$0x3FB2]  }
0x3d: {  	_ =	shalt  }
0x3e: {  	_ =	shalt  }
0x3f: {  	_ =	shalt  }
0x40: {  	_ =	shalt  }
0x41: {  	_ =	shalt  }
0x42: {  	_ =	shalt  }
0x43: {  	_ =	shalt  }
0x44: {  	_ =	shalt  }
0x45: {  	_ =	shalt  }
0x46: {  	_ =	shalt  }
0x47: {  	_ =	shalt  }
0x48: {  	_ =	shalt  }
0x49: {  	_ =	shalt  }
0x4a: {  	_ =	shalt  }
0x4b: {  	_ =	shalt  }
0x4c: {  	_ =	shalt  }
0x4d: {  	_ =	shalt  }
0x4e: {  	_ =	shalt  }
0x4f: {  	_ =	shalt  }
0x50: {  	_ =	shalt  }
0x51: {  	_ =	shalt  }
0x52: {  	_ =	shalt  }
0x53: {  	_ =	shalt  }
0x54: {  	_ =	shalt  }
0x55: {  	_ =	shalt  }
0x56: {  	_ =	shalt  }
0x57: {  	_ =	shalt  }
0x58: {  	_ =	shalt  }
0x59: {  	_ =	shalt  }
0x5a: {  	_ =	shalt  }
0x5b: {  	_ =	shalt  }
0x5c: {  	_ =	shalt  }
0x5d: {  	_ =	shalt  }
0x5e: {  	_ =	shalt  }
0x5f: {  	_ =	shalt  }
0x60: {  	_ =	shalt  }
0x61: {  	_ =	shalt  }
0x62: {  	_ =	shalt  }
0x63: {  	_ =	shalt  }
0x64: {  	_ =	shalt  }
0x65: {  	_ =	shalt  }
0x66: {  	_ =	shalt  }
0x67: {  	_ =	shalt  }
0x68: {  	_ =	shalt  }
0x69: {  	_ =	shalt  }
0x6a: {  	_ =	shalt  }
0x6b: {  	_ =	shalt  }
0x6c: {  	_ =	shalt  }
0x6d: {  	_ =	shalt  }
0x6e: {  	_ =	shalt  }
0x6f: {  	_ =	shalt  }
0x70: {  	_ =	shalt  }
0x71: {  	_ =	shalt  }
0x72: {  	_ =	shalt  }
0x73: {  	_ =	shalt  }
0x74: {  	_ =	shalt  }
0x75: {  	_ =	shalt  }
0x76: {  	_ =	shalt  }
0x77: {  	_ =	shalt  }
0x78: {  	_ =	shalt  }
0x79: {  	_ =	shalt  }
0x7a: {  	_ =	shalt  }
0x7b: {  	_ =	shalt  }
0x7c: {  	_ =	shalt  }
0x7d: {  	_ =	shalt  }
0x7e: {  	_ =	shalt  }
0x7f: {  	_ =	shalt  }
0x80: {  	_ =	shalt  }
0x81: {  	_ =	shalt  }
0x82: {  	_ =	shalt  }
0x83: {  	_ =	shalt  }
0x84: {  	_ =	shalt  }
0x85: {  	_ =	shalt  }
0x86: {  	_ =	shalt  }
0x87: {  	_ =	shalt  }
.Lfunc_end0:
.L_simem_size_0:
called_computation_lowered:
.L_overlay_start_0:
0x88: {  	s2 =	sld [smem:$0x3FD9]  }
0x89: {  	s3 =	sld [smem:$0x3FFE];
	_ =	sdelay $0x1  }
0x8a: {  	s1 =	srdreg.scid  }
0x8b: {  	s0 =	sand.u32 $0x1, s1  }
0x8c: {  	s17 =	sshll.u32 s0, $0xA;
	s2 =	sadd.s32 s3, s2  }
0x8d: {  	s2 =	sadd.s32 s2, s17  }
0x8e: {  	[smem:$0x3FBE] =	sst s2  }
0x8f: {  	_ = 	snop  }
0x90: {  	s2 =	sld [smem:$0x3FD0];
	(tm) =	ssettm $0x1  }
0x91: {  	s18 =	sld [smem:$0x3FFB];
	_ =	sdelay $0x3  }
0x92: {  	_ =	strace s18  }
0x93: {  	s3 =	sld [smem:$0x3FFC];
	_ =	sdelay $0x3  }
0x94: {  	_ =	strace s3  }
0x95: {  	s3 =	sld [smem:$0x3FFD];
	_ =	sdelay $0x3  }
0x96: {  	_ =	strace s3  }
0x97: {  	_ =	strace $0x8FFFFFFF  }
0x98: {  	s19 =	sld [smem:$0x3FDB];
	_ =	sdelay $0x1  }
0x99: {  	s4 =	simm.s32 $_scs_section_size  }
0x9a: {  	s5 =	simm.s32 $_size__tile_overlayer_lowered;
	s6 =	simm.s32 $_tile_overlayer_lowered  }
0x9b: {  	s22 =	simm.s32 $0x1BFF;
	s21 =	sshll.u32 s6, $0x1;
	s3 =	sadd.s32 s4, s19  }
0x9c: {  	s7 =	simm.s32 $0x0;
	s20 =	sshll.u32 s5, $0x1;
	s5 =	sadd.s32 s21, s3  }
0x9d: {  	[timem:s7], [sflag:s22] =	dma.local [hbm:s5], s20  }
0x9e: {  	_ =	swait.ge [sflag:s22], s20  }
0x9f: {  	s4 =	ssub.s32 $0x0, s20;
	[sflag:s22] =	ssyncset.done $0x0  }
0xa0: {  	[sflag:s22] =	ssyncadd.s32 s4;
	_ =	sdelay $0x1  }
0xa1: {  	s23 =	simm.s32 $0x1B8B  }
0xa2: {  	_ =	swait.ge [sflag:s23], $0x1  }
0xa3: {  	[sflag:s23] =	ssyncset.done $0x0  }
0xa4: {  	s25 =	simm.s32 $0x1B8E;
	s24 =	sld [smem:$0x3FFE];
	[sflag:s23] =	ssyncadd.s32 $0xFFFFFFFF  }
0xa5: {  	s26 =	simm.s32 $execute0_lowered;
	[smem:$0x3FD2] =	sst s25  }
0xa6: {  	s5 =	sshll.u32 s26, $0x1;
	_ =	strace $0x80000046;
	[dreg:$0x1] =	wrdreg $0xFFFFFFFF  }
0xa7: {  	s28 =	simm.s32 $_size_execute0_lowered;
	s3 =	sadd.s32 s3, s5;
	[dreg:$0x0] =	wrdreg $0x0  }
0xa8: {  	s5 =	sshll.u32 s28, $0x1;
	[dreg:$0x2] =	wrdreg s3  }
0xa9: {  	[dreg:$0x3] =	wrdreg s5  }
0xaa: {  	[dreg:$0x4] =	wrdreg $0xC0  }
0xab: {  	_ =	task [dreg:s7], $0x5FFFF  }
0xac: {  	[dreg:$0x1] =	wrdreg $0xFFFFFFFF  }
0xad: {  	[dreg:$0x0] =	wrdreg $0x60  }
0xae: {  	[dreg:$0x2] =	wrdreg s2  }
0xaf: {  	[dreg:$0x3] =	wrdreg s24  }
0xb0: {  	[dreg:$0x4] =	wrdreg $0x65900  }
0xb1: {  	[dreg:$0x5] =	wrdreg $0x9  }
0xb2: {  	_ =	task.clear_ibuf [dreg:s7], $0x6FFFF;
	_ =	strace $0x90000046  }
0xb3: {  	s29 =	simm.s32 $0x9;
	_ =	strace $0x80000048  }
0xb4: {  	_ =	swait.ge [sflag:s29], $0x1  }
0xb5: {  	[sflag:s29] =	ssyncadd.s32 $0xFFFFFFFF  }
0xb6: {  	_ =	strace $0x90000048  }
0xb7: {  	_ =	sfence  }
0xb8: {  	s30 =	sld [smem:$0x0];
	_ =	sdelay $0x2  }
0xb9: {  	s31 =	sshll.u32 s1, $0xD;
	s1 =	sshrl.u32 s1, $0x2  }
0xba: {  	s3 =	sand.u32 $0x4000, s31;
	s1 =	sadd.s32 s1, s30  }
0xbb: {  	s0 =	sor.u32 s3, s0;
	s1 =	sshll.u32 s1, $0x11  }
0xbc: {  	s0 =	sor.u32 s1, s0  }
0xbd: {  	s0 =	sadd.s32 $0x8F2B, s0  }
0xbe: {  	[sflag:s0] =	ssyncadd.remote.s32 $0x1  }
0xbf: {  	_ =	sfence.sel $0xFFFF  }
0xc0: {  	[dreg:$0x0] =	wrdreg $0xFFFFFFFF;
	(pc) =	sbr.abs _section_cstart, $3  }
0xc1: {  	[dreg:$0x1] =	wrdreg $0xFFFFFFFF  }
0xc2: {  	_ =	task.clear_ibuf [dreg:s7], $0x2FFFF;
	_ =	strace $0x9FFFFFFF  }
0xc3: {  	(tm) =	ssettm $0x7FFFFFFF  }
tec
execute0_lowered:
.L_overlay_start_1:
0x0: {  	(tag) =	ssettag $0x1  }
0x1: {  	s2 =	rddreg [dreg:$0x0]  }
0x2: {  	s20 =	rddreg [dreg:$0x1]  }
0x3: {  	s3 =	rddreg [dreg:$0x2]  }
0x4: {  	s0 =	rddreg [dreg:$0x3];
	s1 =	stileid.u32  }
0x5: {  	s6 =	srdreg.scid;
	s5 =	smul.u32 $0x2780, s1  }
0x6: {  	s4 =	simm.s32 $0x0;
	s22 =	sand.u32 $0x1, s6;
	s9 =	smul.u32 $0x2710, s1  }
0x7: {  	[smem:$0x7FF] =	sst s4;
	s8 =	sshll.u32 s1, $0x6;
	s7 =	smul.u32 $0x27100, s22  }
0x8: {  	_ =	strace $0x80000047;
	s6 =	sor.u32 $0x1C01, s8;
	s21 =	sshrl.u32 s5, $0x3  }
0x9: {  	s10 =	sadd.s32 s5, s3;
	s30 =	sadd.s32 s21, s20;
	s9 =	sadd.s32 s7, s9  }
0xa: {  	s8 =	sshrl.u32 s10, $0x3;
	s7 =	simm.s32 $0x1;
	s5 =	sadd.s32 $0x18600, s30  }
0xb: {  	[spmem:s8], [sflag:s6] =	dma.local [hbm:s5], $0x4F0  }
0xc: {  	s9 =	sshrl.u32 s9, $0x3;
	_ =	swait.ge [sflag:s7], $0x4F0  }
0xd: {  	s9 =	sadd.s32 s20, s9;
	[sflag:s7] =	ssyncset.done $0x0  }
0xe: {  	s9 =	sadd.s32 $0xE840, s9;
	[sflag:s7] =	ssyncadd.s32 $0xFFFFFB10  }
0xf: {  	[tilespmem:s4], [sflag:$0x1] =	stream.linear.gather [hbm4b:s9+s4], $0x2710, $0x38;
	[tilespmem:$0x8D10] =	vst v63  }
0x10: {  	_ =	swait.ge [sflag:s7], $0x2710  }
0x11: {  	[sflag:s7] =	ssyncset.done $0x0  }
0x12: {  	[sflag:s7] =	ssyncadd.s32 $0xFFFFD8F0  }
0x13: {  	s10 =	simm.s32 $0x2710;
	[bflag:$0x0] =	sbarrier.arrive $0xFFFF  }
0x14: {  	[tilespmem:s10], [sflag:$0x1] =	stream.linear.gather [hbm4b:s2+s4], $0x3E80, $0x38;
	[tilespmem:$0x8D10] =	vst v63  }
0x15: {  	_ =	swait.ge [sflag:s7], $0x3E80  }
0x16: {  	[sflag:s7] =	ssyncset.done $0x0  }
0x17: {  	s11 =	simm.s32 $0x3E8;
	[sflag:s7] =	ssyncadd.s32 $0xFFFFC180  }
0x18: {  	[spmem:s3] =	stream.indirect.scatter.add.f32 [tilespmem:s10], [sflag:$0x1], $0x10, s4, s11, $0xb8;
	[tilespmem:$0x8D10] =	vst v63  }
0x19: {  	_ =	swait.ge [sflag:s7], $0x3E80  }
0x1a: {  	[sflag:s7] =	ssyncset.done $0x0  }
0x1b: {  	[sflag:s7] =	ssyncadd.s32 $0xFFFFC180  }
0x1c: {  	[spmem:s3] =	stream.indirect.scatter.add.f32 [tilespmem:s10], [sflag:$0x1], $0x10, s11, s11, $0xb8;
	[tilespmem:$0x8D10] =	vst v63  }
0x1d: {  	_ =	swait.ge [sflag:s7], $0x3E80  }
0x1e: {  	[sflag:s7] =	ssyncset.done $0x0  }
0x1f: {  	s12 =	simm.s32 $0x7D0;
	[sflag:s7] =	ssyncadd.s32 $0xFFFFC180  }
0x20: {  	[spmem:s3] =	stream.indirect.scatter.add.f32 [tilespmem:s10], [sflag:$0x1], $0x10, s12, s11, $0xb8;
	[tilespmem:$0x8D10] =	vst v63  }
0x21: {  	_ =	swait.ge [sflag:s7], $0x3E80  }
0x22: {  	[sflag:s7] =	ssyncset.done $0x0  }
0x23: {  	s13 =	simm.s32 $0xBB8;
	[sflag:s7] =	ssyncadd.s32 $0xFFFFC180  }
0x24: {  	[spmem:s3] =	stream.indirect.scatter.add.f32 [tilespmem:s10], [sflag:$0x1], $0x10, s13, s11, $0xb8;
	[tilespmem:$0x8D10] =	vst v63  }
0x25: {  	_ =	swait.ge [sflag:s7], $0x3E80  }
0x26: {  	[sflag:s7] =	ssyncset.done $0x0  }
0x27: {  	s14 =	simm.s32 $0xFA0;
	[sflag:s7] =	ssyncadd.s32 $0xFFFFC180  }
0x28: {  	[spmem:s3] =	stream.indirect.scatter.add.f32 [tilespmem:s10], [sflag:$0x1], $0x10, s14, s11, $0xb8;
	[tilespmem:$0x8D10] =	vst v63  }
0x29: {  	_ =	swait.ge [sflag:s7], $0x3E80  }
0x2a: {  	[sflag:s7] =	ssyncset.done $0x0  }
0x2b: {  	s15 =	simm.s32 $0x1388;
	[sflag:s7] =	ssyncadd.s32 $0xFFFFC180  }
0x2c: {  	[spmem:s3] =	stream.indirect.scatter.add.f32 [tilespmem:s10], [sflag:$0x1], $0x10, s15, s11, $0xb8;
	[tilespmem:$0x8D10] =	vst v63  }
0x2d: {  	_ =	swait.ge [sflag:s7], $0x3E80  }
0x2e: {  	[sflag:s7] =	ssyncset.done $0x0  }
0x2f: {  	s16 =	simm.s32 $0x1770;
	[sflag:s7] =	ssyncadd.s32 $0xFFFFC180  }
0x30: {  	[spmem:s3] =	stream.indirect.scatter.add.f32 [tilespmem:s10], [sflag:$0x1], $0x10, s16, s11, $0xb8;
	[tilespmem:$0x8D10] =	vst v63  }
0x31: {  	_ =	swait.ge [sflag:s7], $0x3E80  }
0x32: {  	[sflag:s7] =	ssyncset.done $0x0  }
0x33: {  	s17 =	simm.s32 $0x1B58;
	[sflag:s7] =	ssyncadd.s32 $0xFFFFC180  }
0x34: {  	[spmem:s3] =	stream.indirect.scatter.add.f32 [tilespmem:s10], [sflag:$0x1], $0x10, s17, s11, $0xb8;
	[tilespmem:$0x8D10] =	vst v63  }
0x35: {  	_ =	swait.ge [sflag:s7], $0x3E80  }
0x36: {  	[sflag:s7] =	ssyncset.done $0x0  }
0x37: {  	s18 =	simm.s32 $0x1F40;
	[sflag:s7] =	ssyncadd.s32 $0xFFFFC180  }
0x38: {  	[spmem:s3] =	stream.indirect.scatter.add.f32 [tilespmem:s10], [sflag:$0x1], $0x10, s18, s11, $0xb8;
	[tilespmem:$0x8D10] =	vst v63  }
0x39: {  	s23 =	smul.u32 $0x4F00, s22;
	s22 =	ssub.s32 $0x2, s22;
	_ =	swait.ge [sflag:s7], $0x3E80  }
0x3a: {  	s31 =	sshrl.u32 s22, $0x1;
	[sflag:s7] =	ssyncset.done $0x0  }
0x3b: {  	s19 =	simm.s32 $0x2328;
	s22 =	ssub.s32 s22, s31;
	[sflag:s7] =	ssyncadd.s32 $0xFFFFC180  }
0x3c: {  	[spmem:s3] =	stream.indirect.scatter.add.f32 [tilespmem:s10], [sflag:$0x1], $0x10, s19, s11, $0xb8;
	[tilespmem:$0x8D10] =	vst v63  }
0x3d: {  	s22 =	smax.u32 s22, $0x1;
	_ =	swait.ge [sflag:s7], $0x3E80  }
0x3e: {  	s20 =	sadd.s32 s23, s20;
	p0 =	sne.s32 s22, $0x1;
	[sflag:s7] =	ssyncset.done $0x0  }
.Ltmp0:
0x3f: {  	s20 =	sadd.s32 $0x1D600, s20;
	[sflag:s7] =	ssyncadd.s32 $0xFFFFC180;
	(pc) =	sbr.rel @!p0 .LBB2_2-.Ltmp0, $4  }
0x40: {  	s20 =	sadd.s32 s21, s20;
	[bflag:$0x0] =	sbarrier.arrive $0xFFFF  }
0x41: {  	[hbm:s20], [sflag:s6] =	dma.local [spmem:s8], $0x4F0  }
0x42: {  	_ =	swait.ge [sflag:s7], $0x4F0  }
0x43: {  	s21 =	sadd.s32 $0xFFFFFFFF, s22;
	[sflag:s7] =	ssyncset.done $0x0  }
.LBB2_1:
0x44: {  	p0 =	sne.s32 s21, $0x1;
	s21 =	sadd.s32 $0xFFFFFFFF, s21;
	[sflag:s7] =	ssyncadd.s32 $0xFFFFFB10  }
0x45: {  	[spmem:s8], [sflag:s6] =	dma.local [hbm:s5], $0x4F0  }
0x46: {  	_ =	swait.ge [sflag:s7], $0x4F0  }
0x47: {  	[sflag:s7] =	ssyncset.done $0x0  }
0x48: {  	[sflag:s7] =	ssyncadd.s32 $0xFFFFFB10  }
0x49: {  	[tilespmem:s4], [sflag:$0x1] =	stream.linear.gather [hbm4b:s9+s4], $0x2710, $0x38;
	[tilespmem:$0x8D10] =	vst v63  }
0x4a: {  	_ =	swait.ge [sflag:s7], $0x2710  }
0x4b: {  	[sflag:s7] =	ssyncset.done $0x0  }
0x4c: {  	[sflag:s7] =	ssyncadd.s32 $0xFFFFD8F0  }
0x4d: {  	[bflag:$0x0] =	sbarrier.arrive $0xFFFF  }
0x4e: {  	[tilespmem:s10], [sflag:$0x1] =	stream.linear.gather [hbm4b:s2+s4], $0x3E80, $0x38;
	[tilespmem:$0x8D10] =	vst v63  }
0x4f: {  	_ =	swait.ge [sflag:s7], $0x3E80  }
0x50: {  	[sflag:s7] =	ssyncset.done $0x0  }
0x51: {  	[sflag:s7] =	ssyncadd.s32 $0xFFFFC180  }
0x52: {  	[spmem:s3] =	stream.indirect.scatter.add.f32 [tilespmem:s10], [sflag:$0x1], $0x10, s4, s11, $0xb8;
	[tilespmem:$0x8D10] =	vst v63  }
0x53: {  	_ =	swait.ge [sflag:s7], $0x3E80  }
0x54: {  	[sflag:s7] =	ssyncset.done $0x0  }
0x55: {  	[sflag:s7] =	ssyncadd.s32 $0xFFFFC180  }
0x56: {  	[spmem:s3] =	stream.indirect.scatter.add.f32 [tilespmem:s10], [sflag:$0x1], $0x10, s11, s11, $0xb8;
	[tilespmem:$0x8D10] =	vst v63  }
0x57: {  	_ =	swait.ge [sflag:s7], $0x3E80  }
0x58: {  	[sflag:s7] =	ssyncset.done $0x0  }
0x59: {  	[sflag:s7] =	ssyncadd.s32 $0xFFFFC180  }
0x5a: {  	[spmem:s3] =	stream.indirect.scatter.add.f32 [tilespmem:s10], [sflag:$0x1], $0x10, s12, s11, $0xb8;
	[tilespmem:$0x8D10] =	vst v63  }
0x5b: {  	_ =	swait.ge [sflag:s7], $0x3E80  }
0x5c: {  	[sflag:s7] =	ssyncset.done $0x0  }
0x5d: {  	[sflag:s7] =	ssyncadd.s32 $0xFFFFC180  }
0x5e: {  	[spmem:s3] =	stream.indirect.scatter.add.f32 [tilespmem:s10], [sflag:$0x1], $0x10, s13, s11, $0xb8;
	[tilespmem:$0x8D10] =	vst v63  }
0x5f: {  	_ =	swait.ge [sflag:s7], $0x3E80  }
0x60: {  	[sflag:s7] =	ssyncset.done $0x0  }
0x61: {  	[sflag:s7] =	ssyncadd.s32 $0xFFFFC180  }
0x62: {  	[spmem:s3] =	stream.indirect.scatter.add.f32 [tilespmem:s10], [sflag:$0x1], $0x10, s14, s11, $0xb8;
	[tilespmem:$0x8D10] =	vst v63  }
0x63: {  	_ =	swait.ge [sflag:s7], $0x3E80  }
0x64: {  	[sflag:s7] =	ssyncset.done $0x0  }
0x65: {  	[sflag:s7] =	ssyncadd.s32 $0xFFFFC180  }
0x66: {  	[spmem:s3] =	stream.indirect.scatter.add.f32 [tilespmem:s10], [sflag:$0x1], $0x10, s15, s11, $0xb8;
	[tilespmem:$0x8D10] =	vst v63  }
0x67: {  	_ =	swait.ge [sflag:s7], $0x3E80  }
0x68: {  	[sflag:s7] =	ssyncset.done $0x0  }
0x69: {  	[sflag:s7] =	ssyncadd.s32 $0xFFFFC180  }
0x6a: {  	[spmem:s3] =	stream.indirect.scatter.add.f32 [tilespmem:s10], [sflag:$0x1], $0x10, s16, s11, $0xb8;
	[tilespmem:$0x8D10] =	vst v63  }
0x6b: {  	_ =	swait.ge [sflag:s7], $0x3E80  }
0x6c: {  	[sflag:s7] =	ssyncset.done $0x0  }
0x6d: {  	[sflag:s7] =	ssyncadd.s32 $0xFFFFC180  }
0x6e: {  	[spmem:s3] =	stream.indirect.scatter.add.f32 [tilespmem:s10], [sflag:$0x1], $0x10, s17, s11, $0xb8;
	[tilespmem:$0x8D10] =	vst v63  }
0x6f: {  	_ =	swait.ge [sflag:s7], $0x3E80  }
0x70: {  	[sflag:s7] =	ssyncset.done $0x0  }
0x71: {  	[sflag:s7] =	ssyncadd.s32 $0xFFFFC180  }
0x72: {  	[spmem:s3] =	stream.indirect.scatter.add.f32 [tilespmem:s10], [sflag:$0x1], $0x10, s18, s11, $0xb8;
	[tilespmem:$0x8D10] =	vst v63  }
0x73: {  	_ =	swait.ge [sflag:s7], $0x3E80  }
0x74: {  	[sflag:s7] =	ssyncset.done $0x0  }
0x75: {  	[sflag:s7] =	ssyncadd.s32 $0xFFFFC180  }
0x76: {  	[spmem:s3] =	stream.indirect.scatter.add.f32 [tilespmem:s10], [sflag:$0x1], $0x10, s19, s11, $0xb8;
	[tilespmem:$0x8D10] =	vst v63  }
0x77: {  	_ =	swait.ge [sflag:s7], $0x3E80  }
0x78: {  	[sflag:s7] =	ssyncset.done $0x0  }
.Ltmp1:
0x79: {  	[sflag:s7] =	ssyncadd.s32 $0xFFFFC180;
	(pc) =	sbr.rel @p0 .LBB2_1-.Ltmp1, $4  }
0x7a: {  	[bflag:$0x0] =	sbarrier.arrive $0xFFFF  }
0x7b: {  	[hbm:s20], [sflag:s6] =	dma.local [spmem:s8], $0x4F0  }
0x7c: {  	_ =	swait.ge [sflag:s7], $0x4F0  }
0x7d: {  	[sflag:s7] =	ssyncset.done $0x0  }
.LBB2_2:
0x7e: {  	[sflag:s7] =	ssyncadd.s32 $0xFFFFFB10  }
0x7f: {  	_ =	sfence.sel $0x180000  }
0x80: {  	[bflag:$0x0] =	sbarrier.arrive $0xFFFF  }
0x81: {  	p0 =	sne.s32 s1, $0x0;
	_ =	strace $0x90000047  }
0x82: {  	s0 =	sadd.s32 @!p0 $0x100000, s0;
	[bflag:$0x2] =	sbarrier.arrive $0xFFFF  }
0x83: {  	[sflag:s0] =	ssyncadd.tile.s32 @!p0 $0x1;
	_ =	shalt  }
.Lfunc_end2:
_tile_overlayer_lowered:
.L_overlay_start_2:
0x84: {  	(tag) =	ssettag $0x2  }
0x85: {  	s0 =	rddreg [dreg:$0x0];
	s2 =	stileid.u32  }
0x86: {  	s1 =	rddreg [dreg:$0x1];
	p0 =	sne.s32 s2, $0x0  }
0x87: {  	s3 =	rddreg [dreg:$0x2];
	[bflag:$0x3] =	sbarrier.arrive $0xFFFF;
	s2 =	simm.s32 @!p0 $0x1C01  }
0x88: {  	[timem:s3], [sflag:s2] =	dma.local @!p0 [hbm:s0], s1  }
0x89: {  	s0 =	simm.s32 @!p0 $0x1  }
0x8a: {  	_ =	swait.ge @!p0 [sflag:s0], s1  }
0x8b: {  	s1 =	ssub.s32 @!p0 $0x0, s1;
	[sflag:s0] =	ssyncset.done @!p0 $0x0  }
0x8c: {  	[sflag:s0] =	ssyncadd.s32 @!p0 s1  }
0x8d: {  	[bflag:$0x3] =	sbarrier.arrive $0xFFFF  }
0x8e: {  	_ =	shalt  }

// kernel: kernel.16.cloned.1.call-start
scs
__scs_entry_jumppad:
0x0: {  	(pc) =	sbr.rel $0x88, $3  }
0x1: {  	(tag) =	ssettag $0x0;
	lr =	simm.s32 $0x1  }
0x2: {  	[smem:$0x3F97] =	sst lr;
	_ =	strace $0xD0000000  }
0x3: {  	_ = 	snop  }
0x4: {  	_ = 	snop  }
0x5: {  	_ = 	snop  }
0x6: {  	_ = 	snop  }
0x7: {  	_ = 	snop  }
__scs_overlays_trampoline_lowered:
0x8: {  	[smem:$0x3FA6] =	sst s0  }
0x9: {  	[smem:$0x3FA7] =	sst s1  }
0xa: {  	[smem:$0x3FA8] =	sst s2  }
0xb: {  	[smem:$0x3FA9] =	sst s3  }
0xc: {  	[smem:$0x3FAA] =	sst s4  }
0xd: {  	[smem:$0x3FAB] =	sst s5  }
0xe: {  	[smem:$0x3FAC] =	sst s6  }
0xf: {  	[smem:$0x3FAD] =	sst s7  }
0x10: {  	[smem:$0x3FAE] =	sst s8  }
0x11: {  	[smem:$0x3FAF] =	sst s9;
	s0 =	simm.s32 @!p0 $0x0  }
0x12: {  	s1 =	sld [smem:$0x3F95];
	s0 =	simm.s32 @p0 $0x1  }
0x13: {  	[smem:$0x3FB0] =	sst s0;
	s0 =	simm.s32 @!p1 $0x0  }
0x14: {  	s2 =	sld [smem:$0x3F94];
	s0 =	simm.s32 @p1 $0x1  }
0x15: {  	[smem:$0x3FB1] =	sst s0;
	s0 =	simm.s32 @!p2 $0x0  }
0x16: {  	s3 =	sld [smem:$0x3FDB];
	s0 =	simm.s32 @p2 $0x1  }
0x17: {  	s4 =	simm.s32 $0x1BF5;
	[smem:$0x3FB3] =	sst s0  }
0x18: {  	s0 =	sld [smem:$0x3F96];
	_ =	swait.ge [sflag:s4], $0x0  }
0x19: {  	s7 =	sld [smem:$0x3F97]  }
0x1a: {  	s8 =	sadd.s32 $0xFFFFE003, lr  }
0x1b: {  	s9 =	sadd.s32 $0xFFFFFEF7, lr;
	s5 =	simm.s32 $0xFFFFFFFF;
	p2 =	slt.u32 s8, $0xFFFFF086  }
0x1c: {  	p1 =	slt.u32 s9, $0xF7A;
	s5 =	simm.s32 @!p2 $0x0  }
0x1d: {  	s5 =	simm.s32 @p1 $0x1;
	p0 =	seq.s32 s7, s2  }
0x1e: {  	s7 =	smul.u32 @!p0 $0xF7A, s2;
	p2 =	seq.s32 @!p0 s5, $0x0  }
0x1f: {  	s9 =	smul.u32 $0xF7A, s1;
	s8 =	simm.s32 @!p0 $0x1BF5;
	p2 =	por !p2, p0  }
0x20: {  	[sflag:s8] =	ssyncset.s32 @!p0 $0xFFFFF086;
	s6 =	sadd.s32 @!p0 s3, s7;
	s7 =	simm.s32 @!p0 $0x108  }
0x21: {  	s3 =	sadd.s32 s3, s9;
	s6 =	sadd.s32 @!p0 $0x88, s6;
	s7 =	simm.s32 @p2 $0x1082  }
0x22: {  	[simem:s7], [sflag:s8] =	dma.local @!p0 [hbm:s6], $0xF7A  }
0x23: {  	s9 =	sor.u32 $0xD0000000, s2;
	s6 =	simm.s32 $0x108;
	_ =	swait.ge @!p0 [sflag:s8], $0x0  }
0x24: {  	s3 =	sadd.s32 $0x88, s3;
	s6 =	simm.s32 @!p1 $0x1082;
	[sflag:s4] =	ssyncset.s32 $0xFFFFF086  }
0x25: {  	[simem:s6], [sflag:s4] =	dma.local [hbm:s3], $0xF7A  }
0x26: {  	[smem:$0x3F97] =	sst s1;
	(tag) =	ssettag s2;
	_ =	strace s9  }
0x27: {  	s1 =	sld [smem:$0x3FA7]  }
0x28: {  	s2 =	sld [smem:$0x3FA8]  }
0x29: {  	s4 =	sld [smem:$0x3FAA]  }
0x2a: {  	p0 =	seq.s32 s5, $0x0;
	s5 =	sld [smem:$0x3FAB]  }
0x2b: {  	s6 =	sld [smem:$0x3FAC]  }
0x2c: {  	s7 =	sld [smem:$0x3FAD]  }
0x2d: {  	s3 =	simm.s32 $0x108;
	s8 =	sld [smem:$0x3FAE]  }
0x2e: {  	s3 =	simm.s32 @!p0 $0x1082;
	s9 =	sld [smem:$0x3FAF]  }
0x2f: {  	lr =	sadd.s32 s0, s3;
	s0 =	sld [smem:$0x3FA6]  }
0x30: {  	s3 =	sld [smem:$0x3FA9]  }
0x31: {  	[smem:$0x3FB2] =	sst s10  }
0x32: {  	s10 =	sld [smem:$0x3FB0];
	_ =	sdelay $0x3  }
0x33: {  	p0 =	seq.s32 s10, $0x1;
	s10 =	sld [smem:$0x3FB2];
	_ =	sdelay $0x3  }
0x34: {  	[smem:$0x3FB2] =	sst s10  }
0x35: {  	s10 =	sld [smem:$0x3FB1];
	_ =	sdelay $0x3  }
0x36: {  	p1 =	seq.s32 s10, $0x1;
	s10 =	sld [smem:$0x3FB2];
	_ =	sdelay $0x3  }
0x37: {  	[smem:$0x3FB2] =	sst s10  }
0x38: {  	s10 =	sld [smem:$0x3FB3]  }
0x39: {  	_ = 	snop;
	(pc) =	sbr.ind lr, $3  }
0x3a: {  	_ = 	snop  }
0x3b: {  	_ = 	snop  }
0x3c: {  	p2 =	seq.s32 s10, $0x1;
	s10 =	sld [smem:$0x3FB2]  }
0x3d: {  	_ =	shalt  }
0x3e: {  	_ =	shalt  }
0x3f: {  	_ =	shalt  }
0x40: {  	_ =	shalt  }
0x41: {  	_ =	shalt  }
0x42: {  	_ =	shalt  }
0x43: {  	_ =	shalt  }
0x44: {  	_ =	shalt  }
0x45: {  	_ =	shalt  }
0x46: {  	_ =	shalt  }
0x47: {  	_ =	shalt  }
0x48: {  	_ =	shalt  }
0x49: {  	_ =	shalt  }
0x4a: {  	_ =	shalt  }
0x4b: {  	_ =	shalt  }
0x4c: {  	_ =	shalt  }
0x4d: {  	_ =	shalt  }
0x4e: {  	_ =	shalt  }
0x4f: {  	_ =	shalt  }
0x50: {  	_ =	shalt  }
0x51: {  	_ =	shalt  }
0x52: {  	_ =	shalt  }
0x53: {  	_ =	shalt  }
0x54: {  	_ =	shalt  }
0x55: {  	_ =	shalt  }
0x56: {  	_ =	shalt  }
0x57: {  	_ =	shalt  }
0x58: {  	_ =	shalt  }
0x59: {  	_ =	shalt  }
0x5a: {  	_ =	shalt  }
0x5b: {  	_ =	shalt  }
0x5c: {  	_ =	shalt  }
0x5d: {  	_ =	shalt  }
0x5e: {  	_ =	shalt  }
0x5f: {  	_ =	shalt  }
0x60: {  	_ =	shalt  }
0x61: {  	_ =	shalt  }
0x62: {  	_ =	shalt  }
0x63: {  	_ =	shalt  }
0x64: {  	_ =	shalt  }
0x65: {  	_ =	shalt  }
0x66: {  	_ =	shalt  }
0x67: {  	_ =	shalt  }
0x68: {  	_ =	shalt  }
0x69: {  	_ =	shalt  }
0x6a: {  	_ =	shalt  }
0x6b: {  	_ =	shalt  }
0x6c: {  	_ =	shalt  }
0x6d: {  	_ =	shalt  }
0x6e: {  	_ =	shalt  }
0x6f: {  	_ =	shalt  }
0x70: {  	_ =	shalt  }
0x71: {  	_ =	shalt  }
0x72: {  	_ =	shalt  }
0x73: {  	_ =	shalt  }
0x74: {  	_ =	shalt  }
0x75: {  	_ =	shalt  }
0x76: {  	_ =	shalt  }
0x77: {  	_ =	shalt  }
0x78: {  	_ =	shalt  }
0x79: {  	_ =	shalt  }
0x7a: {  	_ =	shalt  }
0x7b: {  	_ =	shalt  }
0x7c: {  	_ =	shalt  }
0x7d: {  	_ =	shalt  }
0x7e: {  	_ =	shalt  }
0x7f: {  	_ =	shalt  }
0x80: {  	_ =	shalt  }
0x81: {  	_ =	shalt  }
0x82: {  	_ =	shalt  }
0x83: {  	_ =	shalt  }
0x84: {  	_ =	shalt  }
0x85: {  	_ =	shalt  }
0x86: {  	_ =	shalt  }
0x87: {  	_ =	shalt  }
.Lfunc_end0:
.L_simem_size_0:
called_computation.1_lowered:
.L_overlay_start_0:
0x88: {  	s2 =	sld [smem:$0x3FD9]  }
0x89: {  	s3 =	sld [smem:$0x3FFE];
	_ =	sdelay $0x1  }
0x8a: {  	s1 =	srdreg.scid  }
0x8b: {  	s0 =	sand.u32 $0x1, s1  }
0x8c: {  	s16 =	sshll.u32 s0, $0xA;
	s2 =	sadd.s32 s3, s2  }
0x8d: {  	s2 =	sadd.s32 s2, s16  }
0x8e: {  	[smem:$0x3FBE] =	sst s2  }
0x8f: {  	_ = 	snop  }
0x90: {  	(tm) =	ssettm $0x1  }
0x91: {  	s17 =	sld [smem:$0x3FFB];
	_ =	sdelay $0x3  }
0x92: {  	_ =	strace s17  }
0x93: {  	s2 =	sld [smem:$0x3FFC];
	_ =	sdelay $0x3  }
0x94: {  	_ =	strace s2  }
0x95: {  	s2 =	sld [smem:$0x3FFD];
	_ =	sdelay $0x3  }
0x96: {  	_ =	strace s2  }
0x97: {  	_ =	strace $0x8FFFFFFF  }
0x98: {  	s18 =	sld [smem:$0x3FDB];
	_ =	sdelay $0x1  }
0x99: {  	s19 =	simm.s32 $_scs_section_size  }
0x9a: {  	s4 =	simm.s32 $_size__tile_overlayer_lowered;
	s5 =	simm.s32 $_tile_overlayer_lowered  }
0x9b: {  	s22 =	simm.s32 $0x1BFF;
	s21 =	sshll.u32 s5, $0x1;
	s2 =	sadd.s32 s19, s18  }
0x9c: {  	s6 =	simm.s32 $0x0;
	s20 =	sshll.u32 s4, $0x1;
	s4 =	sadd.s32 s21, s2  }
0x9d: {  	[timem:s6], [sflag:s22] =	dma.local [hbm:s4], s20  }
0x9e: {  	_ =	swait.ge [sflag:s22], s20  }
0x9f: {  	s3 =	ssub.s32 $0x0, s20;
	[sflag:s22] =	ssyncset.done $0x0  }
0xa0: {  	[sflag:s22] =	ssyncadd.s32 s3;
	_ =	sdelay $0x1  }
0xa1: {  	s23 =	simm.s32 $0x1B8B  }
0xa2: {  	_ =	swait.ge [sflag:s23], $0x1  }
0xa3: {  	[sflag:s23] =	ssyncset.done $0x0  }
0xa4: {  	s25 =	simm.s32 $0x1B8E;
	s24 =	sld [smem:$0x3FFE];
	[sflag:s23] =	ssyncadd.s32 $0xFFFFFFFF  }
0xa5: {  	s26 =	simm.s32 $execute0_lowered;
	[smem:$0x3FD2] =	sst s25  }
0xa6: {  	s4 =	sshll.u32 s26, $0x1;
	_ =	strace $0x80000049;
	[dreg:$0x1] =	wrdreg $0xFFFFFFFF  }
0xa7: {  	s28 =	simm.s32 $_size_execute0_lowered;
	s2 =	sadd.s32 s2, s4;
	[dreg:$0x0] =	wrdreg $0x0  }
0xa8: {  	s4 =	sshll.u32 s28, $0x1;
	[dreg:$0x2] =	wrdreg s2  }
0xa9: {  	[dreg:$0x3] =	wrdreg s4  }
0xaa: {  	[dreg:$0x4] =	wrdreg $0xC0  }
0xab: {  	_ =	task [dreg:s6], $0x5FFFF  }
0xac: {  	[dreg:$0x1] =	wrdreg $0xFFFFFFFF  }
0xad: {  	[dreg:$0x0] =	wrdreg $0x60  }
0xae: {  	[dreg:$0x2] =	wrdreg s24  }
0xaf: {  	[dreg:$0x3] =	wrdreg $0x186A00  }
0xb0: {  	[dreg:$0x4] =	wrdreg $0x9  }
0xb1: {  	_ =	task.clear_ibuf [dreg:s6], $0x5FFFF;
	_ =	strace $0x90000049  }
0xb2: {  	s29 =	simm.s32 $0x9;
	_ =	strace $0x8000004B  }
0xb3: {  	_ =	swait.ge [sflag:s29], $0x1  }
0xb4: {  	[sflag:s29] =	ssyncadd.s32 $0xFFFFFFFF  }
0xb5: {  	_ =	strace $0x9000004B  }
0xb6: {  	_ =	sfence  }
0xb7: {  	s30 =	sld [smem:$0x0];
	_ =	sdelay $0x2  }
0xb8: {  	s31 =	sshll.u32 s1, $0xD;
	s1 =	sshrl.u32 s1, $0x2  }
0xb9: {  	s3 =	sand.u32 $0x4000, s31;
	s1 =	sadd.s32 s1, s30  }
0xba: {  	s0 =	sor.u32 s3, s0;
	s1 =	sshll.u32 s1, $0x11  }
0xbb: {  	s0 =	sor.u32 s1, s0  }
0xbc: {  	s0 =	sadd.s32 $0x8F2B, s0  }
0xbd: {  	[sflag:s0] =	ssyncadd.remote.s32 $0x1  }
0xbe: {  	_ =	sfence.sel $0xFFFF  }
0xbf: {  	[dreg:$0x0] =	wrdreg $0xFFFFFFFF;
	(pc) =	sbr.abs _section_cstart, $3  }
0xc0: {  	[dreg:$0x1] =	wrdreg $0xFFFFFFFF  }
0xc1: {  	_ =	task.clear_ibuf [dreg:s6], $0x2FFFF;
	_ =	strace $0x9FFFFFFF  }
0xc2: {  	(tm) =	ssettm $0x7FFFFFFF  }
0xc3: {  	_ =	shalt  }
tec
execute0_lowered:
.L_overlay_start_1:
0x0: {  	(tag) =	ssettag $0x1  }
0x1: {  	s0 =	rddreg [dreg:$0x0]  }
0x2: {  	s1 =	srdreg.scid;
	s2 =	rddreg [dreg:$0x1]  }
0x3: {  	s8 =	stileid.u32;
	s18 =	rddreg [dreg:$0x2]  }
0x4: {  	s22 =	simm.s32 $0x0;
	s30 =	simm.s32 $0x2710;
	s11 =	simm.s32 $0x8CA0  }
0x5: {  	s20 =	simm.s32 $0x7D0;
	s10 =	simm.s32 $0xCB20;
	s21 =	simm.s32 $0xBB8  }
0x6: {  	s9 =	simm.s32 $0x109A0;
	s23 =	simm.s32 $0xFA0;
	s13 =	simm.s32 $0x1388  }
0x7: {  	s24 =	simm.s32 $0x2AF8;
	s25 =	simm.s32 $0x1770;
	s26 =	simm.s32 $0x2EE0  }
0x8: {  	s31 =	simm.s32 $0x32C8;
	s29 =	simm.s32 $0x1F40;
	[smem:$0x7FF] =	sst s22  }
0x9: {  	p0 =	por $0x0, $0x0;
	_ =	strace $0x8000004A;
	[dreg:$0x6] =	wrdreg s20  }
0xa: {  	s28 =	simm.s32 $0x2328;
	s4 =	smul.u32 $0x2710, s8;
	[dreg:$0x7] =	wrdreg s21  }
0xb: {  	s1 =	sand.u32 $0x1, s1;
	s5 =	smul.u32 $0x2780, s8;
	[dreg:$0x8] =	wrdreg s23  }
0xc: {  	s7 =	sadd.s32 $0x1D600, s0;
	s17 =	sshll.u32 s8, $0x6;
	[dreg:$0x9] =	wrdreg s13  }
0xd: {  	s8 =	simm.s32 $0x14820;
	s3 =	smul.u32 $0x27100, s1;
	[dreg:$0xa] =	wrdreg s24  }
0xe: {  	s14 =	smul.u32 $0x4F00, s1;
	s1 =	ssub.s32 $0x2, s1;
	[dreg:$0xb] =	wrdreg s25  }
0xf: {  	[dreg:$0xc] =	wrdreg s26;
	s13 =	simm.s32 $0x5;
	s26 =	simm.s32 $0x36B0  }
0x10: {  	s25 =	simm.s32 $0x3A98;
	s24 =	simm.s32 $0x3E80;
	s23 =	simm.s32 $0x4268  }
0x11: {  	s21 =	simm.s32 $0x4650;
	s20 =	simm.s32 $0x4A38;
	s12 =	sshrl.u32 s5, $0x3  }
0x12: {  	s15 =	sshrl.u32 s1, $0x1;
	s5 =	sadd.s32 s5, s2;
	s3 =	sadd.s32 s4, s3  }
0x13: {  	s6 =	sadd.s32 s12, s0;
	s1 =	ssub.s32 s1, s15;
	s5 =	sshrl.u32 s5, $0x3  }
0x14: {  	s4 =	simm.s32 $0x6;
	s15 =	simm.s32 $0x4;
	s3 =	sshrl.u32 s3, $0x3  }
0x15: {  	s6 =	sadd.s32 $0x18600, s6;
	s1 =	smax.u32 s1, $0x1;
	s3 =	sadd.s32 s3, s0  }
0x16: {  	s0 =	sadd.s32 s14, s0;
	[dreg:$0x3] =	wrdreg s6;
	p1 =	sne.s32 s1, $0x1  }
.Ltmp0:
0x17: {  	s6 =	simm.s32 $0x3E8;
	s14 =	simm.s32 $0x4E20;
	(pc) =	sbr.rel @!p1 .LBB2_1-.Ltmp0, $4  }
0x18: {  	s16 =	sadd.s32 $0x4C00, s3;
	s19 =	sadd.s32 $0xE840, s3;
	s3 =	sor.u32 $0x1C06, s17  }
0x19: {  	s0 =	sadd.s32 $0x22600, s0;
	s17 =	simm.s32 $0x2;
	[dreg:$0x4] =	wrdreg s16  }
0x1a: {  	[dreg:$0x5] =	wrdreg s19;
	s19 =	simm.s32 $0x1;
	s16 =	simm.s32 $0x3  }
0x1b: {  	s12 =	sadd.s32 s12, s0;
	s0 =	sadd.s32 $0xFFFFFFFF, s1;
	s1 =	rddreg [dreg:$0x3]  }
0x1c: {  	[spmem:s5], [sflag:s3] =	dma.local [hbm:s1], $0x4F0  }
0x1d: {  	_ =	swait.ge [sflag:s4], $0x4F0  }
0x1e: {  	[sflag:s4] =	ssyncset.done $0x0  }
0x1f: {  	s18 =	rddreg [dreg:$0x4];
	[sflag:s4] =	ssyncadd.s32 $0xFFFFFB10  }
0x20: {  	[tilespmem:s22], [sflag:$0x6] =	stream.linear.gather [hbm4b:s18+s22], $0x2710, $0x38;
	[tilespmem:$0x1AE20] =	vst v63  }
0x21: {  	_ =	swait.ge [sflag:s4], $0x2710  }
0x22: {  	[sflag:s4] =	ssyncset.done $0x0  }
0x23: {  	s18 =	rddreg [dreg:$0x5];
	[sflag:s4] =	ssyncadd.s32 $0xFFFFD8F0  }
0x24: {  	[tilespmem:s30], [sflag:$0x6] =	stream.linear.gather [hbm4b:s18+s22], $0x2710, $0x38;
	[tilespmem:$0x1AE20] =	vst v63  }
0x25: {  	_ =	swait.ge [sflag:s4], $0x2710  }
0x26: {  	[sflag:s4] =	ssyncset.done $0x0  }
0x27: {  	[sflag:s4] =	ssyncadd.s32 $0xFFFFD8F0  }
0x28: {  	[bflag:$0x0] =	sbarrier.arrive $0xFFFF  }
0x29: {  	[tilespmem:s14], [sflag:$0x1] =	stream.indirect.gather [hbm4b:s7+s6], $0x10, s22, s6, $0xb8;
	[tilespmem:$0x1AE20] =	vst v63  }
0x2a: {  	_ = 	snop  }
0x2b: {  	[tilespmem:s11], [sflag:$0x2] =	stream.indirect.gather [hbm4b:s7+s6], $0x10, s6, s6, $0xb8;
	[tilespmem:$0x1AE20] =	vst v63  }
0x2c: {  	s1 =	rddreg [dreg:$0x6]  }
0x2d: {  	[tilespmem:s10], [sflag:$0x3] =	stream.indirect.gather [hbm4b:s7+s6], $0x10, s1, s6, $0xb8;
	[tilespmem:$0x1AE20] =	vst v63  }
0x2e: {  	s18 =	smov.u32 s0;
	s0 =	rddreg [dreg:$0x7]  }
0x2f: {  	[tilespmem:s9], [sflag:$0x4] =	stream.indirect.gather [hbm4b:s7+s6], $0x10, s0, s6, $0xb8;
	[tilespmem:$0x1AE20] =	vst v63  }
0x30: {  	s1 =	rddreg [dreg:$0x8]  }
0x31: {  	[tilespmem:s8], [sflag:$0x5] =	stream.indirect.gather [hbm4b:s7+s6], $0x10, s1, s6, $0xb8;
	[tilespmem:$0x1AE20] =	vst v63  }
0x32: {  	_ =	swait.ge [sflag:s19], $0x3E80  }
0x33: {  	[sflag:s19] =	ssyncset.done $0x0  }
0x34: {  	[sflag:s19] =	ssyncadd.s32 $0xFFFFC180  }
0x35: {  	[spmem:s2] =	stream.indirect.scatter.add.f32 [tilespmem:s14], [sflag:$0x6], $0x10, s30, s6, $0xb8;
	[tilespmem:$0x1AE20] =	vst v63  }
0x36: {  	_ =	swait.ge [sflag:s4], $0x3E80  }
0x37: {  	[sflag:s4] =	ssyncset.done $0x0  }
0x38: {  	s1 =	rddreg [dreg:$0x9];
	[sflag:s4] =	ssyncadd.s32 $0xFFFFC180  }
0x39: {  	[tilespmem:s14], [sflag:$0x1] =	stream.indirect.gather [hbm4b:s7+s6], $0x10, s1, s6, $0xb8;
	[tilespmem:$0x1AE20] =	vst v63  }
0x3a: {  	_ =	swait.ge [sflag:s17], $0x3E80  }
0x3b: {  	[sflag:s17] =	ssyncset.done $0x0  }
0x3c: {  	s1 =	rddreg [dreg:$0xa];
	[sflag:s17] =	ssyncadd.s32 $0xFFFFC180  }
0x3d: {  	[spmem:s2] =	stream.indirect.scatter.add.f32 [tilespmem:s11], [sflag:$0x6], $0x10, s1, s6, $0xb8;
	[tilespmem:$0x1AE20] =	vst v63  }
0x3e: {  	_ =	swait.ge [sflag:s4], $0x3E80  }
0x3f: {  	[sflag:s4] =	ssyncset.done $0x0  }
0x40: {  	s1 =	rddreg [dreg:$0xb];
	[sflag:s4] =	ssyncadd.s32 $0xFFFFC180  }
0x41: {  	[tilespmem:s11], [sflag:$0x2] =	stream.indirect.gather [hbm4b:s7+s6], $0x10, s1, s6, $0xb8;
	[tilespmem:$0x1AE20] =	vst v63  }
0x42: {  	_ =	swait.ge [sflag:s16], $0x3E80  }
0x43: {  	[sflag:s16] =	ssyncset.done $0x0  }
0x44: {  	s1 =	rddreg [dreg:$0xc];
	[sflag:s16] =	ssyncadd.s32 $0xFFFFC180  }
0x45: {  	[spmem:s2] =	stream.indirect.scatter.add.f32 [tilespmem:s10], [sflag:$0x6], $0x10, s1, s6, $0xb8;
	[tilespmem:$0x1AE20] =	vst v63  }
0x46: {  	_ =	swait.ge [sflag:s4], $0x3E80  }
0x47: {  	[sflag:s4] =	ssyncset.done $0x0  }
0x48: {  	s1 =	simm.s32 $0x1B58;
	[sflag:s4] =	ssyncadd.s32 $0xFFFFC180  }
0x49: {  	[tilespmem:s10], [sflag:$0x3] =	stream.indirect.gather [hbm4b:s7+s6], $0x10, s1, s6, $0xb8;
	[tilespmem:$0x1AE20] =	vst v63  }
0x4a: {  	_ =	swait.ge [sflag:s15], $0x3E80  }
0x4b: {  	[sflag:s15] =	ssyncset.done $0x0  }
0x4c: {  	[sflag:s15] =	ssyncadd.s32 $0xFFFFC180  }
0x4d: {  	[spmem:s2] =	stream.indirect.scatter.add.f32 [tilespmem:s9], [sflag:$0x6], $0x10, s31, s6, $0xb8;
	[tilespmem:$0x1AE20] =	vst v63  }
0x4e: {  	_ =	swait.ge [sflag:s4], $0x3E80  }
0x4f: {  	[sflag:s4] =	ssyncset.done $0x0  }
0x50: {  	[sflag:s4] =	ssyncadd.s32 $0xFFFFC180  }
0x51: {  	[tilespmem:s9], [sflag:$0x4] =	stream.indirect.gather [hbm4b:s7+s6], $0x10, s29, s6, $0xb8;
	[tilespmem:$0x1AE20] =	vst v63  }
0x52: {  	_ =	swait.ge [sflag:s13], $0x3E80  }
0x53: {  	[sflag:s13] =	ssyncset.done $0x0  }
0x54: {  	[sflag:s13] =	ssyncadd.s32 $0xFFFFC180  }
0x55: {  	[spmem:s2] =	stream.indirect.scatter.add.f32 [tilespmem:s8], [sflag:$0x6], $0x10, s26, s6, $0xb8;
	[tilespmem:$0x1AE20] =	vst v63  }
0x56: {  	_ =	swait.ge [sflag:s4], $0x3E80  }
0x57: {  	[sflag:s4] =	ssyncset.done $0x0  }
0x58: {  	[sflag:s4] =	ssyncadd.s32 $0xFFFFC180  }
0x59: {  	[tilespmem:s8], [sflag:$0x5] =	stream.indirect.gather [hbm4b:s7+s6], $0x10, s28, s6, $0xb8;
	[tilespmem:$0x1AE20] =	vst v63  }
0x5a: {  	_ =	swait.ge [sflag:s19], $0x3E80  }
0x5b: {  	[sflag:s19] =	ssyncset.done $0x0  }
0x5c: {  	[sflag:s19] =	ssyncadd.s32 $0xFFFFC180  }
0x5d: {  	[spmem:s2] =	stream.indirect.scatter.add.f32 [tilespmem:s14], [sflag:$0x6], $0x10, s25, s6, $0xb8;
	[tilespmem:$0x1AE20] =	vst v63  }
0x5e: {  	_ =	swait.ge [sflag:s4], $0x3E80  }
0x5f: {  	[sflag:s4] =	ssyncset.done $0x0  }
0x60: {  	[sflag:s4] =	ssyncadd.s32 $0xFFFFC180  }
0x61: {  	_ =	swait.ge [sflag:s17], $0x3E80  }
0x62: {  	[sflag:s17] =	ssyncset.done $0x0  }
0x63: {  	[sflag:s17] =	ssyncadd.s32 $0xFFFFC180  }
0x64: {  	[spmem:s2] =	stream.indirect.scatter.add.f32 [tilespmem:s11], [sflag:$0x6], $0x10, s24, s6, $0xb8;
	[tilespmem:$0x1AE20] =	vst v63  }
0x65: {  	_ =	swait.ge [sflag:s4], $0x3E80  }
0x66: {  	[sflag:s4] =	ssyncset.done $0x0  }
0x67: {  	[sflag:s4] =	ssyncadd.s32 $0xFFFFC180  }
0x68: {  	_ =	swait.ge [sflag:s16], $0x3E80  }
0x69: {  	[sflag:s16] =	ssyncset.done $0x0  }
0x6a: {  	[sflag:s16] =	ssyncadd.s32 $0xFFFFC180  }
0x6b: {  	[spmem:s2] =	stream.indirect.scatter.add.f32 [tilespmem:s10], [sflag:$0x6], $0x10, s23, s6, $0xb8;
	[tilespmem:$0x1AE20] =	vst v63  }
0x6c: {  	_ =	swait.ge [sflag:s4], $0x3E80  }
0x6d: {  	[sflag:s4] =	ssyncset.done $0x0  }
0x6e: {  	[sflag:s4] =	ssyncadd.s32 $0xFFFFC180  }
0x6f: {  	_ =	swait.ge [sflag:s15], $0x3E80  }
0x70: {  	[sflag:s15] =	ssyncset.done $0x0  }
0x71: {  	[sflag:s15] =	ssyncadd.s32 $0xFFFFC180  }
0x72: {  	[spmem:s2] =	stream.indirect.scatter.add.f32 [tilespmem:s9], [sflag:$0x6], $0x10, s21, s6, $0xb8;
	[tilespmem:$0x1AE20] =	vst v63  }
0x73: {  	_ =	swait.ge [sflag:s4], $0x3E80  }
0x74: {  	[sflag:s4] =	ssyncset.done $0x0  }
0x75: {  	[sflag:s4] =	ssyncadd.s32 $0xFFFFC180  }
0x76: {  	_ =	swait.ge [sflag:s13], $0x3E80  }
0x77: {  	[sflag:s13] =	ssyncset.done $0x0  }
0x78: {  	[sflag:s13] =	ssyncadd.s32 $0xFFFFC180  }
0x79: {  	[spmem:s2] =	stream.indirect.scatter.add.f32 [tilespmem:s8], [sflag:$0x6], $0x10, s20, s6, $0xb8;
	[tilespmem:$0x1AE20] =	vst v63  }
0x7a: {  	_ =	swait.ge [sflag:s4], $0x3E80  }
0x7b: {  	p1 =	sne.s32 s18, $0x1;
	[sflag:s4] =	ssyncset.done $0x0  }
.Ltmp1:
0x7c: {  	[sflag:s4] =	ssyncadd.s32 $0xFFFFC180;
	(pc) =	sbr.rel @!p1 .LBB2_3-.Ltmp1, $4  }
0x7d: {  	[bflag:$0x0] =	sbarrier.arrive $0xFFFF  }
0x7e: {  	[hbm:s12], [sflag:s3] =	dma.local [spmem:s5], $0x4F0  }
0x7f: {  	p0 =	por $0x1, $0x1;
	_ =	swait.ge [sflag:s4], $0x4F0  }
0x80: {  	s0 =	sadd.s32 $0xFFFFFFFF, s18;
	s1 =	rddreg [dreg:$0x3];
	[sflag:s4] =	ssyncset.done $0x0  }
.LBB2_4:
0x81: {  	[sflag:s4] =	ssyncadd.s32 $0xFFFFFB10  }
0x82: {  	[spmem:s5], [sflag:s3] =	dma.local [hbm:s1], $0x4F0  }
0x83: {  	_ =	swait.ge [sflag:s4], $0x4F0  }
0x84: {  	[sflag:s4] =	ssyncset.done $0x0  }
0x85: {  	s18 =	rddreg [dreg:$0x4];
	[sflag:s4] =	ssyncadd.s32 $0xFFFFFB10  }
0x86: {  	[tilespmem:s22], [sflag:$0x6] =	stream.linear.gather [hbm4b:s18+s22], $0x2710, $0x38;
	[tilespmem:$0x1AE20] =	vst v63  }
0x87: {  	_ =	swait.ge [sflag:s4], $0x2710  }
0x88: {  	[sflag:s4] =	ssyncset.done $0x0  }
0x89: {  	s18 =	rddreg [dreg:$0x5];
	[sflag:s4] =	ssyncadd.s32 $0xFFFFD8F0  }
0x8a: {  	[tilespmem:s30], [sflag:$0x6] =	stream.linear.gather [hbm4b:s18+s22], $0x2710, $0x38;
	[tilespmem:$0x1AE20] =	vst v63  }
0x8b: {  	_ =	swait.ge [sflag:s4], $0x2710  }
0x8c: {  	[sflag:s4] =	ssyncset.done $0x0  }
0x8d: {  	[sflag:s4] =	ssyncadd.s32 $0xFFFFD8F0  }
0x8e: {  	[bflag:$0x0] =	sbarrier.arrive $0xFFFF  }
0x8f: {  	[tilespmem:s14], [sflag:$0x1] =	stream.indirect.gather [hbm4b:s7+s6], $0x10, s22, s6, $0xb8;
	[tilespmem:$0x1AE20] =	vst v63  }
0x90: {  	_ = 	snop  }
0x91: {  	[tilespmem:s11], [sflag:$0x2] =	stream.indirect.gather [hbm4b:s7+s6], $0x10, s6, s6, $0xb8;
	[tilespmem:$0x1AE20] =	vst v63  }
0x92: {  	s1 =	rddreg [dreg:$0x6]  }
0x93: {  	[tilespmem:s10], [sflag:$0x3] =	stream.indirect.gather [hbm4b:s7+s6], $0x10, s1, s6, $0xb8;
	[tilespmem:$0x1AE20] =	vst v63  }
0x94: {  	s18 =	rddreg [dreg:$0x7]  }
0x95: {  	[tilespmem:s9], [sflag:$0x4] =	stream.indirect.gather [hbm4b:s7+s6], $0x10, s18, s6, $0xb8;
	[tilespmem:$0x1AE20] =	vst v63  }
0x96: {  	s1 =	rddreg [dreg:$0x8]  }
0x97: {  	[tilespmem:s8], [sflag:$0x5] =	stream.indirect.gather [hbm4b:s7+s6], $0x10, s1, s6, $0xb8;
	[tilespmem:$0x1AE20] =	vst v63  }
0x98: {  	_ =	swait.ge [sflag:s19], $0x3E80  }
0x99: {  	[sflag:s19] =	ssyncset.done $0x0  }
0x9a: {  	[sflag:s19] =	ssyncadd.s32 $0xFFFFC180  }
0x9b: {  	[spmem:s2] =	stream.indirect.scatter.add.f32 [tilespmem:s14], [sflag:$0x6], $0x10, s30, s6, $0xb8;
	[tilespmem:$0x1AE20] =	vst v63  }
0x9c: {  	_ =	swait.ge [sflag:s4], $0x3E80  }
0x9d: {  	[sflag:s4] =	ssyncset.done $0x0  }
0x9e: {  	s18 =	rddreg [dreg:$0x9];
	[sflag:s4] =	ssyncadd.s32 $0xFFFFC180  }
0x9f: {  	[tilespmem:s14], [sflag:$0x1] =	stream.indirect.gather [hbm4b:s7+s6], $0x10, s18, s6, $0xb8;
	[tilespmem:$0x1AE20] =	vst v63  }
0xa0: {  	_ =	swait.ge [sflag:s17], $0x3E80  }
0xa1: {  	[sflag:s17] =	ssyncset.done $0x0  }
0xa2: {  	s18 =	rddreg [dreg:$0xa];
	[sflag:s17] =	ssyncadd.s32 $0xFFFFC180  }
0xa3: {  	[spmem:s2] =	stream.indirect.scatter.add.f32 [tilespmem:s11], [sflag:$0x6], $0x10, s18, s6, $0xb8;
	[tilespmem:$0x1AE20] =	vst v63  }
0xa4: {  	_ =	swait.ge [sflag:s4], $0x3E80  }
0xa5: {  	[sflag:s4] =	ssyncset.done $0x0  }
0xa6: {  	s18 =	rddreg [dreg:$0xb];
	[sflag:s4] =	ssyncadd.s32 $0xFFFFC180  }
0xa7: {  	[tilespmem:s11], [sflag:$0x2] =	stream.indirect.gather [hbm4b:s7+s6], $0x10, s18, s6, $0xb8;
	[tilespmem:$0x1AE20] =	vst v63  }
0xa8: {  	_ =	swait.ge [sflag:s16], $0x3E80  }
0xa9: {  	[sflag:s16] =	ssyncset.done $0x0  }
0xaa: {  	s18 =	rddreg [dreg:$0xc];
	[sflag:s16] =	ssyncadd.s32 $0xFFFFC180  }
0xab: {  	[spmem:s2] =	stream.indirect.scatter.add.f32 [tilespmem:s10], [sflag:$0x6], $0x10, s18, s6, $0xb8;
	[tilespmem:$0x1AE20] =	vst v63  }
0xac: {  	_ =	swait.ge [sflag:s4], $0x3E80  }
0xad: {  	[sflag:s4] =	ssyncset.done $0x0  }
0xae: {  	s18 =	simm.s32 $0x1B58;
	[sflag:s4] =	ssyncadd.s32 $0xFFFFC180  }
0xaf: {  	[tilespmem:s10], [sflag:$0x3] =	stream.indirect.gather [hbm4b:s7+s6], $0x10, s18, s6, $0xb8;
	[tilespmem:$0x1AE20] =	vst v63  }
0xb0: {  	_ =	swait.ge [sflag:s15], $0x3E80  }
0xb1: {  	[sflag:s15] =	ssyncset.done $0x0  }
0xb2: {  	[sflag:s15] =	ssyncadd.s32 $0xFFFFC180  }
0xb3: {  	[spmem:s2] =	stream.indirect.scatter.add.f32 [tilespmem:s9], [sflag:$0x6], $0x10, s31, s6, $0xb8;
	[tilespmem:$0x1AE20] =	vst v63  }
0xb4: {  	_ =	swait.ge [sflag:s4], $0x3E80  }
0xb5: {  	[sflag:s4] =	ssyncset.done $0x0  }
0xb6: {  	[sflag:s4] =	ssyncadd.s32 $0xFFFFC180  }
0xb7: {  	[tilespmem:s9], [sflag:$0x4] =	stream.indirect.gather [hbm4b:s7+s6], $0x10, s29, s6, $0xb8;
	[tilespmem:$0x1AE20] =	vst v63  }
0xb8: {  	_ =	swait.ge [sflag:s13], $0x3E80  }
0xb9: {  	[sflag:s13] =	ssyncset.done $0x0  }
0xba: {  	[sflag:s13] =	ssyncadd.s32 $0xFFFFC180  }
0xbb: {  	[spmem:s2] =	stream.indirect.scatter.add.f32 [tilespmem:s8], [sflag:$0x6], $0x10, s26, s6, $0xb8;
	[tilespmem:$0x1AE20] =	vst v63  }
0xbc: {  	_ =	swait.ge [sflag:s4], $0x3E80  }
0xbd: {  	[sflag:s4] =	ssyncset.done $0x0  }
0xbe: {  	[sflag:s4] =	ssyncadd.s32 $0xFFFFC180  }
0xbf: {  	[tilespmem:s8], [sflag:$0x5] =	stream.indirect.gather [hbm4b:s7+s6], $0x10, s28, s6, $0xb8;
	[tilespmem:$0x1AE20] =	vst v63  }
0xc0: {  	_ =	swait.ge [sflag:s19], $0x3E80  }
0xc1: {  	[sflag:s19] =	ssyncset.done $0x0  }
0xc2: {  	[sflag:s19] =	ssyncadd.s32 $0xFFFFC180  }
0xc3: {  	[spmem:s2] =	stream.indirect.scatter.add.f32 [tilespmem:s14], [sflag:$0x6], $0x10, s25, s6, $0xb8;
	[tilespmem:$0x1AE20] =	vst v63  }
0xc4: {  	_ =	swait.ge [sflag:s4], $0x3E80  }
0xc5: {  	[sflag:s4] =	ssyncset.done $0x0  }
0xc6: {  	[sflag:s4] =	ssyncadd.s32 $0xFFFFC180  }
0xc7: {  	_ =	swait.ge [sflag:s17], $0x3E80  }
0xc8: {  	[sflag:s17] =	ssyncset.done $0x0  }
0xc9: {  	[sflag:s17] =	ssyncadd.s32 $0xFFFFC180  }
0xca: {  	[spmem:s2] =	stream.indirect.scatter.add.f32 [tilespmem:s11], [sflag:$0x6], $0x10, s24, s6, $0xb8;
	[tilespmem:$0x1AE20] =	vst v63  }
0xcb: {  	_ =	swait.ge [sflag:s4], $0x3E80  }
0xcc: {  	[sflag:s4] =	ssyncset.done $0x0  }
0xcd: {  	[sflag:s4] =	ssyncadd.s32 $0xFFFFC180  }
0xce: {  	_ =	swait.ge [sflag:s16], $0x3E80  }
0xcf: {  	[sflag:s16] =	ssyncset.done $0x0  }
0xd0: {  	[sflag:s16] =	ssyncadd.s32 $0xFFFFC180  }
0xd1: {  	[spmem:s2] =	stream.indirect.scatter.add.f32 [tilespmem:s10], [sflag:$0x6], $0x10, s23, s6, $0xb8;
	[tilespmem:$0x1AE20] =	vst v63  }
0xd2: {  	_ =	swait.ge [sflag:s4], $0x3E80  }
0xd3: {  	[sflag:s4] =	ssyncset.done $0x0  }
0xd4: {  	[sflag:s4] =	ssyncadd.s32 $0xFFFFC180  }
0xd5: {  	_ =	swait.ge [sflag:s15], $0x3E80  }
0xd6: {  	[sflag:s15] =	ssyncset.done $0x0  }
0xd7: {  	[sflag:s15] =	ssyncadd.s32 $0xFFFFC180  }
0xd8: {  	[spmem:s2] =	stream.indirect.scatter.add.f32 [tilespmem:s9], [sflag:$0x6], $0x10, s21, s6, $0xb8;
	[tilespmem:$0x1AE20] =	vst v63  }
0xd9: {  	_ =	swait.ge [sflag:s4], $0x3E80  }
0xda: {  	[sflag:s4] =	ssyncset.done $0x0  }
0xdb: {  	[sflag:s4] =	ssyncadd.s32 $0xFFFFC180  }
0xdc: {  	_ =	swait.ge [sflag:s13], $0x3E80  }
0xdd: {  	[sflag:s13] =	ssyncset.done $0x0  }
0xde: {  	[sflag:s13] =	ssyncadd.s32 $0xFFFFC180  }
0xdf: {  	[spmem:s2] =	stream.indirect.scatter.add.f32 [tilespmem:s8], [sflag:$0x6], $0x10, s20, s6, $0xb8;
	[tilespmem:$0x1AE20] =	vst v63  }
0xe0: {  	_ =	swait.ge [sflag:s4], $0x3E80  }
0xe1: {  	p1 =	sne.s32 s0, $0x1;
	[sflag:s4] =	ssyncset.done $0x0  }
.Ltmp2:
0xe2: {  	[sflag:s4] =	ssyncadd.s32 $0xFFFFC180;
	(pc) =	sbr.rel @p1 .LBB2_4-.Ltmp2, $4  }
0xe3: {  	[bflag:$0x0] =	sbarrier.arrive $0xFFFF  }
0xe4: {  	[hbm:s12], [sflag:s3] =	dma.local [spmem:s5], $0x4F0  }
0xe5: {  	_ =	swait.ge [sflag:s4], $0x4F0  }
0xe6: {  	s0 =	sadd.s32 $0xFFFFFFFF, s0;
	s1 =	rddreg [dreg:$0x3];
	[sflag:s4] =	ssyncset.done $0x0  }
0xe7: {  	s20 =	simm.s32 $0x1B58  }
0xe8: {  	s31 =	simm.s32 $0x32C8;
	s29 =	simm.s32 $0x1F40;
	s28 =	simm.s32 $0x2328  }
0xe9: {  	s26 =	simm.s32 $0x36B0;
	s25 =	simm.s32 $0x3A98;
	s24 =	simm.s32 $0x3E80  }
0xea: {  	s23 =	simm.s32 $0x4268;
	s21 =	simm.s32 $0x4650;
	s18 =	rddreg [dreg:$0x2]  }
.LBB2_6:
0xeb: {  	[sflag:s4] =	ssyncadd.s32 @p0 $0xFFFFFB10  }
0xec: {  	[spmem:s5], [sflag:s3] =	dma.local [hbm:s1], $0x4F0  }
0xed: {  	_ =	swait.ge [sflag:s4], $0x4F0  }
0xee: {  	[sflag:s4] =	ssyncset.done $0x0  }
0xef: {  	s0 =	rddreg [dreg:$0x4];
	[sflag:s4] =	ssyncadd.s32 $0xFFFFFB10  }
0xf0: {  	[tilespmem:s22], [sflag:$0x6] =	stream.linear.gather [hbm4b:s0+s22], $0x2710, $0x38;
	[tilespmem:$0x1AE20] =	vst v63  }
0xf1: {  	_ =	swait.ge [sflag:s4], $0x2710  }
0xf2: {  	[sflag:s4] =	ssyncset.done $0x0  }
0xf3: {  	s1 =	rddreg [dreg:$0x5];
	[sflag:s4] =	ssyncadd.s32 $0xFFFFD8F0  }
0xf4: {  	[tilespmem:s30], [sflag:$0x6] =	stream.linear.gather [hbm4b:s1+s22], $0x2710, $0x38;
	[tilespmem:$0x1AE20] =	vst v63  }
0xf5: {  	_ =	swait.ge [sflag:s4], $0x2710  }
0xf6: {  	[sflag:s4] =	ssyncset.done $0x0  }
0xf7: {  	[sflag:s4] =	ssyncadd.s32 $0xFFFFD8F0  }
0xf8: {  	[bflag:$0x0] =	sbarrier.arrive $0xFFFF  }
0xf9: {  	[tilespmem:s14], [sflag:$0x1] =	stream.indirect.gather [hbm4b:s7+s6], $0x10, s22, s6, $0xb8;
	[tilespmem:$0x1AE20] =	vst v63  }
0xfa: {  	_ = 	snop  }
0xfb: {  	[tilespmem:s11], [sflag:$0x2] =	stream.indirect.gather [hbm4b:s7+s6], $0x10, s6, s6, $0xb8;
	[tilespmem:$0x1AE20] =	vst v63  }
0xfc: {  	s22 =	rddreg [dreg:$0x6]  }
0xfd: {  	[tilespmem:s10], [sflag:$0x3] =	stream.indirect.gather [hbm4b:s7+s6], $0x10, s22, s6, $0xb8;
	[tilespmem:$0x1AE20] =	vst v63  }
0xfe: {  	s1 =	rddreg [dreg:$0x7]  }
0xff: {  	[tilespmem:s9], [sflag:$0x4] =	stream.indirect.gather [hbm4b:s7+s6], $0x10, s1, s6, $0xb8;
	[tilespmem:$0x1AE20] =	vst v63  }
0x100: {  	s22 =	rddreg [dreg:$0x8]  }
0x101: {  	[tilespmem:s8], [sflag:$0x5] =	stream.indirect.gather [hbm4b:s7+s6], $0x10, s22, s6, $0xb8;
	[tilespmem:$0x1AE20] =	vst v63  }
0x102: {  	_ =	swait.ge [sflag:s19], $0x3E80  }
0x103: {  	[sflag:s19] =	ssyncset.done $0x0  }
0x104: {  	[sflag:s19] =	ssyncadd.s32 $0xFFFFC180  }
0x105: {  	[spmem:s2] =	stream.indirect.scatter.add.f32 [tilespmem:s14], [sflag:$0x6], $0x10, s30, s6, $0xb8;
	[tilespmem:$0x1AE20] =	vst v63  }
0x106: {  	_ =	swait.ge [sflag:s4], $0x3E80  }
0x107: {  	[sflag:s4] =	ssyncset.done $0x0  }
0x108: {  	s22 =	rddreg [dreg:$0x9];
	[sflag:s4] =	ssyncadd.s32 $0xFFFFC180  }
0x109: {  	[tilespmem:s14], [sflag:$0x1] =	stream.indirect.gather [hbm4b:s7+s6], $0x10, s22, s6, $0xb8;
	[tilespmem:$0x1AE20] =	vst v63  }
0x10a: {  	_ =	swait.ge [sflag:s17], $0x3E80  }
0x10b: {  	[sflag:s17] =	ssyncset.done $0x0  }
0x10c: {  	s30 =	rddreg [dreg:$0xa];
	[sflag:s17] =	ssyncadd.s32 $0xFFFFC180  }
0x10d: {  	[spmem:s2] =	stream.indirect.scatter.add.f32 [tilespmem:s11], [sflag:$0x6], $0x10, s30, s6, $0xb8;
	[tilespmem:$0x1AE20] =	vst v63  }
0x10e: {  	_ =	swait.ge [sflag:s4], $0x3E80  }
0x10f: {  	[sflag:s4] =	ssyncset.done $0x0  }
0x110: {  	s1 =	rddreg [dreg:$0xb];
	[sflag:s4] =	ssyncadd.s32 $0xFFFFC180  }
0x111: {  	[tilespmem:s11], [sflag:$0x2] =	stream.indirect.gather [hbm4b:s7+s6], $0x10, s1, s6, $0xb8;
	[tilespmem:$0x1AE20] =	vst v63  }
0x112: {  	_ =	swait.ge [sflag:s16], $0x3E80  }
0x113: {  	[sflag:s16] =	ssyncset.done $0x0  }
0x114: {  	s22 =	rddreg [dreg:$0xc];
	[sflag:s16] =	ssyncadd.s32 $0xFFFFC180  }
0x115: {  	[spmem:s2] =	stream.indirect.scatter.add.f32 [tilespmem:s10], [sflag:$0x6], $0x10, s22, s6, $0xb8;
	[tilespmem:$0x1AE20] =	vst v63  }
0x116: {  	_ =	swait.ge [sflag:s4], $0x3E80  }
0x117: {  	[sflag:s4] =	ssyncset.done $0x0  }
0x118: {  	[sflag:s4] =	ssyncadd.s32 $0xFFFFC180  }
0x119: {  	[tilespmem:s10], [sflag:$0x3] =	stream.indirect.gather [hbm4b:s7+s6], $0x10, s20, s6, $0xb8;
	[tilespmem:$0x1AE20] =	vst v63  }
0x11a: {  	_ =	swait.ge [sflag:s15], $0x3E80  }
0x11b: {  	[sflag:s15] =	ssyncset.done $0x0  }
0x11c: {  	[sflag:s15] =	ssyncadd.s32 $0xFFFFC180  }
0x11d: {  	[spmem:s2] =	stream.indirect.scatter.add.f32 [tilespmem:s9], [sflag:$0x6], $0x10, s31, s6, $0xb8;
	[tilespmem:$0x1AE20] =	vst v63  }
0x11e: {  	_ =	swait.ge [sflag:s4], $0x3E80  }
0x11f: {  	[sflag:s4] =	ssyncset.done $0x0  }
0x120: {  	[sflag:s4] =	ssyncadd.s32 $0xFFFFC180  }
0x121: {  	[tilespmem:s9], [sflag:$0x4] =	stream.indirect.gather [hbm4b:s7+s6], $0x10, s29, s6, $0xb8;
	[tilespmem:$0x1AE20] =	vst v63  }
0x122: {  	_ =	swait.ge [sflag:s13], $0x3E80  }
0x123: {  	[sflag:s13] =	ssyncset.done $0x0  }
0x124: {  	[sflag:s13] =	ssyncadd.s32 $0xFFFFC180  }
0x125: {  	[spmem:s2] =	stream.indirect.scatter.add.f32 [tilespmem:s8], [sflag:$0x6], $0x10, s26, s6, $0xb8;
	[tilespmem:$0x1AE20] =	vst v63  }
0x126: {  	_ =	swait.ge [sflag:s4], $0x3E80  }
0x127: {  	[sflag:s4] =	ssyncset.done $0x0  }
0x128: {  	[sflag:s4] =	ssyncadd.s32 $0xFFFFC180  }
0x129: {  	[tilespmem:s8], [sflag:$0x5] =	stream.indirect.gather [hbm4b:s7+s6], $0x10, s28, s6, $0xb8;
	[tilespmem:$0x1AE20] =	vst v63  }
0x12a: {  	_ =	swait.ge [sflag:s19], $0x3E80  }
0x12b: {  	[sflag:s19] =	ssyncset.done $0x0  }
0x12c: {  	[sflag:s19] =	ssyncadd.s32 $0xFFFFC180  }
0x12d: {  	[spmem:s2] =	stream.indirect.scatter.add.f32 [tilespmem:s14], [sflag:$0x6], $0x10, s25, s6, $0xb8;
	[tilespmem:$0x1AE20] =	vst v63  }
0x12e: {  	_ =	swait.ge [sflag:s4], $0x3E80  }
0x12f: {  	[sflag:s4] =	ssyncset.done $0x0  }
0x130: {  	[sflag:s4] =	ssyncadd.s32 $0xFFFFC180  }
0x131: {  	_ =	swait.ge [sflag:s17], $0x3E80  }
0x132: {  	[sflag:s17] =	ssyncset.done $0x0  }
0x133: {  	[sflag:s17] =	ssyncadd.s32 $0xFFFFC180  }
0x134: {  	[spmem:s2] =	stream.indirect.scatter.add.f32 [tilespmem:s11], [sflag:$0x6], $0x10, s24, s6, $0xb8;
	[tilespmem:$0x1AE20] =	vst v63  }
0x135: {  	_ =	swait.ge [sflag:s4], $0x3E80  }
0x136: {  	[sflag:s4] =	ssyncset.done $0x0  }
0x137: {  	[sflag:s4] =	ssyncadd.s32 $0xFFFFC180  }
0x138: {  	_ =	swait.ge [sflag:s16], $0x3E80  }
0x139: {  	[sflag:s16] =	ssyncset.done $0x0  }
0x13a: {  	[sflag:s16] =	ssyncadd.s32 $0xFFFFC180  }
0x13b: {  	[spmem:s2] =	stream.indirect.scatter.add.f32 [tilespmem:s10], [sflag:$0x6], $0x10, s23, s6, $0xb8;
	[tilespmem:$0x1AE20] =	vst v63  }
0x13c: {  	_ =	swait.ge [sflag:s4], $0x3E80  }
0x13d: {  	[sflag:s4] =	ssyncset.done $0x0  }
0x13e: {  	[sflag:s4] =	ssyncadd.s32 $0xFFFFC180  }
0x13f: {  	_ =	swait.ge [sflag:s15], $0x3E80  }
0x140: {  	[sflag:s15] =	ssyncset.done $0x0  }
0x141: {  	[sflag:s15] =	ssyncadd.s32 $0xFFFFC180  }
0x142: {  	[spmem:s2] =	stream.indirect.scatter.add.f32 [tilespmem:s9], [sflag:$0x6], $0x10, s21, s6, $0xb8;
	[tilespmem:$0x1AE20] =	vst v63  }
0x143: {  	_ =	swait.ge [sflag:s4], $0x3E80  }
0x144: {  	[sflag:s4] =	ssyncset.done $0x0  }
0x145: {  	[sflag:s4] =	ssyncadd.s32 $0xFFFFC180  }
0x146: {  	_ =	swait.ge [sflag:s13], $0x3E80  }
0x147: {  	[sflag:s13] =	ssyncset.done $0x0  }
0x148: {  	s30 =	simm.s32 $0x4A38;
	[sflag:s13] =	ssyncadd.s32 $0xFFFFC180  }
0x149: {  	[spmem:s2] =	stream.indirect.scatter.add.f32 [tilespmem:s8], [sflag:$0x6], $0x10, s30, s6, $0xb8;
	[tilespmem:$0x1AE20] =	vst v63  }
0x14a: {  	_ =	swait.ge [sflag:s4], $0x3E80  }
0x14b: {  	[sflag:s4] =	ssyncset.done $0x0  }
0x14c: {  	[sflag:s4] =	ssyncadd.s32 $0xFFFFC180  }
0x14d: {  	[bflag:$0x0] =	sbarrier.arrive $0xFFFF  }
0x14e: {  	[hbm:s12], [sflag:s3] =	dma.local [spmem:s5], $0x4F0  }
0x14f: {  	_ =	swait.ge [sflag:s4], $0x4F0  }
0x150: {  	[sflag:s4] =	ssyncset.done $0x0  }
0x151: {  	[sflag:s4] =	ssyncadd.s32 $0xFFFFFB10  }
0x152: {  	_ =	sfence.sel $0x180000  }
0x153: {  	s31 =	stileid.u32;
	[bflag:$0x0] =	sbarrier.arrive $0xFFFF  }
0x154: {  	p0 =	sne.s32 s31, $0x0;
	_ =	strace $0x9000004A  }
0x155: {  	s0 =	sadd.s32 @!p0 $0x100000, s18;
	[bflag:$0x2] =	sbarrier.arrive $0xFFFF  }
0x156: {  	[sflag:s0] =	ssyncadd.tile.s32 @!p0 $0x1;
	_ =	shalt  }
.LBB2_1:
.Ltmp3:
0x157: {  	(pc) =	sbr.rel .LBB2_6-.Ltmp3, $4  }
0x158: {  	_ = 	snop  }
0x159: {  	s20 =	simm.s32 $0x1B58;
	s31 =	simm.s32 $0x32C8;
	s29 =	simm.s32 $0x1F40  }
0x15a: {  	s28 =	simm.s32 $0x2328;
	s26 =	simm.s32 $0x36B0;
	s25 =	simm.s32 $0x3A98  }
0x15b: {  	s24 =	simm.s32 $0x3E80;
	s23 =	simm.s32 $0x4268;
	s21 =	simm.s32 $0x4650  }
.LBB2_3:
.Ltmp4:
0x15c: {  	(pc) =	sbr.rel .LBB2_6-.Ltmp4, $4  }
0x15d: {  	s20 =	simm.s32 $0x1B58  }
0x15e: {  	s31 =	simm.s32 $0x32C8;
	s29 =	simm.s32 $0x1F40;
	s28 =	simm.s32 $0x2328  }
0x15f: {  	s26 =	simm.s32 $0x36B0;
	s25 =	simm.s32 $0x3A98;
	s24 =	simm.s32 $0x3E80  }
0x160: {  	s23 =	simm.s32 $0x4268;
	s21 =	simm.s32 $0x4650;
	s18 =	rddreg [dreg:$0x2]  }
.Lfunc_end2:
_tile_overlayer_lowered:
.L_overlay_start_2:
0x161: {  	(tag) =	ssettag $0x2  }
0x162: {  	s0 =	rddreg [dreg:$0x0];
	s2 =	stileid.u32  }
0x163: {  	s1 =	rddreg [dreg:$0x1];
	p0 =	sne.s32 s2, $0x0  }
0x164: {  	s3 =	rddreg [dreg:$0x2];
	[bflag:$0x3] =	sbarrier.arrive $0xFFFF;
	s2 =	simm.s32 @!p0 $0x1C06  }
0x165: {  	[timem:s3], [sflag:s2] =	dma.local @!p0 [hbm:s0], s1  }
0x166: {  	s0 =	simm.s32 @!p0 $0x6  }
0x167: {  	_ =	swait.ge @!p0 [sflag:s0], s1  }
0x168: {  	s1 =	ssub.s32 @!p0 $0x0, s1;
	[sflag:s0] =	ssyncset.done @!p0 $0x0  }
0x169: {  	[sflag:s0] =	ssyncadd.s32 @!p0 s1  }
0x16a: {  	[bflag:$0x3] =	sbarrier.arrive $0xFFFF  }
0x16b: {  	_ =	shalt  }

// kernel: kernel.19.cloned.1.call-start
scs
__scs_entry_jumppad:
0x0: {  	(pc) =	sbr.rel $0x88, $3  }
0x1: {  	(tag) =	ssettag $0x0;
	lr =	simm.s32 $0x1  }
0x2: {  	[smem:$0x3F97] =	sst lr;
	_ =	strace $0xD0000000  }
0x3: {  	_ = 	snop  }
0x4: {  	_ = 	snop  }
0x5: {  	_ = 	snop  }
0x6: {  	_ = 	snop  }
0x7: {  	_ = 	snop  }
__scs_overlays_trampoline_lowered:
0x8: {  	[smem:$0x3FA6] =	sst s0  }
0x9: {  	[smem:$0x3FA7] =	sst s1  }
0xa: {  	[smem:$0x3FA8] =	sst s2  }
0xb: {  	[smem:$0x3FA9] =	sst s3  }
0xc: {  	[smem:$0x3FAA] =	sst s4  }
0xd: {  	[smem:$0x3FAB] =	sst s5  }
0xe: {  	[smem:$0x3FAC] =	sst s6  }
0xf: {  	[smem:$0x3FAD] =	sst s7  }
0x10: {  	[smem:$0x3FAE] =	sst s8  }
0x11: {  	[smem:$0x3FAF] =	sst s9;
	s0 =	simm.s32 @!p0 $0x0  }
0x12: {  	s1 =	sld [smem:$0x3F95];
	s0 =	simm.s32 @p0 $0x1  }
0x13: {  	[smem:$0x3FB0] =	sst s0;
	s0 =	simm.s32 @!p1 $0x0  }
0x14: {  	s2 =	sld [smem:$0x3F94];
	s0 =	simm.s32 @p1 $0x1  }
0x15: {  	[smem:$0x3FB1] =	sst s0;
	s0 =	simm.s32 @!p2 $0x0  }
0x16: {  	s3 =	sld [smem:$0x3FDB];
	s0 =	simm.s32 @p2 $0x1  }
0x17: {  	s4 =	simm.s32 $0x1BF5;
	[smem:$0x3FB3] =	sst s0  }
0x18: {  	s0 =	sld [smem:$0x3F96];
	_ =	swait.ge [sflag:s4], $0x0  }
0x19: {  	s7 =	sld [smem:$0x3F97]  }
0x1a: {  	s8 =	sadd.s32 $0xFFFFE003, lr  }
0x1b: {  	s9 =	sadd.s32 $0xFFFFFEF7, lr;
	s5 =	simm.s32 $0xFFFFFFFF;
	p2 =	slt.u32 s8, $0xFFFFF086  }
0x1c: {  	p1 =	slt.u32 s9, $0xF7A;
	s5 =	simm.s32 @!p2 $0x0  }
0x1d: {  	s5 =	simm.s32 @p1 $0x1;
	p0 =	seq.s32 s7, s2  }
0x1e: {  	s7 =	smul.u32 @!p0 $0xF7A, s2;
	p2 =	seq.s32 @!p0 s5, $0x0  }
0x1f: {  	s9 =	smul.u32 $0xF7A, s1;
	s8 =	simm.s32 @!p0 $0x1BF5;
	p2 =	por !p2, p0  }
0x20: {  	[sflag:s8] =	ssyncset.s32 @!p0 $0xFFFFF086;
	s6 =	sadd.s32 @!p0 s3, s7;
	s7 =	simm.s32 @!p0 $0x108  }
0x21: {  	s3 =	sadd.s32 s3, s9;
	s6 =	sadd.s32 @!p0 $0x88, s6;
	s7 =	simm.s32 @p2 $0x1082  }
0x22: {  	[simem:s7], [sflag:s8] =	dma.local @!p0 [hbm:s6], $0xF7A  }
0x23: {  	s9 =	sor.u32 $0xD0000000, s2;
	s6 =	simm.s32 $0x108;
	_ =	swait.ge @!p0 [sflag:s8], $0x0  }
0x24: {  	s3 =	sadd.s32 $0x88, s3;
	s6 =	simm.s32 @!p1 $0x1082;
	[sflag:s4] =	ssyncset.s32 $0xFFFFF086  }
0x25: {  	[simem:s6], [sflag:s4] =	dma.local [hbm:s3], $0xF7A  }
0x26: {  	[smem:$0x3F97] =	sst s1;
	(tag) =	ssettag s2;
	_ =	strace s9  }
0x27: {  	s1 =	sld [smem:$0x3FA7]  }
0x28: {  	s2 =	sld [smem:$0x3FA8]  }
0x29: {  	s4 =	sld [smem:$0x3FAA]  }
0x2a: {  	p0 =	seq.s32 s5, $0x0;
	s5 =	sld [smem:$0x3FAB]  }
0x2b: {  	s6 =	sld [smem:$0x3FAC]  }
0x2c: {  	s7 =	sld [smem:$0x3FAD]  }
0x2d: {  	s3 =	simm.s32 $0x108;
	s8 =	sld [smem:$0x3FAE]  }
0x2e: {  	s3 =	simm.s32 @!p0 $0x1082;
	s9 =	sld [smem:$0x3FAF]  }
0x2f: {  	lr =	sadd.s32 s0, s3;
	s0 =	sld [smem:$0x3FA6]  }
0x30: {  	s3 =	sld [smem:$0x3FA9]  }
0x31: {  	[smem:$0x3FB2] =	sst s10  }
0x32: {  	s10 =	sld [smem:$0x3FB0];
	_ =	sdelay $0x3  }
0x33: {  	p0 =	seq.s32 s10, $0x1;
	s10 =	sld [smem:$0x3FB2];
	_ =	sdelay $0x3  }
0x34: {  	[smem:$0x3FB2] =	sst s10  }
0x35: {  	s10 =	sld [smem:$0x3FB1];
	_ =	sdelay $0x3  }
0x36: {  	p1 =	seq.s32 s10, $0x1;
	s10 =	sld [smem:$0x3FB2];
	_ =	sdelay $0x3  }
0x37: {  	[smem:$0x3FB2] =	sst s10  }
0x38: {  	s10 =	sld [smem:$0x3FB3]  }
0x39: {  	_ = 	snop;
	(pc) =	sbr.ind lr, $3  }
0x3a: {  	_ = 	snop  }
0x3b: {  	_ = 	snop  }
0x3c: {  	p2 =	seq.s32 s10, $0x1;
	s10 =	sld [smem:$0x3FB2]  }
0x3d: {  	_ =	shalt  }
0x3e: {  	_ =	shalt  }
0x3f: {  	_ =	shalt  }
0x40: {  	_ =	shalt  }
0x41: {  	_ =	shalt  }
0x42: {  	_ =	shalt  }
0x43: {  	_ =	shalt  }
0x44: {  	_ =	shalt  }
0x45: {  	_ =	shalt  }
0x46: {  	_ =	shalt  }
0x47: {  	_ =	shalt  }
0x48: {  	_ =	shalt  }
0x49: {  	_ =	shalt  }
0x4a: {  	_ =	shalt  }
0x4b: {  	_ =	shalt  }
0x4c: {  	_ =	shalt  }
0x4d: {  	_ =	shalt  }
0x4e: {  	_ =	shalt  }
0x4f: {  	_ =	shalt  }
0x50: {  	_ =	shalt  }
0x51: {  	_ =	shalt  }
0x52: {  	_ =	shalt  }
0x53: {  	_ =	shalt  }
0x54: {  	_ =	shalt  }
0x55: {  	_ =	shalt  }
0x56: {  	_ =	shalt  }
0x57: {  	_ =	shalt  }
0x58: {  	_ =	shalt  }
0x59: {  	_ =	shalt  }
0x5a: {  	_ =	shalt  }
0x5b: {  	_ =	shalt  }
0x5c: {  	_ =	shalt  }
0x5d: {  	_ =	shalt  }
0x5e: {  	_ =	shalt  }
0x5f: {  	_ =	shalt  }
0x60: {  	_ =	shalt  }
0x61: {  	_ =	shalt  }
0x62: {  	_ =	shalt  }
0x63: {  	_ =	shalt  }
0x64: {  	_ =	shalt  }
0x65: {  	_ =	shalt  }
0x66: {  	_ =	shalt  }
0x67: {  	_ =	shalt  }
0x68: {  	_ =	shalt  }
0x69: {  	_ =	shalt  }
0x6a: {  	_ =	shalt  }
0x6b: {  	_ =	shalt  }
0x6c: {  	_ =	shalt  }
0x6d: {  	_ =	shalt  }
0x6e: {  	_ =	shalt  }
0x6f: {  	_ =	shalt  }
0x70: {  	_ =	shalt  }
0x71: {  	_ =	shalt  }
0x72: {  	_ =	shalt  }
0x73: {  	_ =	shalt  }
0x74: {  	_ =	shalt  }
0x75: {  	_ =	shalt  }
0x76: {  	_ =	shalt  }
0x77: {  	_ =	shalt  }
0x78: {  	_ =	shalt  }
0x79: {  	_ =	shalt  }
0x7a: {  	_ =	shalt  }
0x7b: {  	_ =	shalt  }
0x7c: {  	_ =	shalt  }
0x7d: {  	_ =	shalt  }
0x7e: {  	_ =	shalt  }
0x7f: {  	_ =	shalt  }
0x80: {  	_ =	shalt  }
0x81: {  	_ =	shalt  }
0x82: {  	_ =	shalt  }
0x83: {  	_ =	shalt  }
0x84: {  	_ =	shalt  }
0x85: {  	_ =	shalt  }
0x86: {  	_ =	shalt  }
0x87: {  	_ =	shalt  }
.Lfunc_end0:
.L_simem_size_0:
called_computation.2_lowered:
.L_overlay_start_0:
0x88: {  	s2 =	sld [smem:$0x3FD9]  }
0x89: {  	s3 =	sld [smem:$0x3FFE];
	_ =	sdelay $0x1  }
0x8a: {  	s1 =	srdreg.scid  }
0x8b: {  	s0 =	sand.u32 $0x1, s1  }
0x8c: {  	s16 =	sshll.u32 s0, $0xA;
	s2 =	sadd.s32 s3, s2  }
0x8d: {  	s2 =	sadd.s32 s2, s16  }
0x8e: {  	[smem:$0x3FBE] =	sst s2  }
0x8f: {  	_ = 	snop  }
0x90: {  	(tm) =	ssettm $0x1  }
0x91: {  	s17 =	sld [smem:$0x3FFB];
	_ =	sdelay $0x3  }
0x92: {  	_ =	strace s17  }
0x93: {  	s2 =	sld [smem:$0x3FFC];
	_ =	sdelay $0x3  }
0x94: {  	_ =	strace s2  }
0x95: {  	s2 =	sld [smem:$0x3FFD];
	_ =	sdelay $0x3  }
0x96: {  	_ =	strace s2  }
0x97: {  	_ =	strace $0x8FFFFFFF  }
0x98: {  	s18 =	sld [smem:$0x3FDB];
	_ =	sdelay $0x1  }
0x99: {  	s19 =	simm.s32 $_scs_section_size  }
0x9a: {  	s4 =	simm.s32 $_size__tile_overlayer_lowered;
	s5 =	simm.s32 $_tile_overlayer_lowered  }
0x9b: {  	s22 =	simm.s32 $0x1BFF;
	s21 =	sshll.u32 s5, $0x1;
	s2 =	sadd.s32 s19, s18  }
0x9c: {  	s6 =	simm.s32 $0x0;
	s20 =	sshll.u32 s4, $0x1;
	s4 =	sadd.s32 s21, s2  }
0x9d: {  	[timem:s6], [sflag:s22] =	dma.local [hbm:s4], s20  }
0x9e: {  	_ =	swait.ge [sflag:s22], s20  }
0x9f: {  	s3 =	ssub.s32 $0x0, s20;
	[sflag:s22] =	ssyncset.done $0x0  }
0xa0: {  	[sflag:s22] =	ssyncadd.s32 s3;
	_ =	sdelay $0x1  }
0xa1: {  	s23 =	simm.s32 $0x1B8B  }
0xa2: {  	_ =	swait.ge [sflag:s23], $0x1  }
0xa3: {  	[sflag:s23] =	ssyncset.done $0x0  }
0xa4: {  	s25 =	simm.s32 $0x1B8E;
	s24 =	sld [smem:$0x3FFE];
	[sflag:s23] =	ssyncadd.s32 $0xFFFFFFFF  }
0xa5: {  	s26 =	simm.s32 $execute0_lowered;
	[smem:$0x3FD2] =	sst s25  }
0xa6: {  	s4 =	sshll.u32 s26, $0x1;
	_ =	strace $0x8000004C;
	[dreg:$0x1] =	wrdreg $0xFFFFFFFF  }
0xa7: {  	s28 =	simm.s32 $_size_execute0_lowered;
	s2 =	sadd.s32 s2, s4;
	[dreg:$0x0] =	wrdreg $0x0  }
0xa8: {  	s4 =	sshll.u32 s28, $0x1;
	[dreg:$0x2] =	wrdreg s2  }
0xa9: {  	[dreg:$0x3] =	wrdreg s4  }
0xaa: {  	[dreg:$0x4] =	wrdreg $0xC0  }
0xab: {  	_ =	task [dreg:s6], $0x5FFFF  }
0xac: {  	[dreg:$0x1] =	wrdreg $0xFFFFFFFF  }
0xad: {  	[dreg:$0x0] =	wrdreg $0x60  }
0xae: {  	[dreg:$0x2] =	wrdreg s24  }
0xaf: {  	[dreg:$0x3] =	wrdreg $0x186A00  }
0xb0: {  	[dreg:$0x4] =	wrdreg $0x9  }
0xb1: {  	_ =	task.clear_ibuf [dreg:s6], $0x5FFFF;
	_ =	strace $0x9000004C  }
0xb2: {  	s29 =	simm.s32 $0x9;
	_ =	strace $0x8000004E  }
0xb3: {  	_ =	swait.ge [sflag:s29], $0x1  }
0xb4: {  	[sflag:s29] =	ssyncadd.s32 $0xFFFFFFFF  }
0xb5: {  	_ =	strace $0x9000004E  }
0xb6: {  	_ =	sfence  }
0xb7: {  	s30 =	sld [smem:$0x0];
	_ =	sdelay $0x2  }
0xb8: {  	s31 =	sshll.u32 s1, $0xD;
	s1 =	sshrl.u32 s1, $0x2  }
0xb9: {  	s3 =	sand.u32 $0x4000, s31;
	s1 =	sadd.s32 s1, s30  }
0xba: {  	s0 =	sor.u32 s3, s0;
	s1 =	sshll.u32 s1, $0x11  }
0xbb: {  	s0 =	sor.u32 s1, s0  }
0xbc: {  	s0 =	sadd.s32 $0x8F2B, s0  }
0xbd: {  	[sflag:s0] =	ssyncadd.remote.s32 $0x1  }
0xbe: {  	_ =	sfence.sel $0xFFFF  }
0xbf: {  	[dreg:$0x0] =	wrdreg $0xFFFFFFFF;
	(pc) =	sbr.abs _section_cstart, $3  }
0xc0: {  	[dreg:$0x1] =	wrdreg $0xFFFFFFFF  }
0xc1: {  	_ =	task.clear_ibuf [dreg:s6], $0x2FFFF;
	_ =	strace $0x9FFFFFFF  }
0xc2: {  	(tm) =	ssettm $0x7FFFFFFF  }
0xc3: {  	_ =	shalt  }
tec
execute0_lowered:
.L_overlay_start_1:
0x0: {  	(tag) =	ssettag $0x1  }
0x1: {  	s0 =	rddreg [dreg:$0x0]  }
0x2: {  	s1 =	srdreg.scid;
	s2 =	rddreg [dreg:$0x1]  }
0x3: {  	s8 =	stileid.u32;
	s18 =	rddreg [dreg:$0x2]  }
0x4: {  	s22 =	simm.s32 $0x0;
	s30 =	simm.s32 $0x2710;
	s11 =	simm.s32 $0x8CA0  }
0x5: {  	s20 =	simm.s32 $0x7D0;
	s10 =	simm.s32 $0xCB20;
	s21 =	simm.s32 $0xBB8  }
0x6: {  	s9 =	simm.s32 $0x109A0;
	s23 =	simm.s32 $0xFA0;
	s13 =	simm.s32 $0x1388  }
0x7: {  	s24 =	simm.s32 $0x2AF8;
	s25 =	simm.s32 $0x1770;
	s26 =	simm.s32 $0x2EE0  }
0x8: {  	s31 =	simm.s32 $0x32C8;
	s29 =	simm.s32 $0x1F40;
	[smem:$0x7FF] =	sst s22  }
0x9: {  	p0 =	por $0x0, $0x0;
	_ =	strace $0x8000004D;
	[dreg:$0x6] =	wrdreg s20  }
0xa: {  	s28 =	simm.s32 $0x2328;
	s4 =	smul.u32 $0x2710, s8;
	[dreg:$0x7] =	wrdreg s21  }
0xb: {  	s1 =	sand.u32 $0x1, s1;
	s5 =	smul.u32 $0x2780, s8;
	[dreg:$0x8] =	wrdreg s23  }
0xc: {  	s7 =	sadd.s32 $0x1D600, s0;
	s17 =	sshll.u32 s8, $0x6;
	[dreg:$0x9] =	wrdreg s13  }
0xd: {  	s8 =	simm.s32 $0x14820;
	s3 =	smul.u32 $0x27100, s1;
	[dreg:$0xa] =	wrdreg s24  }
0xe: {  	s14 =	smul.u32 $0x4F00, s1;
	s1 =	ssub.s32 $0x2, s1;
	[dreg:$0xb] =	wrdreg s25  }
0xf: {  	[dreg:$0xc] =	wrdreg s26;
	s13 =	simm.s32 $0x5;
	s26 =	simm.s32 $0x36B0  }
0x10: {  	s25 =	simm.s32 $0x3A98;
	s24 =	simm.s32 $0x3E80;
	s23 =	simm.s32 $0x4268  }
0x11: {  	s21 =	simm.s32 $0x4650;
	s20 =	simm.s32 $0x4A38;
	s12 =	sshrl.u32 s5, $0x3  }
0x12: {  	s15 =	sshrl.u32 s1, $0x1;
	s5 =	sadd.s32 s5, s2;
	s3 =	sadd.s32 s4, s3  }
0x13: {  	s6 =	sadd.s32 s12, s0;
	s1 =	ssub.s32 s1, s15;
	s5 =	sshrl.u32 s5, $0x3  }
0x14: {  	s4 =	simm.s32 $0x6;
	s15 =	simm.s32 $0x4;
	s3 =	sshrl.u32 s3, $0x3  }
0x15: {  	s6 =	sadd.s32 $0x18600, s6;
	s1 =	smax.u32 s1, $0x1;
	s3 =	sadd.s32 s3, s0  }
0x16: {  	s0 =	sadd.s32 s14, s0;
	[dreg:$0x3] =	wrdreg s6;
	p1 =	sne.s32 s1, $0x1  }
.Ltmp0:
0x17: {  	s6 =	simm.s32 $0x3E8;
	s14 =	simm.s32 $0x4E20;
	(pc) =	sbr.rel @!p1 .LBB2_1-.Ltmp0, $4  }
0x18: {  	s16 =	sadd.s32 $0x4C00, s3;
	s19 =	sadd.s32 $0xE840, s3;
	s3 =	sor.u32 $0x1C06, s17  }
0x19: {  	s0 =	sadd.s32 $0x22600, s0;
	s17 =	simm.s32 $0x2;
	[dreg:$0x4] =	wrdreg s16  }
0x1a: {  	[dreg:$0x5] =	wrdreg s19;
	s19 =	simm.s32 $0x1;
	s16 =	simm.s32 $0x3  }
0x1b: {  	s12 =	sadd.s32 s12, s0;
	s0 =	sadd.s32 $0xFFFFFFFF, s1;
	s1 =	rddreg [dreg:$0x3]  }
0x1c: {  	[spmem:s5], [sflag:s3] =	dma.local [hbm:s1], $0x4F0  }
0x1d: {  	_ =	swait.ge [sflag:s4], $0x4F0  }
0x1e: {  	[sflag:s4] =	ssyncset.done $0x0  }
0x1f: {  	s18 =	rddreg [dreg:$0x4];
	[sflag:s4] =	ssyncadd.s32 $0xFFFFFB10  }
0x20: {  	[tilespmem:s22], [sflag:$0x6] =	stream.linear.gather [hbm4b:s18+s22], $0x2710, $0x38;
	[tilespmem:$0x1AE20] =	vst v63  }
0x21: {  	_ =	swait.ge [sflag:s4], $0x2710  }
0x22: {  	[sflag:s4] =	ssyncset.done $0x0  }
0x23: {  	s18 =	rddreg [dreg:$0x5];
	[sflag:s4] =	ssyncadd.s32 $0xFFFFD8F0  }
0x24: {  	[tilespmem:s30], [sflag:$0x6] =	stream.linear.gather [hbm4b:s18+s22], $0x2710, $0x38;
	[tilespmem:$0x1AE20] =	vst v63  }
0x25: {  	_ =	swait.ge [sflag:s4], $0x2710  }
0x26: {  	[sflag:s4] =	ssyncset.done $0x0  }
0x27: {  	[sflag:s4] =	ssyncadd.s32 $0xFFFFD8F0  }
0x28: {  	[bflag:$0x0] =	sbarrier.arrive $0xFFFF  }
0x29: {  	[tilespmem:s14], [sflag:$0x1] =	stream.indirect.gather [hbm4b:s7+s6], $0x10, s22, s6, $0xb8;
	[tilespmem:$0x1AE20] =	vst v63  }
0x2a: {  	_ = 	snop  }
0x2b: {  	[tilespmem:s11], [sflag:$0x2] =	stream.indirect.gather [hbm4b:s7+s6], $0x10, s6, s6, $0xb8;
	[tilespmem:$0x1AE20] =	vst v63  }
0x2c: {  	s1 =	rddreg [dreg:$0x6]  }
0x2d: {  	[tilespmem:s10], [sflag:$0x3] =	stream.indirect.gather [hbm4b:s7+s6], $0x10, s1, s6, $0xb8;
	[tilespmem:$0x1AE20] =	vst v63  }
0x2e: {  	s18 =	smov.u32 s0;
	s0 =	rddreg [dreg:$0x7]  }
0x2f: {  	[tilespmem:s9], [sflag:$0x4] =	stream.indirect.gather [hbm4b:s7+s6], $0x10, s0, s6, $0xb8;
	[tilespmem:$0x1AE20] =	vst v63  }
0x30: {  	s1 =	rddreg [dreg:$0x8]  }
0x31: {  	[tilespmem:s8], [sflag:$0x5] =	stream.indirect.gather [hbm4b:s7+s6], $0x10, s1, s6, $0xb8;
	[tilespmem:$0x1AE20] =	vst v63  }
0x32: {  	_ =	swait.ge [sflag:s19], $0x3E80  }
0x33: {  	[sflag:s19] =	ssyncset.done $0x0  }
0x34: {  	[sflag:s19] =	ssyncadd.s32 $0xFFFFC180  }
0x35: {  	[spmem:s2] =	stream.indirect.scatter.add.f32 [tilespmem:s14], [sflag:$0x6], $0x10, s30, s6, $0xb8;
	[tilespmem:$0x1AE20] =	vst v63  }
0x36: {  	_ =	swait.ge [sflag:s4], $0x3E80  }
0x37: {  	[sflag:s4] =	ssyncset.done $0x0  }
0x38: {  	s1 =	rddreg [dreg:$0x9];
	[sflag:s4] =	ssyncadd.s32 $0xFFFFC180  }
0x39: {  	[tilespmem:s14], [sflag:$0x1] =	stream.indirect.gather [hbm4b:s7+s6], $0x10, s1, s6, $0xb8;
	[tilespmem:$0x1AE20] =	vst v63  }
0x3a: {  	_ =	swait.ge [sflag:s17], $0x3E80  }
0x3b: {  	[sflag:s17] =	ssyncset.done $0x0  }
0x3c: {  	s1 =	rddreg [dreg:$0xa];
	[sflag:s17] =	ssyncadd.s32 $0xFFFFC180  }
0x3d: {  	[spmem:s2] =	stream.indirect.scatter.add.f32 [tilespmem:s11], [sflag:$0x6], $0x10, s1, s6, $0xb8;
	[tilespmem:$0x1AE20] =	vst v63  }
0x3e: {  	_ =	swait.ge [sflag:s4], $0x3E80  }
0x3f: {  	[sflag:s4] =	ssyncset.done $0x0  }
0x40: {  	s1 =	rddreg [dreg:$0xb];
	[sflag:s4] =	ssyncadd.s32 $0xFFFFC180  }
0x41: {  	[tilespmem:s11], [sflag:$0x2] =	stream.indirect.gather [hbm4b:s7+s6], $0x10, s1, s6, $0xb8;
	[tilespmem:$0x1AE20] =	vst v63  }
0x42: {  	_ =	swait.ge [sflag:s16], $0x3E80  }
0x43: {  	[sflag:s16] =	ssyncset.done $0x0  }
0x44: {  	s1 =	rddreg [dreg:$0xc];
	[sflag:s16] =	ssyncadd.s32 $0xFFFFC180  }
0x45: {  	[spmem:s2] =	stream.indirect.scatter.add.f32 [tilespmem:s10], [sflag:$0x6], $0x10, s1, s6, $0xb8;
	[tilespmem:$0x1AE20] =	vst v63  }
0x46: {  	_ =	swait.ge [sflag:s4], $0x3E80  }
0x47: {  	[sflag:s4] =	ssyncset.done $0x0  }
0x48: {  	s1 =	simm.s32 $0x1B58;
	[sflag:s4] =	ssyncadd.s32 $0xFFFFC180  }
0x49: {  	[tilespmem:s10], [sflag:$0x3] =	stream.indirect.gather [hbm4b:s7+s6], $0x10, s1, s6, $0xb8;
	[tilespmem:$0x1AE20] =	vst v63  }
0x4a: {  	_ =	swait.ge [sflag:s15], $0x3E80  }
0x4b: {  	[sflag:s15] =	ssyncset.done $0x0  }
0x4c: {  	[sflag:s15] =	ssyncadd.s32 $0xFFFFC180  }
0x4d: {  	[spmem:s2] =	stream.indirect.scatter.add.f32 [tilespmem:s9], [sflag:$0x6], $0x10, s31, s6, $0xb8;
	[tilespmem:$0x1AE20] =	vst v63  }
0x4e: {  	_ =	swait.ge [sflag:s4], $0x3E80  }
0x4f: {  	[sflag:s4] =	ssyncset.done $0x0  }
0x50: {  	[sflag:s4] =	ssyncadd.s32 $0xFFFFC180  }
0x51: {  	[tilespmem:s9], [sflag:$0x4] =	stream.indirect.gather [hbm4b:s7+s6], $0x10, s29, s6, $0xb8;
	[tilespmem:$0x1AE20] =	vst v63  }
0x52: {  	_ =	swait.ge [sflag:s13], $0x3E80  }
0x53: {  	[sflag:s13] =	ssyncset.done $0x0  }
0x54: {  	[sflag:s13] =	ssyncadd.s32 $0xFFFFC180  }
0x55: {  	[spmem:s2] =	stream.indirect.scatter.add.f32 [tilespmem:s8], [sflag:$0x6], $0x10, s26, s6, $0xb8;
	[tilespmem:$0x1AE20] =	vst v63  }
0x56: {  	_ =	swait.ge [sflag:s4], $0x3E80  }
0x57: {  	[sflag:s4] =	ssyncset.done $0x0  }
0x58: {  	[sflag:s4] =	ssyncadd.s32 $0xFFFFC180  }
0x59: {  	[tilespmem:s8], [sflag:$0x5] =	stream.indirect.gather [hbm4b:s7+s6], $0x10, s28, s6, $0xb8;
	[tilespmem:$0x1AE20] =	vst v63  }
0x5a: {  	_ =	swait.ge [sflag:s19], $0x3E80  }
0x5b: {  	[sflag:s19] =	ssyncset.done $0x0  }
0x5c: {  	[sflag:s19] =	ssyncadd.s32 $0xFFFFC180  }
0x5d: {  	[spmem:s2] =	stream.indirect.scatter.add.f32 [tilespmem:s14], [sflag:$0x6], $0x10, s25, s6, $0xb8;
	[tilespmem:$0x1AE20] =	vst v63  }
0x5e: {  	_ =	swait.ge [sflag:s4], $0x3E80  }
0x5f: {  	[sflag:s4] =	ssyncset.done $0x0  }
0x60: {  	[sflag:s4] =	ssyncadd.s32 $0xFFFFC180  }
0x61: {  	_ =	swait.ge [sflag:s17], $0x3E80  }
0x62: {  	[sflag:s17] =	ssyncset.done $0x0  }
0x63: {  	[sflag:s17] =	ssyncadd.s32 $0xFFFFC180  }
0x64: {  	[spmem:s2] =	stream.indirect.scatter.add.f32 [tilespmem:s11], [sflag:$0x6], $0x10, s24, s6, $0xb8;
	[tilespmem:$0x1AE20] =	vst v63  }
0x65: {  	_ =	swait.ge [sflag:s4], $0x3E80  }
0x66: {  	[sflag:s4] =	ssyncset.done $0x0  }
0x67: {  	[sflag:s4] =	ssyncadd.s32 $0xFFFFC180  }
0x68: {  	_ =	swait.ge [sflag:s16], $0x3E80  }
0x69: {  	[sflag:s16] =	ssyncset.done $0x0  }
0x6a: {  	[sflag:s16] =	ssyncadd.s32 $0xFFFFC180  }
0x6b: {  	[spmem:s2] =	stream.indirect.scatter.add.f32 [tilespmem:s10], [sflag:$0x6], $0x10, s23, s6, $0xb8;
	[tilespmem:$0x1AE20] =	vst v63  }
0x6c: {  	_ =	swait.ge [sflag:s4], $0x3E80  }
0x6d: {  	[sflag:s4] =	ssyncset.done $0x0  }
0x6e: {  	[sflag:s4] =	ssyncadd.s32 $0xFFFFC180  }
0x6f: {  	_ =	swait.ge [sflag:s15], $0x3E80  }
0x70: {  	[sflag:s15] =	ssyncset.done $0x0  }
0x71: {  	[sflag:s15] =	ssyncadd.s32 $0xFFFFC180  }
0x72: {  	[spmem:s2] =	stream.indirect.scatter.add.f32 [tilespmem:s9], [sflag:$0x6], $0x10, s21, s6, $0xb8;
	[tilespmem:$0x1AE20] =	vst v63  }
0x73: {  	_ =	swait.ge [sflag:s4], $0x3E80  }
0x74: {  	[sflag:s4] =	ssyncset.done $0x0  }
0x75: {  	[sflag:s4] =	ssyncadd.s32 $0xFFFFC180  }
0x76: {  	_ =	swait.ge [sflag:s13], $0x3E80  }
0x77: {  	[sflag:s13] =	ssyncset.done $0x0  }
0x78: {  	[sflag:s13] =	ssyncadd.s32 $0xFFFFC180  }
0x79: {  	[spmem:s2] =	stream.indirect.scatter.add.f32 [tilespmem:s8], [sflag:$0x6], $0x10, s20, s6, $0xb8;
	[tilespmem:$0x1AE20] =	vst v63  }
0x7a: {  	_ =	swait.ge [sflag:s4], $0x3E80  }
0x7b: {  	p1 =	sne.s32 s18, $0x1;
	[sflag:s4] =	ssyncset.done $0x0  }
.Ltmp1:
0x7c: {  	[sflag:s4] =	ssyncadd.s32 $0xFFFFC180;
	(pc) =	sbr.rel @!p1 .LBB2_3-.Ltmp1, $4  }
0x7d: {  	[bflag:$0x0] =	sbarrier.arrive $0xFFFF  }
0x7e: {  	[hbm:s12], [sflag:s3] =	dma.local [spmem:s5], $0x4F0  }
0x7f: {  	p0 =	por $0x1, $0x1;
	_ =	swait.ge [sflag:s4], $0x4F0  }
0x80: {  	s0 =	sadd.s32 $0xFFFFFFFF, s18;
	s1 =	rddreg [dreg:$0x3];
	[sflag:s4] =	ssyncset.done $0x0  }
.LBB2_4:
0x81: {  	[sflag:s4] =	ssyncadd.s32 $0xFFFFFB10  }
0x82: {  	[spmem:s5], [sflag:s3] =	dma.local [hbm:s1], $0x4F0  }
0x83: {  	_ =	swait.ge [sflag:s4], $0x4F0  }
0x84: {  	[sflag:s4] =	ssyncset.done $0x0  }
0x85: {  	s18 =	rddreg [dreg:$0x4];
	[sflag:s4] =	ssyncadd.s32 $0xFFFFFB10  }
0x86: {  	[tilespmem:s22], [sflag:$0x6] =	stream.linear.gather [hbm4b:s18+s22], $0x2710, $0x38;
	[tilespmem:$0x1AE20] =	vst v63  }
0x87: {  	_ =	swait.ge [sflag:s4], $0x2710  }
0x88: {  	[sflag:s4] =	ssyncset.done $0x0  }
0x89: {  	s18 =	rddreg [dreg:$0x5];
	[sflag:s4] =	ssyncadd.s32 $0xFFFFD8F0  }
0x8a: {  	[tilespmem:s30], [sflag:$0x6] =	stream.linear.gather [hbm4b:s18+s22], $0x2710, $0x38;
	[tilespmem:$0x1AE20] =	vst v63  }
0x8b: {  	_ =	swait.ge [sflag:s4], $0x2710  }
0x8c: {  	[sflag:s4] =	ssyncset.done $0x0  }
0x8d: {  	[sflag:s4] =	ssyncadd.s32 $0xFFFFD8F0  }
0x8e: {  	[bflag:$0x0] =	sbarrier.arrive $0xFFFF  }
0x8f: {  	[tilespmem:s14], [sflag:$0x1] =	stream.indirect.gather [hbm4b:s7+s6], $0x10, s22, s6, $0xb8;
	[tilespmem:$0x1AE20] =	vst v63  }
0x90: {  	_ = 	snop  }
0x91: {  	[tilespmem:s11], [sflag:$0x2] =	stream.indirect.gather [hbm4b:s7+s6], $0x10, s6, s6, $0xb8;
	[tilespmem:$0x1AE20] =	vst v63  }
0x92: {  	s1 =	rddreg [dreg:$0x6]  }
0x93: {  	[tilespmem:s10], [sflag:$0x3] =	stream.indirect.gather [hbm4b:s7+s6], $0x10, s1, s6, $0xb8;
	[tilespmem:$0x1AE20] =	vst v63  }
0x94: {  	s18 =	rddreg [dreg:$0x7]  }
0x95: {  	[tilespmem:s9], [sflag:$0x4] =	stream.indirect.gather [hbm4b:s7+s6], $0x10, s18, s6, $0xb8;
	[tilespmem:$0x1AE20] =	vst v63  }
0x96: {  	s1 =	rddreg [dreg:$0x8]  }
0x97: {  	[tilespmem:s8], [sflag:$0x5] =	stream.indirect.gather [hbm4b:s7+s6], $0x10, s1, s6, $0xb8;
	[tilespmem:$0x1AE20] =	vst v63  }
0x98: {  	_ =	swait.ge [sflag:s19], $0x3E80  }
0x99: {  	[sflag:s19] =	ssyncset.done $0x0  }
0x9a: {  	[sflag:s19] =	ssyncadd.s32 $0xFFFFC180  }
0x9b: {  	[spmem:s2] =	stream.indirect.scatter.add.f32 [tilespmem:s14], [sflag:$0x6], $0x10, s30, s6, $0xb8;
	[tilespmem:$0x1AE20] =	vst v63  }
0x9c: {  	_ =	swait.ge [sflag:s4], $0x3E80  }
0x9d: {  	[sflag:s4] =	ssyncset.done $0x0  }
0x9e: {  	s18 =	rddreg [dreg:$0x9];
	[sflag:s4] =	ssyncadd.s32 $0xFFFFC180  }
0x9f: {  	[tilespmem:s14], [sflag:$0x1] =	stream.indirect.gather [hbm4b:s7+s6], $0x10, s18, s6, $0xb8;
	[tilespmem:$0x1AE20] =	vst v63  }
0xa0: {  	_ =	swait.ge [sflag:s17], $0x3E80  }
0xa1: {  	[sflag:s17] =	ssyncset.done $0x0  }
0xa2: {  	s18 =	rddreg [dreg:$0xa];
	[sflag:s17] =	ssyncadd.s32 $0xFFFFC180  }
0xa3: {  	[spmem:s2] =	stream.indirect.scatter.add.f32 [tilespmem:s11], [sflag:$0x6], $0x10, s18, s6, $0xb8;
	[tilespmem:$0x1AE20] =	vst v63  }
0xa4: {  	_ =	swait.ge [sflag:s4], $0x3E80  }
0xa5: {  	[sflag:s4] =	ssyncset.done $0x0  }
0xa6: {  	s18 =	rddreg [dreg:$0xb];
	[sflag:s4] =	ssyncadd.s32 $0xFFFFC180  }
0xa7: {  	[tilespmem:s11], [sflag:$0x2] =	stream.indirect.gather [hbm4b:s7+s6], $0x10, s18, s6, $0xb8;
	[tilespmem:$0x1AE20] =	vst v63  }
0xa8: {  	_ =	swait.ge [sflag:s16], $0x3E80  }
0xa9: {  	[sflag:s16] =	ssyncset.done $0x0  }
0xaa: {  	s18 =	rddreg [dreg:$0xc];
	[sflag:s16] =	ssyncadd.s32 $0xFFFFC180  }
0xab: {  	[spmem:s2] =	stream.indirect.scatter.add.f32 [tilespmem:s10], [sflag:$0x6], $0x10, s18, s6, $0xb8;
	[tilespmem:$0x1AE20] =	vst v63  }
0xac: {  	_ =	swait.ge [sflag:s4], $0x3E80  }
0xad: {  	[sflag:s4] =	ssyncset.done $0x0  }
0xae: {  	s18 =	simm.s32 $0x1B58;
	[sflag:s4] =	ssyncadd.s32 $0xFFFFC180  }
0xaf: {  	[tilespmem:s10], [sflag:$0x3] =	stream.indirect.gather [hbm4b:s7+s6], $0x10, s18, s6, $0xb8;
	[tilespmem:$0x1AE20] =	vst v63  }
0xb0: {  	_ =	swait.ge [sflag:s15], $0x3E80  }
0xb1: {  	[sflag:s15] =	ssyncset.done $0x0  }
0xb2: {  	[sflag:s15] =	ssyncadd.s32 $0xFFFFC180  }
0xb3: {  	[spmem:s2] =	stream.indirect.scatter.add.f32 [tilespmem:s9], [sflag:$0x6], $0x10, s31, s6, $0xb8;
	[tilespmem:$0x1AE20] =	vst v63  }
0xb4: {  	_ =	swait.ge [sflag:s4], $0x3E80  }
0xb5: {  	[sflag:s4] =	ssyncset.done $0x0  }
0xb6: {  	[sflag:s4] =	ssyncadd.s32 $0xFFFFC180  }
0xb7: {  	[tilespmem:s9], [sflag:$0x4] =	stream.indirect.gather [hbm4b:s7+s6], $0x10, s29, s6, $0xb8;
	[tilespmem:$0x1AE20] =	vst v63  }
0xb8: {  	_ =	swait.ge [sflag:s13], $0x3E80  }
0xb9: {  	[sflag:s13] =	ssyncset.done $0x0  }
0xba: {  	[sflag:s13] =	ssyncadd.s32 $0xFFFFC180  }
0xbb: {  	[spmem:s2] =	stream.indirect.scatter.add.f32 [tilespmem:s8], [sflag:$0x6], $0x10, s26, s6, $0xb8;
	[tilespmem:$0x1AE20] =	vst v63  }
0xbc: {  	_ =	swait.ge [sflag:s4], $0x3E80  }
0xbd: {  	[sflag:s4] =	ssyncset.done $0x0  }
0xbe: {  	[sflag:s4] =	ssyncadd.s32 $0xFFFFC180  }
0xbf: {  	[tilespmem:s8], [sflag:$0x5] =	stream.indirect.gather [hbm4b:s7+s6], $0x10, s28, s6, $0xb8;
	[tilespmem:$0x1AE20] =	vst v63  }
0xc0: {  	_ =	swait.ge [sflag:s19], $0x3E80  }
0xc1: {  	[sflag:s19] =	ssyncset.done $0x0  }
0xc2: {  	[sflag:s19] =	ssyncadd.s32 $0xFFFFC180  }
0xc3: {  	[spmem:s2] =	stream.indirect.scatter.add.f32 [tilespmem:s14], [sflag:$0x6], $0x10, s25, s6, $0xb8;
	[tilespmem:$0x1AE20] =	vst v63  }
0xc4: {  	_ =	swait.ge [sflag:s4], $0x3E80  }
0xc5: {  	[sflag:s4] =	ssyncset.done $0x0  }
0xc6: {  	[sflag:s4] =	ssyncadd.s32 $0xFFFFC180  }
0xc7: {  	_ =	swait.ge [sflag:s17], $0x3E80  }
0xc8: {  	[sflag:s17] =	ssyncset.done $0x0  }
0xc9: {  	[sflag:s17] =	ssyncadd.s32 $0xFFFFC180  }
0xca: {  	[spmem:s2] =	stream.indirect.scatter.add.f32 [tilespmem:s11], [sflag:$0x6], $0x10, s24, s6, $0xb8;
	[tilespmem:$0x1AE20] =	vst v63  }
0xcb: {  	_ =	swait.ge [sflag:s4], $0x3E80  }
0xcc: {  	[sflag:s4] =	ssyncset.done $0x0  }
0xcd: {  	[sflag:s4] =	ssyncadd.s32 $0xFFFFC180  }
0xce: {  	_ =	swait.ge [sflag:s16], $0x3E80  }
0xcf: {  	[sflag:s16] =	ssyncset.done $0x0  }
0xd0: {  	[sflag:s16] =	ssyncadd.s32 $0xFFFFC180  }
0xd1: {  	[spmem:s2] =	stream.indirect.scatter.add.f32 [tilespmem:s10], [sflag:$0x6], $0x10, s23, s6, $0xb8;
	[tilespmem:$0x1AE20] =	vst v63  }
0xd2: {  	_ =	swait.ge [sflag:s4], $0x3E80  }
0xd3: {  	[sflag:s4] =	ssyncset.done $0x0  }
0xd4: {  	[sflag:s4] =	ssyncadd.s32 $0xFFFFC180  }
0xd5: {  	_ =	swait.ge [sflag:s15], $0x3E80  }
0xd6: {  	[sflag:s15] =	ssyncset.done $0x0  }
0xd7: {  	[sflag:s15] =	ssyncadd.s32 $0xFFFFC180  }
0xd8: {  	[spmem:s2] =	stream.indirect.scatter.add.f32 [tilespmem:s9], [sflag:$0x6], $0x10, s21, s6, $0xb8;
	[tilespmem:$0x1AE20] =	vst v63  }
0xd9: {  	_ =	swait.ge [sflag:s4], $0x3E80  }
0xda: {  	[sflag:s4] =	ssyncset.done $0x0  }
0xdb: {  	[sflag:s4] =	ssyncadd.s32 $0xFFFFC180  }
0xdc: {  	_ =	swait.ge [sflag:s13], $0x3E80  }
0xdd: {  	[sflag:s13] =	ssyncset.done $0x0  }
0xde: {  	[sflag:s13] =	ssyncadd.s32 $0xFFFFC180  }
0xdf: {  	[spmem:s2] =	stream.indirect.scatter.add.f32 [tilespmem:s8], [sflag:$0x6], $0x10, s20, s6, $0xb8;
	[tilespmem:$0x1AE20] =	vst v63  }
0xe0: {  	_ =	swait.ge [sflag:s4], $0x3E80  }
0xe1: {  	p1 =	sne.s32 s0, $0x1;
	[sflag:s4] =	ssyncset.done $0x0  }
.Ltmp2:
0xe2: {  	[sflag:s4] =	ssyncadd.s32 $0xFFFFC180;
	(pc) =	sbr.rel @p1 .LBB2_4-.Ltmp2, $4  }
0xe3: {  	[bflag:$0x0] =	sbarrier.arrive $0xFFFF  }
0xe4: {  	[hbm:s12], [sflag:s3] =	dma.local [spmem:s5], $0x4F0  }
0xe5: {  	_ =	swait.ge [sflag:s4], $0x4F0  }
0xe6: {  	s0 =	sadd.s32 $0xFFFFFFFF, s0;
	s1 =	rddreg [dreg:$0x3];
	[sflag:s4] =	ssyncset.done $0x0  }
0xe7: {  	s20 =	simm.s32 $0x1B58  }
0xe8: {  	s31 =	simm.s32 $0x32C8;
	s29 =	simm.s32 $0x1F40;
	s28 =	simm.s32 $0x2328  }
0xe9: {  	s26 =	simm.s32 $0x36B0;
	s25 =	simm.s32 $0x3A98;
	s24 =	simm.s32 $0x3E80  }
0xea: {  	s23 =	simm.s32 $0x4268;
	s21 =	simm.s32 $0x4650;
	s18 =	rddreg [dreg:$0x2]  }
.LBB2_6:
0xeb: {  	[sflag:s4] =	ssyncadd.s32 @p0 $0xFFFFFB10  }
0xec: {  	[spmem:s5], [sflag:s3] =	dma.local [hbm:s1], $0x4F0  }
0xed: {  	_ =	swait.ge [sflag:s4], $0x4F0  }
0xee: {  	[sflag:s4] =	ssyncset.done $0x0  }
0xef: {  	s0 =	rddreg [dreg:$0x4];
	[sflag:s4] =	ssyncadd.s32 $0xFFFFFB10  }
0xf0: {  	[tilespmem:s22], [sflag:$0x6] =	stream.linear.gather [hbm4b:s0+s22], $0x2710, $0x38;
	[tilespmem:$0x1AE20] =	vst v63  }
0xf1: {  	_ =	swait.ge [sflag:s4], $0x2710  }
0xf2: {  	[sflag:s4] =	ssyncset.done $0x0  }
0xf3: {  	s1 =	rddreg [dreg:$0x5];
	[sflag:s4] =	ssyncadd.s32 $0xFFFFD8F0  }
0xf4: {  	[tilespmem:s30], [sflag:$0x6] =	stream.linear.gather [hbm4b:s1+s22], $0x2710, $0x38;
	[tilespmem:$0x1AE20] =	vst v63  }
0xf5: {  	_ =	swait.ge [sflag:s4], $0x2710  }
0xf6: {  	[sflag:s4] =	ssyncset.done $0x0  }
0xf7: {  	[sflag:s4] =	ssyncadd.s32 $0xFFFFD8F0  }
0xf8: {  	[bflag:$0x0] =	sbarrier.arrive $0xFFFF  }
0xf9: {  	[tilespmem:s14], [sflag:$0x1] =	stream.indirect.gather [hbm4b:s7+s6], $0x10, s22, s6, $0xb8;
	[tilespmem:$0x1AE20] =	vst v63  }
0xfa: {  	_ = 	snop  }
0xfb: {  	[tilespmem:s11], [sflag:$0x2] =	stream.indirect.gather [hbm4b:s7+s6], $0x10, s6, s6, $0xb8;
	[tilespmem:$0x1AE20] =	vst v63  }
0xfc: {  	s22 =	rddreg [dreg:$0x6]  }
0xfd: {  	[tilespmem:s10], [sflag:$0x3] =	stream.indirect.gather [hbm4b:s7+s6], $0x10, s22, s6, $0xb8;
	[tilespmem:$0x1AE20] =	vst v63  }
0xfe: {  	s1 =	rddreg [dreg:$0x7]  }
0xff: {  	[tilespmem:s9], [sflag:$0x4] =	stream.indirect.gather [hbm4b:s7+s6], $0x10, s1, s6, $0xb8;
	[tilespmem:$0x1AE20] =	vst v63  }
0x100: {  	s22 =	rddreg [dreg:$0x8]  }
0x101: {  	[tilespmem:s8], [sflag:$0x5] =	stream.indirect.gather [hbm4b:s7+s6], $0x10, s22, s6, $0xb8;
	[tilespmem:$0x1AE20] =	vst v63  }
0x102: {  	_ =	swait.ge [sflag:s19], $0x3E80  }
0x103: {  	[sflag:s19] =	ssyncset.done $0x0  }
0x104: {  	[sflag:s19] =	ssyncadd.s32 $0xFFFFC180  }
0x105: {  	[spmem:s2] =	stream.indirect.scatter.add.f32 [tilespmem:s14], [sflag:$0x6], $0x10, s30, s6, $0xb8;
	[tilespmem:$0x1AE20] =	vst v63  }
0x106: {  	_ =	swait.ge [sflag:s4], $0x3E80  }
0x107: {  	[sflag:s4] =	ssyncset.done $0x0  }
0x108: {  	s22 =	rddreg [dreg:$0x9];
	[sflag:s4] =	ssyncadd.s32 $0xFFFFC180  }
0x109: {  	[tilespmem:s14], [sflag:$0x1] =	stream.indirect.gather [hbm4b:s7+s6], $0x10, s22, s6, $0xb8;
	[tilespmem:$0x1AE20] =	vst v63  }
0x10a: {  	_ =	swait.ge [sflag:s17], $0x3E80  }
0x10b: {  	[sflag:s17] =	ssyncset.done $0x0  }
0x10c: {  	s30 =	rddreg [dreg:$0xa];
	[sflag:s17] =	ssyncadd.s32 $0xFFFFC180  }
0x10d: {  	[spmem:s2] =	stream.indirect.scatter.add.f32 [tilespmem:s11], [sflag:$0x6], $0x10, s30, s6, $0xb8;
	[tilespmem:$0x1AE20] =	vst v63  }
0x10e: {  	_ =	swait.ge [sflag:s4], $0x3E80  }
0x10f: {  	[sflag:s4] =	ssyncset.done $0x0  }
0x110: {  	s1 =	rddreg [dreg:$0xb];
	[sflag:s4] =	ssyncadd.s32 $0xFFFFC180  }
0x111: {  	[tilespmem:s11], [sflag:$0x2] =	stream.indirect.gather [hbm4b:s7+s6], $0x10, s1, s6, $0xb8;
	[tilespmem:$0x1AE20] =	vst v63  }
0x112: {  	_ =	swait.ge [sflag:s16], $0x3E80  }
0x113: {  	[sflag:s16] =	ssyncset.done $0x0  }
0x114: {  	s22 =	rddreg [dreg:$0xc];
	[sflag:s16] =	ssyncadd.s32 $0xFFFFC180  }
0x115: {  	[spmem:s2] =	stream.indirect.scatter.add.f32 [tilespmem:s10], [sflag:$0x6], $0x10, s22, s6, $0xb8;
	[tilespmem:$0x1AE20] =	vst v63  }
0x116: {  	_ =	swait.ge [sflag:s4], $0x3E80  }
0x117: {  	[sflag:s4] =	ssyncset.done $0x0  }
0x118: {  	[sflag:s4] =	ssyncadd.s32 $0xFFFFC180  }
0x119: {  	[tilespmem:s10], [sflag:$0x3] =	stream.indirect.gather [hbm4b:s7+s6], $0x10, s20, s6, $0xb8;
	[tilespmem:$0x1AE20] =	vst v63  }
0x11a: {  	_ =	swait.ge [sflag:s15], $0x3E80  }
0x11b: {  	[sflag:s15] =	ssyncset.done $0x0  }
0x11c: {  	[sflag:s15] =	ssyncadd.s32 $0xFFFFC180  }
0x11d: {  	[spmem:s2] =	stream.indirect.scatter.add.f32 [tilespmem:s9], [sflag:$0x6], $0x10, s31, s6, $0xb8;
	[tilespmem:$0x1AE20] =	vst v63  }
0x11e: {  	_ =	swait.ge [sflag:s4], $0x3E80  }
0x11f: {  	[sflag:s4] =	ssyncset.done $0x0  }
0x120: {  	[sflag:s4] =	ssyncadd.s32 $0xFFFFC180  }
0x121: {  	[tilespmem:s9], [sflag:$0x4] =	stream.indirect.gather [hbm4b:s7+s6], $0x10, s29, s6, $0xb8;
	[tilespmem:$0x1AE20] =	vst v63  }
0x122: {  	_ =	swait.ge [sflag:s13], $0x3E80  }
0x123: {  	[sflag:s13] =	ssyncset.done $0x0  }
0x124: {  	[sflag:s13] =	ssyncadd.s32 $0xFFFFC180  }
0x125: {  	[spmem:s2] =	stream.indirect.scatter.add.f32 [tilespmem:s8], [sflag:$0x6], $0x10, s26, s6, $0xb8;
	[tilespmem:$0x1AE20] =	vst v63  }
0x126: {  	_ =	swait.ge [sflag:s4], $0x3E80  }
0x127: {  	[sflag:s4] =	ssyncset.done $0x0  }
0x128: {  	[sflag:s4] =	ssyncadd.s32 $0xFFFFC180  }
0x129: {  	[tilespmem:s8], [sflag:$0x5] =	stream.indirect.gather [hbm4b:s7+s6], $0x10, s28, s6, $0xb8;
	[tilespmem:$0x1AE20] =	vst v63  }
0x12a: {  	_ =	swait.ge [sflag:s19], $0x3E80  }
0x12b: {  	[sflag:s19] =	ssyncset.done $0x0  }
0x12c: {  	[sflag:s19] =	ssyncadd.s32 $0xFFFFC180  }
0x12d: {  	[spmem:s2] =	stream.indirect.scatter.add.f32 [tilespmem:s14], [sflag:$0x6], $0x10, s25, s6, $0xb8;
	[tilespmem:$0x1AE20] =	vst v63  }
0x12e: {  	_ =	swait.ge [sflag:s4], $0x3E80  }
0x12f: {  	[sflag:s4] =	ssyncset.done $0x0  }
0x130: {  	[sflag:s4] =	ssyncadd.s32 $0xFFFFC180  }
0x131: {  	_ =	swait.ge [sflag:s17], $0x3E80  }
0x132: {  	[sflag:s17] =	ssyncset.done $0x0  }
0x133: {  	[sflag:s17] =	ssyncadd.s32 $0xFFFFC180  }
0x134: {  	[spmem:s2] =	stream.indirect.scatter.add.f32 [tilespmem:s11], [sflag:$0x6], $0x10, s24, s6, $0xb8;
	[tilespmem:$0x1AE20] =	vst v63  }
0x135: {  	_ =	swait.ge [sflag:s4], $0x3E80  }
0x136: {  	[sflag:s4] =	ssyncset.done $0x0  }
0x137: {  	[sflag:s4] =	ssyncadd.s32 $0xFFFFC180  }
0x138: {  	_ =	swait.ge [sflag:s16], $0x3E80  }
0x139: {  	[sflag:s16] =	ssyncset.done $0x0  }
0x13a: {  	[sflag:s16] =	ssyncadd.s32 $0xFFFFC180  }
0x13b: {  	[spmem:s2] =	stream.indirect.scatter.add.f32 [tilespmem:s10], [sflag:$0x6], $0x10, s23, s6, $0xb8;
	[tilespmem:$0x1AE20] =	vst v63  }
0x13c: {  	_ =	swait.ge [sflag:s4], $0x3E80  }
0x13d: {  	[sflag:s4] =	ssyncset.done $0x0  }
0x13e: {  	[sflag:s4] =	ssyncadd.s32 $0xFFFFC180  }
0x13f: {  	_ =	swait.ge [sflag:s15], $0x3E80  }
0x140: {  	[sflag:s15] =	ssyncset.done $0x0  }
0x141: {  	[sflag:s15] =	ssyncadd.s32 $0xFFFFC180  }
0x142: {  	[spmem:s2] =	stream.indirect.scatter.add.f32 [tilespmem:s9], [sflag:$0x6], $0x10, s21, s6, $0xb8;
	[tilespmem:$0x1AE20] =	vst v63  }
0x143: {  	_ =	swait.ge [sflag:s4], $0x3E80  }
0x144: {  	[sflag:s4] =	ssyncset.done $0x0  }
0x145: {  	[sflag:s4] =	ssyncadd.s32 $0xFFFFC180  }
0x146: {  	_ =	swait.ge [sflag:s13], $0x3E80  }
0x147: {  	[sflag:s13] =	ssyncset.done $0x0  }
0x148: {  	s30 =	simm.s32 $0x4A38;
	[sflag:s13] =	ssyncadd.s32 $0xFFFFC180  }
0x149: {  	[spmem:s2] =	stream.indirect.scatter.add.f32 [tilespmem:s8], [sflag:$0x6], $0x10, s30, s6, $0xb8;
	[tilespmem:$0x1AE20] =	vst v63  }
0x14a: {  	_ =	swait.ge [sflag:s4], $0x3E80  }
0x14b: {  	[sflag:s4] =	ssyncset.done $0x0  }
0x14c: {  	[sflag:s4] =	ssyncadd.s32 $0xFFFFC180  }
0x14d: {  	[bflag:$0x0] =	sbarrier.arrive $0xFFFF  }
0x14e: {  	[hbm:s12], [sflag:s3] =	dma.local [spmem:s5], $0x4F0  }
0x14f: {  	_ =	swait.ge [sflag:s4], $0x4F0  }
0x150: {  	[sflag:s4] =	ssyncset.done $0x0  }
0x151: {  	[sflag:s4] =	ssyncadd.s32 $0xFFFFFB10  }
0x152: {  	_ =	sfence.sel $0x180000  }
0x153: {  	s31 =	stileid.u32;
	[bflag:$0x0] =	sbarrier.arrive $0xFFFF  }
0x154: {  	p0 =	sne.s32 s31, $0x0;
	_ =	strace $0x9000004D  }
0x155: {  	s0 =	sadd.s32 @!p0 $0x100000, s18;
	[bflag:$0x2] =	sbarrier.arrive $0xFFFF  }
0x156: {  	[sflag:s0] =	ssyncadd.tile.s32 @!p0 $0x1;
	_ =	shalt  }
.LBB2_1:
.Ltmp3:
0x157: {  	(pc) =	sbr.rel .LBB2_6-.Ltmp3, $4  }
0x158: {  	_ = 	snop  }
0x159: {  	s20 =	simm.s32 $0x1B58;
	s31 =	simm.s32 $0x32C8;
	s29 =	simm.s32 $0x1F40  }
0x15a: {  	s28 =	simm.s32 $0x2328;
	s26 =	simm.s32 $0x36B0;
	s25 =	simm.s32 $0x3A98  }
0x15b: {  	s24 =	simm.s32 $0x3E80;
	s23 =	simm.s32 $0x4268;
	s21 =	simm.s32 $0x4650  }
.LBB2_3:
.Ltmp4:
0x15c: {  	(pc) =	sbr.rel .LBB2_6-.Ltmp4, $4  }
0x15d: {  	s20 =	simm.s32 $0x1B58  }
0x15e: {  	s31 =	simm.s32 $0x32C8;
	s29 =	simm.s32 $0x1F40;
	s28 =	simm.s32 $0x2328  }
0x15f: {  	s26 =	simm.s32 $0x36B0;
	s25 =	simm.s32 $0x3A98;
	s24 =	simm.s32 $0x3E80  }
0x160: {  	s23 =	simm.s32 $0x4268;
	s21 =	simm.s32 $0x4650;
	s18 =	rddreg [dreg:$0x2]  }
.Lfunc_end2:
_tile_overlayer_lowered:
.L_overlay_start_2:
0x161: {  	(tag) =	ssettag $0x2  }
0x162: {  	s0 =	rddreg [dreg:$0x0];
	s2 =	stileid.u32  }
0x163: {  	s1 =	rddreg [dreg:$0x1];
	p0 =	sne.s32 s2, $0x0  }
0x164: {  	s3 =	rddreg [dreg:$0x2];
	[bflag:$0x3] =	sbarrier.arrive $0xFFFF;
	s2 =	simm.s32 @!p0 $0x1C06  }
0x165: {  	[timem:s3], [sflag:s2] =	dma.local @!p0 [hbm:s0], s1  }
0x166: {  	s0 =	simm.s32 @!p0 $0x6  }
0x167: {  	_ =	swait.ge @!p0 [sflag:s0], s1  }
0x168: {  	s1 =	ssub.s32 @!p0 $0x0, s1;
	[sflag:s0] =	ssyncset.done @!p0 $0x0  }
0x169: {  	[sflag:s0] =	ssyncadd.s32 @!p0 s1  }
0x16a: {  	[bflag:$0x3] =	sbarrier.arrive $0xFFFF  }
0x16b: {  	_ =	shalt  }

// kernel: kernel.22.cloned.1.call-start
scs
__scs_entry_jumppad:
0x0: {  	(pc) =	sbr.rel $0x88, $3  }
0x1: {  	(tag) =	ssettag $0x0;
	lr =	simm.s32 $0x1  }
0x2: {  	[smem:$0x3F97] =	sst lr;
	_ =	strace $0xD0000000  }
0x3: {  	_ = 	snop  }
0x4: {  	_ = 	snop  }
0x5: {  	_ = 	snop  }
0x6: {  	_ = 	snop  }
0x7: {  	_ = 	snop  }
__scs_overlays_trampoline_lowered:
0x8: {  	[smem:$0x3FA6] =	sst s0  }
0x9: {  	[smem:$0x3FA7] =	sst s1  }
0xa: {  	[smem:$0x3FA8] =	sst s2  }
0xb: {  	[smem:$0x3FA9] =	sst s3  }
0xc: {  	[smem:$0x3FAA] =	sst s4  }
0xd: {  	[smem:$0x3FAB] =	sst s5  }
0xe: {  	[smem:$0x3FAC] =	sst s6  }
0xf: {  	[smem:$0x3FAD] =	sst s7  }
0x10: {  	[smem:$0x3FAE] =	sst s8  }
0x11: {  	[smem:$0x3FAF] =	sst s9;
	s0 =	simm.s32 @!p0 $0x0  }
0x12: {  	s1 =	sld [smem:$0x3F95];
	s0 =	simm.s32 @p0 $0x1  }
0x13: {  	[smem:$0x3FB0] =	sst s0;
	s0 =	simm.s32 @!p1 $0x0  }
0x14: {  	s2 =	sld [smem:$0x3F94];
	s0 =	simm.s32 @p1 $0x1  }
0x15: {  	[smem:$0x3FB1] =	sst s0;
	s0 =	simm.s32 @!p2 $0x0  }
0x16: {  	s3 =	sld [smem:$0x3FDB];
	s0 =	simm.s32 @p2 $0x1  }
0x17: {  	s4 =	simm.s32 $0x1BF5;
	[smem:$0x3FB3] =	sst s0  }
0x18: {  	s0 =	sld [smem:$0x3F96];
	_ =	swait.ge [sflag:s4], $0x0  }
0x19: {  	s7 =	sld [smem:$0x3F97]  }
0x1a: {  	s8 =	sadd.s32 $0xFFFFE003, lr  }
0x1b: {  	s9 =	sadd.s32 $0xFFFFFEF7, lr;
	s5 =	simm.s32 $0xFFFFFFFF;
	p2 =	slt.u32 s8, $0xFFFFF086  }
0x1c: {  	p1 =	slt.u32 s9, $0xF7A;
	s5 =	simm.s32 @!p2 $0x0  }
0x1d: {  	s5 =	simm.s32 @p1 $0x1;
	p0 =	seq.s32 s7, s2  }
0x1e: {  	s7 =	smul.u32 @!p0 $0xF7A, s2;
	p2 =	seq.s32 @!p0 s5, $0x0  }
0x1f: {  	s9 =	smul.u32 $0xF7A, s1;
	s8 =	simm.s32 @!p0 $0x1BF5;
	p2 =	por !p2, p0  }
0x20: {  	[sflag:s8] =	ssyncset.s32 @!p0 $0xFFFFF086;
	s6 =	sadd.s32 @!p0 s3, s7;
	s7 =	simm.s32 @!p0 $0x108  }
0x21: {  	s3 =	sadd.s32 s3, s9;
	s6 =	sadd.s32 @!p0 $0x88, s6;
	s7 =	simm.s32 @p2 $0x1082  }
0x22: {  	[simem:s7], [sflag:s8] =	dma.local @!p0 [hbm:s6], $0xF7A  }
0x23: {  	s9 =	sor.u32 $0xD0000000, s2;
	s6 =	simm.s32 $0x108;
	_ =	swait.ge @!p0 [sflag:s8], $0x0  }
0x24: {  	s3 =	sadd.s32 $0x88, s3;
	s6 =	simm.s32 @!p1 $0x1082;
	[sflag:s4] =	ssyncset.s32 $0xFFFFF086  }
0x25: {  	[simem:s6], [sflag:s4] =	dma.local [hbm:s3], $0xF7A  }
0x26: {  	[smem:$0x3F97] =	sst s1;
	(tag) =	ssettag s2;
	_ =	strace s9  }
0x27: {  	s1 =	sld [smem:$0x3FA7]  }
0x28: {  	s2 =	sld [smem:$0x3FA8]  }
0x29: {  	s4 =	sld [smem:$0x3FAA]  }
0x2a: {  	p0 =	seq.s32 s5, $0x0;
	s5 =	sld [smem:$0x3FAB]  }
0x2b: {  	s6 =	sld [smem:$0x3FAC]  }
0x2c: {  	s7 =	sld [smem:$0x3FAD]  }
0x2d: {  	s3 =	simm.s32 $0x108;
	s8 =	sld [smem:$0x3FAE]  }
0x2e: {  	s3 =	simm.s32 @!p0 $0x1082;
	s9 =	sld [smem:$0x3FAF]  }
0x2f: {  	lr =	sadd.s32 s0, s3;
	s0 =	sld [smem:$0x3FA6]  }
0x30: {  	s3 =	sld [smem:$0x3FA9]  }
0x31: {  	[smem:$0x3FB2] =	sst s10  }
0x32: {  	s10 =	sld [smem:$0x3FB0];
	_ =	sdelay $0x3  }
0x33: {  	p0 =	seq.s32 s10, $0x1;
	s10 =	sld [smem:$0x3FB2];
	_ =	sdelay $0x3  }
0x34: {  	[smem:$0x3FB2] =	sst s10  }
0x35: {  	s10 =	sld [smem:$0x3FB1];
	_ =	sdelay $0x3  }
0x36: {  	p1 =	seq.s32 s10, $0x1;
	s10 =	sld [smem:$0x3FB2];
	_ =	sdelay $0x3  }
0x37: {  	[smem:$0x3FB2] =	sst s10  }
0x38: {  	s10 =	sld [smem:$0x3FB3]  }
0x39: {  	_ = 	snop;
	(pc) =	sbr.ind lr, $3  }
0x3a: {  	_ = 	snop  }
0x3b: {  	_ = 	snop  }
0x3c: {  	p2 =	seq.s32 s10, $0x1;
	s10 =	sld [smem:$0x3FB2]  }
0x3d: {  	_ =	shalt  }
0x3e: {  	_ =	shalt  }
0x3f: {  	_ =	shalt  }
0x40: {  	_ =	shalt  }
0x41: {  	_ =	shalt  }
0x42: {  	_ =	shalt  }
0x43: {  	_ =	shalt  }
0x44: {  	_ =	shalt  }
0x45: {  	_ =	shalt  }
0x46: {  	_ =	shalt  }
0x47: {  	_ =	shalt  }
0x48: {  	_ =	shalt  }
0x49: {  	_ =	shalt  }
0x4a: {  	_ =	shalt  }
0x4b: {  	_ =	shalt  }
0x4c: {  	_ =	shalt  }
0x4d: {  	_ =	shalt  }
0x4e: {  	_ =	shalt  }
0x4f: {  	_ =	shalt  }
0x50: {  	_ =	shalt  }
0x51: {  	_ =	shalt  }
0x52: {  	_ =	shalt  }
0x53: {  	_ =	shalt  }
0x54: {  	_ =	shalt  }
0x55: {  	_ =	shalt  }
0x56: {  	_ =	shalt  }
0x57: {  	_ =	shalt  }
0x58: {  	_ =	shalt  }
0x59: {  	_ =	shalt  }
0x5a: {  	_ =	shalt  }
0x5b: {  	_ =	shalt  }
0x5c: {  	_ =	shalt  }
0x5d: {  	_ =	shalt  }
0x5e: {  	_ =	shalt  }
0x5f: {  	_ =	shalt  }
0x60: {  	_ =	shalt  }
0x61: {  	_ =	shalt  }
0x62: {  	_ =	shalt  }
0x63: {  	_ =	shalt  }
0x64: {  	_ =	shalt  }
0x65: {  	_ =	shalt  }
0x66: {  	_ =	shalt  }
0x67: {  	_ =	shalt  }
0x68: {  	_ =	shalt  }
0x69: {  	_ =	shalt  }
0x6a: {  	_ =	shalt  }
0x6b: {  	_ =	shalt  }
0x6c: {  	_ =	shalt  }
0x6d: {  	_ =	shalt  }
0x6e: {  	_ =	shalt  }
0x6f: {  	_ =	shalt  }
0x70: {  	_ =	shalt  }
0x71: {  	_ =	shalt  }
0x72: {  	_ =	shalt  }
0x73: {  	_ =	shalt  }
0x74: {  	_ =	shalt  }
0x75: {  	_ =	shalt  }
0x76: {  	_ =	shalt  }
0x77: {  	_ =	shalt  }
0x78: {  	_ =	shalt  }
0x79: {  	_ =	shalt  }
0x7a: {  	_ =	shalt  }
0x7b: {  	_ =	shalt  }
0x7c: {  	_ =	shalt  }
0x7d: {  	_ =	shalt  }
0x7e: {  	_ =	shalt  }
0x7f: {  	_ =	shalt  }
0x80: {  	_ =	shalt  }
0x81: {  	_ =	shalt  }
0x82: {  	_ =	shalt  }
0x83: {  	_ =	shalt  }
0x84: {  	_ =	shalt  }
0x85: {  	_ =	shalt  }
0x86: {  	_ =	shalt  }
0x87: {  	_ =	shalt  }
.Lfunc_end0:
.L_simem_size_0:
called_computation.3_lowered:
.L_overlay_start_0:
0x88: {  	s2 =	sld [smem:$0x3FD9]  }
0x89: {  	s3 =	sld [smem:$0x3FFE];
	_ =	sdelay $0x1  }
0x8a: {  	s1 =	srdreg.scid  }
0x8b: {  	s0 =	sand.u32 $0x1, s1  }
0x8c: {  	s16 =	sshll.u32 s0, $0xA;
	s2 =	sadd.s32 s3, s2  }
0x8d: {  	s2 =	sadd.s32 s2, s16  }
0x8e: {  	[smem:$0x3FBE] =	sst s2  }
0x8f: {  	_ = 	snop  }
0x90: {  	(tm) =	ssettm $0x1  }
0x91: {  	s17 =	sld [smem:$0x3FFB];
	_ =	sdelay $0x3  }
0x92: {  	_ =	strace s17  }
0x93: {  	s2 =	sld [smem:$0x3FFC];
	_ =	sdelay $0x3  }
0x94: {  	_ =	strace s2  }
0x95: {  	s2 =	sld [smem:$0x3FFD];
	_ =	sdelay $0x3  }
0x96: {  	_ =	strace s2  }
0x97: {  	_ =	strace $0x8FFFFFFF  }
0x98: {  	s18 =	sld [smem:$0x3FDB];
	_ =	sdelay $0x1  }
0x99: {  	s19 =	simm.s32 $_scs_section_size  }
0x9a: {  	s4 =	simm.s32 $_size__tile_overlayer_lowered;
	s5 =	simm.s32 $_tile_overlayer_lowered  }
0x9b: {  	s22 =	simm.s32 $0x1BFF;
	s21 =	sshll.u32 s5, $0x1;
	s2 =	sadd.s32 s19, s18  }
0x9c: {  	s6 =	simm.s32 $0x0;
	s20 =	sshll.u32 s4, $0x1;
	s4 =	sadd.s32 s21, s2  }
0x9d: {  	[timem:s6], [sflag:s22] =	dma.local [hbm:s4], s20  }
0x9e: {  	_ =	swait.ge [sflag:s22], s20  }
0x9f: {  	s3 =	ssub.s32 $0x0, s20;
	[sflag:s22] =	ssyncset.done $0x0  }
0xa0: {  	[sflag:s22] =	ssyncadd.s32 s3;
	_ =	sdelay $0x1  }
0xa1: {  	s23 =	simm.s32 $0x1B8B  }
0xa2: {  	_ =	swait.ge [sflag:s23], $0x1  }
0xa3: {  	[sflag:s23] =	ssyncset.done $0x0  }
0xa4: {  	s25 =	simm.s32 $0x1B8E;
	s24 =	sld [smem:$0x3FFE];
	[sflag:s23] =	ssyncadd.s32 $0xFFFFFFFF  }
0xa5: {  	s26 =	simm.s32 $execute0_lowered;
	[smem:$0x3FD2] =	sst s25  }
0xa6: {  	s4 =	sshll.u32 s26, $0x1;
	_ =	strace $0x8000004F;
	[dreg:$0x1] =	wrdreg $0xFFFFFFFF  }
0xa7: {  	s28 =	simm.s32 $_size_execute0_lowered;
	s2 =	sadd.s32 s2, s4;
	[dreg:$0x0] =	wrdreg $0x0  }
0xa8: {  	s4 =	sshll.u32 s28, $0x1;
	[dreg:$0x2] =	wrdreg s2  }
0xa9: {  	[dreg:$0x3] =	wrdreg s4  }
0xaa: {  	[dreg:$0x4] =	wrdreg $0xC0  }
0xab: {  	_ =	task [dreg:s6], $0x5FFFF  }
0xac: {  	[dreg:$0x1] =	wrdreg $0xFFFFFFFF  }
0xad: {  	[dreg:$0x0] =	wrdreg $0x60  }
0xae: {  	[dreg:$0x2] =	wrdreg s24  }
0xaf: {  	[dreg:$0x3] =	wrdreg $0x186A00  }
0xb0: {  	[dreg:$0x4] =	wrdreg $0x9  }
0xb1: {  	_ =	task.clear_ibuf [dreg:s6], $0x5FFFF;
	_ =	strace $0x9000004F  }
0xb2: {  	s29 =	simm.s32 $0x9;
	_ =	strace $0x80000051  }
0xb3: {  	_ =	swait.ge [sflag:s29], $0x1  }
0xb4: {  	[sflag:s29] =	ssyncadd.s32 $0xFFFFFFFF  }
0xb5: {  	_ =	strace $0x90000051  }
0xb6: {  	_ =	sfence  }
0xb7: {  	s30 =	sld [smem:$0x0];
	_ =	sdelay $0x2  }
0xb8: {  	s31 =	sshll.u32 s1, $0xD;
	s1 =	sshrl.u32 s1, $0x2  }
0xb9: {  	s3 =	sand.u32 $0x4000, s31;
	s1 =	sadd.s32 s1, s30  }
0xba: {  	s0 =	sor.u32 s3, s0;
	s1 =	sshll.u32 s1, $0x11  }
0xbb: {  	s0 =	sor.u32 s1, s0  }
0xbc: {  	s0 =	sadd.s32 $0x8F2B, s0  }
0xbd: {  	[sflag:s0] =	ssyncadd.remote.s32 $0x1  }
0xbe: {  	_ =	sfence.sel $0xFFFF  }
0xbf: {  	[dreg:$0x0] =	wrdreg $0xFFFFFFFF;
	(pc) =	sbr.abs _section_cstart, $3  }
0xc0: {  	[dreg:$0x1] =	wrdreg $0xFFFFFFFF  }
0xc1: {  	_ =	task.clear_ibuf [dreg:s6], $0x2FFFF;
	_ =	strace $0x9FFFFFFF  }
0xc2: {  	(tm) =	ssettm $0x7FFFFFFF  }
0xc3: {  	_ =	shalt  }
tec
execute0_lowered:
.L_overlay_start_1:
0x0: {  	(tag) =	ssettag $0x1  }
0x1: {  	s0 =	rddreg [dreg:$0x0]  }
0x2: {  	s1 =	srdreg.scid;
	s2 =	rddreg [dreg:$0x1]  }
0x3: {  	s8 =	stileid.u32;
	s18 =	rddreg [dreg:$0x2]  }
0x4: {  	s22 =	simm.s32 $0x0;
	s30 =	simm.s32 $0x2710;
	s11 =	simm.s32 $0x8CA0  }
0x5: {  	s20 =	simm.s32 $0x7D0;
	s10 =	simm.s32 $0xCB20;
	s21 =	simm.s32 $0xBB8  }
0x6: {  	s9 =	simm.s32 $0x109A0;
	s23 =	simm.s32 $0xFA0;
	s13 =	simm.s32 $0x1388  }
0x7: {  	s24 =	simm.s32 $0x2AF8;
	s25 =	simm.s32 $0x1770;
	s26 =	simm.s32 $0x2EE0  }
0x8: {  	s31 =	simm.s32 $0x32C8;
	s29 =	simm.s32 $0x1F40;
	[smem:$0x7FF] =	sst s22  }
0x9: {  	p0 =	por $0x0, $0x0;
	_ =	strace $0x80000050;
	[dreg:$0x6] =	wrdreg s20  }
0xa: {  	s28 =	simm.s32 $0x2328;
	s4 =	smul.u32 $0x2710, s8;
	[dreg:$0x7] =	wrdreg s21  }
0xb: {  	s1 =	sand.u32 $0x1, s1;
	s5 =	smul.u32 $0x2780, s8;
	[dreg:$0x8] =	wrdreg s23  }
0xc: {  	s7 =	sadd.s32 $0x1D600, s0;
	s17 =	sshll.u32 s8, $0x6;
	[dreg:$0x9] =	wrdreg s13  }
0xd: {  	s8 =	simm.s32 $0x14820;
	s3 =	smul.u32 $0x27100, s1;
	[dreg:$0xa] =	wrdreg s24  }
0xe: {  	s14 =	smul.u32 $0x4F00, s1;
	s1 =	ssub.s32 $0x2, s1;
	[dreg:$0xb] =	wrdreg s25  }
0xf: {  	[dreg:$0xc] =	wrdreg s26;
	s13 =	simm.s32 $0x5;
	s26 =	simm.s32 $0x36B0  }
0x10: {  	s25 =	simm.s32 $0x3A98;
	s24 =	simm.s32 $0x3E80;
	s23 =	simm.s32 $0x4268  }
0x11: {  	s21 =	simm.s32 $0x4650;
	s20 =	simm.s32 $0x4A38;
	s12 =	sshrl.u32 s5, $0x3  }
0x12: {  	s15 =	sshrl.u32 s1, $0x1;
	s5 =	sadd.s32 s5, s2;
	s3 =	sadd.s32 s4, s3  }
0x13: {  	s6 =	sadd.s32 s12, s0;
	s1 =	ssub.s32 s1, s15;
	s5 =	sshrl.u32 s5, $0x3  }
0x14: {  	s4 =	simm.s32 $0x6;
	s15 =	simm.s32 $0x4;
	s3 =	sshrl.u32 s3, $0x3  }
0x15: {  	s6 =	sadd.s32 $0x18600, s6;
	s1 =	smax.u32 s1, $0x1;
	s3 =	sadd.s32 s3, s0  }
0x16: {  	s0 =	sadd.s32 s14, s0;
	[dreg:$0x3] =	wrdreg s6;
	p1 =	sne.s32 s1, $0x1  }
.Ltmp0:
0x17: {  	s6 =	simm.s32 $0x3E8;
	s14 =	simm.s32 $0x4E20;
	(pc) =	sbr.rel @!p1 .LBB2_1-.Ltmp0, $4  }
0x18: {  	s16 =	sadd.s32 $0x4C00, s3;
	s19 =	sadd.s32 $0xE840, s3;
	s3 =	sor.u32 $0x1C06, s17  }
0x19: {  	s0 =	sadd.s32 $0x22600, s0;
	s17 =	simm.s32 $0x2;
	[dreg:$0x4] =	wrdreg s16  }
0x1a: {  	[dreg:$0x5] =	wrdreg s19;
	s19 =	simm.s32 $0x1;
	s16 =	simm.s32 $0x3  }
0x1b: {  	s12 =	sadd.s32 s12, s0;
	s0 =	sadd.s32 $0xFFFFFFFF, s1;
	s1 =	rddreg [dreg:$0x3]  }
0x1c: {  	[spmem:s5], [sflag:s3] =	dma.local [hbm:s1], $0x4F0  }
0x1d: {  	_ =	swait.ge [sflag:s4], $0x4F0  }
0x1e: {  	[sflag:s4] =	ssyncset.done $0x0  }
0x1f: {  	s18 =	rddreg [dreg:$0x4];
	[sflag:s4] =	ssyncadd.s32 $0xFFFFFB10  }
0x20: {  	[tilespmem:s22], [sflag:$0x6] =	stream.linear.gather [hbm4b:s18+s22], $0x2710, $0x38;
	[tilespmem:$0x1AE20] =	vst v63  }
0x21: {  	_ =	swait.ge [sflag:s4], $0x2710  }
0x22: {  	[sflag:s4] =	ssyncset.done $0x0  }
0x23: {  	s18 =	rddreg [dreg:$0x5];
	[sflag:s4] =	ssyncadd.s32 $0xFFFFD8F0  }
0x24: {  	[tilespmem:s30], [sflag:$0x6] =	stream.linear.gather [hbm4b:s18+s22], $0x2710, $0x38;
	[tilespmem:$0x1AE20] =	vst v63  }
0x25: {  	_ =	swait.ge [sflag:s4], $0x2710  }
0x26: {  	[sflag:s4] =	ssyncset.done $0x0  }
0x27: {  	[sflag:s4] =	ssyncadd.s32 $0xFFFFD8F0  }
0x28: {  	[bflag:$0x0] =	sbarrier.arrive $0xFFFF  }
0x29: {  	[tilespmem:s14], [sflag:$0x1] =	stream.indirect.gather [hbm4b:s7+s6], $0x10, s22, s6, $0xb8;
	[tilespmem:$0x1AE20] =	vst v63  }
0x2a: {  	_ = 	snop  }
0x2b: {  	[tilespmem:s11], [sflag:$0x2] =	stream.indirect.gather [hbm4b:s7+s6], $0x10, s6, s6, $0xb8;
	[tilespmem:$0x1AE20] =	vst v63  }
0x2c: {  	s1 =	rddreg [dreg:$0x6]  }
0x2d: {  	[tilespmem:s10], [sflag:$0x3] =	stream.indirect.gather [hbm4b:s7+s6], $0x10, s1, s6, $0xb8;
	[tilespmem:$0x1AE20] =	vst v63  }
0x2e: {  	s18 =	smov.u32 s0;
	s0 =	rddreg [dreg:$0x7]  }
0x2f: {  	[tilespmem:s9], [sflag:$0x4] =	stream.indirect.gather [hbm4b:s7+s6], $0x10, s0, s6, $0xb8;
	[tilespmem:$0x1AE20] =	vst v63  }
0x30: {  	s1 =	rddreg [dreg:$0x8]  }
0x31: {  	[tilespmem:s8], [sflag:$0x5] =	stream.indirect.gather [hbm4b:s7+s6], $0x10, s1, s6, $0xb8;
	[tilespmem:$0x1AE20] =	vst v63  }
0x32: {  	_ =	swait.ge [sflag:s19], $0x3E80  }
0x33: {  	[sflag:s19] =	ssyncset.done $0x0  }
0x34: {  	[sflag:s19] =	ssyncadd.s32 $0xFFFFC180  }
0x35: {  	[spmem:s2] =	stream.indirect.scatter.add.f32 [tilespmem:s14], [sflag:$0x6], $0x10, s30, s6, $0xb8;
	[tilespmem:$0x1AE20] =	vst v63  }
0x36: {  	_ =	swait.ge [sflag:s4], $0x3E80  }
0x37: {  	[sflag:s4] =	ssyncset.done $0x0  }
0x38: {  	s1 =	rddreg [dreg:$0x9];
	[sflag:s4] =	ssyncadd.s32 $0xFFFFC180  }
0x39: {  	[tilespmem:s14], [sflag:$0x1] =	stream.indirect.gather [hbm4b:s7+s6], $0x10, s1, s6, $0xb8;
	[tilespmem:$0x1AE20] =	vst v63  }
0x3a: {  	_ =	swait.ge [sflag:s17], $0x3E80  }
0x3b: {  	[sflag:s17] =	ssyncset.done $0x0  }
0x3c: {  	s1 =	rddreg [dreg:$0xa];
	[sflag:s17] =	ssyncadd.s32 $0xFFFFC180  }
0x3d: {  	[spmem:s2] =	stream.indirect.scatter.add.f32 [tilespmem:s11], [sflag:$0x6], $0x10, s1, s6, $0xb8;
	[tilespmem:$0x1AE20] =	vst v63  }
0x3e: {  	_ =	swait.ge [sflag:s4], $0x3E80  }
0x3f: {  	[sflag:s4] =	ssyncset.done $0x0  }
0x40: {  	s1 =	rddreg [dreg:$0xb];
	[sflag:s4] =	ssyncadd.s32 $0xFFFFC180  }
0x41: {  	[tilespmem:s11], [sflag:$0x2] =	stream.indirect.gather [hbm4b:s7+s6], $0x10, s1, s6, $0xb8;
	[tilespmem:$0x1AE20] =	vst v63  }
0x42: {  	_ =	swait.ge [sflag:s16], $0x3E80  }
0x43: {  	[sflag:s16] =	ssyncset.done $0x0  }
0x44: {  	s1 =	rddreg [dreg:$0xc];
	[sflag:s16] =	ssyncadd.s32 $0xFFFFC180  }
0x45: {  	[spmem:s2] =	stream.indirect.scatter.add.f32 [tilespmem:s10], [sflag:$0x6], $0x10, s1, s6, $0xb8;
	[tilespmem:$0x1AE20] =	vst v63  }
0x46: {  	_ =	swait.ge [sflag:s4], $0x3E80  }
0x47: {  	[sflag:s4] =	ssyncset.done $0x0  }
0x48: {  	s1 =	simm.s32 $0x1B58;
	[sflag:s4] =	ssyncadd.s32 $0xFFFFC180  }
0x49: {  	[tilespmem:s10], [sflag:$0x3] =	stream.indirect.gather [hbm4b:s7+s6], $0x10, s1, s6, $0xb8;
	[tilespmem:$0x1AE20] =	vst v63  }
0x4a: {  	_ =	swait.ge [sflag:s15], $0x3E80  }
0x4b: {  	[sflag:s15] =	ssyncset.done $0x0  }
0x4c: {  	[sflag:s15] =	ssyncadd.s32 $0xFFFFC180  }
0x4d: {  	[spmem:s2] =	stream.indirect.scatter.add.f32 [tilespmem:s9], [sflag:$0x6], $0x10, s31, s6, $0xb8;
	[tilespmem:$0x1AE20] =	vst v63  }
0x4e: {  	_ =	swait.ge [sflag:s4], $0x3E80  }
0x4f: {  	[sflag:s4] =	ssyncset.done $0x0  }
0x50: {  	[sflag:s4] =	ssyncadd.s32 $0xFFFFC180  }
0x51: {  	[tilespmem:s9], [sflag:$0x4] =	stream.indirect.gather [hbm4b:s7+s6], $0x10, s29, s6, $0xb8;
	[tilespmem:$0x1AE20] =	vst v63  }
0x52: {  	_ =	swait.ge [sflag:s13], $0x3E80  }
0x53: {  	[sflag:s13] =	ssyncset.done $0x0  }
0x54: {  	[sflag:s13] =	ssyncadd.s32 $0xFFFFC180  }
0x55: {  	[spmem:s2] =	stream.indirect.scatter.add.f32 [tilespmem:s8], [sflag:$0x6], $0x10, s26, s6, $0xb8;
	[tilespmem:$0x1AE20] =	vst v63  }
0x56: {  	_ =	swait.ge [sflag:s4], $0x3E80  }
0x57: {  	[sflag:s4] =	ssyncset.done $0x0  }
0x58: {  	[sflag:s4] =	ssyncadd.s32 $0xFFFFC180  }
0x59: {  	[tilespmem:s8], [sflag:$0x5] =	stream.indirect.gather [hbm4b:s7+s6], $0x10, s28, s6, $0xb8;
	[tilespmem:$0x1AE20] =	vst v63  }
0x5a: {  	_ =	swait.ge [sflag:s19], $0x3E80  }
0x5b: {  	[sflag:s19] =	ssyncset.done $0x0  }
0x5c: {  	[sflag:s19] =	ssyncadd.s32 $0xFFFFC180  }
0x5d: {  	[spmem:s2] =	stream.indirect.scatter.add.f32 [tilespmem:s14], [sflag:$0x6], $0x10, s25, s6, $0xb8;
	[tilespmem:$0x1AE20] =	vst v63  }
0x5e: {  	_ =	swait.ge [sflag:s4], $0x3E80  }
0x5f: {  	[sflag:s4] =	ssyncset.done $0x0  }
0x60: {  	[sflag:s4] =	ssyncadd.s32 $0xFFFFC180  }
0x61: {  	_ =	swait.ge [sflag:s17], $0x3E80  }
0x62: {  	[sflag:s17] =	ssyncset.done $0x0  }
0x63: {  	[sflag:s17] =	ssyncadd.s32 $0xFFFFC180  }
0x64: {  	[spmem:s2] =	stream.indirect.scatter.add.f32 [tilespmem:s11], [sflag:$0x6], $0x10, s24, s6, $0xb8;
	[tilespmem:$0x1AE20] =	vst v63  }
0x65: {  	_ =	swait.ge [sflag:s4], $0x3E80  }
0x66: {  	[sflag:s4] =	ssyncset.done $0x0  }
0x67: {  	[sflag:s4] =	ssyncadd.s32 $0xFFFFC180  }
0x68: {  	_ =	swait.ge [sflag:s16], $0x3E80  }
0x69: {  	[sflag:s16] =	ssyncset.done $0x0  }
0x6a: {  	[sflag:s16] =	ssyncadd.s32 $0xFFFFC180  }
0x6b: {  	[spmem:s2] =	stream.indirect.scatter.add.f32 [tilespmem:s10], [sflag:$0x6], $0x10, s23, s6, $0xb8;
	[tilespmem:$0x1AE20] =	vst v63  }
0x6c: {  	_ =	swait.ge [sflag:s4], $0x3E80  }
0x6d: {  	[sflag:s4] =	ssyncset.done $0x0  }
0x6e: {  	[sflag:s4] =	ssyncadd.s32 $0xFFFFC180  }
0x6f: {  	_ =	swait.ge [sflag:s15], $0x3E80  }
0x70: {  	[sflag:s15] =	ssyncset.done $0x0  }
0x71: {  	[sflag:s15] =	ssyncadd.s32 $0xFFFFC180  }
0x72: {  	[spmem:s2] =	stream.indirect.scatter.add.f32 [tilespmem:s9], [sflag:$0x6], $0x10, s21, s6, $0xb8;
	[tilespmem:$0x1AE20] =	vst v63  }
0x73: {  	_ =	swait.ge [sflag:s4], $0x3E80  }
0x74: {  	[sflag:s4] =	ssyncset.done $0x0  }
0x75: {  	[sflag:s4] =	ssyncadd.s32 $0xFFFFC180  }
0x76: {  	_ =	swait.ge [sflag:s13], $0x3E80  }
0x77: {  	[sflag:s13] =	ssyncset.done $0x0  }
0x78: {  	[sflag:s13] =	ssyncadd.s32 $0xFFFFC180  }
0x79: {  	[spmem:s2] =	stream.indirect.scatter.add.f32 [tilespmem:s8], [sflag:$0x6], $0x10, s20, s6, $0xb8;
	[tilespmem:$0x1AE20] =	vst v63  }
0x7a: {  	_ =	swait.ge [sflag:s4], $0x3E80  }
0x7b: {  	p1 =	sne.s32 s18, $0x1;
	[sflag:s4] =	ssyncset.done $0x0  }
.Ltmp1:
0x7c: {  	[sflag:s4] =	ssyncadd.s32 $0xFFFFC180;
	(pc) =	sbr.rel @!p1 .LBB2_3-.Ltmp1, $4  }
0x7d: {  	[bflag:$0x0] =	sbarrier.arrive $0xFFFF  }
0x7e: {  	[hbm:s12], [sflag:s3] =	dma.local [spmem:s5], $0x4F0  }
0x7f: {  	p0 =	por $0x1, $0x1;
	_ =	swait.ge [sflag:s4], $0x4F0  }
0x80: {  	s0 =	sadd.s32 $0xFFFFFFFF, s18;
	s1 =	rddreg [dreg:$0x3];
	[sflag:s4] =	ssyncset.done $0x0  }
.LBB2_4:
0x81: {  	[sflag:s4] =	ssyncadd.s32 $0xFFFFFB10  }
0x82: {  	[spmem:s5], [sflag:s3] =	dma.local [hbm:s1], $0x4F0  }
0x83: {  	_ =	swait.ge [sflag:s4], $0x4F0  }
0x84: {  	[sflag:s4] =	ssyncset.done $0x0  }
0x85: {  	s18 =	rddreg [dreg:$0x4];
	[sflag:s4] =	ssyncadd.s32 $0xFFFFFB10  }
0x86: {  	[tilespmem:s22], [sflag:$0x6] =	stream.linear.gather [hbm4b:s18+s22], $0x2710, $0x38;
	[tilespmem:$0x1AE20] =	vst v63  }
0x87: {  	_ =	swait.ge [sflag:s4], $0x2710  }
0x88: {  	[sflag:s4] =	ssyncset.done $0x0  }
0x89: {  	s18 =	rddreg [dreg:$0x5];
	[sflag:s4] =	ssyncadd.s32 $0xFFFFD8F0  }
0x8a: {  	[tilespmem:s30], [sflag:$0x6] =	stream.linear.gather [hbm4b:s18+s22], $0x2710, $0x38;
	[tilespmem:$0x1AE20] =	vst v63  }
0x8b: {  	_ =	swait.ge [sflag:s4], $0x2710  }
0x8c: {  	[sflag:s4] =	ssyncset.done $0x0  }
0x8d: {  	[sflag:s4] =	ssyncadd.s32 $0xFFFFD8F0  }
0x8e: {  	[bflag:$0x0] =	sbarrier.arrive $0xFFFF  }
0x8f: {  	[tilespmem:s14], [sflag:$0x1] =	stream.indirect.gather [hbm4b:s7+s6], $0x10, s22, s6, $0xb8;
	[tilespmem:$0x1AE20] =	vst v63  }
0x90: {  	_ = 	snop  }
0x91: {  	[tilespmem:s11], [sflag:$0x2] =	stream.indirect.gather [hbm4b:s7+s6], $0x10, s6, s6, $0xb8;
	[tilespmem:$0x1AE20] =	vst v63  }
0x92: {  	s1 =	rddreg [dreg:$0x6]  }
0x93: {  	[tilespmem:s10], [sflag:$0x3] =	stream.indirect.gather [hbm4b:s7+s6], $0x10, s1, s6, $0xb8;
	[tilespmem:$0x1AE20] =	vst v63  }
0x94: {  	s18 =	rddreg [dreg:$0x7]  }
0x95: {  	[tilespmem:s9], [sflag:$0x4] =	stream.indirect.gather [hbm4b:s7+s6], $0x10, s18, s6, $0xb8;
	[tilespmem:$0x1AE20] =	vst v63  }
0x96: {  	s1 =	rddreg [dreg:$0x8]  }
0x97: {  	[tilespmem:s8], [sflag:$0x5] =	stream.indirect.gather [hbm4b:s7+s6], $0x10, s1, s6, $0xb8;
	[tilespmem:$0x1AE20] =	vst v63  }
0x98: {  	_ =	swait.ge [sflag:s19], $0x3E80  }
0x99: {  	[sflag:s19] =	ssyncset.done $0x0  }
0x9a: {  	[sflag:s19] =	ssyncadd.s32 $0xFFFFC180  }
0x9b: {  	[spmem:s2] =	stream.indirect.scatter.add.f32 [tilespmem:s14], [sflag:$0x6], $0x10, s30, s6, $0xb8;
	[tilespmem:$0x1AE20] =	vst v63  }
0x9c: {  	_ =	swait.ge [sflag:s4], $0x3E80  }
0x9d: {  	[sflag:s4] =	ssyncset.done $0x0  }
0x9e: {  	s18 =	rddreg [dreg:$0x9];
	[sflag:s4] =	ssyncadd.s32 $0xFFFFC180  }
0x9f: {  	[tilespmem:s14], [sflag:$0x1] =	stream.indirect.gather [hbm4b:s7+s6], $0x10, s18, s6, $0xb8;
	[tilespmem:$0x1AE20] =	vst v63  }
0xa0: {  	_ =	swait.ge [sflag:s17], $0x3E80  }
0xa1: {  	[sflag:s17] =	ssyncset.done $0x0  }
0xa2: {  	s18 =	rddreg [dreg:$0xa];
	[sflag:s17] =	ssyncadd.s32 $0xFFFFC180  }
0xa3: {  	[spmem:s2] =	stream.indirect.scatter.add.f32 [tilespmem:s11], [sflag:$0x6], $0x10, s18, s6, $0xb8;
	[tilespmem:$0x1AE20] =	vst v63  }
0xa4: {  	_ =	swait.ge [sflag:s4], $0x3E80  }
0xa5: {  	[sflag:s4] =	ssyncset.done $0x0  }
0xa6: {  	s18 =	rddreg [dreg:$0xb];
	[sflag:s4] =	ssyncadd.s32 $0xFFFFC180  }
0xa7: {  	[tilespmem:s11], [sflag:$0x2] =	stream.indirect.gather [hbm4b:s7+s6], $0x10, s18, s6, $0xb8;
	[tilespmem:$0x1AE20] =	vst v63  }
0xa8: {  	_ =	swait.ge [sflag:s16], $0x3E80  }
0xa9: {  	[sflag:s16] =	ssyncset.done $0x0  }
0xaa: {  	s18 =	rddreg [dreg:$0xc];
	[sflag:s16] =	ssyncadd.s32 $0xFFFFC180  }
0xab: {  	[spmem:s2] =	stream.indirect.scatter.add.f32 [tilespmem:s10], [sflag:$0x6], $0x10, s18, s6, $0xb8;
	[tilespmem:$0x1AE20] =	vst v63  }
0xac: {  	_ =	swait.ge [sflag:s4], $0x3E80  }
0xad: {  	[sflag:s4] =	ssyncset.done $0x0  }
0xae: {  	s18 =	simm.s32 $0x1B58;
	[sflag:s4] =	ssyncadd.s32 $0xFFFFC180  }
0xaf: {  	[tilespmem:s10], [sflag:$0x3] =	stream.indirect.gather [hbm4b:s7+s6], $0x10, s18, s6, $0xb8;
	[tilespmem:$0x1AE20] =	vst v63  }
0xb0: {  	_ =	swait.ge [sflag:s15], $0x3E80  }
0xb1: {  	[sflag:s15] =	ssyncset.done $0x0  }
0xb2: {  	[sflag:s15] =	ssyncadd.s32 $0xFFFFC180  }
0xb3: {  	[spmem:s2] =	stream.indirect.scatter.add.f32 [tilespmem:s9], [sflag:$0x6], $0x10, s31, s6, $0xb8;
	[tilespmem:$0x1AE20] =	vst v63  }
0xb4: {  	_ =	swait.ge [sflag:s4], $0x3E80  }
0xb5: {  	[sflag:s4] =	ssyncset.done $0x0  }
0xb6: {  	[sflag:s4] =	ssyncadd.s32 $0xFFFFC180  }
0xb7: {  	[tilespmem:s9], [sflag:$0x4] =	stream.indirect.gather [hbm4b:s7+s6], $0x10, s29, s6, $0xb8;
	[tilespmem:$0x1AE20] =	vst v63  }
0xb8: {  	_ =	swait.ge [sflag:s13], $0x3E80  }
0xb9: {  	[sflag:s13] =	ssyncset.done $0x0  }
0xba: {  	[sflag:s13] =	ssyncadd.s32 $0xFFFFC180  }
0xbb: {  	[spmem:s2] =	stream.indirect.scatter.add.f32 [tilespmem:s8], [sflag:$0x6], $0x10, s26, s6, $0xb8;
	[tilespmem:$0x1AE20] =	vst v63  }
0xbc: {  	_ =	swait.ge [sflag:s4], $0x3E80  }
0xbd: {  	[sflag:s4] =	ssyncset.done $0x0  }
0xbe: {  	[sflag:s4] =	ssyncadd.s32 $0xFFFFC180  }
0xbf: {  	[tilespmem:s8], [sflag:$0x5] =	stream.indirect.gather [hbm4b:s7+s6], $0x10, s28, s6, $0xb8;
	[tilespmem:$0x1AE20] =	vst v63  }
0xc0: {  	_ =	swait.ge [sflag:s19], $0x3E80  }
0xc1: {  	[sflag:s19] =	ssyncset.done $0x0  }
0xc2: {  	[sflag:s19] =	ssyncadd.s32 $0xFFFFC180  }
0xc3: {  	[spmem:s2] =	stream.indirect.scatter.add.f32 [tilespmem:s14], [sflag:$0x6], $0x10, s25, s6, $0xb8;
	[tilespmem:$0x1AE20] =	vst v63  }
0xc4: {  	_ =	swait.ge [sflag:s4], $0x3E80  }
0xc5: {  	[sflag:s4] =	ssyncset.done $0x0  }
0xc6: {  	[sflag:s4] =	ssyncadd.s32 $0xFFFFC180  }
0xc7: {  	_ =	swait.ge [sflag:s17], $0x3E80  }
0xc8: {  	[sflag:s17] =	ssyncset.done $0x0  }
0xc9: {  	[sflag:s17] =	ssyncadd.s32 $0xFFFFC180  }
0xca: {  	[spmem:s2] =	stream.indirect.scatter.add.f32 [tilespmem:s11], [sflag:$0x6], $0x10, s24, s6, $0xb8;
	[tilespmem:$0x1AE20] =	vst v63  }
0xcb: {  	_ =	swait.ge [sflag:s4], $0x3E80  }
0xcc: {  	[sflag:s4] =	ssyncset.done $0x0  }
0xcd: {  	[sflag:s4] =	ssyncadd.s32 $0xFFFFC180  }
0xce: {  	_ =	swait.ge [sflag:s16], $0x3E80  }
0xcf: {  	[sflag:s16] =	ssyncset.done $0x0  }
0xd0: {  	[sflag:s16] =	ssyncadd.s32 $0xFFFFC180  }
0xd1: {  	[spmem:s2] =	stream.indirect.scatter.add.f32 [tilespmem:s10], [sflag:$0x6], $0x10, s23, s6, $0xb8;
	[tilespmem:$0x1AE20] =	vst v63  }
0xd2: {  	_ =	swait.ge [sflag:s4], $0x3E80  }
0xd3: {  	[sflag:s4] =	ssyncset.done $0x0  }
0xd4: {  	[sflag:s4] =	ssyncadd.s32 $0xFFFFC180  }
0xd5: {  	_ =	swait.ge [sflag:s15], $0x3E80  }
0xd6: {  	[sflag:s15] =	ssyncset.done $0x0  }
0xd7: {  	[sflag:s15] =	ssyncadd.s32 $0xFFFFC180  }
0xd8: {  	[spmem:s2] =	stream.indirect.scatter.add.f32 [tilespmem:s9], [sflag:$0x6], $0x10, s21, s6, $0xb8;
	[tilespmem:$0x1AE20] =	vst v63  }
0xd9: {  	_ =	swait.ge [sflag:s4], $0x3E80  }
0xda: {  	[sflag:s4] =	ssyncset.done $0x0  }
0xdb: {  	[sflag:s4] =	ssyncadd.s32 $0xFFFFC180  }
0xdc: {  	_ =	swait.ge [sflag:s13], $0x3E80  }
0xdd: {  	[sflag:s13] =	ssyncset.done $0x0  }
0xde: {  	[sflag:s13] =	ssyncadd.s32 $0xFFFFC180  }
0xdf: {  	[spmem:s2] =	stream.indirect.scatter.add.f32 [tilespmem:s8], [sflag:$0x6], $0x10, s20, s6, $0xb8;
	[tilespmem:$0x1AE20] =	vst v63  }
0xe0: {  	_ =	swait.ge [sflag:s4], $0x3E80  }
0xe1: {  	p1 =	sne.s32 s0, $0x1;
	[sflag:s4] =	ssyncset.done $0x0  }
.Ltmp2:
0xe2: {  	[sflag:s4] =	ssyncadd.s32 $0xFFFFC180;
	(pc) =	sbr.rel @p1 .LBB2_4-.Ltmp2, $4  }
0xe3: {  	[bflag:$0x0] =	sbarrier.arrive $0xFFFF  }
0xe4: {  	[hbm:s12], [sflag:s3] =	dma.local [spmem:s5], $0x4F0  }
0xe5: {  	_ =	swait.ge [sflag:s4], $0x4F0  }
0xe6: {  	s0 =	sadd.s32 $0xFFFFFFFF, s0;
	s1 =	rddreg [dreg:$0x3];
	[sflag:s4] =	ssyncset.done $0x0  }
0xe7: {  	s20 =	simm.s32 $0x1B58  }
0xe8: {  	s31 =	simm.s32 $0x32C8;
	s29 =	simm.s32 $0x1F40;
	s28 =	simm.s32 $0x2328  }
0xe9: {  	s26 =	simm.s32 $0x36B0;
	s25 =	simm.s32 $0x3A98;
	s24 =	simm.s32 $0x3E80  }
0xea: {  	s23 =	simm.s32 $0x4268;
	s21 =	simm.s32 $0x4650;
	s18 =	rddreg [dreg:$0x2]  }
.LBB2_6:
0xeb: {  	[sflag:s4] =	ssyncadd.s32 @p0 $0xFFFFFB10  }
0xec: {  	[spmem:s5], [sflag:s3] =	dma.local [hbm:s1], $0x4F0  }
0xed: {  	_ =	swait.ge [sflag:s4], $0x4F0  }
0xee: {  	[sflag:s4] =	ssyncset.done $0x0  }
0xef: {  	s0 =	rddreg [dreg:$0x4];
	[sflag:s4] =	ssyncadd.s32 $0xFFFFFB10  }
0xf0: {  	[tilespmem:s22], [sflag:$0x6] =	stream.linear.gather [hbm4b:s0+s22], $0x2710, $0x38;
	[tilespmem:$0x1AE20] =	vst v63  }
0xf1: {  	_ =	swait.ge [sflag:s4], $0x2710  }
0xf2: {  	[sflag:s4] =	ssyncset.done $0x0  }
0xf3: {  	s1 =	rddreg [dreg:$0x5];
	[sflag:s4] =	ssyncadd.s32 $0xFFFFD8F0  }
0xf4: {  	[tilespmem:s30], [sflag:$0x6] =	stream.linear.gather [hbm4b:s1+s22], $0x2710, $0x38;
	[tilespmem:$0x1AE20] =	vst v63  }
0xf5: {  	_ =	swait.ge [sflag:s4], $0x2710  }
0xf6: {  	[sflag:s4] =	ssyncset.done $0x0  }
0xf7: {  	[sflag:s4] =	ssyncadd.s32 $0xFFFFD8F0  }
0xf8: {  	[bflag:$0x0] =	sbarrier.arrive $0xFFFF  }
0xf9: {  	[tilespmem:s14], [sflag:$0x1] =	stream.indirect.gather [hbm4b:s7+s6], $0x10, s22, s6, $0xb8;
	[tilespmem:$0x1AE20] =	vst v63  }
0xfa: {  	_ = 	snop  }
0xfb: {  	[tilespmem:s11], [sflag:$0x2] =	stream.indirect.gather [hbm4b:s7+s6], $0x10, s6, s6, $0xb8;
	[tilespmem:$0x1AE20] =	vst v63  }
0xfc: {  	s22 =	rddreg [dreg:$0x6]  }
0xfd: {  	[tilespmem:s10], [sflag:$0x3] =	stream.indirect.gather [hbm4b:s7+s6], $0x10, s22, s6, $0xb8;
	[tilespmem:$0x1AE20] =	vst v63  }
0xfe: {  	s1 =	rddreg [dreg:$0x7]  }
0xff: {  	[tilespmem:s9], [sflag:$0x4] =	stream.indirect.gather [hbm4b:s7+s6], $0x10, s1, s6, $0xb8;
	[tilespmem:$0x1AE20] =	vst v63  }
0x100: {  	s22 =	rddreg [dreg:$0x8]  }
0x101: {  	[tilespmem:s8], [sflag:$0x5] =	stream.indirect.gather [hbm4b:s7+s6], $0x10, s22, s6, $0xb8;
	[tilespmem:$0x1AE20] =	vst v63  }
0x102: {  	_ =	swait.ge [sflag:s19], $0x3E80  }
0x103: {  	[sflag:s19] =	ssyncset.done $0x0  }
0x104: {  	[sflag:s19] =	ssyncadd.s32 $0xFFFFC180  }
0x105: {  	[spmem:s2] =	stream.indirect.scatter.add.f32 [tilespmem:s14], [sflag:$0x6], $0x10, s30, s6, $0xb8;
	[tilespmem:$0x1AE20] =	vst v63  }
0x106: {  	_ =	swait.ge [sflag:s4], $0x3E80  }
0x107: {  	[sflag:s4] =	ssyncset.done $0x0  }
0x108: {  	s22 =	rddreg [dreg:$0x9];
	[sflag:s4] =	ssyncadd.s32 $0xFFFFC180  }
0x109: {  	[tilespmem:s14], [sflag:$0x1] =	stream.indirect.gather [hbm4b:s7+s6], $0x10, s22, s6, $0xb8;
	[tilespmem:$0x1AE20] =	vst v63  }
0x10a: {  	_ =	swait.ge [sflag:s17], $0x3E80  }
0x10b: {  	[sflag:s17] =	ssyncset.done $0x0  }
0x10c: {  	s30 =	rddreg [dreg:$0xa];
	[sflag:s17] =	ssyncadd.s32 $0xFFFFC180  }
0x10d: {  	[spmem:s2] =	stream.indirect.scatter.add.f32 [tilespmem:s11], [sflag:$0x6], $0x10, s30, s6, $0xb8;
	[tilespmem:$0x1AE20] =	vst v63  }
0x10e: {  	_ =	swait.ge [sflag:s4], $0x3E80  }
0x10f: {  	[sflag:s4] =	ssyncset.done $0x0  }
0x110: {  	s1 =	rddreg [dreg:$0xb];
	[sflag:s4] =	ssyncadd.s32 $0xFFFFC180  }
0x111: {  	[tilespmem:s11], [sflag:$0x2] =	stream.indirect.gather [hbm4b:s7+s6], $0x10, s1, s6, $0xb8;
	[tilespmem:$0x1AE20] =	vst v63  }
0x112: {  	_ =	swait.ge [sflag:s16], $0x3E80  }
0x113: {  	[sflag:s16] =	ssyncset.done $0x0  }
0x114: {  	s22 =	rddreg [dreg:$0xc];
	[sflag:s16] =	ssyncadd.s32 $0xFFFFC180  }
0x115: {  	[spmem:s2] =	stream.indirect.scatter.add.f32 [tilespmem:s10], [sflag:$0x6], $0x10, s22, s6, $0xb8;
	[tilespmem:$0x1AE20] =	vst v63  }
0x116: {  	_ =	swait.ge [sflag:s4], $0x3E80  }
0x117: {  	[sflag:s4] =	ssyncset.done $0x0  }
0x118: {  	[sflag:s4] =	ssyncadd.s32 $0xFFFFC180  }
0x119: {  	[tilespmem:s10], [sflag:$0x3] =	stream.indirect.gather [hbm4b:s7+s6], $0x10, s20, s6, $0xb8;
	[tilespmem:$0x1AE20] =	vst v63  }
0x11a: {  	_ =	swait.ge [sflag:s15], $0x3E80  }
0x11b: {  	[sflag:s15] =	ssyncset.done $0x0  }
0x11c: {  	[sflag:s15] =	ssyncadd.s32 $0xFFFFC180  }
0x11d: {  	[spmem:s2] =	stream.indirect.scatter.add.f32 [tilespmem:s9], [sflag:$0x6], $0x10, s31, s6, $0xb8;
	[tilespmem:$0x1AE20] =	vst v63  }
0x11e: {  	_ =	swait.ge [sflag:s4], $0x3E80  }
0x11f: {  	[sflag:s4] =	ssyncset.done $0x0  }
0x120: {  	[sflag:s4] =	ssyncadd.s32 $0xFFFFC180  }
0x121: {  	[tilespmem:s9], [sflag:$0x4] =	stream.indirect.gather [hbm4b:s7+s6], $0x10, s29, s6, $0xb8;
	[tilespmem:$0x1AE20] =	vst v63  }
0x122: {  	_ =	swait.ge [sflag:s13], $0x3E80  }
0x123: {  	[sflag:s13] =	ssyncset.done $0x0  }
0x124: {  	[sflag:s13] =	ssyncadd.s32 $0xFFFFC180  }
0x125: {  	[spmem:s2] =	stream.indirect.scatter.add.f32 [tilespmem:s8], [sflag:$0x6], $0x10, s26, s6, $0xb8;
	[tilespmem:$0x1AE20] =	vst v63  }
0x126: {  	_ =	swait.ge [sflag:s4], $0x3E80  }
0x127: {  	[sflag:s4] =	ssyncset.done $0x0  }
0x128: {  	[sflag:s4] =	ssyncadd.s32 $0xFFFFC180  }
0x129: {  	[tilespmem:s8], [sflag:$0x5] =	stream.indirect.gather [hbm4b:s7+s6], $0x10, s28, s6, $0xb8;
	[tilespmem:$0x1AE20] =	vst v63  }
0x12a: {  	_ =	swait.ge [sflag:s19], $0x3E80  }
0x12b: {  	[sflag:s19] =	ssyncset.done $0x0  }
0x12c: {  	[sflag:s19] =	ssyncadd.s32 $0xFFFFC180  }
0x12d: {  	[spmem:s2] =	stream.indirect.scatter.add.f32 [tilespmem:s14], [sflag:$0x6], $0x10, s25, s6, $0xb8;
	[tilespmem:$0x1AE20] =	vst v63  }
0x12e: {  	_ =	swait.ge [sflag:s4], $0x3E80  }
0x12f: {  	[sflag:s4] =	ssyncset.done $0x0  }
0x130: {  	[sflag:s4] =	ssyncadd.s32 $0xFFFFC180  }
0x131: {  	_ =	swait.ge [sflag:s17], $0x3E80  }
0x132: {  	[sflag:s17] =	ssyncset.done $0x0  }
0x133: {  	[sflag:s17] =	ssyncadd.s32 $0xFFFFC180  }
0x134: {  	[spmem:s2] =	stream.indirect.scatter.add.f32 [tilespmem:s11], [sflag:$0x6], $0x10, s24, s6, $0xb8;
	[tilespmem:$0x1AE20] =	vst v63  }
0x135: {  	_ =	swait.ge [sflag:s4], $0x3E80  }
0x136: {  	[sflag:s4] =	ssyncset.done $0x0  }
0x137: {  	[sflag:s4] =	ssyncadd.s32 $0xFFFFC180  }
0x138: {  	_ =	swait.ge [sflag:s16], $0x3E80  }
0x139: {  	[sflag:s16] =	ssyncset.done $0x0  }
0x13a: {  	[sflag:s16] =	ssyncadd.s32 $0xFFFFC180  }
0x13b: {  	[spmem:s2] =	stream.indirect.scatter.add.f32 [tilespmem:s10], [sflag:$0x6], $0x10, s23, s6, $0xb8;
	[tilespmem:$0x1AE20] =	vst v63  }
0x13c: {  	_ =	swait.ge [sflag:s4], $0x3E80  }
0x13d: {  	[sflag:s4] =	ssyncset.done $0x0  }
0x13e: {  	[sflag:s4] =	ssyncadd.s32 $0xFFFFC180  }
0x13f: {  	_ =	swait.ge [sflag:s15], $0x3E80  }
0x140: {  	[sflag:s15] =	ssyncset.done $0x0  }
0x141: {  	[sflag:s15] =	ssyncadd.s32 $0xFFFFC180  }
0x142: {  	[spmem:s2] =	stream.indirect.scatter.add.f32 [tilespmem:s9], [sflag:$0x6], $0x10, s21, s6, $0xb8;
	[tilespmem:$0x1AE20] =	vst v63  }
0x143: {  	_ =	swait.ge [sflag:s4], $0x3E80  }
0x144: {  	[sflag:s4] =	ssyncset.done $0x0  }
0x145: {  	[sflag:s4] =	ssyncadd.s32 $0xFFFFC180  }
0x146: {  	_ =	swait.ge [sflag:s13], $0x3E80  }
0x147: {  	[sflag:s13] =	ssyncset.done $0x0  }
0x148: {  	s30 =	simm.s32 $0x4A38;
	[sflag:s13] =	ssyncadd.s32 $0xFFFFC180  }
0x149: {  	[spmem:s2] =	stream.indirect.scatter.add.f32 [tilespmem:s8], [sflag:$0x6], $0x10, s30, s6, $0xb8;
	[tilespmem:$0x1AE20] =	vst v63  }
0x14a: {  	_ =	swait.ge [sflag:s4], $0x3E80  }
0x14b: {  	[sflag:s4] =	ssyncset.done $0x0  }
0x14c: {  	[sflag:s4] =	ssyncadd.s32 $0xFFFFC180  }
0x14d: {  	[bflag:$0x0] =	sbarrier.arrive $0xFFFF  }
0x14e: {  	[hbm:s12], [sflag:s3] =	dma.local [spmem:s5], $0x4F0  }
0x14f: {  	_ =	swait.ge [sflag:s4], $0x4F0  }
0x150: {  	[sflag:s4] =	ssyncset.done $0x0  }
0x151: {  	[sflag:s4] =	ssyncadd.s32 $0xFFFFFB10  }
0x152: {  	_ =	sfence.sel $0x180000  }
0x153: {  	s31 =	stileid.u32;
	[bflag:$0x0] =	sbarrier.arrive $0xFFFF  }
0x154: {  	p0 =	sne.s32 s31, $0x0;
	_ =	strace $0x90000050  }
0x155: {  	s0 =	sadd.s32 @!p0 $0x100000, s18;
	[bflag:$0x2] =	sbarrier.arrive $0xFFFF  }
0x156: {  	[sflag:s0] =	ssyncadd.tile.s32 @!p0 $0x1;
	_ =	shalt  }
.LBB2_1:
.Ltmp3:
0x157: {  	(pc) =	sbr.rel .LBB2_6-.Ltmp3, $4  }
0x158: {  	_ = 	snop  }
0x159: {  	s20 =	simm.s32 $0x1B58;
	s31 =	simm.s32 $0x32C8;
	s29 =	simm.s32 $0x1F40  }
0x15a: {  	s28 =	simm.s32 $0x2328;
	s26 =	simm.s32 $0x36B0;
	s25 =	simm.s32 $0x3A98  }
0x15b: {  	s24 =	simm.s32 $0x3E80;
	s23 =	simm.s32 $0x4268;
	s21 =	simm.s32 $0x4650  }
.LBB2_3:
.Ltmp4:
0x15c: {  	(pc) =	sbr.rel .LBB2_6-.Ltmp4, $4  }
0x15d: {  	s20 =	simm.s32 $0x1B58  }
0x15e: {  	s31 =	simm.s32 $0x32C8;
	s29 =	simm.s32 $0x1F40;
	s28 =	simm.s32 $0x2328  }
0x15f: {  	s26 =	simm.s32 $0x36B0;
	s25 =	simm.s32 $0x3A98;
	s24 =	simm.s32 $0x3E80  }
0x160: {  	s23 =	simm.s32 $0x4268;
	s21 =	simm.s32 $0x4650;
	s18 =	rddreg [dreg:$0x2]  }
.Lfunc_end2:
_tile_overlayer_lowered:
.L_overlay_start_2:
0x161: {  	(tag) =	ssettag $0x2  }
0x162: {  	s0 =	rddreg [dreg:$0x0];
	s2 =	stileid.u32  }
0x163: {  	s1 =	rddreg [dreg:$0x1];
	p0 =	sne.s32 s2, $0x0  }
0x164: {  	s3 =	rddreg [dreg:$0x2];
	[bflag:$0x3] =	sbarrier.arrive $0xFFFF;
	s2 =	simm.s32 @!p0 $0x1C06  }
0x165: {  	[timem:s3], [sflag:s2] =	dma.local @!p0 [hbm:s0], s1  }
0x166: {  	s0 =	simm.s32 @!p0 $0x6  }
0x167: {  	_ =	swait.ge @!p0 [sflag:s0], s1  }
0x168: {  	s1 =	ssub.s32 @!p0 $0x0, s1;
	[sflag:s0] =	ssyncset.done @!p0 $0x0  }
0x169: {  	[sflag:s0] =	ssyncadd.s32 @!p0 s1  }
0x16a: {  	[bflag:$0x3] =	sbarrier.arrive $0xFFFF  }
0x16b: {  	_ =	shalt  }

// kernel: kernel.25.cloned.1.call-start
scs
__scs_entry_jumppad:
0x0: {  	(pc) =	sbr.rel $0x88, $3  }
0x1: {  	(tag) =	ssettag $0x0;
	lr =	simm.s32 $0x1  }
0x2: {  	[smem:$0x3F97] =	sst lr;
	_ =	strace $0xD0000000  }
0x3: {  	_ = 	snop  }
0x4: {  	_ = 	snop  }
0x5: {  	_ = 	snop  }
0x6: {  	_ = 	snop  }
0x7: {  	_ = 	snop  }
__scs_overlays_trampoline_lowered:
0x8: {  	[smem:$0x3FA6] =	sst s0  }
0x9: {  	[smem:$0x3FA7] =	sst s1  }
0xa: {  	[smem:$0x3FA8] =	sst s2  }
0xb: {  	[smem:$0x3FA9] =	sst s3  }
0xc: {  	[smem:$0x3FAA] =	sst s4  }
0xd: {  	[smem:$0x3FAB] =	sst s5  }
0xe: {  	[smem:$0x3FAC] =	sst s6  }
0xf: {  	[smem:$0x3FAD] =	sst s7  }
0x10: {  	[smem:$0x3FAE] =	sst s8  }
0x11: {  	[smem:$0x3FAF] =	sst s9;
	s0 =	simm.s32 @!p0 $0x0  }
0x12: {  	s1 =	sld [smem:$0x3F95];
	s0 =	simm.s32 @p0 $0x1  }
0x13: {  	[smem:$0x3FB0] =	sst s0;
	s0 =	simm.s32 @!p1 $0x0  }
0x14: {  	s2 =	sld [smem:$0x3F94];
	s0 =	simm.s32 @p1 $0x1  }
0x15: {  	[smem:$0x3FB1] =	sst s0;
	s0 =	simm.s32 @!p2 $0x0  }
0x16: {  	s3 =	sld [smem:$0x3FDB];
	s0 =	simm.s32 @p2 $0x1  }
0x17: {  	s4 =	simm.s32 $0x1BF5;
	[smem:$0x3FB3] =	sst s0  }
0x18: {  	s0 =	sld [smem:$0x3F96];
	_ =	swait.ge [sflag:s4], $0x0  }
0x19: {  	s7 =	sld [smem:$0x3F97]  }
0x1a: {  	s8 =	sadd.s32 $0xFFFFE003, lr  }
0x1b: {  	s9 =	sadd.s32 $0xFFFFFEF7, lr;
	s5 =	simm.s32 $0xFFFFFFFF;
	p2 =	slt.u32 s8, $0xFFFFF086  }
0x1c: {  	p1 =	slt.u32 s9, $0xF7A;
	s5 =	simm.s32 @!p2 $0x0  }
0x1d: {  	s5 =	simm.s32 @p1 $0x1;
	p0 =	seq.s32 s7, s2  }
0x1e: {  	s7 =	smul.u32 @!p0 $0xF7A, s2;
	p2 =	seq.s32 @!p0 s5, $0x0  }
0x1f: {  	s9 =	smul.u32 $0xF7A, s1;
	s8 =	simm.s32 @!p0 $0x1BF5;
	p2 =	por !p2, p0  }
0x20: {  	[sflag:s8] =	ssyncset.s32 @!p0 $0xFFFFF086;
	s6 =	sadd.s32 @!p0 s3, s7;
	s7 =	simm.s32 @!p0 $0x108  }
0x21: {  	s3 =	sadd.s32 s3, s9;
	s6 =	sadd.s32 @!p0 $0x88, s6;
	s7 =	simm.s32 @p2 $0x1082  }
0x22: {  	[simem:s7], [sflag:s8] =	dma.local @!p0 [hbm:s6], $0xF7A  }
0x23: {  	s9 =	sor.u32 $0xD0000000, s2;
	s6 =	simm.s32 $0x108;
	_ =	swait.ge @!p0 [sflag:s8], $0x0  }
0x24: {  	s3 =	sadd.s32 $0x88, s3;
	s6 =	simm.s32 @!p1 $0x1082;
	[sflag:s4] =	ssyncset.s32 $0xFFFFF086  }
0x25: {  	[simem:s6], [sflag:s4] =	dma.local [hbm:s3], $0xF7A  }
0x26: {  	[smem:$0x3F97] =	sst s1;
	(tag) =	ssettag s2;
	_ =	strace s9  }
0x27: {  	s1 =	sld [smem:$0x3FA7]  }
0x28: {  	s2 =	sld [smem:$0x3FA8]  }
0x29: {  	s4 =	sld [smem:$0x3FAA]  }
0x2a: {  	p0 =	seq.s32 s5, $0x0;
	s5 =	sld [smem:$0x3FAB]  }
0x2b: {  	s6 =	sld [smem:$0x3FAC]  }
0x2c: {  	s7 =	sld [smem:$0x3FAD]  }
0x2d: {  	s3 =	simm.s32 $0x108;
	s8 =	sld [smem:$0x3FAE]  }
0x2e: {  	s3 =	simm.s32 @!p0 $0x1082;
	s9 =	sld [smem:$0x3FAF]  }
0x2f: {  	lr =	sadd.s32 s0, s3;
	s0 =	sld [smem:$0x3FA6]  }
0x30: {  	s3 =	sld [smem:$0x3FA9]  }
0x31: {  	[smem:$0x3FB2] =	sst s10  }
0x32: {  	s10 =	sld [smem:$0x3FB0];
	_ =	sdelay $0x3  }
0x33: {  	p0 =	seq.s32 s10, $0x1;
	s10 =	sld [smem:$0x3FB2];
	_ =	sdelay $0x3  }
0x34: {  	[smem:$0x3FB2] =	sst s10  }
0x35: {  	s10 =	sld [smem:$0x3FB1];
	_ =	sdelay $0x3  }
0x36: {  	p1 =	seq.s32 s10, $0x1;
	s10 =	sld [smem:$0x3FB2];
	_ =	sdelay $0x3  }
0x37: {  	[smem:$0x3FB2] =	sst s10  }
0x38: {  	s10 =	sld [smem:$0x3FB3]  }
0x39: {  	_ = 	snop;
	(pc) =	sbr.ind lr, $3  }
0x3a: {  	_ = 	snop  }
0x3b: {  	_ = 	snop  }
0x3c: {  	p2 =	seq.s32 s10, $0x1;
	s10 =	sld [smem:$0x3FB2]  }
0x3d: {  	_ =	shalt  }
0x3e: {  	_ =	shalt  }
0x3f: {  	_ =	shalt  }
0x40: {  	_ =	shalt  }
0x41: {  	_ =	shalt  }
0x42: {  	_ =	shalt  }
0x43: {  	_ =	shalt  }
0x44: {  	_ =	shalt  }
0x45: {  	_ =	shalt  }
0x46: {  	_ =	shalt  }
0x47: {  	_ =	shalt  }
0x48: {  	_ =	shalt  }
0x49: {  	_ =	shalt  }
0x4a: {  	_ =	shalt  }
0x4b: {  	_ =	shalt  }
0x4c: {  	_ =	shalt  }
0x4d: {  	_ =	shalt  }
0x4e: {  	_ =	shalt  }
0x4f: {  	_ =	shalt  }
0x50: {  	_ =	shalt  }
0x51: {  	_ =	shalt  }
0x52: {  	_ =	shalt  }
0x53: {  	_ =	shalt  }
0x54: {  	_ =	shalt  }
0x55: {  	_ =	shalt  }
0x56: {  	_ =	shalt  }
0x57: {  	_ =	shalt  }
0x58: {  	_ =	shalt  }
0x59: {  	_ =	shalt  }
0x5a: {  	_ =	shalt  }
0x5b: {  	_ =	shalt  }
0x5c: {  	_ =	shalt  }
0x5d: {  	_ =	shalt  }
0x5e: {  	_ =	shalt  }
0x5f: {  	_ =	shalt  }
0x60: {  	_ =	shalt  }
0x61: {  	_ =	shalt  }
0x62: {  	_ =	shalt  }
0x63: {  	_ =	shalt  }
0x64: {  	_ =	shalt  }
0x65: {  	_ =	shalt  }
0x66: {  	_ =	shalt  }
0x67: {  	_ =	shalt  }
0x68: {  	_ =	shalt  }
0x69: {  	_ =	shalt  }
0x6a: {  	_ =	shalt  }
0x6b: {  	_ =	shalt  }
0x6c: {  	_ =	shalt  }
0x6d: {  	_ =	shalt  }
0x6e: {  	_ =	shalt  }
0x6f: {  	_ =	shalt  }
0x70: {  	_ =	shalt  }
0x71: {  	_ =	shalt  }
0x72: {  	_ =	shalt  }
0x73: {  	_ =	shalt  }
0x74: {  	_ =	shalt  }
0x75: {  	_ =	shalt  }
0x76: {  	_ =	shalt  }
0x77: {  	_ =	shalt  }
0x78: {  	_ =	shalt  }
0x79: {  	_ =	shalt  }
0x7a: {  	_ =	shalt  }
0x7b: {  	_ =	shalt  }
0x7c: {  	_ =	shalt  }
0x7d: {  	_ =	shalt  }
0x7e: {  	_ =	shalt  }
0x7f: {  	_ =	shalt  }
0x80: {  	_ =	shalt  }
0x81: {  	_ =	shalt  }
0x82: {  	_ =	shalt  }
0x83: {  	_ =	shalt  }
0x84: {  	_ =	shalt  }
0x85: {  	_ =	shalt  }
0x86: {  	_ =	shalt  }
0x87: {  	_ =	shalt  }
.Lfunc_end0:
.L_simem_size_0:
called_computation.4_lowered:
.L_overlay_start_0:
0x88: {  	s2 =	sld [smem:$0x3FD9]  }
0x89: {  	s3 =	sld [smem:$0x3FFE];
	_ =	sdelay $0x1  }
0x8a: {  	s1 =	srdreg.scid  }
0x8b: {  	s0 =	sand.u32 $0x1, s1  }
0x8c: {  	s16 =	sshll.u32 s0, $0xA;
	s2 =	sadd.s32 s3, s2  }
0x8d: {  	s2 =	sadd.s32 s2, s16  }
0x8e: {  	[smem:$0x3FBE] =	sst s2  }
0x8f: {  	_ = 	snop  }
0x90: {  	(tm) =	ssettm $0x1  }
0x91: {  	s17 =	sld [smem:$0x3FFB];
	_ =	sdelay $0x3  }
0x92: {  	_ =	strace s17  }
0x93: {  	s2 =	sld [smem:$0x3FFC];
	_ =	sdelay $0x3  }
0x94: {  	_ =	strace s2  }
0x95: {  	s2 =	sld [smem:$0x3FFD];
	_ =	sdelay $0x3  }
0x96: {  	_ =	strace s2  }
0x97: {  	_ =	strace $0x8FFFFFFF  }
0x98: {  	s18 =	sld [smem:$0x3FDB];
	_ =	sdelay $0x1  }
0x99: {  	s19 =	simm.s32 $_scs_section_size  }
0x9a: {  	s4 =	simm.s32 $_size__tile_overlayer_lowered;
	s5 =	simm.s32 $_tile_overlayer_lowered  }
0x9b: {  	s22 =	simm.s32 $0x1BFF;
	s21 =	sshll.u32 s5, $0x1;
	s2 =	sadd.s32 s19, s18  }
0x9c: {  	s6 =	simm.s32 $0x0;
	s20 =	sshll.u32 s4, $0x1;
	s4 =	sadd.s32 s21, s2  }
0x9d: {  	[timem:s6], [sflag:s22] =	dma.local [hbm:s4], s20  }
0x9e: {  	_ =	swait.ge [sflag:s22], s20  }
0x9f: {  	s3 =	ssub.s32 $0x0, s20;
	[sflag:s22] =	ssyncset.done $0x0  }
0xa0: {  	[sflag:s22] =	ssyncadd.s32 s3;
	_ =	sdelay $0x1  }
0xa1: {  	s23 =	simm.s32 $0x1B8B  }
0xa2: {  	_ =	swait.ge [sflag:s23], $0x1  }
0xa3: {  	[sflag:s23] =	ssyncset.done $0x0  }
0xa4: {  	s25 =	simm.s32 $0x1B8E;
	s24 =	sld [smem:$0x3FFE];
	[sflag:s23] =	ssyncadd.s32 $0xFFFFFFFF  }
0xa5: {  	s26 =	simm.s32 $execute0_lowered;
	[smem:$0x3FD2] =	sst s25  }
0xa6: {  	s4 =	sshll.u32 s26, $0x1;
	_ =	strace $0x80000052;
	[dreg:$0x1] =	wrdreg $0xFFFFFFFF  }
0xa7: {  	s28 =	simm.s32 $_size_execute0_lowered;
	s2 =	sadd.s32 s2, s4;
	[dreg:$0x0] =	wrdreg $0x0  }
0xa8: {  	s4 =	sshll.u32 s28, $0x1;
	[dreg:$0x2] =	wrdreg s2  }
0xa9: {  	[dreg:$0x3] =	wrdreg s4  }
0xaa: {  	[dreg:$0x4] =	wrdreg $0xC0  }
0xab: {  	_ =	task [dreg:s6], $0x5FFFF  }
0xac: {  	[dreg:$0x1] =	wrdreg $0xFFFFFFFF  }
0xad: {  	[dreg:$0x0] =	wrdreg $0x60  }
0xae: {  	[dreg:$0x2] =	wrdreg s24  }
0xaf: {  	[dreg:$0x3] =	wrdreg $0x186A00  }
0xb0: {  	[dreg:$0x4] =	wrdreg $0x9  }
0xb1: {  	_ =	task.clear_ibuf [dreg:s6], $0x5FFFF;
	_ =	strace $0x90000052  }
0xb2: {  	s29 =	simm.s32 $0x9;
	_ =	strace $0x80000054  }
0xb3: {  	_ =	swait.ge [sflag:s29], $0x1  }
0xb4: {  	[sflag:s29] =	ssyncadd.s32 $0xFFFFFFFF  }
0xb5: {  	_ =	strace $0x90000054  }
0xb6: {  	_ =	sfence  }
0xb7: {  	s30 =	sld [smem:$0x0];
	_ =	sdelay $0x2  }
0xb8: {  	s31 =	sshll.u32 s1, $0xD;
	s1 =	sshrl.u32 s1, $0x2  }
0xb9: {  	s3 =	sand.u32 $0x4000, s31;
	s1 =	sadd.s32 s1, s30  }
0xba: {  	s0 =	sor.u32 s3, s0;
	s1 =	sshll.u32 s1, $0x11  }
0xbb: {  	s0 =	sor.u32 s1, s0  }
0xbc: {  	s0 =	sadd.s32 $0x8F2B, s0  }
0xbd: {  	[sflag:s0] =	ssyncadd.remote.s32 $0x1  }
0xbe: {  	_ =	sfence.sel $0xFFFF  }
0xbf: {  	[dreg:$0x0] =	wrdreg $0xFFFFFFFF;
	(pc) =	sbr.abs _section_cstart, $3  }
0xc0: {  	[dreg:$0x1] =	wrdreg $0xFFFFFFFF  }
0xc1: {  	_ =	task.clear_ibuf [dreg:s6], $0x2FFFF;
	_ =	strace $0x9FFFFFFF  }
0xc2: {  	(tm) =	ssettm $0x7FFFFFFF  }
0xc3: {  	_ =	shalt  }
tec
execute0_lowered:
.L_overlay_start_1:
0x0: {  	(tag) =	ssettag $0x1  }
0x1: {  	s0 =	rddreg [dreg:$0x0]  }
0x2: {  	s1 =	srdreg.scid;
	s2 =	rddreg [dreg:$0x1]  }
0x3: {  	s8 =	stileid.u32;
	s18 =	rddreg [dreg:$0x2]  }
0x4: {  	s22 =	simm.s32 $0x0;
	s30 =	simm.s32 $0x2710;
	s11 =	simm.s32 $0x8CA0  }
0x5: {  	s20 =	simm.s32 $0x7D0;
	s10 =	simm.s32 $0xCB20;
	s21 =	simm.s32 $0xBB8  }
0x6: {  	s9 =	simm.s32 $0x109A0;
	s23 =	simm.s32 $0xFA0;
	s13 =	simm.s32 $0x1388  }
0x7: {  	s24 =	simm.s32 $0x2AF8;
	s25 =	simm.s32 $0x1770;
	s26 =	simm.s32 $0x2EE0  }
0x8: {  	s31 =	simm.s32 $0x32C8;
	s29 =	simm.s32 $0x1F40;
	[smem:$0x7FF] =	sst s22  }
0x9: {  	p0 =	por $0x0, $0x0;
	_ =	strace $0x80000053;
	[dreg:$0x6] =	wrdreg s20  }
0xa: {  	s28 =	simm.s32 $0x2328;
	s4 =	smul.u32 $0x2710, s8;
	[dreg:$0x7] =	wrdreg s21  }
0xb: {  	s1 =	sand.u32 $0x1, s1;
	s5 =	smul.u32 $0x2780, s8;
	[dreg:$0x8] =	wrdreg s23  }
0xc: {  	s7 =	sadd.s32 $0x1D600, s0;
	s17 =	sshll.u32 s8, $0x6;
	[dreg:$0x9] =	wrdreg s13  }
0xd: {  	s8 =	simm.s32 $0x14820;
	s3 =	smul.u32 $0x27100, s1;
	[dreg:$0xa] =	wrdreg s24  }
0xe: {  	s14 =	smul.u32 $0x4F00, s1;
	s1 =	ssub.s32 $0x2, s1;
	[dreg:$0xb] =	wrdreg s25  }
0xf: {  	[dreg:$0xc] =	wrdreg s26;
	s13 =	simm.s32 $0x5;
	s26 =	simm.s32 $0x36B0  }
0x10: {  	s25 =	simm.s32 $0x3A98;
	s24 =	simm.s32 $0x3E80;
	s23 =	simm.s32 $0x4268  }
0x11: {  	s21 =	simm.s32 $0x4650;
	s20 =	simm.s32 $0x4A38;
	s12 =	sshrl.u32 s5, $0x3  }
0x12: {  	s15 =	sshrl.u32 s1, $0x1;
	s5 =	sadd.s32 s5, s2;
	s3 =	sadd.s32 s4, s3  }
0x13: {  	s6 =	sadd.s32 s12, s0;
	s1 =	ssub.s32 s1, s15;
	s5 =	sshrl.u32 s5, $0x3  }
0x14: {  	s4 =	simm.s32 $0x6;
	s15 =	simm.s32 $0x4;
	s3 =	sshrl.u32 s3, $0x3  }
0x15: {  	s6 =	sadd.s32 $0x18600, s6;
	s1 =	smax.u32 s1, $0x1;
	s3 =	sadd.s32 s3, s0  }
0x16: {  	s0 =	sadd.s32 s14, s0;
	[dreg:$0x3] =	wrdreg s6;
	p1 =	sne.s32 s1, $0x1  }
.Ltmp0:
0x17: {  	s6 =	simm.s32 $0x3E8;
	s14 =	simm.s32 $0x4E20;
	(pc) =	sbr.rel @!p1 .LBB2_1-.Ltmp0, $4  }
0x18: {  	s16 =	sadd.s32 $0x4C00, s3;
	s19 =	sadd.s32 $0xE840, s3;
	s3 =	sor.u32 $0x1C06, s17  }
0x19: {  	s0 =	sadd.s32 $0x22600, s0;
	s17 =	simm.s32 $0x2;
	[dreg:$0x4] =	wrdreg s16  }
0x1a: {  	[dreg:$0x5] =	wrdreg s19;
	s19 =	simm.s32 $0x1;
	s16 =	simm.s32 $0x3  }
0x1b: {  	s12 =	sadd.s32 s12, s0;
	s0 =	sadd.s32 $0xFFFFFFFF, s1;
	s1 =	rddreg [dreg:$0x3]  }
0x1c: {  	[spmem:s5], [sflag:s3] =	dma.local [hbm:s1], $0x4F0  }
0x1d: {  	_ =	swait.ge [sflag:s4], $0x4F0  }
0x1e: {  	[sflag:s4] =	ssyncset.done $0x0  }
0x1f: {  	s18 =	rddreg [dreg:$0x4];
	[sflag:s4] =	ssyncadd.s32 $0xFFFFFB10  }
0x20: {  	[tilespmem:s22], [sflag:$0x6] =	stream.linear.gather [hbm4b:s18+s22], $0x2710, $0x38;
	[tilespmem:$0x1AE20] =	vst v63  }
0x21: {  	_ =	swait.ge [sflag:s4], $0x2710  }
0x22: {  	[sflag:s4] =	ssyncset.done $0x0  }
0x23: {  	s18 =	rddreg [dreg:$0x5];
	[sflag:s4] =	ssyncadd.s32 $0xFFFFD8F0  }
0x24: {  	[tilespmem:s30], [sflag:$0x6] =	stream.linear.gather [hbm4b:s18+s22], $0x2710, $0x38;
	[tilespmem:$0x1AE20] =	vst v63  }
0x25: {  	_ =	swait.ge [sflag:s4], $0x2710  }
0x26: {  	[sflag:s4] =	ssyncset.done $0x0  }
0x27: {  	[sflag:s4] =	ssyncadd.s32 $0xFFFFD8F0  }
0x28: {  	[bflag:$0x0] =	sbarrier.arrive $0xFFFF  }
0x29: {  	[tilespmem:s14], [sflag:$0x1] =	stream.indirect.gather [hbm4b:s7+s6], $0x10, s22, s6, $0xb8;
	[tilespmem:$0x1AE20] =	vst v63  }
0x2a: {  	_ = 	snop  }
0x2b: {  	[tilespmem:s11], [sflag:$0x2] =	stream.indirect.gather [hbm4b:s7+s6], $0x10, s6, s6, $0xb8;
	[tilespmem:$0x1AE20] =	vst v63  }
0x2c: {  	s1 =	rddreg [dreg:$0x6]  }
0x2d: {  	[tilespmem:s10], [sflag:$0x3] =	stream.indirect.gather [hbm4b:s7+s6], $0x10, s1, s6, $0xb8;
	[tilespmem:$0x1AE20] =	vst v63  }
0x2e: {  	s18 =	smov.u32 s0;
	s0 =	rddreg [dreg:$0x7]  }
0x2f: {  	[tilespmem:s9], [sflag:$0x4] =	stream.indirect.gather [hbm4b:s7+s6], $0x10, s0, s6, $0xb8;
	[tilespmem:$0x1AE20] =	vst v63  }
0x30: {  	s1 =	rddreg [dreg:$0x8]  }
0x31: {  	[tilespmem:s8], [sflag:$0x5] =	stream.indirect.gather [hbm4b:s7+s6], $0x10, s1, s6, $0xb8;
	[tilespmem:$0x1AE20] =	vst v63  }
0x32: {  	_ =	swait.ge [sflag:s19], $0x3E80  }
0x33: {  	[sflag:s19] =	ssyncset.done $0x0  }
0x34: {  	[sflag:s19] =	ssyncadd.s32 $0xFFFFC180  }
0x35: {  	[spmem:s2] =	stream.indirect.scatter.add.f32 [tilespmem:s14], [sflag:$0x6], $0x10, s30, s6, $0xb8;
	[tilespmem:$0x1AE20] =	vst v63  }
0x36: {  	_ =	swait.ge [sflag:s4], $0x3E80  }
0x37: {  	[sflag:s4] =	ssyncset.done $0x0  }
0x38: {  	s1 =	rddreg [dreg:$0x9];
	[sflag:s4] =	ssyncadd.s32 $0xFFFFC180  }
0x39: {  	[tilespmem:s14], [sflag:$0x1] =	stream.indirect.gather [hbm4b:s7+s6], $0x10, s1, s6, $0xb8;
	[tilespmem:$0x1AE20] =	vst v63  }
0x3a: {  	_ =	swait.ge [sflag:s17], $0x3E80  }
0x3b: {  	[sflag:s17] =	ssyncset.done $0x0  }
0x3c: {  	s1 =	rddreg [dreg:$0xa];
	[sflag:s17] =	ssyncadd.s32 $0xFFFFC180  }
0x3d: {  	[spmem:s2] =	stream.indirect.scatter.add.f32 [tilespmem:s11], [sflag:$0x6], $0x10, s1, s6, $0xb8;
	[tilespmem:$0x1AE20] =	vst v63  }
0x3e: {  	_ =	swait.ge [sflag:s4], $0x3E80  }
0x3f: {  	[sflag:s4] =	ssyncset.done $0x0  }
0x40: {  	s1 =	rddreg [dreg:$0xb];
	[sflag:s4] =	ssyncadd.s32 $0xFFFFC180  }
0x41: {  	[tilespmem:s11], [sflag:$0x2] =	stream.indirect.gather [hbm4b:s7+s6], $0x10, s1, s6, $0xb8;
	[tilespmem:$0x1AE20] =	vst v63  }
0x42: {  	_ =	swait.ge [sflag:s16], $0x3E80  }
0x43: {  	[sflag:s16] =	ssyncset.done $0x0  }
0x44: {  	s1 =	rddreg [dreg:$0xc];
	[sflag:s16] =	ssyncadd.s32 $0xFFFFC180  }
0x45: {  	[spmem:s2] =	stream.indirect.scatter.add.f32 [tilespmem:s10], [sflag:$0x6], $0x10, s1, s6, $0xb8;
	[tilespmem:$0x1AE20] =	vst v63  }
0x46: {  	_ =	swait.ge [sflag:s4], $0x3E80  }
0x47: {  	[sflag:s4] =	ssyncset.done $0x0  }
0x48: {  	s1 =	simm.s32 $0x1B58;
	[sflag:s4] =	ssyncadd.s32 $0xFFFFC180  }
0x49: {  	[tilespmem:s10], [sflag:$0x3] =	stream.indirect.gather [hbm4b:s7+s6], $0x10, s1, s6, $0xb8;
	[tilespmem:$0x1AE20] =	vst v63  }
0x4a: {  	_ =	swait.ge [sflag:s15], $0x3E80  }
0x4b: {  	[sflag:s15] =	ssyncset.done $0x0  }
0x4c: {  	[sflag:s15] =	ssyncadd.s32 $0xFFFFC180  }
0x4d: {  	[spmem:s2] =	stream.indirect.scatter.add.f32 [tilespmem:s9], [sflag:$0x6], $0x10, s31, s6, $0xb8;
	[tilespmem:$0x1AE20] =	vst v63  }
0x4e: {  	_ =	swait.ge [sflag:s4], $0x3E80  }
0x4f: {  	[sflag:s4] =	ssyncset.done $0x0  }
0x50: {  	[sflag:s4] =	ssyncadd.s32 $0xFFFFC180  }
0x51: {  	[tilespmem:s9], [sflag:$0x4] =	stream.indirect.gather [hbm4b:s7+s6], $0x10, s29, s6, $0xb8;
	[tilespmem:$0x1AE20] =	vst v63  }
0x52: {  	_ =	swait.ge [sflag:s13], $0x3E80  }
0x53: {  	[sflag:s13] =	ssyncset.done $0x0  }
0x54: {  	[sflag:s13] =	ssyncadd.s32 $0xFFFFC180  }
0x55: {  	[spmem:s2] =	stream.indirect.scatter.add.f32 [tilespmem:s8], [sflag:$0x6], $0x10, s26, s6, $0xb8;
	[tilespmem:$0x1AE20] =	vst v63  }
0x56: {  	_ =	swait.ge [sflag:s4], $0x3E80  }
0x57: {  	[sflag:s4] =	ssyncset.done $0x0  }
0x58: {  	[sflag:s4] =	ssyncadd.s32 $0xFFFFC180  }
0x59: {  	[tilespmem:s8], [sflag:$0x5] =	stream.indirect.gather [hbm4b:s7+s6], $0x10, s28, s6, $0xb8;
	[tilespmem:$0x1AE20] =	vst v63  }
0x5a: {  	_ =	swait.ge [sflag:s19], $0x3E80  }
0x5b: {  	[sflag:s19] =	ssyncset.done $0x0  }
0x5c: {  	[sflag:s19] =	ssyncadd.s32 $0xFFFFC180  }
0x5d: {  	[spmem:s2] =	stream.indirect.scatter.add.f32 [tilespmem:s14], [sflag:$0x6], $0x10, s25, s6, $0xb8;
	[tilespmem:$0x1AE20] =	vst v63  }
0x5e: {  	_ =	swait.ge [sflag:s4], $0x3E80  }
0x5f: {  	[sflag:s4] =	ssyncset.done $0x0  }
0x60: {  	[sflag:s4] =	ssyncadd.s32 $0xFFFFC180  }
0x61: {  	_ =	swait.ge [sflag:s17], $0x3E80  }
0x62: {  	[sflag:s17] =	ssyncset.done $0x0  }
0x63: {  	[sflag:s17] =	ssyncadd.s32 $0xFFFFC180  }
0x64: {  	[spmem:s2] =	stream.indirect.scatter.add.f32 [tilespmem:s11], [sflag:$0x6], $0x10, s24, s6, $0xb8;
	[tilespmem:$0x1AE20] =	vst v63  }
0x65: {  	_ =	swait.ge [sflag:s4], $0x3E80  }
0x66: {  	[sflag:s4] =	ssyncset.done $0x0  }
0x67: {  	[sflag:s4] =	ssyncadd.s32 $0xFFFFC180  }
0x68: {  	_ =	swait.ge [sflag:s16], $0x3E80  }
0x69: {  	[sflag:s16] =	ssyncset.done $0x0  }
0x6a: {  	[sflag:s16] =	ssyncadd.s32 $0xFFFFC180  }
0x6b: {  	[spmem:s2] =	stream.indirect.scatter.add.f32 [tilespmem:s10], [sflag:$0x6], $0x10, s23, s6, $0xb8;
	[tilespmem:$0x1AE20] =	vst v63  }
0x6c: {  	_ =	swait.ge [sflag:s4], $0x3E80  }
0x6d: {  	[sflag:s4] =	ssyncset.done $0x0  }
0x6e: {  	[sflag:s4] =	ssyncadd.s32 $0xFFFFC180  }
0x6f: {  	_ =	swait.ge [sflag:s15], $0x3E80  }
0x70: {  	[sflag:s15] =	ssyncset.done $0x0  }
0x71: {  	[sflag:s15] =	ssyncadd.s32 $0xFFFFC180  }
0x72: {  	[spmem:s2] =	stream.indirect.scatter.add.f32 [tilespmem:s9], [sflag:$0x6], $0x10, s21, s6, $0xb8;
	[tilespmem:$0x1AE20] =	vst v63  }
0x73: {  	_ =	swait.ge [sflag:s4], $0x3E80  }
0x74: {  	[sflag:s4] =	ssyncset.done $0x0  }
0x75: {  	[sflag:s4] =	ssyncadd.s32 $0xFFFFC180  }
0x76: {  	_ =	swait.ge [sflag:s13], $0x3E80  }
0x77: {  	[sflag:s13] =	ssyncset.done $0x0  }
0x78: {  	[sflag:s13] =	ssyncadd.s32 $0xFFFFC180  }
0x79: {  	[spmem:s2] =	stream.indirect.scatter.add.f32 [tilespmem:s8], [sflag:$0x6], $0x10, s20, s6, $0xb8;
	[tilespmem:$0x1AE20] =	vst v63  }
0x7a: {  	_ =	swait.ge [sflag:s4], $0x3E80  }
0x7b: {  	p1 =	sne.s32 s18, $0x1;
	[sflag:s4] =	ssyncset.done $0x0  }
.Ltmp1:
0x7c: {  	[sflag:s4] =	ssyncadd.s32 $0xFFFFC180;
	(pc) =	sbr.rel @!p1 .LBB2_3-.Ltmp1, $4  }
0x7d: {  	[bflag:$0x0] =	sbarrier.arrive $0xFFFF  }
0x7e: {  	[hbm:s12], [sflag:s3] =	dma.local [spmem:s5], $0x4F0  }
0x7f: {  	p0 =	por $0x1, $0x1;
	_ =	swait.ge [sflag:s4], $0x4F0  }
0x80: {  	s0 =	sadd.s32 $0xFFFFFFFF, s18;
	s1 =	rddreg [dreg:$0x3];
	[sflag:s4] =	ssyncset.done $0x0  }
.LBB2_4:
0x81: {  	[sflag:s4] =	ssyncadd.s32 $0xFFFFFB10  }
0x82: {  	[spmem:s5], [sflag:s3] =	dma.local [hbm:s1], $0x4F0  }
0x83: {  	_ =	swait.ge [sflag:s4], $0x4F0  }
0x84: {  	[sflag:s4] =	ssyncset.done $0x0  }
0x85: {  	s18 =	rddreg [dreg:$0x4];
	[sflag:s4] =	ssyncadd.s32 $0xFFFFFB10  }
0x86: {  	[tilespmem:s22], [sflag:$0x6] =	stream.linear.gather [hbm4b:s18+s22], $0x2710, $0x38;
	[tilespmem:$0x1AE20] =	vst v63  }
0x87: {  	_ =	swait.ge [sflag:s4], $0x2710  }
0x88: {  	[sflag:s4] =	ssyncset.done $0x0  }
0x89: {  	s18 =	rddreg [dreg:$0x5];
	[sflag:s4] =	ssyncadd.s32 $0xFFFFD8F0  }
0x8a: {  	[tilespmem:s30], [sflag:$0x6] =	stream.linear.gather [hbm4b:s18+s22], $0x2710, $0x38;
	[tilespmem:$0x1AE20] =	vst v63  }
0x8b: {  	_ =	swait.ge [sflag:s4], $0x2710  }
0x8c: {  	[sflag:s4] =	ssyncset.done $0x0  }
0x8d: {  	[sflag:s4] =	ssyncadd.s32 $0xFFFFD8F0  }
0x8e: {  	[bflag:$0x0] =	sbarrier.arrive $0xFFFF  }
0x8f: {  	[tilespmem:s14], [sflag:$0x1] =	stream.indirect.gather [hbm4b:s7+s6], $0x10, s22, s6, $0xb8;
	[tilespmem:$0x1AE20] =	vst v63  }
0x90: {  	_ = 	snop  }
0x91: {  	[tilespmem:s11], [sflag:$0x2] =	stream.indirect.gather [hbm4b:s7+s6], $0x10, s6, s6, $0xb8;
	[tilespmem:$0x1AE20] =	vst v63  }
0x92: {  	s1 =	rddreg [dreg:$0x6]  }
0x93: {  	[tilespmem:s10], [sflag:$0x3] =	stream.indirect.gather [hbm4b:s7+s6], $0x10, s1, s6, $0xb8;
	[tilespmem:$0x1AE20] =	vst v63  }
0x94: {  	s18 =	rddreg [dreg:$0x7]  }
0x95: {  	[tilespmem:s9], [sflag:$0x4] =	stream.indirect.gather [hbm4b:s7+s6], $0x10, s18, s6, $0xb8;
	[tilespmem:$0x1AE20] =	vst v63  }
0x96: {  	s1 =	rddreg [dreg:$0x8]  }
0x97: {  	[tilespmem:s8], [sflag:$0x5] =	stream.indirect.gather [hbm4b:s7+s6], $0x10, s1, s6, $0xb8;
	[tilespmem:$0x1AE20] =	vst v63  }
0x98: {  	_ =	swait.ge [sflag:s19], $0x3E80  }
0x99: {  	[sflag:s19] =	ssyncset.done $0x0  }
0x9a: {  	[sflag:s19] =	ssyncadd.s32 $0xFFFFC180  }
0x9b: {  	[spmem:s2] =	stream.indirect.scatter.add.f32 [tilespmem:s14], [sflag:$0x6], $0x10, s30, s6, $0xb8;
	[tilespmem:$0x1AE20] =	vst v63  }
0x9c: {  	_ =	swait.ge [sflag:s4], $0x3E80  }
0x9d: {  	[sflag:s4] =	ssyncset.done $0x0  }
0x9e: {  	s18 =	rddreg [dreg:$0x9];
	[sflag:s4] =	ssyncadd.s32 $0xFFFFC180  }
0x9f: {  	[tilespmem:s14], [sflag:$0x1] =	stream.indirect.gather [hbm4b:s7+s6], $0x10, s18, s6, $0xb8;
	[tilespmem:$0x1AE20] =	vst v63  }
0xa0: {  	_ =	swait.ge [sflag:s17], $0x3E80  }
0xa1: {  	[sflag:s17] =	ssyncset.done $0x0  }
0xa2: {  	s18 =	rddreg [dreg:$0xa];
	[sflag:s17] =	ssyncadd.s32 $0xFFFFC180  }
0xa3: {  	[spmem:s2] =	stream.indirect.scatter.add.f32 [tilespmem:s11], [sflag:$0x6], $0x10, s18, s6, $0xb8;
	[tilespmem:$0x1AE20] =	vst v63  }
0xa4: {  	_ =	swait.ge [sflag:s4], $0x3E80  }
0xa5: {  	[sflag:s4] =	ssyncset.done $0x0  }
0xa6: {  	s18 =	rddreg [dreg:$0xb];
	[sflag:s4] =	ssyncadd.s32 $0xFFFFC180  }
0xa7: {  	[tilespmem:s11], [sflag:$0x2] =	stream.indirect.gather [hbm4b:s7+s6], $0x10, s18, s6, $0xb8;
	[tilespmem:$0x1AE20] =	vst v63  }
0xa8: {  	_ =	swait.ge [sflag:s16], $0x3E80  }
0xa9: {  	[sflag:s16] =	ssyncset.done $0x0  }
0xaa: {  	s18 =	rddreg [dreg:$0xc];
	[sflag:s16] =	ssyncadd.s32 $0xFFFFC180  }
0xab: {  	[spmem:s2] =	stream.indirect.scatter.add.f32 [tilespmem:s10], [sflag:$0x6], $0x10, s18, s6, $0xb8;
	[tilespmem:$0x1AE20] =	vst v63  }
0xac: {  	_ =	swait.ge [sflag:s4], $0x3E80  }
0xad: {  	[sflag:s4] =	ssyncset.done $0x0  }
0xae: {  	s18 =	simm.s32 $0x1B58;
	[sflag:s4] =	ssyncadd.s32 $0xFFFFC180  }
0xaf: {  	[tilespmem:s10], [sflag:$0x3] =	stream.indirect.gather [hbm4b:s7+s6], $0x10, s18, s6, $0xb8;
	[tilespmem:$0x1AE20] =	vst v63  }
0xb0: {  	_ =	swait.ge [sflag:s15], $0x3E80  }
0xb1: {  	[sflag:s15] =	ssyncset.done $0x0  }
0xb2: {  	[sflag:s15] =	ssyncadd.s32 $0xFFFFC180  }
0xb3: {  	[spmem:s2] =	stream.indirect.scatter.add.f32 [tilespmem:s9], [sflag:$0x6], $0x10, s31, s6, $0xb8;
	[tilespmem:$0x1AE20] =	vst v63  }
0xb4: {  	_ =	swait.ge [sflag:s4], $0x3E80  }
0xb5: {  	[sflag:s4] =	ssyncset.done $0x0  }
0xb6: {  	[sflag:s4] =	ssyncadd.s32 $0xFFFFC180  }
0xb7: {  	[tilespmem:s9], [sflag:$0x4] =	stream.indirect.gather [hbm4b:s7+s6], $0x10, s29, s6, $0xb8;
	[tilespmem:$0x1AE20] =	vst v63  }
0xb8: {  	_ =	swait.ge [sflag:s13], $0x3E80  }
0xb9: {  	[sflag:s13] =	ssyncset.done $0x0  }
0xba: {  	[sflag:s13] =	ssyncadd.s32 $0xFFFFC180  }
0xbb: {  	[spmem:s2] =	stream.indirect.scatter.add.f32 [tilespmem:s8], [sflag:$0x6], $0x10, s26, s6, $0xb8;
	[tilespmem:$0x1AE20] =	vst v63  }
0xbc: {  	_ =	swait.ge [sflag:s4], $0x3E80  }
0xbd: {  	[sflag:s4] =	ssyncset.done $0x0  }
0xbe: {  	[sflag:s4] =	ssyncadd.s32 $0xFFFFC180  }
0xbf: {  	[tilespmem:s8], [sflag:$0x5] =	stream.indirect.gather [hbm4b:s7+s6], $0x10, s28, s6, $0xb8;
	[tilespmem:$0x1AE20] =	vst v63  }
0xc0: {  	_ =	swait.ge [sflag:s19], $0x3E80  }
0xc1: {  	[sflag:s19] =	ssyncset.done $0x0  }
0xc2: {  	[sflag:s19] =	ssyncadd.s32 $0xFFFFC180  }
0xc3: {  	[spmem:s2] =	stream.indirect.scatter.add.f32 [tilespmem:s14], [sflag:$0x6], $0x10, s25, s6, $0xb8;
	[tilespmem:$0x1AE20] =	vst v63  }
0xc4: {  	_ =	swait.ge [sflag:s4], $0x3E80  }
0xc5: {  	[sflag:s4] =	ssyncset.done $0x0  }
0xc6: {  	[sflag:s4] =	ssyncadd.s32 $0xFFFFC180  }
0xc7: {  	_ =	swait.ge [sflag:s17], $0x3E80  }
0xc8: {  	[sflag:s17] =	ssyncset.done $0x0  }
0xc9: {  	[sflag:s17] =	ssyncadd.s32 $0xFFFFC180  }
0xca: {  	[spmem:s2] =	stream.indirect.scatter.add.f32 [tilespmem:s11], [sflag:$0x6], $0x10, s24, s6, $0xb8;
	[tilespmem:$0x1AE20] =	vst v63  }
0xcb: {  	_ =	swait.ge [sflag:s4], $0x3E80  }
0xcc: {  	[sflag:s4] =	ssyncset.done $0x0  }
0xcd: {  	[sflag:s4] =	ssyncadd.s32 $0xFFFFC180  }
0xce: {  	_ =	swait.ge [sflag:s16], $0x3E80  }
0xcf: {  	[sflag:s16] =	ssyncset.done $0x0  }
0xd0: {  	[sflag:s16] =	ssyncadd.s32 $0xFFFFC180  }
0xd1: {  	[spmem:s2] =	stream.indirect.scatter.add.f32 [tilespmem:s10], [sflag:$0x6], $0x10, s23, s6, $0xb8;
	[tilespmem:$0x1AE20] =	vst v63  }
0xd2: {  	_ =	swait.ge [sflag:s4], $0x3E80  }
0xd3: {  	[sflag:s4] =	ssyncset.done $0x0  }
0xd4: {  	[sflag:s4] =	ssyncadd.s32 $0xFFFFC180  }
0xd5: {  	_ =	swait.ge [sflag:s15], $0x3E80  }
0xd6: {  	[sflag:s15] =	ssyncset.done $0x0  }
0xd7: {  	[sflag:s15] =	ssyncadd.s32 $0xFFFFC180  }
0xd8: {  	[spmem:s2] =	stream.indirect.scatter.add.f32 [tilespmem:s9], [sflag:$0x6], $0x10, s21, s6, $0xb8;
	[tilespmem:$0x1AE20] =	vst v63  }
0xd9: {  	_ =	swait.ge [sflag:s4], $0x3E80  }
0xda: {  	[sflag:s4] =	ssyncset.done $0x0  }
0xdb: {  	[sflag:s4] =	ssyncadd.s32 $0xFFFFC180  }
0xdc: {  	_ =	swait.ge [sflag:s13], $0x3E80  }
0xdd: {  	[sflag:s13] =	ssyncset.done $0x0  }
0xde: {  	[sflag:s13] =	ssyncadd.s32 $0xFFFFC180  }
0xdf: {  	[spmem:s2] =	stream.indirect.scatter.add.f32 [tilespmem:s8], [sflag:$0x6], $0x10, s20, s6, $0xb8;
	[tilespmem:$0x1AE20] =	vst v63  }
0xe0: {  	_ =	swait.ge [sflag:s4], $0x3E80  }
0xe1: {  	p1 =	sne.s32 s0, $0x1;
	[sflag:s4] =	ssyncset.done $0x0  }
.Ltmp2:
0xe2: {  	[sflag:s4] =	ssyncadd.s32 $0xFFFFC180;
	(pc) =	sbr.rel @p1 .LBB2_4-.Ltmp2, $4  }
0xe3: {  	[bflag:$0x0] =	sbarrier.arrive $0xFFFF  }
0xe4: {  	[hbm:s12], [sflag:s3] =	dma.local [spmem:s5], $0x4F0  }
0xe5: {  	_ =	swait.ge [sflag:s4], $0x4F0  }
0xe6: {  	s0 =	sadd.s32 $0xFFFFFFFF, s0;
	s1 =	rddreg [dreg:$0x3];
	[sflag:s4] =	ssyncset.done $0x0  }
0xe7: {  	s20 =	simm.s32 $0x1B58  }
0xe8: {  	s31 =	simm.s32 $0x32C8;
	s29 =	simm.s32 $0x1F40;
	s28 =	simm.s32 $0x2328  }
0xe9: {  	s26 =	simm.s32 $0x36B0;
	s25 =	simm.s32 $0x3A98;
	s24 =	simm.s32 $0x3E80  }
0xea: {  	s23 =	simm.s32 $0x4268;
	s21 =	simm.s32 $0x4650;
	s18 =	rddreg [dreg:$0x2]  }
.LBB2_6:
0xeb: {  	[sflag:s4] =	ssyncadd.s32 @p0 $0xFFFFFB10  }
0xec: {  	[spmem:s5], [sflag:s3] =	dma.local [hbm:s1], $0x4F0  }
0xed: {  	_ =	swait.ge [sflag:s4], $0x4F0  }
0xee: {  	[sflag:s4] =	ssyncset.done $0x0  }
0xef: {  	s0 =	rddreg [dreg:$0x4];
	[sflag:s4] =	ssyncadd.s32 $0xFFFFFB10  }
0xf0: {  	[tilespmem:s22], [sflag:$0x6] =	stream.linear.gather [hbm4b:s0+s22], $0x2710, $0x38;
	[tilespmem:$0x1AE20] =	vst v63  }
0xf1: {  	_ =	swait.ge [sflag:s4], $0x2710  }
0xf2: {  	[sflag:s4] =	ssyncset.done $0x0  }
0xf3: {  	s1 =	rddreg [dreg:$0x5];
	[sflag:s4] =	ssyncadd.s32 $0xFFFFD8F0  }
0xf4: {  	[tilespmem:s30], [sflag:$0x6] =	stream.linear.gather [hbm4b:s1+s22], $0x2710, $0x38;
	[tilespmem:$0x1AE20] =	vst v63  }
0xf5: {  	_ =	swait.ge [sflag:s4], $0x2710  }
0xf6: {  	[sflag:s4] =	ssyncset.done $0x0  }
0xf7: {  	[sflag:s4] =	ssyncadd.s32 $0xFFFFD8F0  }
0xf8: {  	[bflag:$0x0] =	sbarrier.arrive $0xFFFF  }
0xf9: {  	[tilespmem:s14], [sflag:$0x1] =	stream.indirect.gather [hbm4b:s7+s6], $0x10, s22, s6, $0xb8;
	[tilespmem:$0x1AE20] =	vst v63  }
0xfa: {  	_ = 	snop  }
0xfb: {  	[tilespmem:s11], [sflag:$0x2] =	stream.indirect.gather [hbm4b:s7+s6], $0x10, s6, s6, $0xb8;
	[tilespmem:$0x1AE20] =	vst v63  }
0xfc: {  	s22 =	rddreg [dreg:$0x6]  }
0xfd: {  	[tilespmem:s10], [sflag:$0x3] =	stream.indirect.gather [hbm4b:s7+s6], $0x10, s22, s6, $0xb8;
	[tilespmem:$0x1AE20] =	vst v63  }
0xfe: {  	s1 =	rddreg [dreg:$0x7]  }
0xff: {  	[tilespmem:s9], [sflag:$0x4] =	stream.indirect.gather [hbm4b:s7+s6], $0x10, s1, s6, $0xb8;
	[tilespmem:$0x1AE20] =	vst v63  }
0x100: {  	s22 =	rddreg [dreg:$0x8]  }
0x101: {  	[tilespmem:s8], [sflag:$0x5] =	stream.indirect.gather [hbm4b:s7+s6], $0x10, s22, s6, $0xb8;
	[tilespmem:$0x1AE20] =	vst v63  }
0x102: {  	_ =	swait.ge [sflag:s19], $0x3E80  }
0x103: {  	[sflag:s19] =	ssyncset.done $0x0  }
0x104: {  	[sflag:s19] =	ssyncadd.s32 $0xFFFFC180  }
0x105: {  	[spmem:s2] =	stream.indirect.scatter.add.f32 [tilespmem:s14], [sflag:$0x6], $0x10, s30, s6, $0xb8;
	[tilespmem:$0x1AE20] =	vst v63  }
0x106: {  	_ =	swait.ge [sflag:s4], $0x3E80  }
0x107: {  	[sflag:s4] =	ssyncset.done $0x0  }
0x108: {  	s22 =	rddreg [dreg:$0x9];
	[sflag:s4] =	ssyncadd.s32 $0xFFFFC180  }
0x109: {  	[tilespmem:s14], [sflag:$0x1] =	stream.indirect.gather [hbm4b:s7+s6], $0x10, s22, s6, $0xb8;
	[tilespmem:$0x1AE20] =	vst v63  }
0x10a: {  	_ =	swait.ge [sflag:s17], $0x3E80  }
0x10b: {  	[sflag:s17] =	ssyncset.done $0x0  }
0x10c: {  	s30 =	rddreg [dreg:$0xa];
	[sflag:s17] =	ssyncadd.s32 $0xFFFFC180  }
0x10d: {  	[spmem:s2] =	stream.indirect.scatter.add.f32 [tilespmem:s11], [sflag:$0x6], $0x10, s30, s6, $0xb8;
	[tilespmem:$0x1AE20] =	vst v63  }
0x10e: {  	_ =	swait.ge [sflag:s4], $0x3E80  }
0x10f: {  	[sflag:s4] =	ssyncset.done $0x0  }
0x110: {  	s1 =	rddreg [dreg:$0xb];
	[sflag:s4] =	ssyncadd.s32 $0xFFFFC180  }
0x111: {  	[tilespmem:s11], [sflag:$0x2] =	stream.indirect.gather [hbm4b:s7+s6], $0x10, s1, s6, $0xb8;
	[tilespmem:$0x1AE20] =	vst v63  }
0x112: {  	_ =	swait.ge [sflag:s16], $0x3E80  }
0x113: {  	[sflag:s16] =	ssyncset.done $0x0  }
0x114: {  	s22 =	rddreg [dreg:$0xc];
	[sflag:s16] =	ssyncadd.s32 $0xFFFFC180  }
0x115: {  	[spmem:s2] =	stream.indirect.scatter.add.f32 [tilespmem:s10], [sflag:$0x6], $0x10, s22, s6, $0xb8;
	[tilespmem:$0x1AE20] =	vst v63  }
0x116: {  	_ =	swait.ge [sflag:s4], $0x3E80  }
0x117: {  	[sflag:s4] =	ssyncset.done $0x0  }
0x118: {  	[sflag:s4] =	ssyncadd.s32 $0xFFFFC180  }
0x119: {  	[tilespmem:s10], [sflag:$0x3] =	stream.indirect.gather [hbm4b:s7+s6], $0x10, s20, s6, $0xb8;
	[tilespmem:$0x1AE20] =	vst v63  }
0x11a: {  	_ =	swait.ge [sflag:s15], $0x3E80  }
0x11b: {  	[sflag:s15] =	ssyncset.done $0x0  }
0x11c: {  	[sflag:s15] =	ssyncadd.s32 $0xFFFFC180  }
0x11d: {  	[spmem:s2] =	stream.indirect.scatter.add.f32 [tilespmem:s9], [sflag:$0x6], $0x10, s31, s6, $0xb8;
	[tilespmem:$0x1AE20] =	vst v63  }
0x11e: {  	_ =	swait.ge [sflag:s4], $0x3E80  }
0x11f: {  	[sflag:s4] =	ssyncset.done $0x0  }
0x120: {  	[sflag:s4] =	ssyncadd.s32 $0xFFFFC180  }
0x121: {  	[tilespmem:s9], [sflag:$0x4] =	stream.indirect.gather [hbm4b:s7+s6], $0x10, s29, s6, $0xb8;
	[tilespmem:$0x1AE20] =	vst v63  }
0x122: {  	_ =	swait.ge [sflag:s13], $0x3E80  }
0x123: {  	[sflag:s13] =	ssyncset.done $0x0  }
0x124: {  	[sflag:s13] =	ssyncadd.s32 $0xFFFFC180  }
0x125: {  	[spmem:s2] =	stream.indirect.scatter.add.f32 [tilespmem:s8], [sflag:$0x6], $0x10, s26, s6, $0xb8;
	[tilespmem:$0x1AE20] =	vst v63  }
0x126: {  	_ =	swait.ge [sflag:s4], $0x3E80  }
0x127: {  	[sflag:s4] =	ssyncset.done $0x0  }
0x128: {  	[sflag:s4] =	ssyncadd.s32 $0xFFFFC180  }
0x129: {  	[tilespmem:s8], [sflag:$0x5] =	stream.indirect.gather [hbm4b:s7+s6], $0x10, s28, s6, $0xb8;
	[tilespmem:$0x1AE20] =	vst v63  }
0x12a: {  	_ =	swait.ge [sflag:s19], $0x3E80  }
0x12b: {  	[sflag:s19] =	ssyncset.done $0x0  }
0x12c: {  	[sflag:s19] =	ssyncadd.s32 $0xFFFFC180  }
0x12d: {  	[spmem:s2] =	stream.indirect.scatter.add.f32 [tilespmem:s14], [sflag:$0x6], $0x10, s25, s6, $0xb8;
	[tilespmem:$0x1AE20] =	vst v63  }
0x12e: {  	_ =	swait.ge [sflag:s4], $0x3E80  }
0x12f: {  	[sflag:s4] =	ssyncset.done $0x0  }
0x130: {  	[sflag:s4] =	ssyncadd.s32 $0xFFFFC180  }
0x131: {  	_ =	swait.ge [sflag:s17], $0x3E80  }
0x132: {  	[sflag:s17] =	ssyncset.done $0x0  }
0x133: {  	[sflag:s17] =	ssyncadd.s32 $0xFFFFC180  }
0x134: {  	[spmem:s2] =	stream.indirect.scatter.add.f32 [tilespmem:s11], [sflag:$0x6], $0x10, s24, s6, $0xb8;
	[tilespmem:$0x1AE20] =	vst v63  }
0x135: {  	_ =	swait.ge [sflag:s4], $0x3E80  }
0x136: {  	[sflag:s4] =	ssyncset.done $0x0  }
0x137: {  	[sflag:s4] =	ssyncadd.s32 $0xFFFFC180  }
0x138: {  	_ =	swait.ge [sflag:s16], $0x3E80  }
0x139: {  	[sflag:s16] =	ssyncset.done $0x0  }
0x13a: {  	[sflag:s16] =	ssyncadd.s32 $0xFFFFC180  }
0x13b: {  	[spmem:s2] =	stream.indirect.scatter.add.f32 [tilespmem:s10], [sflag:$0x6], $0x10, s23, s6, $0xb8;
	[tilespmem:$0x1AE20] =	vst v63  }
0x13c: {  	_ =	swait.ge [sflag:s4], $0x3E80  }
0x13d: {  	[sflag:s4] =	ssyncset.done $0x0  }
0x13e: {  	[sflag:s4] =	ssyncadd.s32 $0xFFFFC180  }
0x13f: {  	_ =	swait.ge [sflag:s15], $0x3E80  }
0x140: {  	[sflag:s15] =	ssyncset.done $0x0  }
0x141: {  	[sflag:s15] =	ssyncadd.s32 $0xFFFFC180  }
0x142: {  	[spmem:s2] =	stream.indirect.scatter.add.f32 [tilespmem:s9], [sflag:$0x6], $0x10, s21, s6, $0xb8;
	[tilespmem:$0x1AE20] =	vst v63  }
0x143: {  	_ =	swait.ge [sflag:s4], $0x3E80  }
0x144: {  	[sflag:s4] =	ssyncset.done $0x0  }
0x145: {  	[sflag:s4] =	ssyncadd.s32 $0xFFFFC180  }
0x146: {  	_ =	swait.ge [sflag:s13], $0x3E80  }
0x147: {  	[sflag:s13] =	ssyncset.done $0x0  }
0x148: {  	s30 =	simm.s32 $0x4A38;
	[sflag:s13] =	ssyncadd.s32 $0xFFFFC180  }
0x149: {  	[spmem:s2] =	stream.indirect.scatter.add.f32 [tilespmem:s8], [sflag:$0x6], $0x10, s30, s6, $0xb8;
	[tilespmem:$0x1AE20] =	vst v63  }
0x14a: {  	_ =	swait.ge [sflag:s4], $0x3E80  }
0x14b: {  	[sflag:s4] =	ssyncset.done $0x0  }
0x14c: {  	[sflag:s4] =	ssyncadd.s32 $0xFFFFC180  }
0x14d: {  	[bflag:$0x0] =	sbarrier.arrive $0xFFFF  }
0x14e: {  	[hbm:s12], [sflag:s3] =	dma.local [spmem:s5], $0x4F0  }
0x14f: {  	_ =	swait.ge [sflag:s4], $0x4F0  }
0x150: {  	[sflag:s4] =	ssyncset.done $0x0  }
0x151: {  	[sflag:s4] =	ssyncadd.s32 $0xFFFFFB10  }
0x152: {  	_ =	sfence.sel $0x180000  }
0x153: {  	s31 =	stileid.u32;
	[bflag:$0x0] =	sbarrier.arrive $0xFFFF  }
0x154: {  	p0 =	sne.s32 s31, $0x0;
	_ =	strace $0x90000053  }
0x155: {  	s0 =	sadd.s32 @!p0 $0x100000, s18;
	[bflag:$0x2] =	sbarrier.arrive $0xFFFF  }
0x156: {  	[sflag:s0] =	ssyncadd.tile.s32 @!p0 $0x1;
	_ =	shalt  }
.LBB2_1:
.Ltmp3:
0x157: {  	(pc) =	sbr.rel .LBB2_6-.Ltmp3, $4  }
0x158: {  	_ = 	snop  }
0x159: {  	s20 =	simm.s32 $0x1B58;
	s31 =	simm.s32 $0x32C8;
	s29 =	simm.s32 $0x1F40  }
0x15a: {  	s28 =	simm.s32 $0x2328;
	s26 =	simm.s32 $0x36B0;
	s25 =	simm.s32 $0x3A98  }
0x15b: {  	s24 =	simm.s32 $0x3E80;
	s23 =	simm.s32 $0x4268;
	s21 =	simm.s32 $0x4650  }
.LBB2_3:
.Ltmp4:
0x15c: {  	(pc) =	sbr.rel .LBB2_6-.Ltmp4, $4  }
0x15d: {  	s20 =	simm.s32 $0x1B58  }
0x15e: {  	s31 =	simm.s32 $0x32C8;
	s29 =	simm.s32 $0x1F40;
	s28 =	simm.s32 $0x2328  }
0x15f: {  	s26 =	simm.s32 $0x36B0;
	s25 =	simm.s32 $0x3A98;
	s24 =	simm.s32 $0x3E80  }
0x160: {  	s23 =	simm.s32 $0x4268;
	s21 =	simm.s32 $0x4650;
	s18 =	rddreg [dreg:$0x2]  }
.Lfunc_end2:
_tile_overlayer_lowered:
.L_overlay_start_2:
0x161: {  	(tag) =	ssettag $0x2  }
0x162: {  	s0 =	rddreg [dreg:$0x0];
	s2 =	stileid.u32  }
0x163: {  	s1 =	rddreg [dreg:$0x1];
	p0 =	sne.s32 s2, $0x0  }
0x164: {  	s3 =	rddreg [dreg:$0x2];
	[bflag:$0x3] =	sbarrier.arrive $0xFFFF;
	s2 =	simm.s32 @!p0 $0x1C06  }
0x165: {  	[timem:s3], [sflag:s2] =	dma.local @!p0 [hbm:s0], s1  }
0x166: {  	s0 =	simm.s32 @!p0 $0x6  }
0x167: {  	_ =	swait.ge @!p0 [sflag:s0], s1  }
0x168: {  	s1 =	ssub.s32 @!p0 $0x0, s1;
	[sflag:s0] =	ssyncset.done @!p0 $0x0  }
0x169: {  	[sflag:s0] =	ssyncadd.s32 @!p0 s1  }
0x16a: {  	[bflag:$0x3] =	sbarrier.arrive $0xFFFF  }
0x16b: {  	_ =	shalt  }

</sc_bundles>
